<compile_context>
chip_gen: v7x
topology: tpu7x:2x2x1
jax: 0.10.2.dev20260603
libtpu: 0.0.44.dev20260713+nightly
codegen_flags: <defaults>
</compile_context>

<pallas_src>
import functools

import jax
import jax.numpy as jnp
from jax import lax
from jax.experimental import pallas as pl
from jax.experimental.pallas import tpu as pltpu
from jax.experimental.pallas import tpu_sc as plsc

M = 2048
HIDDEN = 1024
INTER = 512
E = 64
CLAMP_LO = -10.0
CLAMP_HI = 10.0

TM = 64
NT = M // TM + E
P = NT * TM
GW = 128

NC = 2
NS = 16
NW = NC * NS
BPW = M // NW

@functools.lru_cache(maxsize=None)
def _sc_scatter_kernel():
    mesh = plsc.VectorSubcoreMesh(core_axis_name="c", subcore_axis_name="s")

    @functools.partial(
        pl.kernel,
        mesh=mesh,
        out_type=[
            jax.ShapeDtypeStruct((P, HIDDEN), jnp.float32),
            jax.ShapeDtypeStruct((P, GW), jnp.float32),
        ],
        scratch_types=[
            pltpu.VMEM((BPW,), jnp.int32),
            pltpu.VMEM((BPW, HIDDEN), jnp.float32),
            pltpu.VMEM((BPW, GW), jnp.float32),
            pltpu.SemaphoreType.DMA,
            pltpu.SemaphoreType.DMA,
            pltpu.SemaphoreType.DMA,
        ],
    )
    def _sc_scatter(h_hbm, g_hbm, slot_hbm, px_hbm, pg_hbm,
                    idx_v, rows_v, grows_v, sem_x, sem_g, sem_i):
        wid = lax.axis_index("s") * NC + lax.axis_index("c")
        base = wid * BPW
        ld_i = pltpu.async_copy(slot_hbm.at[pl.ds(base, BPW)], idx_v, sem_i)
        ld_x = pltpu.async_copy(h_hbm.at[pl.ds(base, BPW)], rows_v, sem_x)
        ld_g = pltpu.async_copy(g_hbm.at[pl.ds(base, BPW)], grows_v, sem_g)
        ld_i.wait()
        ld_x.wait()
        ld_g.wait()
        cp_x = pltpu.async_copy(rows_v, px_hbm.at[idx_v], sem_x)
        cp_g = pltpu.async_copy(grows_v, pg_hbm.at[idx_v], sem_g)
        cp_x.wait()
        cp_g.wait()

    return _sc_scatter


@functools.lru_cache(maxsize=None)
def _sc_gather_kernel():
    mesh = plsc.VectorSubcoreMesh(core_axis_name="c", subcore_axis_name="s")

    @functools.partial(
        pl.kernel,
        mesh=mesh,
        out_type=jax.ShapeDtypeStruct((M, HIDDEN), jnp.float32),
        scratch_types=[
            pltpu.VMEM((BPW,), jnp.int32),
            pltpu.VMEM((BPW, HIDDEN), jnp.float32),
            pltpu.SemaphoreType.DMA,
        ],
    )
    def _sc_gather(py_hbm, slot_hbm, out_hbm, idx_v, rows_v, sem):
        wid = lax.axis_index("s") * NC + lax.axis_index("c")
        base = wid * BPW
        pltpu.sync_copy(slot_hbm.at[pl.ds(base, BPW)], idx_v)
        pltpu.async_copy(py_hbm.at[idx_v], rows_v, sem).wait()
        pltpu.sync_copy(rows_v, out_hbm.at[pl.ds(base, BPW)])

    return _sc_gather


def _gemm_outer(meta_ref,
                x_hbm, gw_hbm, uw_hbm, dw_hbm, pg_hbm, y_hbm):
    def inner(idx, x_ref, gw_ref, uw_ref, dw_ref, pg_ref, y_ref):
        i = idx[0]

        @pl.when(meta_ref[2, i] == 1)
        def _():
            _gemm_tile(x_ref, gw_ref, uw_ref, dw_ref, pg_ref, y_ref)

    wbuf = pl.Buffered(buffer_count=3, use_lookahead=True)
    xbuf = pl.Buffered(buffer_count=8, use_lookahead=True)
    pipe = pltpu.emit_pipeline(
        inner,
        grid=(NT,),
        in_specs=[
            pl.BlockSpec((TM, HIDDEN), lambda i: (meta_ref[1, i], 0),
                         pipeline_mode=xbuf),
            pl.BlockSpec((1, INTER, HIDDEN), lambda i: (meta_ref[0, i], 0, 0),
                         pipeline_mode=wbuf),
            pl.BlockSpec((1, INTER, HIDDEN), lambda i: (meta_ref[0, i], 0, 0),
                         pipeline_mode=wbuf),
            pl.BlockSpec((1, HIDDEN, INTER), lambda i: (meta_ref[0, i], 0, 0),
                         pipeline_mode=wbuf),
            pl.BlockSpec((TM, GW), lambda i: (meta_ref[1, i], 0),
                         pipeline_mode=xbuf),
        ],
        out_specs=[pl.BlockSpec((TM, HIDDEN), lambda i: (meta_ref[1, i], 0))],
        _explicit_indices=True,
    )
    pipe(x_hbm, gw_hbm, uw_hbm, dw_hbm, pg_hbm, y_hbm)


def _gemm_tile(x_ref, gw_ref, uw_ref, dw_ref, pg_ref, y_ref):
    x = x_ref[...]
    gw = gw_ref[0]
    uw = uw_ref[0]
    dn = (((1,), (1,)), ((), ()))
    g = lax.dot_general(x, gw, dn,
                        preferred_element_type=jnp.float32,
                        precision=lax.Precision.DEFAULT)
    g = jnp.minimum(g, CLAMP_HI)
    u = lax.dot_general(x, uw, dn,
                        preferred_element_type=jnp.float32,
                        precision=lax.Precision.DEFAULT)
    u = jnp.clip(u, CLAMP_LO, CLAMP_HI)
    sig = 1.0 / (1.0 + jnp.exp(-g))
    h = (g * sig) * u
    h = h * pg_ref[:, 0:1]
    dw = dw_ref[0]
    y = lax.dot_general(h, dw, dn,
                        preferred_element_type=jnp.float32,
                        precision=lax.Precision.DEFAULT)
    y_ref[...] = y


def _grouped_gemm(meta, padded_x, gate_weight, up_weight,
                  down_weight, padded_g):
    smem = pl.BlockSpec(memory_space=pltpu.SMEM)
    hbm = pl.BlockSpec(memory_space=pltpu.MemorySpace.HBM)
    return pl.pallas_call(
        _gemm_outer,
        in_specs=[smem, hbm, hbm, hbm, hbm, hbm],
        out_specs=hbm,
        out_shape=jax.ShapeDtypeStruct((P, HIDDEN), jnp.float32),
    )(meta, padded_x, gate_weight, up_weight, down_weight, padded_g)


_MC = M // 128


def _meta_body(e_ref, gate_ref, slot_ref, meta_ref, gate16_ref, ranksel_ref):
    f32 = jnp.float32
    g_iota = lax.broadcasted_iota(jnp.int32, (E, 128), 0)
    g_col = lax.broadcasted_iota(jnp.int32, (E, 128), 0).astype(f32)
    io0 = lax.broadcasted_iota(jnp.int32, (128, 128), 0)
    io1 = lax.broadcasted_iota(jnp.int32, (128, 128), 1)
    a_up = (io0 < io1).astype(f32)
    ones128 = jnp.ones((128, 128), f32)
    jo0 = lax.broadcasted_iota(jnp.int32, (E, E), 0)
    jo1 = lax.broadcasted_iota(jnp.int32, (E, E), 1)
    l_incl = (jo1 <= jo0).astype(f32)
    dn = (((1,), (0,)), ((), ()))

    counts_b = jnp.zeros((E, 128), f32)
    for c in range(_MC):
        ohc = (g_iota == e_ref[c:c + 1, :]).astype(f32)
        ec = lax.dot_general(ohc, a_up, dn, preferred_element_type=f32)
        rank = ec + counts_b
        ranksel_ref[c:c + 1, :] = jnp.sum(ohc * rank, axis=0, keepdims=True)
        counts_b = counts_b + lax.dot_general(ohc, ones128, dn,
                                              preferred_element_type=f32)

    tiles_b = jnp.floor((counts_b + (TM - 1)) * (1.0 / TM))
    tile_cum_b = lax.dot_general(l_incl, tiles_b, dn,
                                 preferred_element_type=f32)
    start_b = tile_cum_b - tiles_b
    total_b = tile_cum_b[E - 1:E, :]

    ii64 = lax.broadcasted_iota(jnp.int32, (E, 128), 1).astype(f32)
    tg0 = jnp.sum((tile_cum_b <= ii64).astype(f32), axis=0, keepdims=True)
    lastg = jnp.max(g_col * (counts_b > 0).astype(f32), axis=0,
                    keepdims=True)
    ii1 = lax.broadcasted_iota(jnp.int32, (1, 128), 1).astype(f32)
    act1 = ii1 < total_b
    tgr = jnp.where(act1, tg0, lastg)
    xmr = jnp.where(act1, ii1, total_b - 1.0)
    actr = act1.astype(f32)
    ri = lax.broadcasted_iota(jnp.int32, (8, 128), 0)
    meta = jnp.where(ri == 0, tgr, jnp.where(ri == 1, xmr, actr))
    meta_ref[...] = meta.astype(jnp.int32)

    diag = (io0 == io1).astype(f32)
    for c in range(_MC):
        ohc = (g_iota == e_ref[c:c + 1, :]).astype(f32)
        startsel = jnp.sum(ohc * start_b, axis=0, keepdims=True)
        slot_row = TM * startsel + ranksel_ref[c:c + 1, :]
        slot_ref[c:c + 1, :] = slot_row.astype(jnp.int32)
        dg = diag * gate_ref[c:c + 1, :]
        gate16_ref[c * 128:(c + 1) * 128, :] = lax.dot_general(
            dg, ones128, dn, preferred_element_type=f32)[:, :GW]


def _routing_metadata(e, gate):
    e2d = e.reshape(_MC, 128)
    g2d = gate.reshape(_MC, 128)
    slot2d, meta, gate16 = pl.pallas_call(
        _meta_body,
        out_shape=[
            jax.ShapeDtypeStruct((_MC, 128), jnp.int32),
            jax.ShapeDtypeStruct((8, 128), jnp.int32),
            jax.ShapeDtypeStruct((M, GW), jnp.float32),
        ],
        scratch_shapes=[pltpu.VMEM((_MC, 128), jnp.float32)],
    )(e2d, g2d)
    return slot2d.reshape(M), meta, gate16


def kernel(flat_h, flat_idx, flat_gate, gate_weight, up_weight, down_weight):
    e = flat_idx[:, 0].astype(jnp.int32)
    slot, meta, gate16 = _routing_metadata(e, flat_gate.reshape(M))

    padded_x, padded_g = _sc_scatter_kernel()(flat_h, gate16, slot)
    padded_y = _grouped_gemm(meta, padded_x, gate_weight, up_weight,
                             down_weight, padded_g)
    return _sc_gather_kernel()(padded_y, slot)

# --- scband reference (transcript-rebuilt; emitter-appended) ---
"""Pipeline reference for scband-grouped-swi-gluexperts-86990267613558 (READ-ONLY COPY).

The authoritative reference and input builder live on the scoring server;
editing this copy changes nothing except your own understanding.
"""

import jax, jax.numpy as jnp
import numpy as np

M = 2048
TOP_K = 1
HIDDEN = 1024
INTER = 512
N_EXPERTS = 64
CLAMP_LIN = (-10.0, 10.0)
CLAMP_GATE_MAX = 10.0


def setup_inputs(seed: int = 0) -> dict:
    key = jax.random.key(seed)
    ks = jax.random.split(key, 6)
    flat_h = jax.random.normal(ks[0], (M, HIDDEN), dtype=jnp.float32)
    flat_idx = jax.random.randint(ks[1], (M, TOP_K), 0, N_EXPERTS)
    flat_gate = jax.random.uniform(ks[2], (M, TOP_K), dtype=jnp.float32)
    b1 = float(np.sqrt(1.0 / HIDDEN))
    b2 = float(np.sqrt(1.0 / INTER))
    gate_weight = jax.random.uniform(ks[3], (N_EXPERTS, INTER, HIDDEN), minval=-b1, maxval=b1, dtype=jnp.float32)
    up_weight = jax.random.uniform(ks[4], (N_EXPERTS, INTER, HIDDEN), minval=-b1, maxval=b1, dtype=jnp.float32)
    down_weight = jax.random.uniform(ks[5], (N_EXPERTS, HIDDEN, INTER), minval=-b2, maxval=b2, dtype=jnp.float32)
    return {"flat_h": flat_h, "flat_idx": flat_idx, "flat_gate": flat_gate,
            "gate_weight": gate_weight, "up_weight": up_weight, "down_weight": down_weight}


def _grouped_mm(a, b, expert_sorted):
    out = jnp.zeros((a.shape[0], b.shape[2]), dtype=a.dtype)
    for e in range(b.shape[0]):
        out = jnp.where((expert_sorted == e)[:, None], a @ b[e], out)
    return out


def reference(flat_h, flat_idx, flat_gate, gate_weight, up_weight, down_weight):
    m, top_k = flat_idx.shape
    token_expanded = jnp.repeat(flat_h, top_k, axis=0)
    expert_id = flat_idx.reshape(-1)
    gate = flat_gate.reshape(-1)
    token_index = jnp.repeat(jnp.arange(m), top_k)
    sort_idx = jnp.argsort(expert_id)  # stable by default in jnp
    token_sorted = token_expanded[sort_idx]
    gate_sorted = gate[sort_idx]
    token_index_sorted = token_index[sort_idx]
    expert_sorted = expert_id[sort_idx]
    gate_w = jnp.transpose(gate_weight, (0, 2, 1))
    up_w = jnp.transpose(up_weight, (0, 2, 1))
    down_w = jnp.transpose(down_weight, (0, 2, 1))
    gate_out = jnp.minimum(_grouped_mm(token_sorted, gate_w, expert_sorted), CLAMP_GATE_MAX)
    up_out = jnp.clip(_grouped_mm(token_sorted, up_w, expert_sorted), CLAMP_LIN[0], CLAMP_LIN[1])
    hidden = jax.nn.silu(gate_out) * up_out
    expert_out = _grouped_mm(hidden, down_w, expert_sorted)
    weighted = expert_out * gate_sorted[:, None]
    out = jnp.zeros((m, flat_h.shape[1]), dtype=flat_h.dtype).at[token_index_sorted].add(weighted)
    return out

if __name__ == "__main__":
    import jax
    _d = setup_inputs()
    print(jax.jit(kernel)(*tuple(_d.values())))

</pallas_src>

<mosaic_0001>
#map = affine_map<(d0, d1) -> (0, 0)>
#map1 = affine_map<(d0, d1) -> (0)>
module attributes {stable_mosaic.version = 14 : i64} {
  func.func @_sc_gather(%arg0: i32, %arg1: i32, %arg2: memref<6144x1024xf32, #tpu.memory_space<hbm>>, %arg3: memref<2048xi32, #tpu.memory_space<hbm>>, %arg4: memref<2048x1024xf32, #tpu.memory_space<hbm>>, %arg5: memref<64xi32, #tpu.memory_space<vmem>>, %arg6: memref<64x1024xf32, #tpu.memory_space<vmem>>, %arg7: memref<!tpu.dma_semaphore, #tpu.memory_space<semaphore_mem>>) attributes {dimension_semantics = [#tpu.dimension_semantics<core_parallel>, #tpu.dimension_semantics<subcore_parallel>], iteration_bounds = array<i64: 2, 16>, scalar_prefetch = 0 : i64, scratch_operands = 3 : i64, tpu.core_type = #tpu.core_type<sc_vector_subcore>, window_params = [{transform_indices = #map}, {transform_indices = #map1}, {transform_indices = #map}]} {
    %mul3A = arith.constant 2 : i32
    %mul3A_0 = arith.muli %arg1, %mul3A : i32
    %add3A = arith.addi %mul3A_0, %arg0 : i32
    %mul3A_1 = arith.constant 64 : i32
    %mul3A_2 = arith.muli %add3A, %mul3A_1 : i32
    "tpu.region"() ({
      %run_scoped3A = tpu.sem_alloc : memref<!tpu.dma_semaphore, #tpu.memory_space<semaphore_mem>>
      %dma_start3A_7 = tpu.memref_slice %arg3[%mul3A_2] : memref<2048xi32, #tpu.memory_space<hbm>> -> memref<64xi32, #tpu.memory_space<hbm>>
      %dma_start3A_8 = tpu.memref_slice %arg3[%mul3A_2] : memref<2048xi32, #tpu.memory_space<hbm>> -> memref<64xi32, #tpu.memory_space<hbm>>
      tpu.enqueue_dma source(%dma_start3A_8 : memref<64xi32, #tpu.memory_space<hbm>>) target(%arg5 : memref<64xi32, #tpu.memory_space<vmem>>) target_semaphore(%run_scoped3A : memref<!tpu.dma_semaphore, #tpu.memory_space<semaphore_mem>>)
      %dma_wait3A_9 = tpu.memref_slice %arg3[%mul3A_2] : memref<2048xi32, #tpu.memory_space<hbm>> -> memref<64xi32, #tpu.memory_space<hbm>>
      %dma_wait3A_10 = tpu.memref_slice %arg3[%mul3A_2] : memref<2048xi32, #tpu.memory_space<hbm>> -> memref<64xi32, #tpu.memory_space<hbm>>
      tpu.wait_dma2 semaphore(%run_scoped3A : memref<!tpu.dma_semaphore, #tpu.memory_space<semaphore_mem>>) src(%dma_wait3A_10 : memref<64xi32, #tpu.memory_space<hbm>>) dst(%arg5 : memref<64xi32, #tpu.memory_space<vmem>>)
      tpu.yield
    }) : () -> ()
    %dma_start3A = arith.constant 0 : i32
    %dma_start3A_3 = arith.constant 0 : i32
    %dma_start3A_4 = tpu.memref_slice %arg2[%dma_start3A, %dma_start3A_3] : memref<6144x1024xf32, #tpu.memory_space<hbm>> -> memref<6144x1024xf32, #tpu.memory_space<hbm>>
    tpu.enqueue_indirect_dma source(%dma_start3A_4 : memref<6144x1024xf32, #tpu.memory_space<hbm>>) target(%arg6 : memref<64x1024xf32, #tpu.memory_space<vmem>>) offsets(%arg5 : memref<64xi32, #tpu.memory_space<vmem>>) semaphore(%arg7 : memref<!tpu.dma_semaphore, #tpu.memory_space<semaphore_mem>>)
    %dma_wait3A = arith.constant 0 : i32
    %dma_wait3A_5 = arith.constant 0 : i32
    %dma_wait3A_6 = tpu.memref_slice %arg2[%dma_wait3A, %dma_wait3A_5] : memref<6144x1024xf32, #tpu.memory_space<hbm>> -> memref<6144x1024xf32, #tpu.memory_space<hbm>>
    tpu.wait_indirect_dma semaphore(%arg7 : memref<!tpu.dma_semaphore, #tpu.memory_space<semaphore_mem>>) src(%dma_wait3A_6 : memref<6144x1024xf32, #tpu.memory_space<hbm>>) dst(%arg6 : memref<64x1024xf32, #tpu.memory_space<vmem>>)
    "tpu.region"() ({
      %run_scoped3A = tpu.sem_alloc : memref<!tpu.dma_semaphore, #tpu.memory_space<semaphore_mem>>
      %dma_start3A_7 = arith.constant 0 : i32
      %dma_start3A_8 = tpu.memref_slice %arg4[%mul3A_2, %dma_start3A_7] : memref<2048x1024xf32, #tpu.memory_space<hbm>> -> memref<64x1024xf32, #tpu.memory_space<hbm>>
      %dma_start3A_9 = arith.constant 0 : i32
      %dma_start3A_10 = tpu.memref_slice %arg4[%mul3A_2, %dma_start3A_9] : memref<2048x1024xf32, #tpu.memory_space<hbm>> -> memref<64x1024xf32, #tpu.memory_space<hbm>>
      tpu.enqueue_dma source(%arg6 : memref<64x1024xf32, #tpu.memory_space<vmem>>) target(%dma_start3A_10 : memref<64x1024xf32, #tpu.memory_space<hbm>>) target_semaphore(%run_scoped3A : memref<!tpu.dma_semaphore, #tpu.memory_space<semaphore_mem>>)
      %dma_wait3A_11 = arith.constant 0 : i32
      %dma_wait3A_12 = tpu.memref_slice %arg4[%mul3A_2, %dma_wait3A_11] : memref<2048x1024xf32, #tpu.memory_space<hbm>> -> memref<64x1024xf32, #tpu.memory_space<hbm>>
      %dma_wait3A_13 = arith.constant 0 : i32
      %dma_wait3A_14 = tpu.memref_slice %arg4[%mul3A_2, %dma_wait3A_13] : memref<2048x1024xf32, #tpu.memory_space<hbm>> -> memref<64x1024xf32, #tpu.memory_space<hbm>>
      tpu.wait_dma2 semaphore(%run_scoped3A : memref<!tpu.dma_semaphore, #tpu.memory_space<semaphore_mem>>) src(%arg6 : memref<64x1024xf32, #tpu.memory_space<vmem>>) dst(%dma_wait3A_14 : memref<64x1024xf32, #tpu.memory_space<hbm>>)
      tpu.yield
    }) : () -> ()
    return
  }
}

#map = affine_map<(d0, d1) -> (0, 0)>
#map1 = affine_map<(d0, d1) -> (0)>
module attributes {stable_mosaic.version = 14 : i64} {
  func.func @_sc_scatter(%arg0: i32, %arg1: i32, %arg2: memref<2048x1024xf32, #tpu.memory_space<hbm>>, %arg3: memref<2048x128xf32, #tpu.memory_space<hbm>>, %arg4: memref<2048xi32, #tpu.memory_space<hbm>>, %arg5: memref<6144x1024xf32, #tpu.memory_space<hbm>>, %arg6: memref<6144x128xf32, #tpu.memory_space<hbm>>, %arg7: memref<64xi32, #tpu.memory_space<vmem>>, %arg8: memref<64x1024xf32, #tpu.memory_space<vmem>>, %arg9: memref<64x128xf32, #tpu.memory_space<vmem>>, %arg10: memref<!tpu.dma_semaphore, #tpu.memory_space<semaphore_mem>>, %arg11: memref<!tpu.dma_semaphore, #tpu.memory_space<semaphore_mem>>, %arg12: memref<!tpu.dma_semaphore, #tpu.memory_space<semaphore_mem>>) attributes {dimension_semantics = [#tpu.dimension_semantics<core_parallel>, #tpu.dimension_semantics<subcore_parallel>], iteration_bounds = array<i64: 2, 16>, scalar_prefetch = 0 : i64, scratch_operands = 6 : i64, tpu.core_type = #tpu.core_type<sc_vector_subcore>, window_params = [{transform_indices = #map}, {transform_indices = #map}, {transform_indices = #map1}, {transform_indices = #map}, {transform_indices = #map}]} {
    %mul3A = arith.constant 2 : i32
    %mul3A_0 = arith.muli %arg1, %mul3A : i32
    %add3A = arith.addi %mul3A_0, %arg0 : i32
    %mul3A_1 = arith.constant 64 : i32
    %mul3A_2 = arith.muli %add3A, %mul3A_1 : i32
    %dma_start3A = tpu.memref_slice %arg4[%mul3A_2] : memref<2048xi32, #tpu.memory_space<hbm>> -> memref<64xi32, #tpu.memory_space<hbm>>
    %dma_start3A_3 = tpu.memref_slice %arg4[%mul3A_2] : memref<2048xi32, #tpu.memory_space<hbm>> -> memref<64xi32, #tpu.memory_space<hbm>>
    tpu.enqueue_dma source(%dma_start3A_3 : memref<64xi32, #tpu.memory_space<hbm>>) target(%arg7 : memref<64xi32, #tpu.memory_space<vmem>>) target_semaphore(%arg12 : memref<!tpu.dma_semaphore, #tpu.memory_space<semaphore_mem>>)
    %dma_start3A_4 = arith.constant 0 : i32
    %dma_start3A_5 = tpu.memref_slice %arg2[%mul3A_2, %dma_start3A_4] : memref<2048x1024xf32, #tpu.memory_space<hbm>> -> memref<64x1024xf32, #tpu.memory_space<hbm>>
    %dma_start3A_6 = arith.constant 0 : i32
    %dma_start3A_7 = tpu.memref_slice %arg2[%mul3A_2, %dma_start3A_6] : memref<2048x1024xf32, #tpu.memory_space<hbm>> -> memref<64x1024xf32, #tpu.memory_space<hbm>>
    tpu.enqueue_dma source(%dma_start3A_7 : memref<64x1024xf32, #tpu.memory_space<hbm>>) target(%arg8 : memref<64x1024xf32, #tpu.memory_space<vmem>>) target_semaphore(%arg10 : memref<!tpu.dma_semaphore, #tpu.memory_space<semaphore_mem>>)
    %dma_start3A_8 = arith.constant 0 : i32
    %dma_start3A_9 = tpu.memref_slice %arg3[%mul3A_2, %dma_start3A_8] : memref<2048x128xf32, #tpu.memory_space<hbm>> -> memref<64x128xf32, #tpu.memory_space<hbm>>
    %dma_start3A_10 = arith.constant 0 : i32
    %dma_start3A_11 = tpu.memref_slice %arg3[%mul3A_2, %dma_start3A_10] : memref<2048x128xf32, #tpu.memory_space<hbm>> -> memref<64x128xf32, #tpu.memory_space<hbm>>
    tpu.enqueue_dma source(%dma_start3A_11 : memref<64x128xf32, #tpu.memory_space<hbm>>) target(%arg9 : memref<64x128xf32, #tpu.memory_space<vmem>>) target_semaphore(%arg11 : memref<!tpu.dma_semaphore, #tpu.memory_space<semaphore_mem>>)
    %dma_wait3A = tpu.memref_slice %arg4[%mul3A_2] : memref<2048xi32, #tpu.memory_space<hbm>> -> memref<64xi32, #tpu.memory_space<hbm>>
    %dma_wait3A_12 = tpu.memref_slice %arg4[%mul3A_2] : memref<2048xi32, #tpu.memory_space<hbm>> -> memref<64xi32, #tpu.memory_space<hbm>>
    tpu.wait_dma2 semaphore(%arg12 : memref<!tpu.dma_semaphore, #tpu.memory_space<semaphore_mem>>) src(%dma_wait3A_12 : memref<64xi32, #tpu.memory_space<hbm>>) dst(%arg7 : memref<64xi32, #tpu.memory_space<vmem>>)
    %dma_wait3A_13 = arith.constant 0 : i32
    %dma_wait3A_14 = tpu.memref_slice %arg2[%mul3A_2, %dma_wait3A_13] : memref<2048x1024xf32, #tpu.memory_space<hbm>> -> memref<64x1024xf32, #tpu.memory_space<hbm>>
    %dma_wait3A_15 = arith.constant 0 : i32
    %dma_wait3A_16 = tpu.memref_slice %arg2[%mul3A_2, %dma_wait3A_15] : memref<2048x1024xf32, #tpu.memory_space<hbm>> -> memref<64x1024xf32, #tpu.memory_space<hbm>>
    tpu.wait_dma2 semaphore(%arg10 : memref<!tpu.dma_semaphore, #tpu.memory_space<semaphore_mem>>) src(%dma_wait3A_16 : memref<64x1024xf32, #tpu.memory_space<hbm>>) dst(%arg8 : memref<64x1024xf32, #tpu.memory_space<vmem>>)
    %dma_wait3A_17 = arith.constant 0 : i32
    %dma_wait3A_18 = tpu.memref_slice %arg3[%mul3A_2, %dma_wait3A_17] : memref<2048x128xf32, #tpu.memory_space<hbm>> -> memref<64x128xf32, #tpu.memory_space<hbm>>
    %dma_wait3A_19 = arith.constant 0 : i32
    %dma_wait3A_20 = tpu.memref_slice %arg3[%mul3A_2, %dma_wait3A_19] : memref<2048x128xf32, #tpu.memory_space<hbm>> -> memref<64x128xf32, #tpu.memory_space<hbm>>
    tpu.wait_dma2 semaphore(%arg11 : memref<!tpu.dma_semaphore, #tpu.memory_space<semaphore_mem>>) src(%dma_wait3A_20 : memref<64x128xf32, #tpu.memory_space<hbm>>) dst(%arg9 : memref<64x128xf32, #tpu.memory_space<vmem>>)
    %dma_start3A_21 = arith.constant 0 : i32
    %dma_start3A_22 = arith.constant 0 : i32
    %dma_start3A_23 = tpu.memref_slice %arg5[%dma_start3A_21, %dma_start3A_22] : memref<6144x1024xf32, #tpu.memory_space<hbm>> -> memref<6144x1024xf32, #tpu.memory_space<hbm>>
    tpu.enqueue_indirect_dma source(%arg8 : memref<64x1024xf32, #tpu.memory_space<vmem>>) target(%dma_start3A_23 : memref<6144x1024xf32, #tpu.memory_space<hbm>>) offsets(%arg7 : memref<64xi32, #tpu.memory_space<vmem>>) semaphore(%arg10 : memref<!tpu.dma_semaphore, #tpu.memory_space<semaphore_mem>>)
    %dma_start3A_24 = arith.constant 0 : i32
    %dma_start3A_25 = arith.constant 0 : i32
    %dma_start3A_26 = tpu.memref_slice %arg6[%dma_start3A_24, %dma_start3A_25] : memref<6144x128xf32, #tpu.memory_space<hbm>> -> memref<6144x128xf32, #tpu.memory_space<hbm>>
    tpu.enqueue_indirect_dma source(%arg9 : memref<64x128xf32, #tpu.memory_space<vmem>>) target(%dma_start3A_26 : memref<6144x128xf32, #tpu.memory_space<hbm>>) offsets(%arg7 : memref<64xi32, #tpu.memory_space<vmem>>) semaphore(%arg11 : memref<!tpu.dma_semaphore, #tpu.memory_space<semaphore_mem>>)
    %dma_wait3A_27 = arith.constant 0 : i32
    %dma_wait3A_28 = arith.constant 0 : i32
    %dma_wait3A_29 = tpu.memref_slice %arg5[%dma_wait3A_27, %dma_wait3A_28] : memref<6144x1024xf32, #tpu.memory_space<hbm>> -> memref<6144x1024xf32, #tpu.memory_space<hbm>>
    tpu.wait_indirect_dma semaphore(%arg10 : memref<!tpu.dma_semaphore, #tpu.memory_space<semaphore_mem>>) src(%arg8 : memref<64x1024xf32, #tpu.memory_space<vmem>>) dst(%dma_wait3A_29 : memref<6144x1024xf32, #tpu.memory_space<hbm>>)
    %dma_wait3A_30 = arith.constant 0 : i32
    %dma_wait3A_31 = arith.constant 0 : i32
    %dma_wait3A_32 = tpu.memref_slice %arg6[%dma_wait3A_30, %dma_wait3A_31] : memref<6144x128xf32, #tpu.memory_space<hbm>> -> memref<6144x128xf32, #tpu.memory_space<hbm>>
    tpu.wait_indirect_dma semaphore(%arg11 : memref<!tpu.dma_semaphore, #tpu.memory_space<semaphore_mem>>) src(%arg9 : memref<64x128xf32, #tpu.memory_space<vmem>>) dst(%dma_wait3A_32 : memref<6144x128xf32, #tpu.memory_space<hbm>>)
    return
  }
}

module attributes {stable_mosaic.version = 14 : i64} {
  func.func @_meta_body(%arg0: memref<16x128xi32, #tpu.memory_space<vmem>>, %arg1: memref<16x128xf32, #tpu.memory_space<vmem>>, %arg2: memref<16x128xi32, #tpu.memory_space<vmem>>, %arg3: memref<8x128xi32, #tpu.memory_space<vmem>>, %arg4: memref<2048x128xf32, #tpu.memory_space<vmem>>, %arg5: memref<16x128xf32, #tpu.memory_space<vmem>>) attributes {dimension_semantics = [], scalar_prefetch = 0 : i64, scratch_operands = 1 : i64, tpu.core_type = #tpu.core_type<tc>} {
    %iota3A = tpu.iota {dimensions = array<i32: 0>} : vector<64x128xi32>
    %iota3A_0 = tpu.iota {dimensions = array<i32: 0>} : vector<64x128xi32>
    %convert_element_type3A = arith.sitofp %iota3A_0 : vector<64x128xi32> to vector<64x128xf32>
    %iota3A_1 = tpu.iota {dimensions = array<i32: 0>} : vector<128x128xi32>
    %iota3A_2 = tpu.iota {dimensions = array<i32: 1>} : vector<128x128xi32>
    %lt3A = arith.cmpi slt, %iota3A_1, %iota3A_2 : vector<128x128xi32>
    %convert_element_type3A_3 = arith.extui %lt3A : vector<128x128xi1> to vector<128x128xi32>
    %convert_element_type3A_4 = arith.sitofp %convert_element_type3A_3 : vector<128x128xi32> to vector<128x128xf32>
    %broadcast_in_dim3A = arith.constant 1.000000e+00 : f32
    %broadcast_in_dim3A_5 = vector.broadcast %broadcast_in_dim3A : f32 to vector<128x128xf32>
    %iota3A_6 = tpu.iota {dimensions = array<i32: 0>} : vector<64x64xi32>
    %iota3A_7 = tpu.iota {dimensions = array<i32: 1>} : vector<64x64xi32>
    %le3A = arith.cmpi sle, %iota3A_7, %iota3A_6 : vector<64x64xi32>
    %convert_element_type3A_8 = arith.extui %le3A : vector<64x64xi1> to vector<64x64xi32>
    %convert_element_type3A_9 = arith.sitofp %convert_element_type3A_8 : vector<64x64xi32> to vector<64x64xf32>
    %broadcast_in_dim3A_10 = arith.constant 0.000000e+00 : f32
    %broadcast_in_dim3A_11 = vector.broadcast %broadcast_in_dim3A_10 : f32 to vector<64x128xf32>
    %get3A = arith.constant 0 : index
    %get3A_12 = arith.constant 0 : index
    %get3A_13 = vector.load %arg0[%get3A, %get3A_12] : memref<16x128xi32, #tpu.memory_space<vmem>>, vector<1x128xi32>
    %eq3A = vector.broadcast %get3A_13 : vector<1x128xi32> to vector<64x128xi32>
    %eq3A_14 = arith.cmpi eq, %iota3A, %eq3A : vector<64x128xi32>
    %convert_element_type3A_15 = arith.extui %eq3A_14 : vector<64x128xi1> to vector<64x128xi32>
    %convert_element_type3A_16 = arith.sitofp %convert_element_type3A_15 : vector<64x128xi32> to vector<64x128xf32>
    %dot_general3A = arith.constant dense<0.000000e+00> : vector<64x128xf32>
    %dot_general3A_17 = tpu.matmul %convert_element_type3A_16, %convert_element_type3A_4, %dot_general3A {dimension_numbers = #tpu.dot_dimension_numbers<[1], [0], [0], [1], [0, 0, 1, 1], [], []>, transpose_lhs_hint = false} : vector<64x128xf32>, vector<128x128xf32>, vector<64x128xf32> -> vector<64x128xf32>
    %add3A = arith.addf %dot_general3A_17, %broadcast_in_dim3A_11 : vector<64x128xf32>
    %mul3A = arith.mulf %convert_element_type3A_16, %add3A : vector<64x128xf32>
    %reduce_sum3A = arith.constant dense<0.000000e+00> : vector<128xf32>
    %reduce_sum3A_18 = vector.multi_reduction <add>, %mul3A, %reduce_sum3A [0] : vector<64x128xf32> to vector<128xf32>
    %broadcast_in_dim3A_19 = vector.shape_cast %reduce_sum3A_18 : vector<128xf32> to vector<1x128xf32>
    %swap3A = arith.constant 0 : index
    %swap3A_20 = arith.constant 0 : index
    %swap3A_21 = vector.load %arg5[%swap3A, %swap3A_20] : memref<16x128xf32, #tpu.memory_space<vmem>>, vector<1x128xf32>
    tpu.vector_store %arg5[%swap3A, %swap3A_20], %broadcast_in_dim3A_19 {strides = array<i32>} : memref<16x128xf32, #tpu.memory_space<vmem>>, vector<1x128xf32>,
    %dot_general3A_22 = arith.constant dense<0.000000e+00> : vector<64x128xf32>
    %dot_general3A_23 = tpu.matmul %convert_element_type3A_16, %broadcast_in_dim3A_5, %dot_general3A_22 {dimension_numbers = #tpu.dot_dimension_numbers<[1], [0], [0], [1], [0, 0, 1, 1], [], []>, transpose_lhs_hint = false} : vector<64x128xf32>, vector<128x128xf32>, vector<64x128xf32> -> vector<64x128xf32>
    %add3A_24 = arith.addf %broadcast_in_dim3A_11, %dot_general3A_23 : vector<64x128xf32>
    %get3A_25 = arith.constant 1 : index
    %get3A_26 = arith.constant 0 : index
    %get3A_27 = vector.load %arg0[%get3A_25, %get3A_26] : memref<16x128xi32, #tpu.memory_space<vmem>>, vector<1x128xi32>
    %eq3A_28 = vector.broadcast %get3A_27 : vector<1x128xi32> to vector<64x128xi32>
    %eq3A_29 = arith.cmpi eq, %iota3A, %eq3A_28 : vector<64x128xi32>
    %convert_element_type3A_30 = arith.extui %eq3A_29 : vector<64x128xi1> to vector<64x128xi32>
    %convert_element_type3A_31 = arith.sitofp %convert_element_type3A_30 : vector<64x128xi32> to vector<64x128xf32>
    %dot_general3A_32 = arith.constant dense<0.000000e+00> : vector<64x128xf32>
    %dot_general3A_33 = tpu.matmul %convert_element_type3A_31, %convert_element_type3A_4, %dot_general3A_32 {dimension_numbers = #tpu.dot_dimension_numbers<[1], [0], [0], [1], [0, 0, 1, 1], [], []>, transpose_lhs_hint = false} : vector<64x128xf32>, vector<128x128xf32>, vector<64x128xf32> -> vector<64x128xf32>
    %add3A_34 = arith.addf %dot_general3A_33, %add3A_24 : vector<64x128xf32>
    %mul3A_35 = arith.mulf %convert_element_type3A_31, %add3A_34 : vector<64x128xf32>
    %reduce_sum3A_36 = arith.constant dense<0.000000e+00> : vector<128xf32>
    %reduce_sum3A_37 = vector.multi_reduction <add>, %mul3A_35, %reduce_sum3A_36 [0] : vector<64x128xf32> to vector<128xf32>
    %broadcast_in_dim3A_38 = vector.shape_cast %reduce_sum3A_37 : vector<128xf32> to vector<1x128xf32>
    %swap3A_39 = arith.constant 1 : index
    %swap3A_40 = arith.constant 0 : index
    %swap3A_41 = vector.load %arg5[%swap3A_39, %swap3A_40] : memref<16x128xf32, #tpu.memory_space<vmem>>, vector<1x128xf32>
    tpu.vector_store %arg5[%swap3A_39, %swap3A_40], %broadcast_in_dim3A_38 {strides = array<i32>} : memref<16x128xf32, #tpu.memory_space<vmem>>, vector<1x128xf32>,
    %dot_general3A_42 = arith.constant dense<0.000000e+00> : vector<64x128xf32>
    %dot_general3A_43 = tpu.matmul %convert_element_type3A_31, %broadcast_in_dim3A_5, %dot_general3A_42 {dimension_numbers = #tpu.dot_dimension_numbers<[1], [0], [0], [1], [0, 0, 1, 1], [], []>, transpose_lhs_hint = false} : vector<64x128xf32>, vector<128x128xf32>, vector<64x128xf32> -> vector<64x128xf32>
    %add3A_44 = arith.addf %add3A_24, %dot_general3A_43 : vector<64x128xf32>
    %get3A_45 = arith.constant 2 : index
    %get3A_46 = arith.constant 0 : index
    %get3A_47 = vector.load %arg0[%get3A_45, %get3A_46] : memref<16x128xi32, #tpu.memory_space<vmem>>, vector<1x128xi32>
    %eq3A_48 = vector.broadcast %get3A_47 : vector<1x128xi32> to vector<64x128xi32>
    %eq3A_49 = arith.cmpi eq, %iota3A, %eq3A_48 : vector<64x128xi32>
    %convert_element_type3A_50 = arith.extui %eq3A_49 : vector<64x128xi1> to vector<64x128xi32>
    %convert_element_type3A_51 = arith.sitofp %convert_element_type3A_50 : vector<64x128xi32> to vector<64x128xf32>
    %dot_general3A_52 = arith.constant dense<0.000000e+00> : vector<64x128xf32>
    %dot_general3A_53 = tpu.matmul %convert_element_type3A_51, %convert_element_type3A_4, %dot_general3A_52 {dimension_numbers = #tpu.dot_dimension_numbers<[1], [0], [0], [1], [0, 0, 1, 1], [], []>, transpose_lhs_hint = false} : vector<64x128xf32>, vector<128x128xf32>, vector<64x128xf32> -> vector<64x128xf32>
    %add3A_54 = arith.addf %dot_general3A_53, %add3A_44 : vector<64x128xf32>
    %mul3A_55 = arith.mulf %convert_element_type3A_51, %add3A_54 : vector<64x128xf32>
    %reduce_sum3A_56 = arith.constant dense<0.000000e+00> : vector<128xf32>
    %reduce_sum3A_57 = vector.multi_reduction <add>, %mul3A_55, %reduce_sum3A_56 [0] : vector<64x128xf32> to vector<128xf32>
    %broadcast_in_dim3A_58 = vector.shape_cast %reduce_sum3A_57 : vector<128xf32> to vector<1x128xf32>
    %swap3A_59 = arith.constant 2 : index
    %swap3A_60 = arith.constant 0 : index
    %swap3A_61 = vector.load %arg5[%swap3A_59, %swap3A_60] : memref<16x128xf32, #tpu.memory_space<vmem>>, vector<1x128xf32>
    tpu.vector_store %arg5[%swap3A_59, %swap3A_60], %broadcast_in_dim3A_58 {strides = array<i32>} : memref<16x128xf32, #tpu.memory_space<vmem>>, vector<1x128xf32>,
    %dot_general3A_62 = arith.constant dense<0.000000e+00> : vector<64x128xf32>
    %dot_general3A_63 = tpu.matmul %convert_element_type3A_51, %broadcast_in_dim3A_5, %dot_general3A_62 {dimension_numbers = #tpu.dot_dimension_numbers<[1], [0], [0], [1], [0, 0, 1, 1], [], []>, transpose_lhs_hint = false} : vector<64x128xf32>, vector<128x128xf32>, vector<64x128xf32> -> vector<64x128xf32>
    %add3A_64 = arith.addf %add3A_44, %dot_general3A_63 : vector<64x128xf32>
    %get3A_65 = arith.constant 3 : index
    %get3A_66 = arith.constant 0 : index
    %get3A_67 = vector.load %arg0[%get3A_65, %get3A_66] : memref<16x128xi32, #tpu.memory_space<vmem>>, vector<1x128xi32>
    %eq3A_68 = vector.broadcast %get3A_67 : vector<1x128xi32> to vector<64x128xi32>
    %eq3A_69 = arith.cmpi eq, %iota3A, %eq3A_68 : vector<64x128xi32>
    %convert_element_type3A_70 = arith.extui %eq3A_69 : vector<64x128xi1> to vector<64x128xi32>
    %convert_element_type3A_71 = arith.sitofp %convert_element_type3A_70 : vector<64x128xi32> to vector<64x128xf32>
    %dot_general3A_72 = arith.constant dense<0.000000e+00> : vector<64x128xf32>
    %dot_general3A_73 = tpu.matmul %convert_element_type3A_71, %convert_element_type3A_4, %dot_general3A_72 {dimension_numbers = #tpu.dot_dimension_numbers<[1], [0], [0], [1], [0, 0, 1, 1], [], []>, transpose_lhs_hint = false} : vector<64x128xf32>, vector<128x128xf32>, vector<64x128xf32> -> vector<64x128xf32>
    %add3A_74 = arith.addf %dot_general3A_73, %add3A_64 : vector<64x128xf32>
    %mul3A_75 = arith.mulf %convert_element_type3A_71, %add3A_74 : vector<64x128xf32>
    %reduce_sum3A_76 = arith.constant dense<0.000000e+00> : vector<128xf32>
    %reduce_sum3A_77 = vector.multi_reduction <add>, %mul3A_75, %reduce_sum3A_76 [0] : vector<64x128xf32> to vector<128xf32>
    %broadcast_in_dim3A_78 = vector.shape_cast %reduce_sum3A_77 : vector<128xf32> to vector<1x128xf32>
    %swap3A_79 = arith.constant 3 : index
    %swap3A_80 = arith.constant 0 : index
    %swap3A_81 = vector.load %arg5[%swap3A_79, %swap3A_80] : memref<16x128xf32, #tpu.memory_space<vmem>>, vector<1x128xf32>
    tpu.vector_store %arg5[%swap3A_79, %swap3A_80], %broadcast_in_dim3A_78 {strides = array<i32>} : memref<16x128xf32, #tpu.memory_space<vmem>>, vector<1x128xf32>,
    %dot_general3A_82 = arith.constant dense<0.000000e+00> : vector<64x128xf32>
    %dot_general3A_83 = tpu.matmul %convert_element_type3A_71, %broadcast_in_dim3A_5, %dot_general3A_82 {dimension_numbers = #tpu.dot_dimension_numbers<[1], [0], [0], [1], [0, 0, 1, 1], [], []>, transpose_lhs_hint = false} : vector<64x128xf32>, vector<128x128xf32>, vector<64x128xf32> -> vector<64x128xf32>
    %add3A_84 = arith.addf %add3A_64, %dot_general3A_83 : vector<64x128xf32>
    %get3A_85 = arith.constant 4 : index
    %get3A_86 = arith.constant 0 : index
    %get3A_87 = vector.load %arg0[%get3A_85, %get3A_86] : memref<16x128xi32, #tpu.memory_space<vmem>>, vector<1x128xi32>
    %eq3A_88 = vector.broadcast %get3A_87 : vector<1x128xi32> to vector<64x128xi32>
    %eq3A_89 = arith.cmpi eq, %iota3A, %eq3A_88 : vector<64x128xi32>
    %convert_element_type3A_90 = arith.extui %eq3A_89 : vector<64x128xi1> to vector<64x128xi32>
    %convert_element_type3A_91 = arith.sitofp %convert_element_type3A_90 : vector<64x128xi32> to vector<64x128xf32>
    %dot_general3A_92 = arith.constant dense<0.000000e+00> : vector<64x128xf32>
    %dot_general3A_93 = tpu.matmul %convert_element_type3A_91, %convert_element_type3A_4, %dot_general3A_92 {dimension_numbers = #tpu.dot_dimension_numbers<[1], [0], [0], [1], [0, 0, 1, 1], [], []>, transpose_lhs_hint = false} : vector<64x128xf32>, vector<128x128xf32>, vector<64x128xf32> -> vector<64x128xf32>
    %add3A_94 = arith.addf %dot_general3A_93, %add3A_84 : vector<64x128xf32>
    %mul3A_95 = arith.mulf %convert_element_type3A_91, %add3A_94 : vector<64x128xf32>
    %reduce_sum3A_96 = arith.constant dense<0.000000e+00> : vector<128xf32>
    %reduce_sum3A_97 = vector.multi_reduction <add>, %mul3A_95, %reduce_sum3A_96 [0] : vector<64x128xf32> to vector<128xf32>
    %broadcast_in_dim3A_98 = vector.shape_cast %reduce_sum3A_97 : vector<128xf32> to vector<1x128xf32>
    %swap3A_99 = arith.constant 4 : index
    %swap3A_100 = arith.constant 0 : index
    %swap3A_101 = vector.load %arg5[%swap3A_99, %swap3A_100] : memref<16x128xf32, #tpu.memory_space<vmem>>, vector<1x128xf32>
    tpu.vector_store %arg5[%swap3A_99, %swap3A_100], %broadcast_in_dim3A_98 {strides = array<i32>} : memref<16x128xf32, #tpu.memory_space<vmem>>, vector<1x128xf32>,
    %dot_general3A_102 = arith.constant dense<0.000000e+00> : vector<64x128xf32>
    %dot_general3A_103 = tpu.matmul %convert_element_type3A_91, %broadcast_in_dim3A_5, %dot_general3A_102 {dimension_numbers = #tpu.dot_dimension_numbers<[1], [0], [0], [1], [0, 0, 1, 1], [], []>, transpose_lhs_hint = false} : vector<64x128xf32>, vector<128x128xf32>, vector<64x128xf32> -> vector<64x128xf32>
    %add3A_104 = arith.addf %add3A_84, %dot_general3A_103 : vector<64x128xf32>
    %get3A_105 = arith.constant 5 : index
    %get3A_106 = arith.constant 0 : index
    %get3A_107 = vector.load %arg0[%get3A_105, %get3A_106] : memref<16x128xi32, #tpu.memory_space<vmem>>, vector<1x128xi32>
    %eq3A_108 = vector.broadcast %get3A_107 : vector<1x128xi32> to vector<64x128xi32>
    %eq3A_109 = arith.cmpi eq, %iota3A, %eq3A_108 : vector<64x128xi32>
    %convert_element_type3A_110 = arith.extui %eq3A_109 : vector<64x128xi1> to vector<64x128xi32>
    %convert_element_type3A_111 = arith.sitofp %convert_element_type3A_110 : vector<64x128xi32> to vector<64x128xf32>
    %dot_general3A_112 = arith.constant dense<0.000000e+00> : vector<64x128xf32>
    %dot_general3A_113 = tpu.matmul %convert_element_type3A_111, %convert_element_type3A_4, %dot_general3A_112 {dimension_numbers = #tpu.dot_dimension_numbers<[1], [0], [0], [1], [0, 0, 1, 1], [], []>, transpose_lhs_hint = false} : vector<64x128xf32>, vector<128x128xf32>, vector<64x128xf32> -> vector<64x128xf32>
    %add3A_114 = arith.addf %dot_general3A_113, %add3A_104 : vector<64x128xf32>
    %mul3A_115 = arith.mulf %convert_element_type3A_111, %add3A_114 : vector<64x128xf32>
    %reduce_sum3A_116 = arith.constant dense<0.000000e+00> : vector<128xf32>
    %reduce_sum3A_117 = vector.multi_reduction <add>, %mul3A_115, %reduce_sum3A_116 [0] : vector<64x128xf32> to vector<128xf32>
    %broadcast_in_dim3A_118 = vector.shape_cast %reduce_sum3A_117 : vector<128xf32> to vector<1x128xf32>
    %swap3A_119 = arith.constant 5 : index
    %swap3A_120 = arith.constant 0 : index
    %swap3A_121 = vector.load %arg5[%swap3A_119, %swap3A_120] : memref<16x128xf32, #tpu.memory_space<vmem>>, vector<1x128xf32>
    tpu.vector_store %arg5[%swap3A_119, %swap3A_120], %broadcast_in_dim3A_118 {strides = array<i32>} : memref<16x128xf32, #tpu.memory_space<vmem>>, vector<1x128xf32>,
    %dot_general3A_122 = arith.constant dense<0.000000e+00> : vector<64x128xf32>
    %dot_general3A_123 = tpu.matmul %convert_element_type3A_111, %broadcast_in_dim3A_5, %dot_general3A_122 {dimension_numbers = #tpu.dot_dimension_numbers<[1], [0], [0], [1], [0, 0, 1, 1], [], []>, transpose_lhs_hint = false} : vector<64x128xf32>, vector<128x128xf32>, vector<64x128xf32> -> vector<64x128xf32>
    %add3A_124 = arith.addf %add3A_104, %dot_general3A_123 : vector<64x128xf32>
    %get3A_125 = arith.constant 6 : index
    %get3A_126 = arith.constant 0 : index
    %get3A_127 = vector.load %arg0[%get3A_125, %get3A_126] : memref<16x128xi32, #tpu.memory_space<vmem>>, vector<1x128xi32>
    %eq3A_128 = vector.broadcast %get3A_127 : vector<1x128xi32> to vector<64x128xi32>
    %eq3A_129 = arith.cmpi eq, %iota3A, %eq3A_128 : vector<64x128xi32>
    %convert_element_type3A_130 = arith.extui %eq3A_129 : vector<64x128xi1> to vector<64x128xi32>
    %convert_element_type3A_131 = arith.sitofp %convert_element_type3A_130 : vector<64x128xi32> to vector<64x128xf32>
    %dot_general3A_132 = arith.constant dense<0.000000e+00> : vector<64x128xf32>
    %dot_general3A_133 = tpu.matmul %convert_element_type3A_131, %convert_element_type3A_4, %dot_general3A_132 {dimension_numbers = #tpu.dot_dimension_numbers<[1], [0], [0], [1], [0, 0, 1, 1], [], []>, transpose_lhs_hint = false} : vector<64x128xf32>, vector<128x128xf32>, vector<64x128xf32> -> vector<64x128xf32>
    %add3A_134 = arith.addf %dot_general3A_133, %add3A_124 : vector<64x128xf32>
    %mul3A_135 = arith.mulf %convert_element_type3A_131, %add3A_134 : vector<64x128xf32>
    %reduce_sum3A_136 = arith.constant dense<0.000000e+00> : vector<128xf32>
    %reduce_sum3A_137 = vector.multi_reduction <add>, %mul3A_135, %reduce_sum3A_136 [0] : vector<64x128xf32> to vector<128xf32>
    %broadcast_in_dim3A_138 = vector.shape_cast %reduce_sum3A_137 : vector<128xf32> to vector<1x128xf32>
    %swap3A_139 = arith.constant 6 : index
    %swap3A_140 = arith.constant 0 : index
    %swap3A_141 = vector.load %arg5[%swap3A_139, %swap3A_140] : memref<16x128xf32, #tpu.memory_space<vmem>>, vector<1x128xf32>
    tpu.vector_store %arg5[%swap3A_139, %swap3A_140], %broadcast_in_dim3A_138 {strides = array<i32>} : memref<16x128xf32, #tpu.memory_space<vmem>>, vector<1x128xf32>,
    %dot_general3A_142 = arith.constant dense<0.000000e+00> : vector<64x128xf32>
    %dot_general3A_143 = tpu.matmul %convert_element_type3A_131, %broadcast_in_dim3A_5, %dot_general3A_142 {dimension_numbers = #tpu.dot_dimension_numbers<[1], [0], [0], [1], [0, 0, 1, 1], [], []>, transpose_lhs_hint = false} : vector<64x128xf32>, vector<128x128xf32>, vector<64x128xf32> -> vector<64x128xf32>
    %add3A_144 = arith.addf %add3A_124, %dot_general3A_143 : vector<64x128xf32>
    %get3A_145 = arith.constant 7 : index
    %get3A_146 = arith.constant 0 : index
    %get3A_147 = vector.load %arg0[%get3A_145, %get3A_146] : memref<16x128xi32, #tpu.memory_space<vmem>>, vector<1x128xi32>
    %eq3A_148 = vector.broadcast %get3A_147 : vector<1x128xi32> to vector<64x128xi32>
    %eq3A_149 = arith.cmpi eq, %iota3A, %eq3A_148 : vector<64x128xi32>
    %convert_element_type3A_150 = arith.extui %eq3A_149 : vector<64x128xi1> to vector<64x128xi32>
    %convert_element_type3A_151 = arith.sitofp %convert_element_type3A_150 : vector<64x128xi32> to vector<64x128xf32>
    %dot_general3A_152 = arith.constant dense<0.000000e+00> : vector<64x128xf32>
    %dot_general3A_153 = tpu.matmul %convert_element_type3A_151, %convert_element_type3A_4, %dot_general3A_152 {dimension_numbers = #tpu.dot_dimension_numbers<[1], [0], [0], [1], [0, 0, 1, 1], [], []>, transpose_lhs_hint = false} : vector<64x128xf32>, vector<128x128xf32>, vector<64x128xf32> -> vector<64x128xf32>
    %add3A_154 = arith.addf %dot_general3A_153, %add3A_144 : vector<64x128xf32>
    %mul3A_155 = arith.mulf %convert_element_type3A_151, %add3A_154 : vector<64x128xf32>
    %reduce_sum3A_156 = arith.constant dense<0.000000e+00> : vector<128xf32>
    %reduce_sum3A_157 = vector.multi_reduction <add>, %mul3A_155, %reduce_sum3A_156 [0] : vector<64x128xf32> to vector<128xf32>
    %broadcast_in_dim3A_158 = vector.shape_cast %reduce_sum3A_157 : vector<128xf32> to vector<1x128xf32>
    %swap3A_159 = arith.constant 7 : index
    %swap3A_160 = arith.constant 0 : index
    %swap3A_161 = vector.load %arg5[%swap3A_159, %swap3A_160] : memref<16x128xf32, #tpu.memory_space<vmem>>, vector<1x128xf32>
    tpu.vector_store %arg5[%swap3A_159, %swap3A_160], %broadcast_in_dim3A_158 {strides = array<i32>} : memref<16x128xf32, #tpu.memory_space<vmem>>, vector<1x128xf32>,
    %dot_general3A_162 = arith.constant dense<0.000000e+00> : vector<64x128xf32>
    %dot_general3A_163 = tpu.matmul %convert_element_type3A_151, %broadcast_in_dim3A_5, %dot_general3A_162 {dimension_numbers = #tpu.dot_dimension_numbers<[1], [0], [0], [1], [0, 0, 1, 1], [], []>, transpose_lhs_hint = false} : vector<64x128xf32>, vector<128x128xf32>, vector<64x128xf32> -> vector<64x128xf32>
    %add3A_164 = arith.addf %add3A_144, %dot_general3A_163 : vector<64x128xf32>
    %get3A_165 = arith.constant 8 : index
    %get3A_166 = arith.constant 0 : index
    %get3A_167 = vector.load %arg0[%get3A_165, %get3A_166] : memref<16x128xi32, #tpu.memory_space<vmem>>, vector<1x128xi32>
    %eq3A_168 = vector.broadcast %get3A_167 : vector<1x128xi32> to vector<64x128xi32>
    %eq3A_169 = arith.cmpi eq, %iota3A, %eq3A_168 : vector<64x128xi32>
    %convert_element_type3A_170 = arith.extui %eq3A_169 : vector<64x128xi1> to vector<64x128xi32>
    %convert_element_type3A_171 = arith.sitofp %convert_element_type3A_170 : vector<64x128xi32> to vector<64x128xf32>
    %dot_general3A_172 = arith.constant dense<0.000000e+00> : vector<64x128xf32>
    %dot_general3A_173 = tpu.matmul %convert_element_type3A_171, %convert_element_type3A_4, %dot_general3A_172 {dimension_numbers = #tpu.dot_dimension_numbers<[1], [0], [0], [1], [0, 0, 1, 1], [], []>, transpose_lhs_hint = false} : vector<64x128xf32>, vector<128x128xf32>, vector<64x128xf32> -> vector<64x128xf32>
    %add3A_174 = arith.addf %dot_general3A_173, %add3A_164 : vector<64x128xf32>
    %mul3A_175 = arith.mulf %convert_element_type3A_171, %add3A_174 : vector<64x128xf32>
    %reduce_sum3A_176 = arith.constant dense<0.000000e+00> : vector<128xf32>
    %reduce_sum3A_177 = vector.multi_reduction <add>, %mul3A_175, %reduce_sum3A_176 [0] : vector<64x128xf32> to vector<128xf32>
    %broadcast_in_dim3A_178 = vector.shape_cast %reduce_sum3A_177 : vector<128xf32> to vector<1x128xf32>
    %swap3A_179 = arith.constant 8 : index
    %swap3A_180 = arith.constant 0 : index
    %swap3A_181 = vector.load %arg5[%swap3A_179, %swap3A_180] : memref<16x128xf32, #tpu.memory_space<vmem>>, vector<1x128xf32>
    tpu.vector_store %arg5[%swap3A_179, %swap3A_180], %broadcast_in_dim3A_178 {strides = array<i32>} : memref<16x128xf32, #tpu.memory_space<vmem>>, vector<1x128xf32>,
    %dot_general3A_182 = arith.constant dense<0.000000e+00> : vector<64x128xf32>
    %dot_general3A_183 = tpu.matmul %convert_element_type3A_171, %broadcast_in_dim3A_5, %dot_general3A_182 {dimension_numbers = #tpu.dot_dimension_numbers<[1], [0], [0], [1], [0, 0, 1, 1], [], []>, transpose_lhs_hint = false} : vector<64x128xf32>, vector<128x128xf32>, vector<64x128xf32> -> vector<64x128xf32>
    %add3A_184 = arith.addf %add3A_164, %dot_general3A_183 : vector<64x128xf32>
    %get3A_185 = arith.constant 9 : index
    %get3A_186 = arith.constant 0 : index
    %get3A_187 = vector.load %arg0[%get3A_185, %get3A_186] : memref<16x128xi32, #tpu.memory_space<vmem>>, vector<1x128xi32>
    %eq3A_188 = vector.broadcast %get3A_187 : vector<1x128xi32> to vector<64x128xi32>
    %eq3A_189 = arith.cmpi eq, %iota3A, %eq3A_188 : vector<64x128xi32>
    %convert_element_type3A_190 = arith.extui %eq3A_189 : vector<64x128xi1> to vector<64x128xi32>
    %convert_element_type3A_191 = arith.sitofp %convert_element_type3A_190 : vector<64x128xi32> to vector<64x128xf32>
    %dot_general3A_192 = arith.constant dense<0.000000e+00> : vector<64x128xf32>
    %dot_general3A_193 = tpu.matmul %convert_element_type3A_191, %convert_element_type3A_4, %dot_general3A_192 {dimension_numbers = #tpu.dot_dimension_numbers<[1], [0], [0], [1], [0, 0, 1, 1], [], []>, transpose_lhs_hint = false} : vector<64x128xf32>, vector<128x128xf32>, vector<64x128xf32> -> vector<64x128xf32>
    %add3A_194 = arith.addf %dot_general3A_193, %add3A_184 : vector<64x128xf32>
    %mul3A_195 = arith.mulf %convert_element_type3A_191, %add3A_194 : vector<64x128xf32>
    %reduce_sum3A_196 = arith.constant dense<0.000000e+00> : vector<128xf32>
    %reduce_sum3A_197 = vector.multi_reduction <add>, %mul3A_195, %reduce_sum3A_196 [0] : vector<64x128xf32> to vector<128xf32>
    %broadcast_in_dim3A_198 = vector.shape_cast %reduce_sum3A_197 : vector<128xf32> to vector<1x128xf32>
    %swap3A_199 = arith.constant 9 : index
    %swap3A_200 = arith.constant 0 : index
    %swap3A_201 = vector.load %arg5[%swap3A_199, %swap3A_200] : memref<16x128xf32, #tpu.memory_space<vmem>>, vector<1x128xf32>
    tpu.vector_store %arg5[%swap3A_199, %swap3A_200], %broadcast_in_dim3A_198 {strides = array<i32>} : memref<16x128xf32, #tpu.memory_space<vmem>>, vector<1x128xf32>,
    %dot_general3A_202 = arith.constant dense<0.000000e+00> : vector<64x128xf32>
    %dot_general3A_203 = tpu.matmul %convert_element_type3A_191, %broadcast_in_dim3A_5, %dot_general3A_202 {dimension_numbers = #tpu.dot_dimension_numbers<[1], [0], [0], [1], [0, 0, 1, 1], [], []>, transpose_lhs_hint = false} : vector<64x128xf32>, vector<128x128xf32>, vector<64x128xf32> -> vector<64x128xf32>
    %add3A_204 = arith.addf %add3A_184, %dot_general3A_203 : vector<64x128xf32>
    %get3A_205 = arith.constant 10 : index
    %get3A_206 = arith.constant 0 : index
    %get3A_207 = vector.load %arg0[%get3A_205, %get3A_206] : memref<16x128xi32, #tpu.memory_space<vmem>>, vector<1x128xi32>
    %eq3A_208 = vector.broadcast %get3A_207 : vector<1x128xi32> to vector<64x128xi32>
    %eq3A_209 = arith.cmpi eq, %iota3A, %eq3A_208 : vector<64x128xi32>
    %convert_element_type3A_210 = arith.extui %eq3A_209 : vector<64x128xi1> to vector<64x128xi32>
    %convert_element_type3A_211 = arith.sitofp %convert_element_type3A_210 : vector<64x128xi32> to vector<64x128xf32>
    %dot_general3A_212 = arith.constant dense<0.000000e+00> : vector<64x128xf32>
    %dot_general3A_213 = tpu.matmul %convert_element_type3A_211, %convert_element_type3A_4, %dot_general3A_212 {dimension_numbers = #tpu.dot_dimension_numbers<[1], [0], [0], [1], [0, 0, 1, 1], [], []>, transpose_lhs_hint = false} : vector<64x128xf32>, vector<128x128xf32>, vector<64x128xf32> -> vector<64x128xf32>
    %add3A_214 = arith.addf %dot_general3A_213, %add3A_204 : vector<64x128xf32>
    %mul3A_215 = arith.mulf %convert_element_type3A_211, %add3A_214 : vector<64x128xf32>
    %reduce_sum3A_216 = arith.constant dense<0.000000e+00> : vector<128xf32>
    %reduce_sum3A_217 = vector.multi_reduction <add>, %mul3A_215, %reduce_sum3A_216 [0] : vector<64x128xf32> to vector<128xf32>
    %broadcast_in_dim3A_218 = vector.shape_cast %reduce_sum3A_217 : vector<128xf32> to vector<1x128xf32>
    %swap3A_219 = arith.constant 10 : index
    %swap3A_220 = arith.constant 0 : index
    %swap3A_221 = vector.load %arg5[%swap3A_219, %swap3A_220] : memref<16x128xf32, #tpu.memory_space<vmem>>, vector<1x128xf32>
    tpu.vector_store %arg5[%swap3A_219, %swap3A_220], %broadcast_in_dim3A_218 {strides = array<i32>} : memref<16x128xf32, #tpu.memory_space<vmem>>, vector<1x128xf32>,
    %dot_general3A_222 = arith.constant dense<0.000000e+00> : vector<64x128xf32>
    %dot_general3A_223 = tpu.matmul %convert_element_type3A_211, %broadcast_in_dim3A_5, %dot_general3A_222 {dimension_numbers = #tpu.dot_dimension_numbers<[1], [0], [0], [1], [0, 0, 1, 1], [], []>, transpose_lhs_hint = false} : vector<64x128xf32>, vector<128x128xf32>, vector<64x128xf32> -> vector<64x128xf32>
    %add3A_224 = arith.addf %add3A_204, %dot_general3A_223 : vector<64x128xf32>
    %get3A_225 = arith.constant 11 : index
    %get3A_226 = arith.constant 0 : index
    %get3A_227 = vector.load %arg0[%get3A_225, %get3A_226] : memref<16x128xi32, #tpu.memory_space<vmem>>, vector<1x128xi32>
    %eq3A_228 = vector.broadcast %get3A_227 : vector<1x128xi32> to vector<64x128xi32>
    %eq3A_229 = arith.cmpi eq, %iota3A, %eq3A_228 : vector<64x128xi32>
    %convert_element_type3A_230 = arith.extui %eq3A_229 : vector<64x128xi1> to vector<64x128xi32>
    %convert_element_type3A_231 = arith.sitofp %convert_element_type3A_230 : vector<64x128xi32> to vector<64x128xf32>
    %dot_general3A_232 = arith.constant dense<0.000000e+00> : vector<64x128xf32>
    %dot_general3A_233 = tpu.matmul %convert_element_type3A_231, %convert_element_type3A_4, %dot_general3A_232 {dimension_numbers = #tpu.dot_dimension_numbers<[1], [0], [0], [1], [0, 0, 1, 1], [], []>, transpose_lhs_hint = false} : vector<64x128xf32>, vector<128x128xf32>, vector<64x128xf32> -> vector<64x128xf32>
    %add3A_234 = arith.addf %dot_general3A_233, %add3A_224 : vector<64x128xf32>
    %mul3A_235 = arith.mulf %convert_element_type3A_231, %add3A_234 : vector<64x128xf32>
    %reduce_sum3A_236 = arith.constant dense<0.000000e+00> : vector<128xf32>
    %reduce_sum3A_237 = vector.multi_reduction <add>, %mul3A_235, %reduce_sum3A_236 [0] : vector<64x128xf32> to vector<128xf32>
    %broadcast_in_dim3A_238 = vector.shape_cast %reduce_sum3A_237 : vector<128xf32> to vector<1x128xf32>
    %swap3A_239 = arith.constant 11 : index
    %swap3A_240 = arith.constant 0 : index
    %swap3A_241 = vector.load %arg5[%swap3A_239, %swap3A_240] : memref<16x128xf32, #tpu.memory_space<vmem>>, vector<1x128xf32>
    tpu.vector_store %arg5[%swap3A_239, %swap3A_240], %broadcast_in_dim3A_238 {strides = array<i32>} : memref<16x128xf32, #tpu.memory_space<vmem>>, vector<1x128xf32>,
    %dot_general3A_242 = arith.constant dense<0.000000e+00> : vector<64x128xf32>
    %dot_general3A_243 = tpu.matmul %convert_element_type3A_231, %broadcast_in_dim3A_5, %dot_general3A_242 {dimension_numbers = #tpu.dot_dimension_numbers<[1], [0], [0], [1], [0, 0, 1, 1], [], []>, transpose_lhs_hint = false} : vector<64x128xf32>, vector<128x128xf32>, vector<64x128xf32> -> vector<64x128xf32>
    %add3A_244 = arith.addf %add3A_224, %dot_general3A_243 : vector<64x128xf32>
    %get3A_245 = arith.constant 12 : index
    %get3A_246 = arith.constant 0 : index
    %get3A_247 = vector.load %arg0[%get3A_245, %get3A_246] : memref<16x128xi32, #tpu.memory_space<vmem>>, vector<1x128xi32>
    %eq3A_248 = vector.broadcast %get3A_247 : vector<1x128xi32> to vector<64x128xi32>
    %eq3A_249 = arith.cmpi eq, %iota3A, %eq3A_248 : vector<64x128xi32>
    %convert_element_type3A_250 = arith.extui %eq3A_249 : vector<64x128xi1> to vector<64x128xi32>
    %convert_element_type3A_251 = arith.sitofp %convert_element_type3A_250 : vector<64x128xi32> to vector<64x128xf32>
    %dot_general3A_252 = arith.constant dense<0.000000e+00> : vector<64x128xf32>
    %dot_general3A_253 = tpu.matmul %convert_element_type3A_251, %convert_element_type3A_4, %dot_general3A_252 {dimension_numbers = #tpu.dot_dimension_numbers<[1], [0], [0], [1], [0, 0, 1, 1], [], []>, transpose_lhs_hint = false} : vector<64x128xf32>, vector<128x128xf32>, vector<64x128xf32> -> vector<64x128xf32>
    %add3A_254 = arith.addf %dot_general3A_253, %add3A_244 : vector<64x128xf32>
    %mul3A_255 = arith.mulf %convert_element_type3A_251, %add3A_254 : vector<64x128xf32>
    %reduce_sum3A_256 = arith.constant dense<0.000000e+00> : vector<128xf32>
    %reduce_sum3A_257 = vector.multi_reduction <add>, %mul3A_255, %reduce_sum3A_256 [0] : vector<64x128xf32> to vector<128xf32>
    %broadcast_in_dim3A_258 = vector.shape_cast %reduce_sum3A_257 : vector<128xf32> to vector<1x128xf32>
    %swap3A_259 = arith.constant 12 : index
    %swap3A_260 = arith.constant 0 : index
    %swap3A_261 = vector.load %arg5[%swap3A_259, %swap3A_260] : memref<16x128xf32, #tpu.memory_space<vmem>>, vector<1x128xf32>
    tpu.vector_store %arg5[%swap3A_259, %swap3A_260], %broadcast_in_dim3A_258 {strides = array<i32>} : memref<16x128xf32, #tpu.memory_space<vmem>>, vector<1x128xf32>,
    %dot_general3A_262 = arith.constant dense<0.000000e+00> : vector<64x128xf32>
    %dot_general3A_263 = tpu.matmul %convert_element_type3A_251, %broadcast_in_dim3A_5, %dot_general3A_262 {dimension_numbers = #tpu.dot_dimension_numbers<[1], [0], [0], [1], [0, 0, 1, 1], [], []>, transpose_lhs_hint = false} : vector<64x128xf32>, vector<128x128xf32>, vector<64x128xf32> -> vector<64x128xf32>
    %add3A_264 = arith.addf %add3A_244, %dot_general3A_263 : vector<64x128xf32>
    %get3A_265 = arith.constant 13 : index
    %get3A_266 = arith.constant 0 : index
    %get3A_267 = vector.load %arg0[%get3A_265, %get3A_266] : memref<16x128xi32, #tpu.memory_space<vmem>>, vector<1x128xi32>
    %eq3A_268 = vector.broadcast %get3A_267 : vector<1x128xi32> to vector<64x128xi32>
    %eq3A_269 = arith.cmpi eq, %iota3A, %eq3A_268 : vector<64x128xi32>
    %convert_element_type3A_270 = arith.extui %eq3A_269 : vector<64x128xi1> to vector<64x128xi32>
    %convert_element_type3A_271 = arith.sitofp %convert_element_type3A_270 : vector<64x128xi32> to vector<64x128xf32>
    %dot_general3A_272 = arith.constant dense<0.000000e+00> : vector<64x128xf32>
    %dot_general3A_273 = tpu.matmul %convert_element_type3A_271, %convert_element_type3A_4, %dot_general3A_272 {dimension_numbers = #tpu.dot_dimension_numbers<[1], [0], [0], [1], [0, 0, 1, 1], [], []>, transpose_lhs_hint = false} : vector<64x128xf32>, vector<128x128xf32>, vector<64x128xf32> -> vector<64x128xf32>
    %add3A_274 = arith.addf %dot_general3A_273, %add3A_264 : vector<64x128xf32>
    %mul3A_275 = arith.mulf %convert_element_type3A_271, %add3A_274 : vector<64x128xf32>
    %reduce_sum3A_276 = arith.constant dense<0.000000e+00> : vector<128xf32>
    %reduce_sum3A_277 = vector.multi_reduction <add>, %mul3A_275, %reduce_sum3A_276 [0] : vector<64x128xf32> to vector<128xf32>
    %broadcast_in_dim3A_278 = vector.shape_cast %reduce_sum3A_277 : vector<128xf32> to vector<1x128xf32>
    %swap3A_279 = arith.constant 13 : index
    %swap3A_280 = arith.constant 0 : index
    %swap3A_281 = vector.load %arg5[%swap3A_279, %swap3A_280] : memref<16x128xf32, #tpu.memory_space<vmem>>, vector<1x128xf32>
    tpu.vector_store %arg5[%swap3A_279, %swap3A_280], %broadcast_in_dim3A_278 {strides = array<i32>} : memref<16x128xf32, #tpu.memory_space<vmem>>, vector<1x128xf32>,
    %dot_general3A_282 = arith.constant dense<0.000000e+00> : vector<64x128xf32>
    %dot_general3A_283 = tpu.matmul %convert_element_type3A_271, %broadcast_in_dim3A_5, %dot_general3A_282 {dimension_numbers = #tpu.dot_dimension_numbers<[1], [0], [0], [1], [0, 0, 1, 1], [], []>, transpose_lhs_hint = false} : vector<64x128xf32>, vector<128x128xf32>, vector<64x128xf32> -> vector<64x128xf32>
    %add3A_284 = arith.addf %add3A_264, %dot_general3A_283 : vector<64x128xf32>
    %get3A_285 = arith.constant 14 : index
    %get3A_286 = arith.constant 0 : index
    %get3A_287 = vector.load %arg0[%get3A_285, %get3A_286] : memref<16x128xi32, #tpu.memory_space<vmem>>, vector<1x128xi32>
    %eq3A_288 = vector.broadcast %get3A_287 : vector<1x128xi32> to vector<64x128xi32>
    %eq3A_289 = arith.cmpi eq, %iota3A, %eq3A_288 : vector<64x128xi32>
    %convert_element_type3A_290 = arith.extui %eq3A_289 : vector<64x128xi1> to vector<64x128xi32>
    %convert_element_type3A_291 = arith.sitofp %convert_element_type3A_290 : vector<64x128xi32> to vector<64x128xf32>
    %dot_general3A_292 = arith.constant dense<0.000000e+00> : vector<64x128xf32>
    %dot_general3A_293 = tpu.matmul %convert_element_type3A_291, %convert_element_type3A_4, %dot_general3A_292 {dimension_numbers = #tpu.dot_dimension_numbers<[1], [0], [0], [1], [0, 0, 1, 1], [], []>, transpose_lhs_hint = false} : vector<64x128xf32>, vector<128x128xf32>, vector<64x128xf32> -> vector<64x128xf32>
    %add3A_294 = arith.addf %dot_general3A_293, %add3A_284 : vector<64x128xf32>
    %mul3A_295 = arith.mulf %convert_element_type3A_291, %add3A_294 : vector<64x128xf32>
    %reduce_sum3A_296 = arith.constant dense<0.000000e+00> : vector<128xf32>
    %reduce_sum3A_297 = vector.multi_reduction <add>, %mul3A_295, %reduce_sum3A_296 [0] : vector<64x128xf32> to vector<128xf32>
    %broadcast_in_dim3A_298 = vector.shape_cast %reduce_sum3A_297 : vector<128xf32> to vector<1x128xf32>
    %swap3A_299 = arith.constant 14 : index
    %swap3A_300 = arith.constant 0 : index
    %swap3A_301 = vector.load %arg5[%swap3A_299, %swap3A_300] : memref<16x128xf32, #tpu.memory_space<vmem>>, vector<1x128xf32>
    tpu.vector_store %arg5[%swap3A_299, %swap3A_300], %broadcast_in_dim3A_298 {strides = array<i32>} : memref<16x128xf32, #tpu.memory_space<vmem>>, vector<1x128xf32>,
    %dot_general3A_302 = arith.constant dense<0.000000e+00> : vector<64x128xf32>
    %dot_general3A_303 = tpu.matmul %convert_element_type3A_291, %broadcast_in_dim3A_5, %dot_general3A_302 {dimension_numbers = #tpu.dot_dimension_numbers<[1], [0], [0], [1], [0, 0, 1, 1], [], []>, transpose_lhs_hint = false} : vector<64x128xf32>, vector<128x128xf32>, vector<64x128xf32> -> vector<64x128xf32>
    %add3A_304 = arith.addf %add3A_284, %dot_general3A_303 : vector<64x128xf32>
    %get3A_305 = arith.constant 15 : index
    %get3A_306 = arith.constant 0 : index
    %get3A_307 = vector.load %arg0[%get3A_305, %get3A_306] : memref<16x128xi32, #tpu.memory_space<vmem>>, vector<1x128xi32>
    %eq3A_308 = vector.broadcast %get3A_307 : vector<1x128xi32> to vector<64x128xi32>
    %eq3A_309 = arith.cmpi eq, %iota3A, %eq3A_308 : vector<64x128xi32>
    %convert_element_type3A_310 = arith.extui %eq3A_309 : vector<64x128xi1> to vector<64x128xi32>
    %convert_element_type3A_311 = arith.sitofp %convert_element_type3A_310 : vector<64x128xi32> to vector<64x128xf32>
    %dot_general3A_312 = arith.constant dense<0.000000e+00> : vector<64x128xf32>
    %dot_general3A_313 = tpu.matmul %convert_element_type3A_311, %convert_element_type3A_4, %dot_general3A_312 {dimension_numbers = #tpu.dot_dimension_numbers<[1], [0], [0], [1], [0, 0, 1, 1], [], []>, transpose_lhs_hint = false} : vector<64x128xf32>, vector<128x128xf32>, vector<64x128xf32> -> vector<64x128xf32>
    %add3A_314 = arith.addf %dot_general3A_313, %add3A_304 : vector<64x128xf32>
    %mul3A_315 = arith.mulf %convert_element_type3A_311, %add3A_314 : vector<64x128xf32>
    %reduce_sum3A_316 = arith.constant dense<0.000000e+00> : vector<128xf32>
    %reduce_sum3A_317 = vector.multi_reduction <add>, %mul3A_315, %reduce_sum3A_316 [0] : vector<64x128xf32> to vector<128xf32>
    %broadcast_in_dim3A_318 = vector.shape_cast %reduce_sum3A_317 : vector<128xf32> to vector<1x128xf32>
    %swap3A_319 = arith.constant 15 : index
    %swap3A_320 = arith.constant 0 : index
    %swap3A_321 = vector.load %arg5[%swap3A_319, %swap3A_320] : memref<16x128xf32, #tpu.memory_space<vmem>>, vector<1x128xf32>
    tpu.vector_store %arg5[%swap3A_319, %swap3A_320], %broadcast_in_dim3A_318 {strides = array<i32>} : memref<16x128xf32, #tpu.memory_space<vmem>>, vector<1x128xf32>,
    %dot_general3A_322 = arith.constant dense<0.000000e+00> : vector<64x128xf32>
    %dot_general3A_323 = tpu.matmul %convert_element_type3A_311, %broadcast_in_dim3A_5, %dot_general3A_322 {dimension_numbers = #tpu.dot_dimension_numbers<[1], [0], [0], [1], [0, 0, 1, 1], [], []>, transpose_lhs_hint = false} : vector<64x128xf32>, vector<128x128xf32>, vector<64x128xf32> -> vector<64x128xf32>
    %add3A_324 = arith.addf %add3A_304, %dot_general3A_323 : vector<64x128xf32>
    %add3A_325 = arith.constant 6.300000e+01 : f32
    %add3A_326 = vector.broadcast %add3A_325 : f32 to vector<64x128xf32>
    %add3A_327 = arith.addf %add3A_324, %add3A_326 : vector<64x128xf32>
    %mul3A_328 = arith.constant 1.562500e-02 : f32
    %mul3A_329 = vector.broadcast %mul3A_328 : f32 to vector<64x128xf32>
    %mul3A_330 = arith.mulf %add3A_327, %mul3A_329 : vector<64x128xf32>
    %floor3A = math.floor %mul3A_330 : vector<64x128xf32>
    %dot_general3A_331 = arith.constant dense<0.000000e+00> : vector<64x128xf32>
    %dot_general3A_332 = tpu.matmul %convert_element_type3A_9, %floor3A, %dot_general3A_331 {dimension_numbers = #tpu.dot_dimension_numbers<[1], [0], [0], [1], [0, 0, 1, 1], [], []>, transpose_lhs_hint = false} : vector<64x64xf32>, vector<64x128xf32>, vector<64x128xf32> -> vector<64x128xf32>
    %sub3A = arith.subf %dot_general3A_332, %floor3A : vector<64x128xf32>
    %slice3A = vector.extract_strided_slice %dot_general3A_332 {offsets = [63, 0], sizes = [1, 128], strides = [1, 1]} : vector<64x128xf32> to vector<1x128xf32>
    %iota3A_333 = tpu.iota {dimensions = array<i32: 1>} : vector<64x128xi32>
    %convert_element_type3A_334 = arith.sitofp %iota3A_333 : vector<64x128xi32> to vector<64x128xf32>
    %le3A_335 = arith.cmpf ole, %dot_general3A_332, %convert_element_type3A_334 : vector<64x128xf32>
    %convert_element_type3A_336 = arith.extui %le3A_335 : vector<64x128xi1> to vector<64x128xi32>
    %convert_element_type3A_337 = arith.sitofp %convert_element_type3A_336 : vector<64x128xi32> to vector<64x128xf32>
    %reduce_sum3A_338 = arith.constant dense<0.000000e+00> : vector<128xf32>
    %reduce_sum3A_339 = vector.multi_reduction <add>, %convert_element_type3A_337, %reduce_sum3A_338 [0] : vector<64x128xf32> to vector<128xf32>
    %broadcast_in_dim3A_340 = vector.shape_cast %reduce_sum3A_339 : vector<128xf32> to vector<1x128xf32>
    %gt3A = arith.constant 0.000000e+00 : f32
    %gt3A_341 = vector.broadcast %gt3A : f32 to vector<64x128xf32>
    %gt3A_342 = arith.cmpf ogt, %add3A_324, %gt3A_341 : vector<64x128xf32>
    %convert_element_type3A_343 = arith.extui %gt3A_342 : vector<64x128xi1> to vector<64x128xi32>
    %convert_element_type3A_344 = arith.sitofp %convert_element_type3A_343 : vector<64x128xi32> to vector<64x128xf32>
    %mul3A_345 = arith.mulf %convert_element_type3A, %convert_element_type3A_344 : vector<64x128xf32>
    %reduce_max3A = arith.constant dense<0xFF800000> : vector<128xf32>
    %reduce_max3A_346 = vector.multi_reduction <maximumf>, %mul3A_345, %reduce_max3A [0] : vector<64x128xf32> to vector<128xf32>
    %broadcast_in_dim3A_347 = vector.shape_cast %reduce_max3A_346 : vector<128xf32> to vector<1x128xf32>
    %iota3A_348 = tpu.iota {dimensions = array<i32: 1>} : vector<1x128xi32>
    %convert_element_type3A_349 = arith.sitofp %iota3A_348 : vector<1x128xi32> to vector<1x128xf32>
    %lt3A_350 = arith.cmpf olt, %convert_element_type3A_349, %slice3A : vector<1x128xf32>
    %select_n3A = arith.select %lt3A_350, %broadcast_in_dim3A_340, %broadcast_in_dim3A_347 : vector<1x128xi1>, vector<1x128xf32>
    %sub3A_351 = arith.constant 1.000000e+00 : f32
    %sub3A_352 = vector.broadcast %sub3A_351 : f32 to vector<1x128xf32>
    %sub3A_353 = arith.subf %slice3A, %sub3A_352 : vector<1x128xf32>
    %select_n3A_354 = arith.select %lt3A_350, %convert_element_type3A_349, %sub3A_353 : vector<1x128xi1>, vector<1x128xf32>
    %convert_element_type3A_355 = arith.extui %lt3A_350 : vector<1x128xi1> to vector<1x128xi32>
    %convert_element_type3A_356 = arith.sitofp %convert_element_type3A_355 : vector<1x128xi32> to vector<1x128xf32>
    %iota3A_357 = tpu.iota {dimensions = array<i32: 0>} : vector<8x128xi32>
    %eq3A_358 = arith.constant 0 : i32
    %eq3A_359 = vector.broadcast %eq3A_358 : i32 to vector<8x128xi32>
    %eq3A_360 = arith.cmpi eq, %iota3A_357, %eq3A_359 : vector<8x128xi32>
    %eq3A_361 = arith.constant 1 : i32
    %eq3A_362 = vector.broadcast %eq3A_361 : i32 to vector<8x128xi32>
    %eq3A_363 = arith.cmpi eq, %iota3A_357, %eq3A_362 : vector<8x128xi32>
    %broadcast_in_dim3A_364 = vector.shape_cast %select_n3A_354 : vector<1x128xf32> to vector<1x128xf32>
    %broadcast_in_dim3A_365 = vector.broadcast %broadcast_in_dim3A_364 : vector<1x128xf32> to vector<8x128xf32>
    %broadcast_in_dim3A_366 = vector.shape_cast %convert_element_type3A_356 : vector<1x128xf32> to vector<1x128xf32>
    %broadcast_in_dim3A_367 = vector.broadcast %broadcast_in_dim3A_366 : vector<1x128xf32> to vector<8x128xf32>
    %select_n3A_368 = arith.select %eq3A_363, %broadcast_in_dim3A_365, %broadcast_in_dim3A_367 : vector<8x128xi1>, vector<8x128xf32>
    %broadcast_in_dim3A_369 = vector.shape_cast %select_n3A : vector<1x128xf32> to vector<1x128xf32>
    %broadcast_in_dim3A_370 = vector.broadcast %broadcast_in_dim3A_369 : vector<1x128xf32> to vector<8x128xf32>
    %select_n3A_371 = arith.select %eq3A_360, %broadcast_in_dim3A_370, %select_n3A_368 : vector<8x128xi1>, vector<8x128xf32>
    %convert_element_type3A_372 = arith.fptosi %select_n3A_371 : vector<8x128xf32> to vector<8x128xi32>
    %swap3A_373 = arith.constant 0 : index
    %swap3A_374 = arith.constant 0 : index
    %swap3A_375 = vector.load %arg3[%swap3A_373, %swap3A_374] : memref<8x128xi32, #tpu.memory_space<vmem>>, vector<8x128xi32>
    tpu.vector_store %arg3[%swap3A_373, %swap3A_374], %convert_element_type3A_372 {strides = array<i32>} : memref<8x128xi32, #tpu.memory_space<vmem>>, vector<8x128xi32>,
    %eq3A_376 = arith.cmpi eq, %iota3A_1, %iota3A_2 : vector<128x128xi32>
    %convert_element_type3A_377 = arith.extui %eq3A_376 : vector<128x128xi1> to vector<128x128xi32>
    %convert_element_type3A_378 = arith.sitofp %convert_element_type3A_377 : vector<128x128xi32> to vector<128x128xf32>
    %get3A_379 = arith.constant 0 : index
    %get3A_380 = arith.constant 0 : index
    %get3A_381 = vector.load %arg0[%get3A_379, %get3A_380] : memref<16x128xi32, #tpu.memory_space<vmem>>, vector<1x128xi32>
    %eq3A_382 = vector.broadcast %get3A_381 : vector<1x128xi32> to vector<64x128xi32>
    %eq3A_383 = arith.cmpi eq, %iota3A, %eq3A_382 : vector<64x128xi32>
    %convert_element_type3A_384 = arith.extui %eq3A_383 : vector<64x128xi1> to vector<64x128xi32>
    %convert_element_type3A_385 = arith.sitofp %convert_element_type3A_384 : vector<64x128xi32> to vector<64x128xf32>
    %mul3A_386 = arith.mulf %convert_element_type3A_385, %sub3A : vector<64x128xf32>
    %reduce_sum3A_387 = arith.constant dense<0.000000e+00> : vector<128xf32>
    %reduce_sum3A_388 = vector.multi_reduction <add>, %mul3A_386, %reduce_sum3A_387 [0] : vector<64x128xf32> to vector<128xf32>
    %broadcast_in_dim3A_389 = vector.shape_cast %reduce_sum3A_388 : vector<128xf32> to vector<1x128xf32>
    %mul3A_390 = arith.constant 6.400000e+01 : f32
    %mul3A_391 = vector.broadcast %mul3A_390 : f32 to vector<1x128xf32>
    %mul3A_392 = arith.mulf %mul3A_391, %broadcast_in_dim3A_389 : vector<1x128xf32>
    %get3A_393 = arith.constant 0 : index
    %get3A_394 = arith.constant 0 : index
    %get3A_395 = vector.load %arg5[%get3A_393, %get3A_394] : memref<16x128xf32, #tpu.memory_space<vmem>>, vector<1x128xf32>
    %add3A_396 = arith.addf %mul3A_392, %get3A_395 : vector<1x128xf32>
    %convert_element_type3A_397 = arith.fptosi %add3A_396 : vector<1x128xf32> to vector<1x128xi32>
    %swap3A_398 = arith.constant 0 : index
    %swap3A_399 = arith.constant 0 : index
    %swap3A_400 = vector.load %arg2[%swap3A_398, %swap3A_399] : memref<16x128xi32, #tpu.memory_space<vmem>>, vector<1x128xi32>
    tpu.vector_store %arg2[%swap3A_398, %swap3A_399], %convert_element_type3A_397 {strides = array<i32>} : memref<16x128xi32, #tpu.memory_space<vmem>>, vector<1x128xi32>,
    %get3A_401 = arith.constant 0 : index
    %get3A_402 = arith.constant 0 : index
    %get3A_403 = vector.load %arg1[%get3A_401, %get3A_402] : memref<16x128xf32, #tpu.memory_space<vmem>>, vector<1x128xf32>
    %mul3A_404 = vector.broadcast %get3A_403 : vector<1x128xf32> to vector<128x128xf32>
    %mul3A_405 = arith.mulf %convert_element_type3A_378, %mul3A_404 : vector<128x128xf32>
    %dot_general3A_406 = arith.constant dense<0.000000e+00> : vector<128x128xf32>
    %dot_general3A_407 = tpu.matmul %mul3A_405, %broadcast_in_dim3A_5, %dot_general3A_406 {dimension_numbers = #tpu.dot_dimension_numbers<[1], [0], [0], [1], [0, 0, 1, 1], [], []>, transpose_lhs_hint = false} : vector<128x128xf32>, vector<128x128xf32>, vector<128x128xf32> -> vector<128x128xf32>
    %swap3A_408 = arith.constant 0 : index
    %swap3A_409 = arith.constant 0 : index
    %swap3A_410 = vector.load %arg4[%swap3A_408, %swap3A_409] : memref<2048x128xf32, #tpu.memory_space<vmem>>, vector<128x128xf32>
    tpu.vector_store %arg4[%swap3A_408, %swap3A_409], %dot_general3A_407 {strides = array<i32>} : memref<2048x128xf32, #tpu.memory_space<vmem>>, vector<128x128xf32>,
    %get3A_411 = arith.constant 1 : index
    %get3A_412 = arith.constant 0 : index
    %get3A_413 = vector.load %arg0[%get3A_411, %get3A_412] : memref<16x128xi32, #tpu.memory_space<vmem>>, vector<1x128xi32>
    %eq3A_414 = vector.broadcast %get3A_413 : vector<1x128xi32> to vector<64x128xi32>
    %eq3A_415 = arith.cmpi eq, %iota3A, %eq3A_414 : vector<64x128xi32>
    %convert_element_type3A_416 = arith.extui %eq3A_415 : vector<64x128xi1> to vector<64x128xi32>
    %convert_element_type3A_417 = arith.sitofp %convert_element_type3A_416 : vector<64x128xi32> to vector<64x128xf32>
    %mul3A_418 = arith.mulf %convert_element_type3A_417, %sub3A : vector<64x128xf32>
    %reduce_sum3A_419 = arith.constant dense<0.000000e+00> : vector<128xf32>
    %reduce_sum3A_420 = vector.multi_reduction <add>, %mul3A_418, %reduce_sum3A_419 [0] : vector<64x128xf32> to vector<128xf32>
    %broadcast_in_dim3A_421 = vector.shape_cast %reduce_sum3A_420 : vector<128xf32> to vector<1x128xf32>
    %mul3A_422 = arith.constant 6.400000e+01 : f32
    %mul3A_423 = vector.broadcast %mul3A_422 : f32 to vector<1x128xf32>
    %mul3A_424 = arith.mulf %mul3A_423, %broadcast_in_dim3A_421 : vector<1x128xf32>
    %get3A_425 = arith.constant 1 : index
    %get3A_426 = arith.constant 0 : index
    %get3A_427 = vector.load %arg5[%get3A_425, %get3A_426] : memref<16x128xf32, #tpu.memory_space<vmem>>, vector<1x128xf32>
    %add3A_428 = arith.addf %mul3A_424, %get3A_427 : vector<1x128xf32>
    %convert_element_type3A_429 = arith.fptosi %add3A_428 : vector<1x128xf32> to vector<1x128xi32>
    %swap3A_430 = arith.constant 1 : index
    %swap3A_431 = arith.constant 0 : index
    %swap3A_432 = vector.load %arg2[%swap3A_430, %swap3A_431] : memref<16x128xi32, #tpu.memory_space<vmem>>, vector<1x128xi32>
    tpu.vector_store %arg2[%swap3A_430, %swap3A_431], %convert_element_type3A_429 {strides = array<i32>} : memref<16x128xi32, #tpu.memory_space<vmem>>, vector<1x128xi32>,
    %get3A_433 = arith.constant 1 : index
    %get3A_434 = arith.constant 0 : index
    %get3A_435 = vector.load %arg1[%get3A_433, %get3A_434] : memref<16x128xf32, #tpu.memory_space<vmem>>, vector<1x128xf32>
    %mul3A_436 = vector.broadcast %get3A_435 : vector<1x128xf32> to vector<128x128xf32>
    %mul3A_437 = arith.mulf %convert_element_type3A_378, %mul3A_436 : vector<128x128xf32>
    %dot_general3A_438 = arith.constant dense<0.000000e+00> : vector<128x128xf32>
    %dot_general3A_439 = tpu.matmul %mul3A_437, %broadcast_in_dim3A_5, %dot_general3A_438 {dimension_numbers = #tpu.dot_dimension_numbers<[1], [0], [0], [1], [0, 0, 1, 1], [], []>, transpose_lhs_hint = false} : vector<128x128xf32>, vector<128x128xf32>, vector<128x128xf32> -> vector<128x128xf32>
    %swap3A_440 = arith.constant 128 : index
    %swap3A_441 = arith.constant 0 : index
    %swap3A_442 = vector.load %arg4[%swap3A_440, %swap3A_441] : memref<2048x128xf32, #tpu.memory_space<vmem>>, vector<128x128xf32>
    tpu.vector_store %arg4[%swap3A_440, %swap3A_441], %dot_general3A_439 {strides = array<i32>} : memref<2048x128xf32, #tpu.memory_space<vmem>>, vector<128x128xf32>,
    %get3A_443 = arith.constant 2 : index
    %get3A_444 = arith.constant 0 : index
    %get3A_445 = vector.load %arg0[%get3A_443, %get3A_444] : memref<16x128xi32, #tpu.memory_space<vmem>>, vector<1x128xi32>
    %eq3A_446 = vector.broadcast %get3A_445 : vector<1x128xi32> to vector<64x128xi32>
    %eq3A_447 = arith.cmpi eq, %iota3A, %eq3A_446 : vector<64x128xi32>
    %convert_element_type3A_448 = arith.extui %eq3A_447 : vector<64x128xi1> to vector<64x128xi32>
    %convert_element_type3A_449 = arith.sitofp %convert_element_type3A_448 : vector<64x128xi32> to vector<64x128xf32>
    %mul3A_450 = arith.mulf %convert_element_type3A_449, %sub3A : vector<64x128xf32>
    %reduce_sum3A_451 = arith.constant dense<0.000000e+00> : vector<128xf32>
    %reduce_sum3A_452 = vector.multi_reduction <add>, %mul3A_450, %reduce_sum3A_451 [0] : vector<64x128xf32> to vector<128xf32>
    %broadcast_in_dim3A_453 = vector.shape_cast %reduce_sum3A_452 : vector<128xf32> to vector<1x128xf32>
    %mul3A_454 = arith.constant 6.400000e+01 : f32
    %mul3A_455 = vector.broadcast %mul3A_454 : f32 to vector<1x128xf32>
    %mul3A_456 = arith.mulf %mul3A_455, %broadcast_in_dim3A_453 : vector<1x128xf32>
    %get3A_457 = arith.constant 2 : index
    %get3A_458 = arith.constant 0 : index
    %get3A_459 = vector.load %arg5[%get3A_457, %get3A_458] : memref<16x128xf32, #tpu.memory_space<vmem>>, vector<1x128xf32>
    %add3A_460 = arith.addf %mul3A_456, %get3A_459 : vector<1x128xf32>
    %convert_element_type3A_461 = arith.fptosi %add3A_460 : vector<1x128xf32> to vector<1x128xi32>
    %swap3A_462 = arith.constant 2 : index
    %swap3A_463 = arith.constant 0 : index
    %swap3A_464 = vector.load %arg2[%swap3A_462, %swap3A_463] : memref<16x128xi32, #tpu.memory_space<vmem>>, vector<1x128xi32>
    tpu.vector_store %arg2[%swap3A_462, %swap3A_463], %convert_element_type3A_461 {strides = array<i32>} : memref<16x128xi32, #tpu.memory_space<vmem>>, vector<1x128xi32>,
    %get3A_465 = arith.constant 2 : index
    %get3A_466 = arith.constant 0 : index
    %get3A_467 = vector.load %arg1[%get3A_465, %get3A_466] : memref<16x128xf32, #tpu.memory_space<vmem>>, vector<1x128xf32>
    %mul3A_468 = vector.broadcast %get3A_467 : vector<1x128xf32> to vector<128x128xf32>
    %mul3A_469 = arith.mulf %convert_element_type3A_378, %mul3A_468 : vector<128x128xf32>
    %dot_general3A_470 = arith.constant dense<0.000000e+00> : vector<128x128xf32>
    %dot_general3A_471 = tpu.matmul %mul3A_469, %broadcast_in_dim3A_5, %dot_general3A_470 {dimension_numbers = #tpu.dot_dimension_numbers<[1], [0], [0], [1], [0, 0, 1, 1], [], []>, transpose_lhs_hint = false} : vector<128x128xf32>, vector<128x128xf32>, vector<128x128xf32> -> vector<128x128xf32>
    %swap3A_472 = arith.constant 256 : index
    %swap3A_473 = arith.constant 0 : index
    %swap3A_474 = vector.load %arg4[%swap3A_472, %swap3A_473] : memref<2048x128xf32, #tpu.memory_space<vmem>>, vector<128x128xf32>
    tpu.vector_store %arg4[%swap3A_472, %swap3A_473], %dot_general3A_471 {strides = array<i32>} : memref<2048x128xf32, #tpu.memory_space<vmem>>, vector<128x128xf32>,
    %get3A_475 = arith.constant 3 : index
    %get3A_476 = arith.constant 0 : index
    %get3A_477 = vector.load %arg0[%get3A_475, %get3A_476] : memref<16x128xi32, #tpu.memory_space<vmem>>, vector<1x128xi32>
    %eq3A_478 = vector.broadcast %get3A_477 : vector<1x128xi32> to vector<64x128xi32>
    %eq3A_479 = arith.cmpi eq, %iota3A, %eq3A_478 : vector<64x128xi32>
    %convert_element_type3A_480 = arith.extui %eq3A_479 : vector<64x128xi1> to vector<64x128xi32>
    %convert_element_type3A_481 = arith.sitofp %convert_element_type3A_480 : vector<64x128xi32> to vector<64x128xf32>
    %mul3A_482 = arith.mulf %convert_element_type3A_481, %sub3A : vector<64x128xf32>
    %reduce_sum3A_483 = arith.constant dense<0.000000e+00> : vector<128xf32>
    %reduce_sum3A_484 = vector.multi_reduction <add>, %mul3A_482, %reduce_sum3A_483 [0] : vector<64x128xf32> to vector<128xf32>
    %broadcast_in_dim3A_485 = vector.shape_cast %reduce_sum3A_484 : vector<128xf32> to vector<1x128xf32>
    %mul3A_486 = arith.constant 6.400000e+01 : f32
    %mul3A_487 = vector.broadcast %mul3A_486 : f32 to vector<1x128xf32>
    %mul3A_488 = arith.mulf %mul3A_487, %broadcast_in_dim3A_485 : vector<1x128xf32>
    %get3A_489 = arith.constant 3 : index
    %get3A_490 = arith.constant 0 : index
    %get3A_491 = vector.load %arg5[%get3A_489, %get3A_490] : memref<16x128xf32, #tpu.memory_space<vmem>>, vector<1x128xf32>
    %add3A_492 = arith.addf %mul3A_488, %get3A_491 : vector<1x128xf32>
    %convert_element_type3A_493 = arith.fptosi %add3A_492 : vector<1x128xf32> to vector<1x128xi32>
    %swap3A_494 = arith.constant 3 : index
    %swap3A_495 = arith.constant 0 : index
    %swap3A_496 = vector.load %arg2[%swap3A_494, %swap3A_495] : memref<16x128xi32, #tpu.memory_space<vmem>>, vector<1x128xi32>
    tpu.vector_store %arg2[%swap3A_494, %swap3A_495], %convert_element_type3A_493 {strides = array<i32>} : memref<16x128xi32, #tpu.memory_space<vmem>>, vector<1x128xi32>,
    %get3A_497 = arith.constant 3 : index
    %get3A_498 = arith.constant 0 : index
    %get3A_499 = vector.load %arg1[%get3A_497, %get3A_498] : memref<16x128xf32, #tpu.memory_space<vmem>>, vector<1x128xf32>
    %mul3A_500 = vector.broadcast %get3A_499 : vector<1x128xf32> to vector<128x128xf32>
    %mul3A_501 = arith.mulf %convert_element_type3A_378, %mul3A_500 : vector<128x128xf32>
    %dot_general3A_502 = arith.constant dense<0.000000e+00> : vector<128x128xf32>
    %dot_general3A_503 = tpu.matmul %mul3A_501, %broadcast_in_dim3A_5, %dot_general3A_502 {dimension_numbers = #tpu.dot_dimension_numbers<[1], [0], [0], [1], [0, 0, 1, 1], [], []>, transpose_lhs_hint = false} : vector<128x128xf32>, vector<128x128xf32>, vector<128x128xf32> -> vector<128x128xf32>
    %swap3A_504 = arith.constant 384 : index
    %swap3A_505 = arith.constant 0 : index
    %swap3A_506 = vector.load %arg4[%swap3A_504, %swap3A_505] : memref<2048x128xf32, #tpu.memory_space<vmem>>, vector<128x128xf32>
    tpu.vector_store %arg4[%swap3A_504, %swap3A_505], %dot_general3A_503 {strides = array<i32>} : memref<2048x128xf32, #tpu.memory_space<vmem>>, vector<128x128xf32>,
    %get3A_507 = arith.constant 4 : index
    %get3A_508 = arith.constant 0 : index
    %get3A_509 = vector.load %arg0[%get3A_507, %get3A_508] : memref<16x128xi32, #tpu.memory_space<vmem>>, vector<1x128xi32>
    %eq3A_510 = vector.broadcast %get3A_509 : vector<1x128xi32> to vector<64x128xi32>
    %eq3A_511 = arith.cmpi eq, %iota3A, %eq3A_510 : vector<64x128xi32>
    %convert_element_type3A_512 = arith.extui %eq3A_511 : vector<64x128xi1> to vector<64x128xi32>
    %convert_element_type3A_513 = arith.sitofp %convert_element_type3A_512 : vector<64x128xi32> to vector<64x128xf32>
    %mul3A_514 = arith.mulf %convert_element_type3A_513, %sub3A : vector<64x128xf32>
    %reduce_sum3A_515 = arith.constant dense<0.000000e+00> : vector<128xf32>
    %reduce_sum3A_516 = vector.multi_reduction <add>, %mul3A_514, %reduce_sum3A_515 [0] : vector<64x128xf32> to vector<128xf32>
    %broadcast_in_dim3A_517 = vector.shape_cast %reduce_sum3A_516 : vector<128xf32> to vector<1x128xf32>
    %mul3A_518 = arith.constant 6.400000e+01 : f32
    %mul3A_519 = vector.broadcast %mul3A_518 : f32 to vector<1x128xf32>
    %mul3A_520 = arith.mulf %mul3A_519, %broadcast_in_dim3A_517 : vector<1x128xf32>
    %get3A_521 = arith.constant 4 : index
    %get3A_522 = arith.constant 0 : index
    %get3A_523 = vector.load %arg5[%get3A_521, %get3A_522] : memref<16x128xf32, #tpu.memory_space<vmem>>, vector<1x128xf32>
    %add3A_524 = arith.addf %mul3A_520, %get3A_523 : vector<1x128xf32>
    %convert_element_type3A_525 = arith.fptosi %add3A_524 : vector<1x128xf32> to vector<1x128xi32>
    %swap3A_526 = arith.constant 4 : index
    %swap3A_527 = arith.constant 0 : index
    %swap3A_528 = vector.load %arg2[%swap3A_526, %swap3A_527] : memref<16x128xi32, #tpu.memory_space<vmem>>, vector<1x128xi32>
    tpu.vector_store %arg2[%swap3A_526, %swap3A_527], %convert_element_type3A_525 {strides = array<i32>} : memref<16x128xi32, #tpu.memory_space<vmem>>, vector<1x128xi32>,
    %get3A_529 = arith.constant 4 : index
    %get3A_530 = arith.constant 0 : index
    %get3A_531 = vector.load %arg1[%get3A_529, %get3A_530] : memref<16x128xf32, #tpu.memory_space<vmem>>, vector<1x128xf32>
    %mul3A_532 = vector.broadcast %get3A_531 : vector<1x128xf32> to vector<128x128xf32>
    %mul3A_533 = arith.mulf %convert_element_type3A_378, %mul3A_532 : vector<128x128xf32>
    %dot_general3A_534 = arith.constant dense<0.000000e+00> : vector<128x128xf32>
    %dot_general3A_535 = tpu.matmul %mul3A_533, %broadcast_in_dim3A_5, %dot_general3A_534 {dimension_numbers = #tpu.dot_dimension_numbers<[1], [0], [0], [1], [0, 0, 1, 1], [], []>, transpose_lhs_hint = false} : vector<128x128xf32>, vector<128x128xf32>, vector<128x128xf32> -> vector<128x128xf32>
    %swap3A_536 = arith.constant 512 : index
    %swap3A_537 = arith.constant 0 : index
    %swap3A_538 = vector.load %arg4[%swap3A_536, %swap3A_537] : memref<2048x128xf32, #tpu.memory_space<vmem>>, vector<128x128xf32>
    tpu.vector_store %arg4[%swap3A_536, %swap3A_537], %dot_general3A_535 {strides = array<i32>} : memref<2048x128xf32, #tpu.memory_space<vmem>>, vector<128x128xf32>,
    %get3A_539 = arith.constant 5 : index
    %get3A_540 = arith.constant 0 : index
    %get3A_541 = vector.load %arg0[%get3A_539, %get3A_540] : memref<16x128xi32, #tpu.memory_space<vmem>>, vector<1x128xi32>
    %eq3A_542 = vector.broadcast %get3A_541 : vector<1x128xi32> to vector<64x128xi32>
    %eq3A_543 = arith.cmpi eq, %iota3A, %eq3A_542 : vector<64x128xi32>
    %convert_element_type3A_544 = arith.extui %eq3A_543 : vector<64x128xi1> to vector<64x128xi32>
    %convert_element_type3A_545 = arith.sitofp %convert_element_type3A_544 : vector<64x128xi32> to vector<64x128xf32>
    %mul3A_546 = arith.mulf %convert_element_type3A_545, %sub3A : vector<64x128xf32>
    %reduce_sum3A_547 = arith.constant dense<0.000000e+00> : vector<128xf32>
    %reduce_sum3A_548 = vector.multi_reduction <add>, %mul3A_546, %reduce_sum3A_547 [0] : vector<64x128xf32> to vector<128xf32>
    %broadcast_in_dim3A_549 = vector.shape_cast %reduce_sum3A_548 : vector<128xf32> to vector<1x128xf32>
    %mul3A_550 = arith.constant 6.400000e+01 : f32
    %mul3A_551 = vector.broadcast %mul3A_550 : f32 to vector<1x128xf32>
    %mul3A_552 = arith.mulf %mul3A_551, %broadcast_in_dim3A_549 : vector<1x128xf32>
    %get3A_553 = arith.constant 5 : index
    %get3A_554 = arith.constant 0 : index
    %get3A_555 = vector.load %arg5[%get3A_553, %get3A_554] : memref<16x128xf32, #tpu.memory_space<vmem>>, vector<1x128xf32>
    %add3A_556 = arith.addf %mul3A_552, %get3A_555 : vector<1x128xf32>
    %convert_element_type3A_557 = arith.fptosi %add3A_556 : vector<1x128xf32> to vector<1x128xi32>
    %swap3A_558 = arith.constant 5 : index
    %swap3A_559 = arith.constant 0 : index
    %swap3A_560 = vector.load %arg2[%swap3A_558, %swap3A_559] : memref<16x128xi32, #tpu.memory_space<vmem>>, vector<1x128xi32>
    tpu.vector_store %arg2[%swap3A_558, %swap3A_559], %convert_element_type3A_557 {strides = array<i32>} : memref<16x128xi32, #tpu.memory_space<vmem>>, vector<1x128xi32>,
    %get3A_561 = arith.constant 5 : index
    %get3A_562 = arith.constant 0 : index
    %get3A_563 = vector.load %arg1[%get3A_561, %get3A_562] : memref<16x128xf32, #tpu.memory_space<vmem>>, vector<1x128xf32>
    %mul3A_564 = vector.broadcast %get3A_563 : vector<1x128xf32> to vector<128x128xf32>
    %mul3A_565 = arith.mulf %convert_element_type3A_378, %mul3A_564 : vector<128x128xf32>
    %dot_general3A_566 = arith.constant dense<0.000000e+00> : vector<128x128xf32>
    %dot_general3A_567 = tpu.matmul %mul3A_565, %broadcast_in_dim3A_5, %dot_general3A_566 {dimension_numbers = #tpu.dot_dimension_numbers<[1], [0], [0], [1], [0, 0, 1, 1], [], []>, transpose_lhs_hint = false} : vector<128x128xf32>, vector<128x128xf32>, vector<128x128xf32> -> vector<128x128xf32>
    %swap3A_568 = arith.constant 640 : index
    %swap3A_569 = arith.constant 0 : index
    %swap3A_570 = vector.load %arg4[%swap3A_568, %swap3A_569] : memref<2048x128xf32, #tpu.memory_space<vmem>>, vector<128x128xf32>
    tpu.vector_store %arg4[%swap3A_568, %swap3A_569], %dot_general3A_567 {strides = array<i32>} : memref<2048x128xf32, #tpu.memory_space<vmem>>, vector<128x128xf32>,
    %get3A_571 = arith.constant 6 : index
    %get3A_572 = arith.constant 0 : index
    %get3A_573 = vector.load %arg0[%get3A_571, %get3A_572] : memref<16x128xi32, #tpu.memory_space<vmem>>, vector<1x128xi32>
    %eq3A_574 = vector.broadcast %get3A_573 : vector<1x128xi32> to vector<64x128xi32>
    %eq3A_575 = arith.cmpi eq, %iota3A, %eq3A_574 : vector<64x128xi32>
    %convert_element_type3A_576 = arith.extui %eq3A_575 : vector<64x128xi1> to vector<64x128xi32>
    %convert_element_type3A_577 = arith.sitofp %convert_element_type3A_576 : vector<64x128xi32> to vector<64x128xf32>
    %mul3A_578 = arith.mulf %convert_element_type3A_577, %sub3A : vector<64x128xf32>
    %reduce_sum3A_579 = arith.constant dense<0.000000e+00> : vector<128xf32>
    %reduce_sum3A_580 = vector.multi_reduction <add>, %mul3A_578, %reduce_sum3A_579 [0] : vector<64x128xf32> to vector<128xf32>
    %broadcast_in_dim3A_581 = vector.shape_cast %reduce_sum3A_580 : vector<128xf32> to vector<1x128xf32>
    %mul3A_582 = arith.constant 6.400000e+01 : f32
    %mul3A_583 = vector.broadcast %mul3A_582 : f32 to vector<1x128xf32>
    %mul3A_584 = arith.mulf %mul3A_583, %broadcast_in_dim3A_581 : vector<1x128xf32>
    %get3A_585 = arith.constant 6 : index
    %get3A_586 = arith.constant 0 : index
    %get3A_587 = vector.load %arg5[%get3A_585, %get3A_586] : memref<16x128xf32, #tpu.memory_space<vmem>>, vector<1x128xf32>
    %add3A_588 = arith.addf %mul3A_584, %get3A_587 : vector<1x128xf32>
    %convert_element_type3A_589 = arith.fptosi %add3A_588 : vector<1x128xf32> to vector<1x128xi32>
    %swap3A_590 = arith.constant 6 : index
    %swap3A_591 = arith.constant 0 : index
    %swap3A_592 = vector.load %arg2[%swap3A_590, %swap3A_591] : memref<16x128xi32, #tpu.memory_space<vmem>>, vector<1x128xi32>
    tpu.vector_store %arg2[%swap3A_590, %swap3A_591], %convert_element_type3A_589 {strides = array<i32>} : memref<16x128xi32, #tpu.memory_space<vmem>>, vector<1x128xi32>,
    %get3A_593 = arith.constant 6 : index
    %get3A_594 = arith.constant 0 : index
    %get3A_595 = vector.load %arg1[%get3A_593, %get3A_594] : memref<16x128xf32, #tpu.memory_space<vmem>>, vector<1x128xf32>
    %mul3A_596 = vector.broadcast %get3A_595 : vector<1x128xf32> to vector<128x128xf32>
    %mul3A_597 = arith.mulf %convert_element_type3A_378, %mul3A_596 : vector<128x128xf32>
    %dot_general3A_598 = arith.constant dense<0.000000e+00> : vector<128x128xf32>
    %dot_general3A_599 = tpu.matmul %mul3A_597, %broadcast_in_dim3A_5, %dot_general3A_598 {dimension_numbers = #tpu.dot_dimension_numbers<[1], [0], [0], [1], [0, 0, 1, 1], [], []>, transpose_lhs_hint = false} : vector<128x128xf32>, vector<128x128xf32>, vector<128x128xf32> -> vector<128x128xf32>
    %swap3A_600 = arith.constant 768 : index
    %swap3A_601 = arith.constant 0 : index
    %swap3A_602 = vector.load %arg4[%swap3A_600, %swap3A_601] : memref<2048x128xf32, #tpu.memory_space<vmem>>, vector<128x128xf32>
    tpu.vector_store %arg4[%swap3A_600, %swap3A_601], %dot_general3A_599 {strides = array<i32>} : memref<2048x128xf32, #tpu.memory_space<vmem>>, vector<128x128xf32>,
    %get3A_603 = arith.constant 7 : index
    %get3A_604 = arith.constant 0 : index
    %get3A_605 = vector.load %arg0[%get3A_603, %get3A_604] : memref<16x128xi32, #tpu.memory_space<vmem>>, vector<1x128xi32>
    %eq3A_606 = vector.broadcast %get3A_605 : vector<1x128xi32> to vector<64x128xi32>
    %eq3A_607 = arith.cmpi eq, %iota3A, %eq3A_606 : vector<64x128xi32>
    %convert_element_type3A_608 = arith.extui %eq3A_607 : vector<64x128xi1> to vector<64x128xi32>
    %convert_element_type3A_609 = arith.sitofp %convert_element_type3A_608 : vector<64x128xi32> to vector<64x128xf32>
    %mul3A_610 = arith.mulf %convert_element_type3A_609, %sub3A : vector<64x128xf32>
    %reduce_sum3A_611 = arith.constant dense<0.000000e+00> : vector<128xf32>
    %reduce_sum3A_612 = vector.multi_reduction <add>, %mul3A_610, %reduce_sum3A_611 [0] : vector<64x128xf32> to vector<128xf32>
    %broadcast_in_dim3A_613 = vector.shape_cast %reduce_sum3A_612 : vector<128xf32> to vector<1x128xf32>
    %mul3A_614 = arith.constant 6.400000e+01 : f32
    %mul3A_615 = vector.broadcast %mul3A_614 : f32 to vector<1x128xf32>
    %mul3A_616 = arith.mulf %mul3A_615, %broadcast_in_dim3A_613 : vector<1x128xf32>
    %get3A_617 = arith.constant 7 : index
    %get3A_618 = arith.constant 0 : index
    %get3A_619 = vector.load %arg5[%get3A_617, %get3A_618] : memref<16x128xf32, #tpu.memory_space<vmem>>, vector<1x128xf32>
    %add3A_620 = arith.addf %mul3A_616, %get3A_619 : vector<1x128xf32>
    %convert_element_type3A_621 = arith.fptosi %add3A_620 : vector<1x128xf32> to vector<1x128xi32>
    %swap3A_622 = arith.constant 7 : index
    %swap3A_623 = arith.constant 0 : index
    %swap3A_624 = vector.load %arg2[%swap3A_622, %swap3A_623] : memref<16x128xi32, #tpu.memory_space<vmem>>, vector<1x128xi32>
    tpu.vector_store %arg2[%swap3A_622, %swap3A_623], %convert_element_type3A_621 {strides = array<i32>} : memref<16x128xi32, #tpu.memory_space<vmem>>, vector<1x128xi32>,
    %get3A_625 = arith.constant 7 : index
    %get3A_626 = arith.constant 0 : index
    %get3A_627 = vector.load %arg1[%get3A_625, %get3A_626] : memref<16x128xf32, #tpu.memory_space<vmem>>, vector<1x128xf32>
    %mul3A_628 = vector.broadcast %get3A_627 : vector<1x128xf32> to vector<128x128xf32>
    %mul3A_629 = arith.mulf %convert_element_type3A_378, %mul3A_628 : vector<128x128xf32>
    %dot_general3A_630 = arith.constant dense<0.000000e+00> : vector<128x128xf32>
    %dot_general3A_631 = tpu.matmul %mul3A_629, %broadcast_in_dim3A_5, %dot_general3A_630 {dimension_numbers = #tpu.dot_dimension_numbers<[1], [0], [0], [1], [0, 0, 1, 1], [], []>, transpose_lhs_hint = false} : vector<128x128xf32>, vector<128x128xf32>, vector<128x128xf32> -> vector<128x128xf32>
    %swap3A_632 = arith.constant 896 : index
    %swap3A_633 = arith.constant 0 : index
    %swap3A_634 = vector.load %arg4[%swap3A_632, %swap3A_633] : memref<2048x128xf32, #tpu.memory_space<vmem>>, vector<128x128xf32>
    tpu.vector_store %arg4[%swap3A_632, %swap3A_633], %dot_general3A_631 {strides = array<i32>} : memref<2048x128xf32, #tpu.memory_space<vmem>>, vector<128x128xf32>,
    %get3A_635 = arith.constant 8 : index
    %get3A_636 = arith.constant 0 : index
    %get3A_637 = vector.load %arg0[%get3A_635, %get3A_636] : memref<16x128xi32, #tpu.memory_space<vmem>>, vector<1x128xi32>
    %eq3A_638 = vector.broadcast %get3A_637 : vector<1x128xi32> to vector<64x128xi32>
    %eq3A_639 = arith.cmpi eq, %iota3A, %eq3A_638 : vector<64x128xi32>
    %convert_element_type3A_640 = arith.extui %eq3A_639 : vector<64x128xi1> to vector<64x128xi32>
    %convert_element_type3A_641 = arith.sitofp %convert_element_type3A_640 : vector<64x128xi32> to vector<64x128xf32>
    %mul3A_642 = arith.mulf %convert_element_type3A_641, %sub3A : vector<64x128xf32>
    %reduce_sum3A_643 = arith.constant dense<0.000000e+00> : vector<128xf32>
    %reduce_sum3A_644 = vector.multi_reduction <add>, %mul3A_642, %reduce_sum3A_643 [0] : vector<64x128xf32> to vector<128xf32>
    %broadcast_in_dim3A_645 = vector.shape_cast %reduce_sum3A_644 : vector<128xf32> to vector<1x128xf32>
    %mul3A_646 = arith.constant 6.400000e+01 : f32
    %mul3A_647 = vector.broadcast %mul3A_646 : f32 to vector<1x128xf32>
    %mul3A_648 = arith.mulf %mul3A_647, %broadcast_in_dim3A_645 : vector<1x128xf32>
    %get3A_649 = arith.constant 8 : index
    %get3A_650 = arith.constant 0 : index
    %get3A_651 = vector.load %arg5[%get3A_649, %get3A_650] : memref<16x128xf32, #tpu.memory_space<vmem>>, vector<1x128xf32>
    %add3A_652 = arith.addf %mul3A_648, %get3A_651 : vector<1x128xf32>
    %convert_element_type3A_653 = arith.fptosi %add3A_652 : vector<1x128xf32> to vector<1x128xi32>
    %swap3A_654 = arith.constant 8 : index
    %swap3A_655 = arith.constant 0 : index
    %swap3A_656 = vector.load %arg2[%swap3A_654, %swap3A_655] : memref<16x128xi32, #tpu.memory_space<vmem>>, vector<1x128xi32>
    tpu.vector_store %arg2[%swap3A_654, %swap3A_655], %convert_element_type3A_653 {strides = array<i32>} : memref<16x128xi32, #tpu.memory_space<vmem>>, vector<1x128xi32>,
    %get3A_657 = arith.constant 8 : index
    %get3A_658 = arith.constant 0 : index
    %get3A_659 = vector.load %arg1[%get3A_657, %get3A_658] : memref<16x128xf32, #tpu.memory_space<vmem>>, vector<1x128xf32>
    %mul3A_660 = vector.broadcast %get3A_659 : vector<1x128xf32> to vector<128x128xf32>
    %mul3A_661 = arith.mulf %convert_element_type3A_378, %mul3A_660 : vector<128x128xf32>
    %dot_general3A_662 = arith.constant dense<0.000000e+00> : vector<128x128xf32>
    %dot_general3A_663 = tpu.matmul %mul3A_661, %broadcast_in_dim3A_5, %dot_general3A_662 {dimension_numbers = #tpu.dot_dimension_numbers<[1], [0], [0], [1], [0, 0, 1, 1], [], []>, transpose_lhs_hint = false} : vector<128x128xf32>, vector<128x128xf32>, vector<128x128xf32> -> vector<128x128xf32>
    %swap3A_664 = arith.constant 1024 : index
    %swap3A_665 = arith.constant 0 : index
    %swap3A_666 = vector.load %arg4[%swap3A_664, %swap3A_665] : memref<2048x128xf32, #tpu.memory_space<vmem>>, vector<128x128xf32>
    tpu.vector_store %arg4[%swap3A_664, %swap3A_665], %dot_general3A_663 {strides = array<i32>} : memref<2048x128xf32, #tpu.memory_space<vmem>>, vector<128x128xf32>,
    %get3A_667 = arith.constant 9 : index
    %get3A_668 = arith.constant 0 : index
    %get3A_669 = vector.load %arg0[%get3A_667, %get3A_668] : memref<16x128xi32, #tpu.memory_space<vmem>>, vector<1x128xi32>
    %eq3A_670 = vector.broadcast %get3A_669 : vector<1x128xi32> to vector<64x128xi32>
    %eq3A_671 = arith.cmpi eq, %iota3A, %eq3A_670 : vector<64x128xi32>
    %convert_element_type3A_672 = arith.extui %eq3A_671 : vector<64x128xi1> to vector<64x128xi32>
    %convert_element_type3A_673 = arith.sitofp %convert_element_type3A_672 : vector<64x128xi32> to vector<64x128xf32>
    %mul3A_674 = arith.mulf %convert_element_type3A_673, %sub3A : vector<64x128xf32>
    %reduce_sum3A_675 = arith.constant dense<0.000000e+00> : vector<128xf32>
    %reduce_sum3A_676 = vector.multi_reduction <add>, %mul3A_674, %reduce_sum3A_675 [0] : vector<64x128xf32> to vector<128xf32>
    %broadcast_in_dim3A_677 = vector.shape_cast %reduce_sum3A_676 : vector<128xf32> to vector<1x128xf32>
    %mul3A_678 = arith.constant 6.400000e+01 : f32
    %mul3A_679 = vector.broadcast %mul3A_678 : f32 to vector<1x128xf32>
    %mul3A_680 = arith.mulf %mul3A_679, %broadcast_in_dim3A_677 : vector<1x128xf32>
    %get3A_681 = arith.constant 9 : index
    %get3A_682 = arith.constant 0 : index
    %get3A_683 = vector.load %arg5[%get3A_681, %get3A_682] : memref<16x128xf32, #tpu.memory_space<vmem>>, vector<1x128xf32>
    %add3A_684 = arith.addf %mul3A_680, %get3A_683 : vector<1x128xf32>
    %convert_element_type3A_685 = arith.fptosi %add3A_684 : vector<1x128xf32> to vector<1x128xi32>
    %swap3A_686 = arith.constant 9 : index
    %swap3A_687 = arith.constant 0 : index
    %swap3A_688 = vector.load %arg2[%swap3A_686, %swap3A_687] : memref<16x128xi32, #tpu.memory_space<vmem>>, vector<1x128xi32>
    tpu.vector_store %arg2[%swap3A_686, %swap3A_687], %convert_element_type3A_685 {strides = array<i32>} : memref<16x128xi32, #tpu.memory_space<vmem>>, vector<1x128xi32>,
    %get3A_689 = arith.constant 9 : index
    %get3A_690 = arith.constant 0 : index
    %get3A_691 = vector.load %arg1[%get3A_689, %get3A_690] : memref<16x128xf32, #tpu.memory_space<vmem>>, vector<1x128xf32>
    %mul3A_692 = vector.broadcast %get3A_691 : vector<1x128xf32> to vector<128x128xf32>
    %mul3A_693 = arith.mulf %convert_element_type3A_378, %mul3A_692 : vector<128x128xf32>
    %dot_general3A_694 = arith.constant dense<0.000000e+00> : vector<128x128xf32>
    %dot_general3A_695 = tpu.matmul %mul3A_693, %broadcast_in_dim3A_5, %dot_general3A_694 {dimension_numbers = #tpu.dot_dimension_numbers<[1], [0], [0], [1], [0, 0, 1, 1], [], []>, transpose_lhs_hint = false} : vector<128x128xf32>, vector<128x128xf32>, vector<128x128xf32> -> vector<128x128xf32>
    %swap3A_696 = arith.constant 1152 : index
    %swap3A_697 = arith.constant 0 : index
    %swap3A_698 = vector.load %arg4[%swap3A_696, %swap3A_697] : memref<2048x128xf32, #tpu.memory_space<vmem>>, vector<128x128xf32>
    tpu.vector_store %arg4[%swap3A_696, %swap3A_697], %dot_general3A_695 {strides = array<i32>} : memref<2048x128xf32, #tpu.memory_space<vmem>>, vector<128x128xf32>,
    %get3A_699 = arith.constant 10 : index
    %get3A_700 = arith.constant 0 : index
    %get3A_701 = vector.load %arg0[%get3A_699, %get3A_700] : memref<16x128xi32, #tpu.memory_space<vmem>>, vector<1x128xi32>
    %eq3A_702 = vector.broadcast %get3A_701 : vector<1x128xi32> to vector<64x128xi32>
    %eq3A_703 = arith.cmpi eq, %iota3A, %eq3A_702 : vector<64x128xi32>
    %convert_element_type3A_704 = arith.extui %eq3A_703 : vector<64x128xi1> to vector<64x128xi32>
    %convert_element_type3A_705 = arith.sitofp %convert_element_type3A_704 : vector<64x128xi32> to vector<64x128xf32>
    %mul3A_706 = arith.mulf %convert_element_type3A_705, %sub3A : vector<64x128xf32>
    %reduce_sum3A_707 = arith.constant dense<0.000000e+00> : vector<128xf32>
    %reduce_sum3A_708 = vector.multi_reduction <add>, %mul3A_706, %reduce_sum3A_707 [0] : vector<64x128xf32> to vector<128xf32>
    %broadcast_in_dim3A_709 = vector.shape_cast %reduce_sum3A_708 : vector<128xf32> to vector<1x128xf32>
    %mul3A_710 = arith.constant 6.400000e+01 : f32
    %mul3A_711 = vector.broadcast %mul3A_710 : f32 to vector<1x128xf32>
    %mul3A_712 = arith.mulf %mul3A_711, %broadcast_in_dim3A_709 : vector<1x128xf32>
    %get3A_713 = arith.constant 10 : index
    %get3A_714 = arith.constant 0 : index
    %get3A_715 = vector.load %arg5[%get3A_713, %get3A_714] : memref<16x128xf32, #tpu.memory_space<vmem>>, vector<1x128xf32>
    %add3A_716 = arith.addf %mul3A_712, %get3A_715 : vector<1x128xf32>
    %convert_element_type3A_717 = arith.fptosi %add3A_716 : vector<1x128xf32> to vector<1x128xi32>
    %swap3A_718 = arith.constant 10 : index
    %swap3A_719 = arith.constant 0 : index
    %swap3A_720 = vector.load %arg2[%swap3A_718, %swap3A_719] : memref<16x128xi32, #tpu.memory_space<vmem>>, vector<1x128xi32>
    tpu.vector_store %arg2[%swap3A_718, %swap3A_719], %convert_element_type3A_717 {strides = array<i32>} : memref<16x128xi32, #tpu.memory_space<vmem>>, vector<1x128xi32>,
    %get3A_721 = arith.constant 10 : index
    %get3A_722 = arith.constant 0 : index
    %get3A_723 = vector.load %arg1[%get3A_721, %get3A_722] : memref<16x128xf32, #tpu.memory_space<vmem>>, vector<1x128xf32>
    %mul3A_724 = vector.broadcast %get3A_723 : vector<1x128xf32> to vector<128x128xf32>
    %mul3A_725 = arith.mulf %convert_element_type3A_378, %mul3A_724 : vector<128x128xf32>
    %dot_general3A_726 = arith.constant dense<0.000000e+00> : vector<128x128xf32>
    %dot_general3A_727 = tpu.matmul %mul3A_725, %broadcast_in_dim3A_5, %dot_general3A_726 {dimension_numbers = #tpu.dot_dimension_numbers<[1], [0], [0], [1], [0, 0, 1, 1], [], []>, transpose_lhs_hint = false} : vector<128x128xf32>, vector<128x128xf32>, vector<128x128xf32> -> vector<128x128xf32>
    %swap3A_728 = arith.constant 1280 : index
    %swap3A_729 = arith.constant 0 : index
    %swap3A_730 = vector.load %arg4[%swap3A_728, %swap3A_729] : memref<2048x128xf32, #tpu.memory_space<vmem>>, vector<128x128xf32>
    tpu.vector_store %arg4[%swap3A_728, %swap3A_729], %dot_general3A_727 {strides = array<i32>} : memref<2048x128xf32, #tpu.memory_space<vmem>>, vector<128x128xf32>,
    %get3A_731 = arith.constant 11 : index
    %get3A_732 = arith.constant 0 : index
    %get3A_733 = vector.load %arg0[%get3A_731, %get3A_732] : memref<16x128xi32, #tpu.memory_space<vmem>>, vector<1x128xi32>
    %eq3A_734 = vector.broadcast %get3A_733 : vector<1x128xi32> to vector<64x128xi32>
    %eq3A_735 = arith.cmpi eq, %iota3A, %eq3A_734 : vector<64x128xi32>
    %convert_element_type3A_736 = arith.extui %eq3A_735 : vector<64x128xi1> to vector<64x128xi32>
    %convert_element_type3A_737 = arith.sitofp %convert_element_type3A_736 : vector<64x128xi32> to vector<64x128xf32>
    %mul3A_738 = arith.mulf %convert_element_type3A_737, %sub3A : vector<64x128xf32>
    %reduce_sum3A_739 = arith.constant dense<0.000000e+00> : vector<128xf32>
    %reduce_sum3A_740 = vector.multi_reduction <add>, %mul3A_738, %reduce_sum3A_739 [0] : vector<64x128xf32> to vector<128xf32>
    %broadcast_in_dim3A_741 = vector.shape_cast %reduce_sum3A_740 : vector<128xf32> to vector<1x128xf32>
    %mul3A_742 = arith.constant 6.400000e+01 : f32
    %mul3A_743 = vector.broadcast %mul3A_742 : f32 to vector<1x128xf32>
    %mul3A_744 = arith.mulf %mul3A_743, %broadcast_in_dim3A_741 : vector<1x128xf32>
    %get3A_745 = arith.constant 11 : index
    %get3A_746 = arith.constant 0 : index
    %get3A_747 = vector.load %arg5[%get3A_745, %get3A_746] : memref<16x128xf32, #tpu.memory_space<vmem>>, vector<1x128xf32>
    %add3A_748 = arith.addf %mul3A_744, %get3A_747 : vector<1x128xf32>
    %convert_element_type3A_749 = arith.fptosi %add3A_748 : vector<1x128xf32> to vector<1x128xi32>
    %swap3A_750 = arith.constant 11 : index
    %swap3A_751 = arith.constant 0 : index
    %swap3A_752 = vector.load %arg2[%swap3A_750, %swap3A_751] : memref<16x128xi32, #tpu.memory_space<vmem>>, vector<1x128xi32>
    tpu.vector_store %arg2[%swap3A_750, %swap3A_751], %convert_element_type3A_749 {strides = array<i32>} : memref<16x128xi32, #tpu.memory_space<vmem>>, vector<1x128xi32>,
    %get3A_753 = arith.constant 11 : index
    %get3A_754 = arith.constant 0 : index
    %get3A_755 = vector.load %arg1[%get3A_753, %get3A_754] : memref<16x128xf32, #tpu.memory_space<vmem>>, vector<1x128xf32>
    %mul3A_756 = vector.broadcast %get3A_755 : vector<1x128xf32> to vector<128x128xf32>
    %mul3A_757 = arith.mulf %convert_element_type3A_378, %mul3A_756 : vector<128x128xf32>
    %dot_general3A_758 = arith.constant dense<0.000000e+00> : vector<128x128xf32>
    %dot_general3A_759 = tpu.matmul %mul3A_757, %broadcast_in_dim3A_5, %dot_general3A_758 {dimension_numbers = #tpu.dot_dimension_numbers<[1], [0], [0], [1], [0, 0, 1, 1], [], []>, transpose_lhs_hint = false} : vector<128x128xf32>, vector<128x128xf32>, vector<128x128xf32> -> vector<128x128xf32>
    %swap3A_760 = arith.constant 1408 : index
    %swap3A_761 = arith.constant 0 : index
    %swap3A_762 = vector.load %arg4[%swap3A_760, %swap3A_761] : memref<2048x128xf32, #tpu.memory_space<vmem>>, vector<128x128xf32>
    tpu.vector_store %arg4[%swap3A_760, %swap3A_761], %dot_general3A_759 {strides = array<i32>} : memref<2048x128xf32, #tpu.memory_space<vmem>>, vector<128x128xf32>,
    %get3A_763 = arith.constant 12 : index
    %get3A_764 = arith.constant 0 : index
    %get3A_765 = vector.load %arg0[%get3A_763, %get3A_764] : memref<16x128xi32, #tpu.memory_space<vmem>>, vector<1x128xi32>
    %eq3A_766 = vector.broadcast %get3A_765 : vector<1x128xi32> to vector<64x128xi32>
    %eq3A_767 = arith.cmpi eq, %iota3A, %eq3A_766 : vector<64x128xi32>
    %convert_element_type3A_768 = arith.extui %eq3A_767 : vector<64x128xi1> to vector<64x128xi32>
    %convert_element_type3A_769 = arith.sitofp %convert_element_type3A_768 : vector<64x128xi32> to vector<64x128xf32>
    %mul3A_770 = arith.mulf %convert_element_type3A_769, %sub3A : vector<64x128xf32>
    %reduce_sum3A_771 = arith.constant dense<0.000000e+00> : vector<128xf32>
    %reduce_sum3A_772 = vector.multi_reduction <add>, %mul3A_770, %reduce_sum3A_771 [0] : vector<64x128xf32> to vector<128xf32>
    %broadcast_in_dim3A_773 = vector.shape_cast %reduce_sum3A_772 : vector<128xf32> to vector<1x128xf32>
    %mul3A_774 = arith.constant 6.400000e+01 : f32
    %mul3A_775 = vector.broadcast %mul3A_774 : f32 to vector<1x128xf32>
    %mul3A_776 = arith.mulf %mul3A_775, %broadcast_in_dim3A_773 : vector<1x128xf32>
    %get3A_777 = arith.constant 12 : index
    %get3A_778 = arith.constant 0 : index
    %get3A_779 = vector.load %arg5[%get3A_777, %get3A_778] : memref<16x128xf32, #tpu.memory_space<vmem>>, vector<1x128xf32>
    %add3A_780 = arith.addf %mul3A_776, %get3A_779 : vector<1x128xf32>
    %convert_element_type3A_781 = arith.fptosi %add3A_780 : vector<1x128xf32> to vector<1x128xi32>
    %swap3A_782 = arith.constant 12 : index
    %swap3A_783 = arith.constant 0 : index
    %swap3A_784 = vector.load %arg2[%swap3A_782, %swap3A_783] : memref<16x128xi32, #tpu.memory_space<vmem>>, vector<1x128xi32>
    tpu.vector_store %arg2[%swap3A_782, %swap3A_783], %convert_element_type3A_781 {strides = array<i32>} : memref<16x128xi32, #tpu.memory_space<vmem>>, vector<1x128xi32>,
    %get3A_785 = arith.constant 12 : index
    %get3A_786 = arith.constant 0 : index
    %get3A_787 = vector.load %arg1[%get3A_785, %get3A_786] : memref<16x128xf32, #tpu.memory_space<vmem>>, vector<1x128xf32>
    %mul3A_788 = vector.broadcast %get3A_787 : vector<1x128xf32> to vector<128x128xf32>
    %mul3A_789 = arith.mulf %convert_element_type3A_378, %mul3A_788 : vector<128x128xf32>
    %dot_general3A_790 = arith.constant dense<0.000000e+00> : vector<128x128xf32>
    %dot_general3A_791 = tpu.matmul %mul3A_789, %broadcast_in_dim3A_5, %dot_general3A_790 {dimension_numbers = #tpu.dot_dimension_numbers<[1], [0], [0], [1], [0, 0, 1, 1], [], []>, transpose_lhs_hint = false} : vector<128x128xf32>, vector<128x128xf32>, vector<128x128xf32> -> vector<128x128xf32>
    %swap3A_792 = arith.constant 1536 : index
    %swap3A_793 = arith.constant 0 : index
    %swap3A_794 = vector.load %arg4[%swap3A_792, %swap3A_793] : memref<2048x128xf32, #tpu.memory_space<vmem>>, vector<128x128xf32>
    tpu.vector_store %arg4[%swap3A_792, %swap3A_793], %dot_general3A_791 {strides = array<i32>} : memref<2048x128xf32, #tpu.memory_space<vmem>>, vector<128x128xf32>,
    %get3A_795 = arith.constant 13 : index
    %get3A_796 = arith.constant 0 : index
    %get3A_797 = vector.load %arg0[%get3A_795, %get3A_796] : memref<16x128xi32, #tpu.memory_space<vmem>>, vector<1x128xi32>
    %eq3A_798 = vector.broadcast %get3A_797 : vector<1x128xi32> to vector<64x128xi32>
    %eq3A_799 = arith.cmpi eq, %iota3A, %eq3A_798 : vector<64x128xi32>
    %convert_element_type3A_800 = arith.extui %eq3A_799 : vector<64x128xi1> to vector<64x128xi32>
    %convert_element_type3A_801 = arith.sitofp %convert_element_type3A_800 : vector<64x128xi32> to vector<64x128xf32>
    %mul3A_802 = arith.mulf %convert_element_type3A_801, %sub3A : vector<64x128xf32>
    %reduce_sum3A_803 = arith.constant dense<0.000000e+00> : vector<128xf32>
    %reduce_sum3A_804 = vector.multi_reduction <add>, %mul3A_802, %reduce_sum3A_803 [0] : vector<64x128xf32> to vector<128xf32>
    %broadcast_in_dim3A_805 = vector.shape_cast %reduce_sum3A_804 : vector<128xf32> to vector<1x128xf32>
    %mul3A_806 = arith.constant 6.400000e+01 : f32
    %mul3A_807 = vector.broadcast %mul3A_806 : f32 to vector<1x128xf32>
    %mul3A_808 = arith.mulf %mul3A_807, %broadcast_in_dim3A_805 : vector<1x128xf32>
    %get3A_809 = arith.constant 13 : index
    %get3A_810 = arith.constant 0 : index
    %get3A_811 = vector.load %arg5[%get3A_809, %get3A_810] : memref<16x128xf32, #tpu.memory_space<vmem>>, vector<1x128xf32>
    %add3A_812 = arith.addf %mul3A_808, %get3A_811 : vector<1x128xf32>
    %convert_element_type3A_813 = arith.fptosi %add3A_812 : vector<1x128xf32> to vector<1x128xi32>
    %swap3A_814 = arith.constant 13 : index
    %swap3A_815 = arith.constant 0 : index
    %swap3A_816 = vector.load %arg2[%swap3A_814, %swap3A_815] : memref<16x128xi32, #tpu.memory_space<vmem>>, vector<1x128xi32>
    tpu.vector_store %arg2[%swap3A_814, %swap3A_815], %convert_element_type3A_813 {strides = array<i32>} : memref<16x128xi32, #tpu.memory_space<vmem>>, vector<1x128xi32>,
    %get3A_817 = arith.constant 13 : index
    %get3A_818 = arith.constant 0 : index
    %get3A_819 = vector.load %arg1[%get3A_817, %get3A_818] : memref<16x128xf32, #tpu.memory_space<vmem>>, vector<1x128xf32>
    %mul3A_820 = vector.broadcast %get3A_819 : vector<1x128xf32> to vector<128x128xf32>
    %mul3A_821 = arith.mulf %convert_element_type3A_378, %mul3A_820 : vector<128x128xf32>
    %dot_general3A_822 = arith.constant dense<0.000000e+00> : vector<128x128xf32>
    %dot_general3A_823 = tpu.matmul %mul3A_821, %broadcast_in_dim3A_5, %dot_general3A_822 {dimension_numbers = #tpu.dot_dimension_numbers<[1], [0], [0], [1], [0, 0, 1, 1], [], []>, transpose_lhs_hint = false} : vector<128x128xf32>, vector<128x128xf32>, vector<128x128xf32> -> vector<128x128xf32>
    %swap3A_824 = arith.constant 1664 : index
    %swap3A_825 = arith.constant 0 : index
    %swap3A_826 = vector.load %arg4[%swap3A_824, %swap3A_825] : memref<2048x128xf32, #tpu.memory_space<vmem>>, vector<128x128xf32>
    tpu.vector_store %arg4[%swap3A_824, %swap3A_825], %dot_general3A_823 {strides = array<i32>} : memref<2048x128xf32, #tpu.memory_space<vmem>>, vector<128x128xf32>,
    %get3A_827 = arith.constant 14 : index
    %get3A_828 = arith.constant 0 : index
    %get3A_829 = vector.load %arg0[%get3A_827, %get3A_828] : memref<16x128xi32, #tpu.memory_space<vmem>>, vector<1x128xi32>
    %eq3A_830 = vector.broadcast %get3A_829 : vector<1x128xi32> to vector<64x128xi32>
    %eq3A_831 = arith.cmpi eq, %iota3A, %eq3A_830 : vector<64x128xi32>
    %convert_element_type3A_832 = arith.extui %eq3A_831 : vector<64x128xi1> to vector<64x128xi32>
    %convert_element_type3A_833 = arith.sitofp %convert_element_type3A_832 : vector<64x128xi32> to vector<64x128xf32>
    %mul3A_834 = arith.mulf %convert_element_type3A_833, %sub3A : vector<64x128xf32>
    %reduce_sum3A_835 = arith.constant dense<0.000000e+00> : vector<128xf32>
    %reduce_sum3A_836 = vector.multi_reduction <add>, %mul3A_834, %reduce_sum3A_835 [0] : vector<64x128xf32> to vector<128xf32>
    %broadcast_in_dim3A_837 = vector.shape_cast %reduce_sum3A_836 : vector<128xf32> to vector<1x128xf32>
    %mul3A_838 = arith.constant 6.400000e+01 : f32
    %mul3A_839 = vector.broadcast %mul3A_838 : f32 to vector<1x128xf32>
    %mul3A_840 = arith.mulf %mul3A_839, %broadcast_in_dim3A_837 : vector<1x128xf32>
    %get3A_841 = arith.constant 14 : index
    %get3A_842 = arith.constant 0 : index
    %get3A_843 = vector.load %arg5[%get3A_841, %get3A_842] : memref<16x128xf32, #tpu.memory_space<vmem>>, vector<1x128xf32>
    %add3A_844 = arith.addf %mul3A_840, %get3A_843 : vector<1x128xf32>
    %convert_element_type3A_845 = arith.fptosi %add3A_844 : vector<1x128xf32> to vector<1x128xi32>
    %swap3A_846 = arith.constant 14 : index
    %swap3A_847 = arith.constant 0 : index
    %swap3A_848 = vector.load %arg2[%swap3A_846, %swap3A_847] : memref<16x128xi32, #tpu.memory_space<vmem>>, vector<1x128xi32>
    tpu.vector_store %arg2[%swap3A_846, %swap3A_847], %convert_element_type3A_845 {strides = array<i32>} : memref<16x128xi32, #tpu.memory_space<vmem>>, vector<1x128xi32>,
    %get3A_849 = arith.constant 14 : index
    %get3A_850 = arith.constant 0 : index
    %get3A_851 = vector.load %arg1[%get3A_849, %get3A_850] : memref<16x128xf32, #tpu.memory_space<vmem>>, vector<1x128xf32>
    %mul3A_852 = vector.broadcast %get3A_851 : vector<1x128xf32> to vector<128x128xf32>
    %mul3A_853 = arith.mulf %convert_element_type3A_378, %mul3A_852 : vector<128x128xf32>
    %dot_general3A_854 = arith.constant dense<0.000000e+00> : vector<128x128xf32>
    %dot_general3A_855 = tpu.matmul %mul3A_853, %broadcast_in_dim3A_5, %dot_general3A_854 {dimension_numbers = #tpu.dot_dimension_numbers<[1], [0], [0], [1], [0, 0, 1, 1], [], []>, transpose_lhs_hint = false} : vector<128x128xf32>, vector<128x128xf32>, vector<128x128xf32> -> vector<128x128xf32>
    %swap3A_856 = arith.constant 1792 : index
    %swap3A_857 = arith.constant 0 : index
    %swap3A_858 = vector.load %arg4[%swap3A_856, %swap3A_857] : memref<2048x128xf32, #tpu.memory_space<vmem>>, vector<128x128xf32>
    tpu.vector_store %arg4[%swap3A_856, %swap3A_857], %dot_general3A_855 {strides = array<i32>} : memref<2048x128xf32, #tpu.memory_space<vmem>>, vector<128x128xf32>,
    %get3A_859 = arith.constant 15 : index
    %get3A_860 = arith.constant 0 : index
    %get3A_861 = vector.load %arg0[%get3A_859, %get3A_860] : memref<16x128xi32, #tpu.memory_space<vmem>>, vector<1x128xi32>
    %eq3A_862 = vector.broadcast %get3A_861 : vector<1x128xi32> to vector<64x128xi32>
    %eq3A_863 = arith.cmpi eq, %iota3A, %eq3A_862 : vector<64x128xi32>
    %convert_element_type3A_864 = arith.extui %eq3A_863 : vector<64x128xi1> to vector<64x128xi32>
    %convert_element_type3A_865 = arith.sitofp %convert_element_type3A_864 : vector<64x128xi32> to vector<64x128xf32>
    %mul3A_866 = arith.mulf %convert_element_type3A_865, %sub3A : vector<64x128xf32>
    %reduce_sum3A_867 = arith.constant dense<0.000000e+00> : vector<128xf32>
    %reduce_sum3A_868 = vector.multi_reduction <add>, %mul3A_866, %reduce_sum3A_867 [0] : vector<64x128xf32> to vector<128xf32>
    %broadcast_in_dim3A_869 = vector.shape_cast %reduce_sum3A_868 : vector<128xf32> to vector<1x128xf32>
    %mul3A_870 = arith.constant 6.400000e+01 : f32
    %mul3A_871 = vector.broadcast %mul3A_870 : f32 to vector<1x128xf32>
    %mul3A_872 = arith.mulf %mul3A_871, %broadcast_in_dim3A_869 : vector<1x128xf32>
    %get3A_873 = arith.constant 15 : index
    %get3A_874 = arith.constant 0 : index
    %get3A_875 = vector.load %arg5[%get3A_873, %get3A_874] : memref<16x128xf32, #tpu.memory_space<vmem>>, vector<1x128xf32>
    %add3A_876 = arith.addf %mul3A_872, %get3A_875 : vector<1x128xf32>
    %convert_element_type3A_877 = arith.fptosi %add3A_876 : vector<1x128xf32> to vector<1x128xi32>
    %swap3A_878 = arith.constant 15 : index
    %swap3A_879 = arith.constant 0 : index
    %swap3A_880 = vector.load %arg2[%swap3A_878, %swap3A_879] : memref<16x128xi32, #tpu.memory_space<vmem>>, vector<1x128xi32>
    tpu.vector_store %arg2[%swap3A_878, %swap3A_879], %convert_element_type3A_877 {strides = array<i32>} : memref<16x128xi32, #tpu.memory_space<vmem>>, vector<1x128xi32>,
    %get3A_881 = arith.constant 15 : index
    %get3A_882 = arith.constant 0 : index
    %get3A_883 = vector.load %arg1[%get3A_881, %get3A_882] : memref<16x128xf32, #tpu.memory_space<vmem>>, vector<1x128xf32>
    %mul3A_884 = vector.broadcast %get3A_883 : vector<1x128xf32> to vector<128x128xf32>
    %mul3A_885 = arith.mulf %convert_element_type3A_378, %mul3A_884 : vector<128x128xf32>
    %dot_general3A_886 = arith.constant dense<0.000000e+00> : vector<128x128xf32>
    %dot_general3A_887 = tpu.matmul %mul3A_885, %broadcast_in_dim3A_5, %dot_general3A_886 {dimension_numbers = #tpu.dot_dimension_numbers<[1], [0], [0], [1], [0, 0, 1, 1], [], []>, transpose_lhs_hint = false} : vector<128x128xf32>, vector<128x128xf32>, vector<128x128xf32> -> vector<128x128xf32>
    %swap3A_888 = arith.constant 1920 : index
    %swap3A_889 = arith.constant 0 : index
    %swap3A_890 = vector.load %arg4[%swap3A_888, %swap3A_889] : memref<2048x128xf32, #tpu.memory_space<vmem>>, vector<128x128xf32>
    tpu.vector_store %arg4[%swap3A_888, %swap3A_889], %dot_general3A_887 {strides = array<i32>} : memref<2048x128xf32, #tpu.memory_space<vmem>>, vector<128x128xf32>,
    return
  }
}

module attributes {stable_mosaic.version = 14 : i64} {
  func.func @_gemm_outer(%arg0: memref<8x128xi32, #tpu.memory_space<smem>>, %arg1: memref<6144x1024xf32, #tpu.memory_space<hbm>>, %arg2: memref<64x512x1024xf32, #tpu.memory_space<hbm>>, %arg3: memref<64x512x1024xf32, #tpu.memory_space<hbm>>, %arg4: memref<64x1024x512xf32, #tpu.memory_space<hbm>>, %arg5: memref<6144x128xf32, #tpu.memory_space<hbm>>, %arg6: memref<6144x1024xf32, #tpu.memory_space<hbm>>) attributes {dimension_semantics = [], scalar_prefetch = 0 : i64, scratch_operands = 0 : i64, tpu.core_type = #tpu.core_type<tc>} {
    "tpu.region"() ({
      %run_scoped3A = memref.alloca() : memref<8x64x1024xf32, #tpu.memory_space<vmem>>
      %run_scoped3A_0 = tpu.sem_alloc : memref<8x!tpu.dma_semaphore, #tpu.memory_space<semaphore_mem>>
      %run_scoped3A_1 = memref.alloca() : memref<3x1x512x1024xf32, #tpu.memory_space<vmem>>
      %run_scoped3A_2 = tpu.sem_alloc : memref<3x!tpu.dma_semaphore, #tpu.memory_space<semaphore_mem>>
      %run_scoped3A_3 = memref.alloca() : memref<3x1x512x1024xf32, #tpu.memory_space<vmem>>
      %run_scoped3A_4 = tpu.sem_alloc : memref<3x!tpu.dma_semaphore, #tpu.memory_space<semaphore_mem>>
      %run_scoped3A_5 = memref.alloca() : memref<3x1x1024x512xf32, #tpu.memory_space<vmem>>
      %run_scoped3A_6 = tpu.sem_alloc : memref<3x!tpu.dma_semaphore, #tpu.memory_space<semaphore_mem>>
      %run_scoped3A_7 = memref.alloca() : memref<8x64x128xf32, #tpu.memory_space<vmem>>
      %run_scoped3A_8 = tpu.sem_alloc : memref<8x!tpu.dma_semaphore, #tpu.memory_space<semaphore_mem>>
      %run_scoped3A_9 = memref.alloca() : memref<2x64x1024xf32, #tpu.memory_space<vmem>>
      %run_scoped3A_10 = tpu.sem_alloc : memref<2x!tpu.dma_semaphore, #tpu.memory_space<semaphore_mem>>
      %select_n3A = arith.constant true
      %select_n3A_11 = arith.constant 0 : i32
      %select_n3A_12 = arith.constant -1 : i32
      %select_n3A_13 = arith.select %select_n3A, %select_n3A_12, %select_n3A_11 : i32
      %eq3A = arith.constant -1 : i32
      %eq3A_14 = arith.cmpi eq, %select_n3A_13, %eq3A : i32
      %select_n3A_15 = arith.constant 95 : i32
      %select_n3A_16 = arith.select %eq3A_14, %select_n3A_15, %select_n3A_13 : i32
      %add3A = arith.constant 0 : i32
      %add3A_17 = arith.addi %select_n3A_16, %add3A : i32
      %select_n3A_18 = arith.constant true
      %select_n3A_19 = arith.constant 0 : i32
      %select_n3A_20 = arith.constant 1 : i32
      %select_n3A_21 = arith.select %select_n3A_18, %select_n3A_20, %select_n3A_19 : i32
      %eq3A_22 = arith.constant 96 : i32
      %eq3A_23 = arith.cmpi eq, %select_n3A_21, %eq3A_22 : i32
      %select_n3A_24 = arith.constant 0 : i32
      %select_n3A_25 = arith.select %eq3A_23, %select_n3A_24, %select_n3A_21 : i32
      %add3A_26 = arith.constant 0 : i32
      %add3A_27 = arith.addi %select_n3A_25, %add3A_26 : i32
      %add3A_28 = arith.constant 1 : i32
      %add3A_29 = arith.addi %select_n3A_25, %add3A_28 : i32
      %select_n3A_30 = arith.constant true
      %select_n3A_31 = arith.select %select_n3A_30, %add3A_29, %select_n3A_25 : i32
      %eq3A_32 = arith.constant 96 : i32
      %eq3A_33 = arith.cmpi eq, %select_n3A_31, %eq3A_32 : i32
      %select_n3A_34 = arith.constant 0 : i32
      %select_n3A_35 = arith.select %eq3A_33, %select_n3A_34, %select_n3A_31 : i32
      %add3A_36 = arith.constant 0 : i32
      %add3A_37 = arith.addi %select_n3A_35, %add3A_36 : i32
      %add3A_38 = arith.constant 1 : i32
      %add3A_39 = arith.addi %select_n3A_35, %add3A_38 : i32
      %select_n3A_40 = arith.constant true
      %select_n3A_41 = arith.select %select_n3A_40, %add3A_39, %select_n3A_35 : i32
      %eq3A_42 = arith.constant 96 : i32
      %eq3A_43 = arith.cmpi eq, %select_n3A_41, %eq3A_42 : i32
      %select_n3A_44 = arith.constant 0 : i32
      %select_n3A_45 = arith.select %eq3A_43, %select_n3A_44, %select_n3A_41 : i32
      %add3A_46 = arith.constant 0 : i32
      %add3A_47 = arith.addi %select_n3A_45, %add3A_46 : i32
      %add3A_48 = arith.constant 1 : i32
      %add3A_49 = arith.addi %select_n3A_45, %add3A_48 : i32
      %select_n3A_50 = arith.constant true
      %select_n3A_51 = arith.select %select_n3A_50, %add3A_49, %select_n3A_45 : i32
      %eq3A_52 = arith.constant 96 : i32
      %eq3A_53 = arith.cmpi eq, %select_n3A_51, %eq3A_52 : i32
      %select_n3A_54 = arith.constant 0 : i32
      %select_n3A_55 = arith.select %eq3A_53, %select_n3A_54, %select_n3A_51 : i32
      %add3A_56 = arith.constant 0 : i32
      %add3A_57 = arith.addi %select_n3A_55, %add3A_56 : i32
      %add3A_58 = arith.constant 1 : i32
      %add3A_59 = arith.addi %select_n3A_55, %add3A_58 : i32
      %select_n3A_60 = arith.constant true
      %select_n3A_61 = arith.select %select_n3A_60, %add3A_59, %select_n3A_55 : i32
      %eq3A_62 = arith.constant 96 : i32
      %eq3A_63 = arith.cmpi eq, %select_n3A_61, %eq3A_62 : i32
      %select_n3A_64 = arith.constant 0 : i32
      %select_n3A_65 = arith.select %eq3A_63, %select_n3A_64, %select_n3A_61 : i32
      %add3A_66 = arith.constant 0 : i32
      %add3A_67 = arith.addi %select_n3A_65, %add3A_66 : i32
      %add3A_68 = arith.constant 1 : i32
      %add3A_69 = arith.addi %select_n3A_65, %add3A_68 : i32
      %select_n3A_70 = arith.constant true
      %select_n3A_71 = arith.select %select_n3A_70, %add3A_69, %select_n3A_65 : i32
      %eq3A_72 = arith.constant 96 : i32
      %eq3A_73 = arith.cmpi eq, %select_n3A_71, %eq3A_72 : i32
      %select_n3A_74 = arith.constant 0 : i32
      %select_n3A_75 = arith.select %eq3A_73, %select_n3A_74, %select_n3A_71 : i32
      %add3A_76 = arith.constant 0 : i32
      %add3A_77 = arith.addi %select_n3A_75, %add3A_76 : i32
      %add3A_78 = arith.constant 1 : i32
      %add3A_79 = arith.addi %select_n3A_75, %add3A_78 : i32
      %select_n3A_80 = arith.constant true
      %select_n3A_81 = arith.select %select_n3A_80, %add3A_79, %select_n3A_75 : i32
      %eq3A_82 = arith.constant 96 : i32
      %eq3A_83 = arith.cmpi eq, %select_n3A_81, %eq3A_82 : i32
      %select_n3A_84 = arith.constant 0 : i32
      %select_n3A_85 = arith.select %eq3A_83, %select_n3A_84, %select_n3A_81 : i32
      %add3A_86 = arith.constant 0 : i32
      %add3A_87 = arith.addi %select_n3A_85, %add3A_86 : i32
      %add3A_88 = arith.constant 1 : i32
      %add3A_89 = arith.addi %select_n3A_85, %add3A_88 : i32
      %select_n3A_90 = arith.constant true
      %select_n3A_91 = arith.select %select_n3A_90, %add3A_89, %select_n3A_85 : i32
      %eq3A_92 = arith.constant 96 : i32
      %eq3A_93 = arith.cmpi eq, %select_n3A_91, %eq3A_92 : i32
      %select_n3A_94 = arith.constant 0 : i32
      %select_n3A_95 = arith.select %eq3A_93, %select_n3A_94, %select_n3A_91 : i32
      %add3A_96 = arith.constant 0 : i32
      %add3A_97 = arith.addi %select_n3A_95, %add3A_96 : i32
      "tpu.trace_start"() <{level = 10 : i32, message = "ep_initialize_0"}> : () -> ()
      %add3A_98 = arith.constant 0 : i32
      %add3A_99 = arith.constant 0 : i32
      %add3A_100 = arith.addi %add3A_98, %add3A_99 : i32
      %rem3A = arith.constant 0 : i32
      %rem3A_101 = arith.constant 8 : i32
      %rem3A_102 = arith.remui %rem3A, %rem3A_101 : i32
      %get3A = arith.constant 1 : index
      %get3A_103 = arith.index_cast %add3A_100 : i32 to index
      %get3A_104 = memref.load %arg0[%get3A, %get3A_103] : memref<8x128xi32, #tpu.memory_space<smem>>
      %mul3A = arith.constant 64 : i32
      %mul3A_105 = arith.muli %mul3A, %get3A_104 : i32
      %dma_start3A = tpu.memref_slice %run_scoped3A_0[%rem3A_102] : memref<8x!tpu.dma_semaphore, #tpu.memory_space<semaphore_mem>> -> memref<1x!tpu.dma_semaphore, #tpu.memory_space<semaphore_mem>>
      %dma_start3A_106 = tpu.memref_squeeze %dma_start3A : memref<1x!tpu.dma_semaphore, #tpu.memory_space<semaphore_mem>> -> memref<!tpu.dma_semaphore, #tpu.memory_space<semaphore_mem>>
      %dma_start3A_107 = arith.constant 0 : i32
      %dma_start3A_108 = arith.constant 0 : i32
      %dma_start3A_109 = tpu.memref_slice %run_scoped3A[%rem3A_102, %dma_start3A_107, %dma_start3A_108] : memref<8x64x1024xf32, #tpu.memory_space<vmem>> -> memref<1x64x1024xf32, #tpu.memory_space<vmem>>
      %dma_start3A_110 = tpu.memref_squeeze %dma_start3A_109 : memref<1x64x1024xf32, #tpu.memory_space<vmem>> -> memref<64x1024xf32, #tpu.memory_space<vmem>>
      %dma_start3A_111 = arith.constant 0 : i32
      %dma_start3A_112 = tpu.memref_slice %arg1[%mul3A_105, %dma_start3A_111] : memref<6144x1024xf32, #tpu.memory_space<hbm>> -> memref<64x1024xf32, #tpu.memory_space<hbm>>
      tpu.enqueue_dma source(%dma_start3A_112 : memref<64x1024xf32, #tpu.memory_space<hbm>>) target(%dma_start3A_110 : memref<64x1024xf32, #tpu.memory_space<vmem>>) target_semaphore(%dma_start3A_106 : memref<!tpu.dma_semaphore, #tpu.memory_space<semaphore_mem>>)
      %add3A_113 = arith.constant 0 : i32
      %add3A_114 = arith.constant 1 : i32
      %add3A_115 = arith.addi %add3A_113, %add3A_114 : i32
      %select_n3A_116 = arith.constant true
      %select_n3A_117 = arith.constant 0 : i32
      %select_n3A_118 = arith.select %select_n3A_116, %add3A_115, %select_n3A_117 : i32
      %add3A_119 = arith.constant 0 : i32
      %add3A_120 = arith.constant 0 : i32
      %add3A_121 = arith.addi %add3A_119, %add3A_120 : i32
      %rem3A_122 = arith.constant 0 : i32
      %rem3A_123 = arith.constant 3 : i32
      %rem3A_124 = arith.remui %rem3A_122, %rem3A_123 : i32
      %get3A_125 = arith.constant 0 : index
      %get3A_126 = arith.index_cast %add3A_121 : i32 to index
      %get3A_127 = memref.load %arg0[%get3A_125, %get3A_126] : memref<8x128xi32, #tpu.memory_space<smem>>
      %mul3A_128 = arith.constant 1 : i32
      %mul3A_129 = arith.muli %mul3A_128, %get3A_127 : i32
      %dma_start3A_130 = tpu.memref_slice %run_scoped3A_2[%rem3A_124] : memref<3x!tpu.dma_semaphore, #tpu.memory_space<semaphore_mem>> -> memref<1x!tpu.dma_semaphore, #tpu.memory_space<semaphore_mem>>
      %dma_start3A_131 = tpu.memref_squeeze %dma_start3A_130 : memref<1x!tpu.dma_semaphore, #tpu.memory_space<semaphore_mem>> -> memref<!tpu.dma_semaphore, #tpu.memory_space<semaphore_mem>>
      %dma_start3A_132 = arith.constant 0 : i32
      %dma_start3A_133 = arith.constant 0 : i32
      %dma_start3A_134 = arith.constant 0 : i32
      %dma_start3A_135 = tpu.memref_slice %run_scoped3A_1[%rem3A_124, %dma_start3A_132, %dma_start3A_133, %dma_start3A_134] : memref<3x1x512x1024xf32, #tpu.memory_space<vmem>> -> memref<1x1x512x1024xf32, #tpu.memory_space<vmem>>
      %dma_start3A_136 = tpu.memref_squeeze %dma_start3A_135 : memref<1x1x512x1024xf32, #tpu.memory_space<vmem>> -> memref<1x512x1024xf32, #tpu.memory_space<vmem>>
      %dma_start3A_137 = arith.constant 0 : i32
      %dma_start3A_138 = arith.constant 0 : i32
      %dma_start3A_139 = tpu.memref_slice %arg2[%mul3A_129, %dma_start3A_137, %dma_start3A_138] : memref<64x512x1024xf32, #tpu.memory_space<hbm>> -> memref<1x512x1024xf32, #tpu.memory_space<hbm>>
      tpu.enqueue_dma source(%dma_start3A_139 : memref<1x512x1024xf32, #tpu.memory_space<hbm>>) target(%dma_start3A_136 : memref<1x512x1024xf32, #tpu.memory_space<vmem>>) target_semaphore(%dma_start3A_131 : memref<!tpu.dma_semaphore, #tpu.memory_space<semaphore_mem>>)
      %add3A_140 = arith.constant 0 : i32
      %add3A_141 = arith.constant 1 : i32
      %add3A_142 = arith.addi %add3A_140, %add3A_141 : i32
      %select_n3A_143 = arith.constant true
      %select_n3A_144 = arith.constant 0 : i32
      %select_n3A_145 = arith.select %select_n3A_143, %add3A_142, %select_n3A_144 : i32
      %add3A_146 = arith.constant 0 : i32
      %add3A_147 = arith.constant 0 : i32
      %add3A_148 = arith.addi %add3A_146, %add3A_147 : i32
      %rem3A_149 = arith.constant 0 : i32
      %rem3A_150 = arith.constant 3 : i32
      %rem3A_151 = arith.remui %rem3A_149, %rem3A_150 : i32
      %get3A_152 = arith.constant 0 : index
      %get3A_153 = arith.index_cast %add3A_148 : i32 to index
      %get3A_154 = memref.load %arg0[%get3A_152, %get3A_153] : memref<8x128xi32, #tpu.memory_space<smem>>
      %mul3A_155 = arith.constant 1 : i32
      %mul3A_156 = arith.muli %mul3A_155, %get3A_154 : i32
      %dma_start3A_157 = tpu.memref_slice %run_scoped3A_4[%rem3A_151] : memref<3x!tpu.dma_semaphore, #tpu.memory_space<semaphore_mem>> -> memref<1x!tpu.dma_semaphore, #tpu.memory_space<semaphore_mem>>
      %dma_start3A_158 = tpu.memref_squeeze %dma_start3A_157 : memref<1x!tpu.dma_semaphore, #tpu.memory_space<semaphore_mem>> -> memref<!tpu.dma_semaphore, #tpu.memory_space<semaphore_mem>>
      %dma_start3A_159 = arith.constant 0 : i32
      %dma_start3A_160 = arith.constant 0 : i32
      %dma_start3A_161 = arith.constant 0 : i32
      %dma_start3A_162 = tpu.memref_slice %run_scoped3A_3[%rem3A_151, %dma_start3A_159, %dma_start3A_160, %dma_start3A_161] : memref<3x1x512x1024xf32, #tpu.memory_space<vmem>> -> memref<1x1x512x1024xf32, #tpu.memory_space<vmem>>
      %dma_start3A_163 = tpu.memref_squeeze %dma_start3A_162 : memref<1x1x512x1024xf32, #tpu.memory_space<vmem>> -> memref<1x512x1024xf32, #tpu.memory_space<vmem>>
      %dma_start3A_164 = arith.constant 0 : i32
      %dma_start3A_165 = arith.constant 0 : i32
      %dma_start3A_166 = tpu.memref_slice %arg3[%mul3A_156, %dma_start3A_164, %dma_start3A_165] : memref<64x512x1024xf32, #tpu.memory_space<hbm>> -> memref<1x512x1024xf32, #tpu.memory_space<hbm>>
      tpu.enqueue_dma source(%dma_start3A_166 : memref<1x512x1024xf32, #tpu.memory_space<hbm>>) target(%dma_start3A_163 : memref<1x512x1024xf32, #tpu.memory_space<vmem>>) target_semaphore(%dma_start3A_158 : memref<!tpu.dma_semaphore, #tpu.memory_space<semaphore_mem>>)
      %add3A_167 = arith.constant 0 : i32
      %add3A_168 = arith.constant 1 : i32
      %add3A_169 = arith.addi %add3A_167, %add3A_168 : i32
      %select_n3A_170 = arith.constant true
      %select_n3A_171 = arith.constant 0 : i32
      %select_n3A_172 = arith.select %select_n3A_170, %add3A_169, %select_n3A_171 : i32
      %add3A_173 = arith.constant 0 : i32
      %add3A_174 = arith.constant 0 : i32
      %add3A_175 = arith.addi %add3A_173, %add3A_174 : i32
      %rem3A_176 = arith.constant 0 : i32
      %rem3A_177 = arith.constant 3 : i32
      %rem3A_178 = arith.remui %rem3A_176, %rem3A_177 : i32
      %get3A_179 = arith.constant 0 : index
      %get3A_180 = arith.index_cast %add3A_175 : i32 to index
      %get3A_181 = memref.load %arg0[%get3A_179, %get3A_180] : memref<8x128xi32, #tpu.memory_space<smem>>
      %mul3A_182 = arith.constant 1 : i32
      %mul3A_183 = arith.muli %mul3A_182, %get3A_181 : i32
      %dma_start3A_184 = tpu.memref_slice %run_scoped3A_6[%rem3A_178] : memref<3x!tpu.dma_semaphore, #tpu.memory_space<semaphore_mem>> -> memref<1x!tpu.dma_semaphore, #tpu.memory_space<semaphore_mem>>
      %dma_start3A_185 = tpu.memref_squeeze %dma_start3A_184 : memref<1x!tpu.dma_semaphore, #tpu.memory_space<semaphore_mem>> -> memref<!tpu.dma_semaphore, #tpu.memory_space<semaphore_mem>>
      %dma_start3A_186 = arith.constant 0 : i32
      %dma_start3A_187 = arith.constant 0 : i32
      %dma_start3A_188 = arith.constant 0 : i32
      %dma_start3A_189 = tpu.memref_slice %run_scoped3A_5[%rem3A_178, %dma_start3A_186, %dma_start3A_187, %dma_start3A_188] : memref<3x1x1024x512xf32, #tpu.memory_space<vmem>> -> memref<1x1x1024x512xf32, #tpu.memory_space<vmem>>
      %dma_start3A_190 = tpu.memref_squeeze %dma_start3A_189 : memref<1x1x1024x512xf32, #tpu.memory_space<vmem>> -> memref<1x1024x512xf32, #tpu.memory_space<vmem>>
      %dma_start3A_191 = arith.constant 0 : i32
      %dma_start3A_192 = arith.constant 0 : i32
      %dma_start3A_193 = tpu.memref_slice %arg4[%mul3A_183, %dma_start3A_191, %dma_start3A_192] : memref<64x1024x512xf32, #tpu.memory_space<hbm>> -> memref<1x1024x512xf32, #tpu.memory_space<hbm>>
      tpu.enqueue_dma source(%dma_start3A_193 : memref<1x1024x512xf32, #tpu.memory_space<hbm>>) target(%dma_start3A_190 : memref<1x1024x512xf32, #tpu.memory_space<vmem>>) target_semaphore(%dma_start3A_185 : memref<!tpu.dma_semaphore, #tpu.memory_space<semaphore_mem>>)
      %add3A_194 = arith.constant 0 : i32
      %add3A_195 = arith.constant 1 : i32
      %add3A_196 = arith.addi %add3A_194, %add3A_195 : i32
      %select_n3A_197 = arith.constant true
      %select_n3A_198 = arith.constant 0 : i32
      %select_n3A_199 = arith.select %select_n3A_197, %add3A_196, %select_n3A_198 : i32
      %add3A_200 = arith.constant 0 : i32
      %add3A_201 = arith.constant 0 : i32
      %add3A_202 = arith.addi %add3A_200, %add3A_201 : i32
      %rem3A_203 = arith.constant 0 : i32
      %rem3A_204 = arith.constant 8 : i32
      %rem3A_205 = arith.remui %rem3A_203, %rem3A_204 : i32
      %get3A_206 = arith.constant 1 : index
      %get3A_207 = arith.index_cast %add3A_202 : i32 to index
      %get3A_208 = memref.load %arg0[%get3A_206, %get3A_207] : memref<8x128xi32, #tpu.memory_space<smem>>
      %mul3A_209 = arith.constant 64 : i32
      %mul3A_210 = arith.muli %mul3A_209, %get3A_208 : i32
      %dma_start3A_211 = tpu.memref_slice %run_scoped3A_8[%rem3A_205] : memref<8x!tpu.dma_semaphore, #tpu.memory_space<semaphore_mem>> -> memref<1x!tpu.dma_semaphore, #tpu.memory_space<semaphore_mem>>
      %dma_start3A_212 = tpu.memref_squeeze %dma_start3A_211 : memref<1x!tpu.dma_semaphore, #tpu.memory_space<semaphore_mem>> -> memref<!tpu.dma_semaphore, #tpu.memory_space<semaphore_mem>>
      %dma_start3A_213 = arith.constant 0 : i32
      %dma_start3A_214 = arith.constant 0 : i32
      %dma_start3A_215 = tpu.memref_slice %run_scoped3A_7[%rem3A_205, %dma_start3A_213, %dma_start3A_214] : memref<8x64x128xf32, #tpu.memory_space<vmem>> -> memref<1x64x128xf32, #tpu.memory_space<vmem>>
      %dma_start3A_216 = tpu.memref_squeeze %dma_start3A_215 : memref<1x64x128xf32, #tpu.memory_space<vmem>> -> memref<64x128xf32, #tpu.memory_space<vmem>>
      %dma_start3A_217 = arith.constant 0 : i32
      %dma_start3A_218 = tpu.memref_slice %arg5[%mul3A_210, %dma_start3A_217] : memref<6144x128xf32, #tpu.memory_space<hbm>> -> memref<64x128xf32, #tpu.memory_space<hbm>>
      tpu.enqueue_dma source(%dma_start3A_218 : memref<64x128xf32, #tpu.memory_space<hbm>>) target(%dma_start3A_216 : memref<64x128xf32, #tpu.memory_space<vmem>>) target_semaphore(%dma_start3A_212 : memref<!tpu.dma_semaphore, #tpu.memory_space<semaphore_mem>>)
      %add3A_219 = arith.constant 0 : i32
      %add3A_220 = arith.constant 1 : i32
      %add3A_221 = arith.addi %add3A_219, %add3A_220 : i32
      %select_n3A_222 = arith.constant true
      %select_n3A_223 = arith.constant 0 : i32
      %select_n3A_224 = arith.select %select_n3A_222, %add3A_221, %select_n3A_223 : i32
      "tpu.trace_stop"() : () -> ()
      "tpu.trace_start"() <{level = 10 : i32, message = "ep_initialize_1"}> : () -> ()
      %add3A_225 = arith.constant 0 : i32
      %add3A_226 = arith.constant 8 : i32
      %add3A_227 = arith.addi %add3A_225, %add3A_226 : i32
      %add3A_228 = arith.constant 1 : i32
      %add3A_229 = arith.addi %select_n3A_118, %add3A_228 : i32
      %lt3A = arith.cmpi ult, %add3A_227, %add3A_229 : i32
      %select_n3A_230 = arith.select %lt3A, %add3A_227, %add3A_229 : i32
      %add3A_231 = arith.constant 0 : i32
      %add3A_232 = arith.constant 1 : i32
      %add3A_233 = arith.addi %add3A_231, %add3A_232 : i32
      %select_n3A_234 = arith.constant true
      %select_n3A_235 = arith.constant 0 : i32
      %select_n3A_236 = arith.select %select_n3A_234, %add3A_233, %select_n3A_235 : i32
      %select_n3A_237 = arith.constant false
      %select_n3A_238 = arith.constant 0 : i32
      %select_n3A_239 = arith.select %select_n3A_237, %select_n3A_238, %select_n3A_236 : i32
      %while3A = arith.constant 0 : i32
      %while3A_240:3 = scf.while (%while3A_589 = %while3A, %while3A_590 = %select_n3A_239, %while3A_591 = %select_n3A_118) : (i32, i32, i32) -> (i32, i32, i32) {
        %lt3A_592 = arith.cmpi ult, %while3A_591, %select_n3A_230 : i32
        %lt3A_593 = arith.constant 96 : i32
        %lt3A_594 = arith.cmpi slt, %while3A_590, %lt3A_593 : i32
        %and3A = arith.constant true
        %and3A_595 = arith.andi %and3A, %lt3A_594 : i1
        %and3A_596 = arith.constant true
        %and3A_597 = arith.andi %and3A_596, %lt3A_592 : i1
        %and3A_598 = arith.andi %and3A_597, %and3A_595 : i1
        scf.condition(%and3A_598) %while3A_589, %while3A_590, %while3A_591 : i32, i32, i32
      } do {
      ^bb0(%while3A_589: i32, %while3A_590: i32, %while3A_591: i32):
        %add3A_592 = arith.constant 0 : i32
        %add3A_593 = arith.addi %while3A_589, %add3A_592 : i32
        %add3A_594 = arith.constant 0 : i32
        %add3A_595 = arith.addi %while3A_590, %add3A_594 : i32
        %get3A_596 = arith.constant 1 : index
        %get3A_597 = arith.index_cast %add3A_593 : i32 to index
        %get3A_598 = memref.load %arg0[%get3A_596, %get3A_597] : memref<8x128xi32, #tpu.memory_space<smem>>
        %get3A_599 = arith.constant 1 : index
        %get3A_600 = arith.index_cast %add3A_595 : i32 to index
        %get3A_601 = memref.load %arg0[%get3A_599, %get3A_600] : memref<8x128xi32, #tpu.memory_space<smem>>
        %ne3A = arith.cmpi ne, %get3A_598, %get3A_601 : i32
        %or3A = arith.constant false
        %or3A_602 = arith.ori %or3A, %ne3A : i1
        %or3A_603 = arith.constant false
        %or3A_604 = arith.ori %or3A_602, %or3A_603 : i1
        %convert_element_type3A = arith.extui %or3A_604 : i1 to i32
        %cond3A = arith.constant 0 : i32
        %cond3A_605 = arith.cmpi ne, %convert_element_type3A, %cond3A : i32
        scf.if %cond3A_605 {
          %rem3A_615 = arith.constant 8 : i32
          %rem3A_616 = arith.remui %while3A_591, %rem3A_615 : i32
          %get3A_617 = arith.constant 1 : index
          %get3A_618 = arith.index_cast %add3A_595 : i32 to index
          %get3A_619 = memref.load %arg0[%get3A_617, %get3A_618] : memref<8x128xi32, #tpu.memory_space<smem>>
          %mul3A_620 = arith.constant 64 : i32
          %mul3A_621 = arith.muli %mul3A_620, %get3A_619 : i32
          %dma_start3A_622 = tpu.memref_slice %run_scoped3A_0[%rem3A_616] : memref<8x!tpu.dma_semaphore, #tpu.memory_space<semaphore_mem>> -> memref<1x!tpu.dma_semaphore, #tpu.memory_space<semaphore_mem>>
          %dma_start3A_623 = tpu.memref_squeeze %dma_start3A_622 : memref<1x!tpu.dma_semaphore, #tpu.memory_space<semaphore_mem>> -> memref<!tpu.dma_semaphore, #tpu.memory_space<semaphore_mem>>
          %dma_start3A_624 = arith.constant 0 : i32
          %dma_start3A_625 = arith.constant 0 : i32
          %dma_start3A_626 = tpu.memref_slice %run_scoped3A[%rem3A_616, %dma_start3A_624, %dma_start3A_625] : memref<8x64x1024xf32, #tpu.memory_space<vmem>> -> memref<1x64x1024xf32, #tpu.memory_space<vmem>>
          %dma_start3A_627 = tpu.memref_squeeze %dma_start3A_626 : memref<1x64x1024xf32, #tpu.memory_space<vmem>> -> memref<64x1024xf32, #tpu.memory_space<vmem>>
          %dma_start3A_628 = arith.constant 0 : i32
          %dma_start3A_629 = tpu.memref_slice %arg1[%mul3A_621, %dma_start3A_628] : memref<6144x1024xf32, #tpu.memory_space<hbm>> -> memref<64x1024xf32, #tpu.memory_space<hbm>>
          tpu.enqueue_dma source(%dma_start3A_629 : memref<64x1024xf32, #tpu.memory_space<hbm>>) target(%dma_start3A_627 : memref<64x1024xf32, #tpu.memory_space<vmem>>) target_semaphore(%dma_start3A_623 : memref<!tpu.dma_semaphore, #tpu.memory_space<semaphore_mem>>)
        } else {
        }
        %convert_element_type3A_606 = arith.extui %or3A_604 : i1 to i32
        %add3A_607 = arith.addi %while3A_591, %convert_element_type3A_606 : i32
        %add3A_608 = arith.constant 1 : i32
        %add3A_609 = arith.addi %while3A_590, %add3A_608 : i32
        %select_n3A_610 = arith.constant true
        %select_n3A_611 = arith.select %select_n3A_610, %add3A_609, %while3A_590 : i32
        %select_n3A_612 = arith.constant false
        %select_n3A_613 = arith.constant 0 : i32
        %select_n3A_614 = arith.select %select_n3A_612, %select_n3A_613, %select_n3A_611 : i32
        scf.yield %while3A_590, %select_n3A_614, %add3A_607 : i32, i32, i32
      }
      %add3A_241 = arith.constant 0 : i32
      %add3A_242 = arith.constant 3 : i32
      %add3A_243 = arith.addi %add3A_241, %add3A_242 : i32
      %add3A_244 = arith.constant 1 : i32
      %add3A_245 = arith.addi %select_n3A_145, %add3A_244 : i32
      %lt3A_246 = arith.cmpi ult, %add3A_243, %add3A_245 : i32
      %select_n3A_247 = arith.select %lt3A_246, %add3A_243, %add3A_245 : i32
      %add3A_248 = arith.constant 0 : i32
      %add3A_249 = arith.constant 1 : i32
      %add3A_250 = arith.addi %add3A_248, %add3A_249 : i32
      %select_n3A_251 = arith.constant true
      %select_n3A_252 = arith.constant 0 : i32
      %select_n3A_253 = arith.select %select_n3A_251, %add3A_250, %select_n3A_252 : i32
      %select_n3A_254 = arith.constant false
      %select_n3A_255 = arith.constant 0 : i32
      %select_n3A_256 = arith.select %select_n3A_254, %select_n3A_255, %select_n3A_253 : i32
      %while3A_257 = arith.constant 0 : i32
      %while3A_258:3 = scf.while (%while3A_589 = %while3A_257, %while3A_590 = %select_n3A_256, %while3A_591 = %select_n3A_145) : (i32, i32, i32) -> (i32, i32, i32) {
        %lt3A_592 = arith.cmpi ult, %while3A_591, %select_n3A_247 : i32
        %lt3A_593 = arith.constant 96 : i32
        %lt3A_594 = arith.cmpi slt, %while3A_590, %lt3A_593 : i32
        %and3A = arith.constant true
        %and3A_595 = arith.andi %and3A, %lt3A_594 : i1
        %and3A_596 = arith.constant true
        %and3A_597 = arith.andi %and3A_596, %lt3A_592 : i1
        %and3A_598 = arith.andi %and3A_597, %and3A_595 : i1
        scf.condition(%and3A_598) %while3A_589, %while3A_590, %while3A_591 : i32, i32, i32
      } do {
      ^bb0(%while3A_589: i32, %while3A_590: i32, %while3A_591: i32):
        %add3A_592 = arith.constant 0 : i32
        %add3A_593 = arith.addi %while3A_589, %add3A_592 : i32
        %add3A_594 = arith.constant 0 : i32
        %add3A_595 = arith.addi %while3A_590, %add3A_594 : i32
        %get3A_596 = arith.constant 0 : index
        %get3A_597 = arith.index_cast %add3A_593 : i32 to index
        %get3A_598 = memref.load %arg0[%get3A_596, %get3A_597] : memref<8x128xi32, #tpu.memory_space<smem>>
        %get3A_599 = arith.constant 0 : index
        %get3A_600 = arith.index_cast %add3A_595 : i32 to index
        %get3A_601 = memref.load %arg0[%get3A_599, %get3A_600] : memref<8x128xi32, #tpu.memory_space<smem>>
        %ne3A = arith.cmpi ne, %get3A_598, %get3A_601 : i32
        %or3A = arith.constant false
        %or3A_602 = arith.ori %or3A, %ne3A : i1
        %or3A_603 = arith.constant false
        %or3A_604 = arith.ori %or3A_602, %or3A_603 : i1
        %or3A_605 = arith.constant false
        %or3A_606 = arith.ori %or3A_604, %or3A_605 : i1
        %convert_element_type3A = arith.extui %or3A_606 : i1 to i32
        %cond3A = arith.constant 0 : i32
        %cond3A_607 = arith.cmpi ne, %convert_element_type3A, %cond3A : i32
        scf.if %cond3A_607 {
          %rem3A_617 = arith.constant 3 : i32
          %rem3A_618 = arith.remui %while3A_591, %rem3A_617 : i32
          %get3A_619 = arith.constant 0 : index
          %get3A_620 = arith.index_cast %add3A_595 : i32 to index
          %get3A_621 = memref.load %arg0[%get3A_619, %get3A_620] : memref<8x128xi32, #tpu.memory_space<smem>>
          %mul3A_622 = arith.constant 1 : i32
          %mul3A_623 = arith.muli %mul3A_622, %get3A_621 : i32
          %dma_start3A_624 = tpu.memref_slice %run_scoped3A_2[%rem3A_618] : memref<3x!tpu.dma_semaphore, #tpu.memory_space<semaphore_mem>> -> memref<1x!tpu.dma_semaphore, #tpu.memory_space<semaphore_mem>>
          %dma_start3A_625 = tpu.memref_squeeze %dma_start3A_624 : memref<1x!tpu.dma_semaphore, #tpu.memory_space<semaphore_mem>> -> memref<!tpu.dma_semaphore, #tpu.memory_space<semaphore_mem>>
          %dma_start3A_626 = arith.constant 0 : i32
          %dma_start3A_627 = arith.constant 0 : i32
          %dma_start3A_628 = arith.constant 0 : i32
          %dma_start3A_629 = tpu.memref_slice %run_scoped3A_1[%rem3A_618, %dma_start3A_626, %dma_start3A_627, %dma_start3A_628] : memref<3x1x512x1024xf32, #tpu.memory_space<vmem>> -> memref<1x1x512x1024xf32, #tpu.memory_space<vmem>>
          %dma_start3A_630 = tpu.memref_squeeze %dma_start3A_629 : memref<1x1x512x1024xf32, #tpu.memory_space<vmem>> -> memref<1x512x1024xf32, #tpu.memory_space<vmem>>
          %dma_start3A_631 = arith.constant 0 : i32
          %dma_start3A_632 = arith.constant 0 : i32
          %dma_start3A_633 = tpu.memref_slice %arg2[%mul3A_623, %dma_start3A_631, %dma_start3A_632] : memref<64x512x1024xf32, #tpu.memory_space<hbm>> -> memref<1x512x1024xf32, #tpu.memory_space<hbm>>
          tpu.enqueue_dma source(%dma_start3A_633 : memref<1x512x1024xf32, #tpu.memory_space<hbm>>) target(%dma_start3A_630 : memref<1x512x1024xf32, #tpu.memory_space<vmem>>) target_semaphore(%dma_start3A_625 : memref<!tpu.dma_semaphore, #tpu.memory_space<semaphore_mem>>)
        } else {
        }
        %convert_element_type3A_608 = arith.extui %or3A_606 : i1 to i32
        %add3A_609 = arith.addi %while3A_591, %convert_element_type3A_608 : i32
        %add3A_610 = arith.constant 1 : i32
        %add3A_611 = arith.addi %while3A_590, %add3A_610 : i32
        %select_n3A_612 = arith.constant true
        %select_n3A_613 = arith.select %select_n3A_612, %add3A_611, %while3A_590 : i32
        %select_n3A_614 = arith.constant false
        %select_n3A_615 = arith.constant 0 : i32
        %select_n3A_616 = arith.select %select_n3A_614, %select_n3A_615, %select_n3A_613 : i32
        scf.yield %while3A_590, %select_n3A_616, %add3A_609 : i32, i32, i32
      }
      %add3A_259 = arith.constant 0 : i32
      %add3A_260 = arith.constant 3 : i32
      %add3A_261 = arith.addi %add3A_259, %add3A_260 : i32
      %add3A_262 = arith.constant 1 : i32
      %add3A_263 = arith.addi %select_n3A_172, %add3A_262 : i32
      %lt3A_264 = arith.cmpi ult, %add3A_261, %add3A_263 : i32
      %select_n3A_265 = arith.select %lt3A_264, %add3A_261, %add3A_263 : i32
      %add3A_266 = arith.constant 0 : i32
      %add3A_267 = arith.constant 1 : i32
      %add3A_268 = arith.addi %add3A_266, %add3A_267 : i32
      %select_n3A_269 = arith.constant true
      %select_n3A_270 = arith.constant 0 : i32
      %select_n3A_271 = arith.select %select_n3A_269, %add3A_268, %select_n3A_270 : i32
      %select_n3A_272 = arith.constant false
      %select_n3A_273 = arith.constant 0 : i32
      %select_n3A_274 = arith.select %select_n3A_272, %select_n3A_273, %select_n3A_271 : i32
      %while3A_275 = arith.constant 0 : i32
      %while3A_276:3 = scf.while (%while3A_589 = %while3A_275, %while3A_590 = %select_n3A_274, %while3A_591 = %select_n3A_172) : (i32, i32, i32) -> (i32, i32, i32) {
        %lt3A_592 = arith.cmpi ult, %while3A_591, %select_n3A_265 : i32
        %lt3A_593 = arith.constant 96 : i32
        %lt3A_594 = arith.cmpi slt, %while3A_590, %lt3A_593 : i32
        %and3A = arith.constant true
        %and3A_595 = arith.andi %and3A, %lt3A_594 : i1
        %and3A_596 = arith.constant true
        %and3A_597 = arith.andi %and3A_596, %lt3A_592 : i1
        %and3A_598 = arith.andi %and3A_597, %and3A_595 : i1
        scf.condition(%and3A_598) %while3A_589, %while3A_590, %while3A_591 : i32, i32, i32
      } do {
      ^bb0(%while3A_589: i32, %while3A_590: i32, %while3A_591: i32):
        %add3A_592 = arith.constant 0 : i32
        %add3A_593 = arith.addi %while3A_589, %add3A_592 : i32
        %add3A_594 = arith.constant 0 : i32
        %add3A_595 = arith.addi %while3A_590, %add3A_594 : i32
        %get3A_596 = arith.constant 0 : index
        %get3A_597 = arith.index_cast %add3A_593 : i32 to index
        %get3A_598 = memref.load %arg0[%get3A_596, %get3A_597] : memref<8x128xi32, #tpu.memory_space<smem>>
        %get3A_599 = arith.constant 0 : index
        %get3A_600 = arith.index_cast %add3A_595 : i32 to index
        %get3A_601 = memref.load %arg0[%get3A_599, %get3A_600] : memref<8x128xi32, #tpu.memory_space<smem>>
        %ne3A = arith.cmpi ne, %get3A_598, %get3A_601 : i32
        %or3A = arith.constant false
        %or3A_602 = arith.ori %or3A, %ne3A : i1
        %or3A_603 = arith.constant false
        %or3A_604 = arith.ori %or3A_602, %or3A_603 : i1
        %or3A_605 = arith.constant false
        %or3A_606 = arith.ori %or3A_604, %or3A_605 : i1
        %convert_element_type3A = arith.extui %or3A_606 : i1 to i32
        %cond3A = arith.constant 0 : i32
        %cond3A_607 = arith.cmpi ne, %convert_element_type3A, %cond3A : i32
        scf.if %cond3A_607 {
          %rem3A_617 = arith.constant 3 : i32
          %rem3A_618 = arith.remui %while3A_591, %rem3A_617 : i32
          %get3A_619 = arith.constant 0 : index
          %get3A_620 = arith.index_cast %add3A_595 : i32 to index
          %get3A_621 = memref.load %arg0[%get3A_619, %get3A_620] : memref<8x128xi32, #tpu.memory_space<smem>>
          %mul3A_622 = arith.constant 1 : i32
          %mul3A_623 = arith.muli %mul3A_622, %get3A_621 : i32
          %dma_start3A_624 = tpu.memref_slice %run_scoped3A_4[%rem3A_618] : memref<3x!tpu.dma_semaphore, #tpu.memory_space<semaphore_mem>> -> memref<1x!tpu.dma_semaphore, #tpu.memory_space<semaphore_mem>>
          %dma_start3A_625 = tpu.memref_squeeze %dma_start3A_624 : memref<1x!tpu.dma_semaphore, #tpu.memory_space<semaphore_mem>> -> memref<!tpu.dma_semaphore, #tpu.memory_space<semaphore_mem>>
          %dma_start3A_626 = arith.constant 0 : i32
          %dma_start3A_627 = arith.constant 0 : i32
          %dma_start3A_628 = arith.constant 0 : i32
          %dma_start3A_629 = tpu.memref_slice %run_scoped3A_3[%rem3A_618, %dma_start3A_626, %dma_start3A_627, %dma_start3A_628] : memref<3x1x512x1024xf32, #tpu.memory_space<vmem>> -> memref<1x1x512x1024xf32, #tpu.memory_space<vmem>>
          %dma_start3A_630 = tpu.memref_squeeze %dma_start3A_629 : memref<1x1x512x1024xf32, #tpu.memory_space<vmem>> -> memref<1x512x1024xf32, #tpu.memory_space<vmem>>
          %dma_start3A_631 = arith.constant 0 : i32
          %dma_start3A_632 = arith.constant 0 : i32
          %dma_start3A_633 = tpu.memref_slice %arg3[%mul3A_623, %dma_start3A_631, %dma_start3A_632] : memref<64x512x1024xf32, #tpu.memory_space<hbm>> -> memref<1x512x1024xf32, #tpu.memory_space<hbm>>
          tpu.enqueue_dma source(%dma_start3A_633 : memref<1x512x1024xf32, #tpu.memory_space<hbm>>) target(%dma_start3A_630 : memref<1x512x1024xf32, #tpu.memory_space<vmem>>) target_semaphore(%dma_start3A_625 : memref<!tpu.dma_semaphore, #tpu.memory_space<semaphore_mem>>)
        } else {
        }
        %convert_element_type3A_608 = arith.extui %or3A_606 : i1 to i32
        %add3A_609 = arith.addi %while3A_591, %convert_element_type3A_608 : i32
        %add3A_610 = arith.constant 1 : i32
        %add3A_611 = arith.addi %while3A_590, %add3A_610 : i32
        %select_n3A_612 = arith.constant true
        %select_n3A_613 = arith.select %select_n3A_612, %add3A_611, %while3A_590 : i32
        %select_n3A_614 = arith.constant false
        %select_n3A_615 = arith.constant 0 : i32
        %select_n3A_616 = arith.select %select_n3A_614, %select_n3A_615, %select_n3A_613 : i32
        scf.yield %while3A_590, %select_n3A_616, %add3A_609 : i32, i32, i32
      }
      %add3A_277 = arith.constant 0 : i32
      %add3A_278 = arith.constant 3 : i32
      %add3A_279 = arith.addi %add3A_277, %add3A_278 : i32
      %add3A_280 = arith.constant 1 : i32
      %add3A_281 = arith.addi %select_n3A_199, %add3A_280 : i32
      %lt3A_282 = arith.cmpi ult, %add3A_279, %add3A_281 : i32
      %select_n3A_283 = arith.select %lt3A_282, %add3A_279, %add3A_281 : i32
      %add3A_284 = arith.constant 0 : i32
      %add3A_285 = arith.constant 1 : i32
      %add3A_286 = arith.addi %add3A_284, %add3A_285 : i32
      %select_n3A_287 = arith.constant true
      %select_n3A_288 = arith.constant 0 : i32
      %select_n3A_289 = arith.select %select_n3A_287, %add3A_286, %select_n3A_288 : i32
      %select_n3A_290 = arith.constant false
      %select_n3A_291 = arith.constant 0 : i32
      %select_n3A_292 = arith.select %select_n3A_290, %select_n3A_291, %select_n3A_289 : i32
      %while3A_293 = arith.constant 0 : i32
      %while3A_294:3 = scf.while (%while3A_589 = %while3A_293, %while3A_590 = %select_n3A_292, %while3A_591 = %select_n3A_199) : (i32, i32, i32) -> (i32, i32, i32) {
        %lt3A_592 = arith.cmpi ult, %while3A_591, %select_n3A_283 : i32
        %lt3A_593 = arith.constant 96 : i32
        %lt3A_594 = arith.cmpi slt, %while3A_590, %lt3A_593 : i32
        %and3A = arith.constant true
        %and3A_595 = arith.andi %and3A, %lt3A_594 : i1
        %and3A_596 = arith.constant true
        %and3A_597 = arith.andi %and3A_596, %lt3A_592 : i1
        %and3A_598 = arith.andi %and3A_597, %and3A_595 : i1
        scf.condition(%and3A_598) %while3A_589, %while3A_590, %while3A_591 : i32, i32, i32
      } do {
      ^bb0(%while3A_589: i32, %while3A_590: i32, %while3A_591: i32):
        %add3A_592 = arith.constant 0 : i32
        %add3A_593 = arith.addi %while3A_589, %add3A_592 : i32
        %add3A_594 = arith.constant 0 : i32
        %add3A_595 = arith.addi %while3A_590, %add3A_594 : i32
        %get3A_596 = arith.constant 0 : index
        %get3A_597 = arith.index_cast %add3A_593 : i32 to index
        %get3A_598 = memref.load %arg0[%get3A_596, %get3A_597] : memref<8x128xi32, #tpu.memory_space<smem>>
        %get3A_599 = arith.constant 0 : index
        %get3A_600 = arith.index_cast %add3A_595 : i32 to index
        %get3A_601 = memref.load %arg0[%get3A_599, %get3A_600] : memref<8x128xi32, #tpu.memory_space<smem>>
        %ne3A = arith.cmpi ne, %get3A_598, %get3A_601 : i32
        %or3A = arith.constant false
        %or3A_602 = arith.ori %or3A, %ne3A : i1
        %or3A_603 = arith.constant false
        %or3A_604 = arith.ori %or3A_602, %or3A_603 : i1
        %or3A_605 = arith.constant false
        %or3A_606 = arith.ori %or3A_604, %or3A_605 : i1
        %convert_element_type3A = arith.extui %or3A_606 : i1 to i32
        %cond3A = arith.constant 0 : i32
        %cond3A_607 = arith.cmpi ne, %convert_element_type3A, %cond3A : i32
        scf.if %cond3A_607 {
          %rem3A_617 = arith.constant 3 : i32
          %rem3A_618 = arith.remui %while3A_591, %rem3A_617 : i32
          %get3A_619 = arith.constant 0 : index
          %get3A_620 = arith.index_cast %add3A_595 : i32 to index
          %get3A_621 = memref.load %arg0[%get3A_619, %get3A_620] : memref<8x128xi32, #tpu.memory_space<smem>>
          %mul3A_622 = arith.constant 1 : i32
          %mul3A_623 = arith.muli %mul3A_622, %get3A_621 : i32
          %dma_start3A_624 = tpu.memref_slice %run_scoped3A_6[%rem3A_618] : memref<3x!tpu.dma_semaphore, #tpu.memory_space<semaphore_mem>> -> memref<1x!tpu.dma_semaphore, #tpu.memory_space<semaphore_mem>>
          %dma_start3A_625 = tpu.memref_squeeze %dma_start3A_624 : memref<1x!tpu.dma_semaphore, #tpu.memory_space<semaphore_mem>> -> memref<!tpu.dma_semaphore, #tpu.memory_space<semaphore_mem>>
          %dma_start3A_626 = arith.constant 0 : i32
          %dma_start3A_627 = arith.constant 0 : i32
          %dma_start3A_628 = arith.constant 0 : i32
          %dma_start3A_629 = tpu.memref_slice %run_scoped3A_5[%rem3A_618, %dma_start3A_626, %dma_start3A_627, %dma_start3A_628] : memref<3x1x1024x512xf32, #tpu.memory_space<vmem>> -> memref<1x1x1024x512xf32, #tpu.memory_space<vmem>>
          %dma_start3A_630 = tpu.memref_squeeze %dma_start3A_629 : memref<1x1x1024x512xf32, #tpu.memory_space<vmem>> -> memref<1x1024x512xf32, #tpu.memory_space<vmem>>
          %dma_start3A_631 = arith.constant 0 : i32
          %dma_start3A_632 = arith.constant 0 : i32
          %dma_start3A_633 = tpu.memref_slice %arg4[%mul3A_623, %dma_start3A_631, %dma_start3A_632] : memref<64x1024x512xf32, #tpu.memory_space<hbm>> -> memref<1x1024x512xf32, #tpu.memory_space<hbm>>
          tpu.enqueue_dma source(%dma_start3A_633 : memref<1x1024x512xf32, #tpu.memory_space<hbm>>) target(%dma_start3A_630 : memref<1x1024x512xf32, #tpu.memory_space<vmem>>) target_semaphore(%dma_start3A_625 : memref<!tpu.dma_semaphore, #tpu.memory_space<semaphore_mem>>)
        } else {
        }
        %convert_element_type3A_608 = arith.extui %or3A_606 : i1 to i32
        %add3A_609 = arith.addi %while3A_591, %convert_element_type3A_608 : i32
        %add3A_610 = arith.constant 1 : i32
        %add3A_611 = arith.addi %while3A_590, %add3A_610 : i32
        %select_n3A_612 = arith.constant true
        %select_n3A_613 = arith.select %select_n3A_612, %add3A_611, %while3A_590 : i32
        %select_n3A_614 = arith.constant false
        %select_n3A_615 = arith.constant 0 : i32
        %select_n3A_616 = arith.select %select_n3A_614, %select_n3A_615, %select_n3A_613 : i32
        scf.yield %while3A_590, %select_n3A_616, %add3A_609 : i32, i32, i32
      }
      %add3A_295 = arith.constant 0 : i32
      %add3A_296 = arith.constant 8 : i32
      %add3A_297 = arith.addi %add3A_295, %add3A_296 : i32
      %add3A_298 = arith.constant 1 : i32
      %add3A_299 = arith.addi %select_n3A_224, %add3A_298 : i32
      %lt3A_300 = arith.cmpi ult, %add3A_297, %add3A_299 : i32
      %select_n3A_301 = arith.select %lt3A_300, %add3A_297, %add3A_299 : i32
      %add3A_302 = arith.constant 0 : i32
      %add3A_303 = arith.constant 1 : i32
      %add3A_304 = arith.addi %add3A_302, %add3A_303 : i32
      %select_n3A_305 = arith.constant true
      %select_n3A_306 = arith.constant 0 : i32
      %select_n3A_307 = arith.select %select_n3A_305, %add3A_304, %select_n3A_306 : i32
      %select_n3A_308 = arith.constant false
      %select_n3A_309 = arith.constant 0 : i32
      %select_n3A_310 = arith.select %select_n3A_308, %select_n3A_309, %select_n3A_307 : i32
      %while3A_311 = arith.constant 0 : i32
      %while3A_312:3 = scf.while (%while3A_589 = %while3A_311, %while3A_590 = %select_n3A_310, %while3A_591 = %select_n3A_224) : (i32, i32, i32) -> (i32, i32, i32) {
        %lt3A_592 = arith.cmpi ult, %while3A_591, %select_n3A_301 : i32
        %lt3A_593 = arith.constant 96 : i32
        %lt3A_594 = arith.cmpi slt, %while3A_590, %lt3A_593 : i32
        %and3A = arith.constant true
        %and3A_595 = arith.andi %and3A, %lt3A_594 : i1
        %and3A_596 = arith.constant true
        %and3A_597 = arith.andi %and3A_596, %lt3A_592 : i1
        %and3A_598 = arith.andi %and3A_597, %and3A_595 : i1
        scf.condition(%and3A_598) %while3A_589, %while3A_590, %while3A_591 : i32, i32, i32
      } do {
      ^bb0(%while3A_589: i32, %while3A_590: i32, %while3A_591: i32):
        %add3A_592 = arith.constant 0 : i32
        %add3A_593 = arith.addi %while3A_589, %add3A_592 : i32
        %add3A_594 = arith.constant 0 : i32
        %add3A_595 = arith.addi %while3A_590, %add3A_594 : i32
        %get3A_596 = arith.constant 1 : index
        %get3A_597 = arith.index_cast %add3A_593 : i32 to index
        %get3A_598 = memref.load %arg0[%get3A_596, %get3A_597] : memref<8x128xi32, #tpu.memory_space<smem>>
        %get3A_599 = arith.constant 1 : index
        %get3A_600 = arith.index_cast %add3A_595 : i32 to index
        %get3A_601 = memref.load %arg0[%get3A_599, %get3A_600] : memref<8x128xi32, #tpu.memory_space<smem>>
        %ne3A = arith.cmpi ne, %get3A_598, %get3A_601 : i32
        %or3A = arith.constant false
        %or3A_602 = arith.ori %or3A, %ne3A : i1
        %or3A_603 = arith.constant false
        %or3A_604 = arith.ori %or3A_602, %or3A_603 : i1
        %convert_element_type3A = arith.extui %or3A_604 : i1 to i32
        %cond3A = arith.constant 0 : i32
        %cond3A_605 = arith.cmpi ne, %convert_element_type3A, %cond3A : i32
        scf.if %cond3A_605 {
          %rem3A_615 = arith.constant 8 : i32
          %rem3A_616 = arith.remui %while3A_591, %rem3A_615 : i32
          %get3A_617 = arith.constant 1 : index
          %get3A_618 = arith.index_cast %add3A_595 : i32 to index
          %get3A_619 = memref.load %arg0[%get3A_617, %get3A_618] : memref<8x128xi32, #tpu.memory_space<smem>>
          %mul3A_620 = arith.constant 64 : i32
          %mul3A_621 = arith.muli %mul3A_620, %get3A_619 : i32
          %dma_start3A_622 = tpu.memref_slice %run_scoped3A_8[%rem3A_616] : memref<8x!tpu.dma_semaphore, #tpu.memory_space<semaphore_mem>> -> memref<1x!tpu.dma_semaphore, #tpu.memory_space<semaphore_mem>>
          %dma_start3A_623 = tpu.memref_squeeze %dma_start3A_622 : memref<1x!tpu.dma_semaphore, #tpu.memory_space<semaphore_mem>> -> memref<!tpu.dma_semaphore, #tpu.memory_space<semaphore_mem>>
          %dma_start3A_624 = arith.constant 0 : i32
          %dma_start3A_625 = arith.constant 0 : i32
          %dma_start3A_626 = tpu.memref_slice %run_scoped3A_7[%rem3A_616, %dma_start3A_624, %dma_start3A_625] : memref<8x64x128xf32, #tpu.memory_space<vmem>> -> memref<1x64x128xf32, #tpu.memory_space<vmem>>
          %dma_start3A_627 = tpu.memref_squeeze %dma_start3A_626 : memref<1x64x128xf32, #tpu.memory_space<vmem>> -> memref<64x128xf32, #tpu.memory_space<vmem>>
          %dma_start3A_628 = arith.constant 0 : i32
          %dma_start3A_629 = tpu.memref_slice %arg5[%mul3A_621, %dma_start3A_628] : memref<6144x128xf32, #tpu.memory_space<hbm>> -> memref<64x128xf32, #tpu.memory_space<hbm>>
          tpu.enqueue_dma source(%dma_start3A_629 : memref<64x128xf32, #tpu.memory_space<hbm>>) target(%dma_start3A_627 : memref<64x128xf32, #tpu.memory_space<vmem>>) target_semaphore(%dma_start3A_623 : memref<!tpu.dma_semaphore, #tpu.memory_space<semaphore_mem>>)
        } else {
        }
        %convert_element_type3A_606 = arith.extui %or3A_604 : i1 to i32
        %add3A_607 = arith.addi %while3A_591, %convert_element_type3A_606 : i32
        %add3A_608 = arith.constant 1 : i32
        %add3A_609 = arith.addi %while3A_590, %add3A_608 : i32
        %select_n3A_610 = arith.constant true
        %select_n3A_611 = arith.select %select_n3A_610, %add3A_609, %while3A_590 : i32
        %select_n3A_612 = arith.constant false
        %select_n3A_613 = arith.constant 0 : i32
        %select_n3A_614 = arith.select %select_n3A_612, %select_n3A_613, %select_n3A_611 : i32
        scf.yield %while3A_590, %select_n3A_614, %add3A_607 : i32, i32, i32
      }
      "tpu.trace_stop"() : () -> ()
      "tpu.trace_start"() <{level = 10 : i32, message = "ep_initialize_2"}> : () -> ()
      %add3A_313 = arith.constant 0 : i32
      %add3A_314 = arith.constant 8 : i32
      %add3A_315 = arith.addi %add3A_313, %add3A_314 : i32
      %add3A_316 = arith.constant 1 : i32
      %add3A_317 = arith.addi %while3A_240#2, %add3A_316 : i32
      %lt3A_318 = arith.cmpi ult, %add3A_315, %add3A_317 : i32
      %select_n3A_319 = arith.select %lt3A_318, %add3A_315, %add3A_317 : i32
      %add3A_320 = arith.constant 1 : i32
      %add3A_321 = arith.addi %while3A_240#0, %add3A_320 : i32
      %select_n3A_322 = arith.constant true
      %select_n3A_323 = arith.select %select_n3A_322, %add3A_321, %while3A_240#0 : i32
      %select_n3A_324 = arith.constant false
      %select_n3A_325 = arith.constant 0 : i32
      %select_n3A_326 = arith.select %select_n3A_324, %select_n3A_325, %select_n3A_323 : i32
      %while3A_327:3 = scf.while (%while3A_589 = %while3A_240#0, %while3A_590 = %select_n3A_326, %while3A_591 = %while3A_240#2) : (i32, i32, i32) -> (i32, i32, i32) {
        %lt3A_592 = arith.cmpi ult, %while3A_591, %select_n3A_319 : i32
        %lt3A_593 = arith.constant 96 : i32
        %lt3A_594 = arith.cmpi slt, %while3A_590, %lt3A_593 : i32
        %and3A = arith.constant true
        %and3A_595 = arith.andi %and3A, %lt3A_594 : i1
        %and3A_596 = arith.constant true
        %and3A_597 = arith.andi %and3A_596, %lt3A_592 : i1
        %and3A_598 = arith.andi %and3A_597, %and3A_595 : i1
        scf.condition(%and3A_598) %while3A_589, %while3A_590, %while3A_591 : i32, i32, i32
      } do {
      ^bb0(%while3A_589: i32, %while3A_590: i32, %while3A_591: i32):
        %add3A_592 = arith.constant 0 : i32
        %add3A_593 = arith.addi %while3A_589, %add3A_592 : i32
        %add3A_594 = arith.constant 0 : i32
        %add3A_595 = arith.addi %while3A_590, %add3A_594 : i32
        %get3A_596 = arith.constant 1 : index
        %get3A_597 = arith.index_cast %add3A_593 : i32 to index
        %get3A_598 = memref.load %arg0[%get3A_596, %get3A_597] : memref<8x128xi32, #tpu.memory_space<smem>>
        %get3A_599 = arith.constant 1 : index
        %get3A_600 = arith.index_cast %add3A_595 : i32 to index
        %get3A_601 = memref.load %arg0[%get3A_599, %get3A_600] : memref<8x128xi32, #tpu.memory_space<smem>>
        %ne3A = arith.cmpi ne, %get3A_598, %get3A_601 : i32
        %or3A = arith.constant false
        %or3A_602 = arith.ori %or3A, %ne3A : i1
        %or3A_603 = arith.constant false
        %or3A_604 = arith.ori %or3A_602, %or3A_603 : i1
        %convert_element_type3A = arith.extui %or3A_604 : i1 to i32
        %cond3A = arith.constant 0 : i32
        %cond3A_605 = arith.cmpi ne, %convert_element_type3A, %cond3A : i32
        scf.if %cond3A_605 {
          %rem3A_615 = arith.constant 8 : i32
          %rem3A_616 = arith.remui %while3A_591, %rem3A_615 : i32
          %get3A_617 = arith.constant 1 : index
          %get3A_618 = arith.index_cast %add3A_595 : i32 to index
          %get3A_619 = memref.load %arg0[%get3A_617, %get3A_618] : memref<8x128xi32, #tpu.memory_space<smem>>
          %mul3A_620 = arith.constant 64 : i32
          %mul3A_621 = arith.muli %mul3A_620, %get3A_619 : i32
          %dma_start3A_622 = tpu.memref_slice %run_scoped3A_0[%rem3A_616] : memref<8x!tpu.dma_semaphore, #tpu.memory_space<semaphore_mem>> -> memref<1x!tpu.dma_semaphore, #tpu.memory_space<semaphore_mem>>
          %dma_start3A_623 = tpu.memref_squeeze %dma_start3A_622 : memref<1x!tpu.dma_semaphore, #tpu.memory_space<semaphore_mem>> -> memref<!tpu.dma_semaphore, #tpu.memory_space<semaphore_mem>>
          %dma_start3A_624 = arith.constant 0 : i32
          %dma_start3A_625 = arith.constant 0 : i32
          %dma_start3A_626 = tpu.memref_slice %run_scoped3A[%rem3A_616, %dma_start3A_624, %dma_start3A_625] : memref<8x64x1024xf32, #tpu.memory_space<vmem>> -> memref<1x64x1024xf32, #tpu.memory_space<vmem>>
          %dma_start3A_627 = tpu.memref_squeeze %dma_start3A_626 : memref<1x64x1024xf32, #tpu.memory_space<vmem>> -> memref<64x1024xf32, #tpu.memory_space<vmem>>
          %dma_start3A_628 = arith.constant 0 : i32
          %dma_start3A_629 = tpu.memref_slice %arg1[%mul3A_621, %dma_start3A_628] : memref<6144x1024xf32, #tpu.memory_space<hbm>> -> memref<64x1024xf32, #tpu.memory_space<hbm>>
          tpu.enqueue_dma source(%dma_start3A_629 : memref<64x1024xf32, #tpu.memory_space<hbm>>) target(%dma_start3A_627 : memref<64x1024xf32, #tpu.memory_space<vmem>>) target_semaphore(%dma_start3A_623 : memref<!tpu.dma_semaphore, #tpu.memory_space<semaphore_mem>>)
        } else {
        }
        %convert_element_type3A_606 = arith.extui %or3A_604 : i1 to i32
        %add3A_607 = arith.addi %while3A_591, %convert_element_type3A_606 : i32
        %add3A_608 = arith.constant 1 : i32
        %add3A_609 = arith.addi %while3A_590, %add3A_608 : i32
        %select_n3A_610 = arith.constant true
        %select_n3A_611 = arith.select %select_n3A_610, %add3A_609, %while3A_590 : i32
        %select_n3A_612 = arith.constant false
        %select_n3A_613 = arith.constant 0 : i32
        %select_n3A_614 = arith.select %select_n3A_612, %select_n3A_613, %select_n3A_611 : i32
        scf.yield %while3A_590, %select_n3A_614, %add3A_607 : i32, i32, i32
      }
      %add3A_328 = arith.constant 0 : i32
      %add3A_329 = arith.constant 8 : i32
      %add3A_330 = arith.addi %add3A_328, %add3A_329 : i32
      %add3A_331 = arith.constant 1 : i32
      %add3A_332 = arith.addi %while3A_312#2, %add3A_331 : i32
      %lt3A_333 = arith.cmpi ult, %add3A_330, %add3A_332 : i32
      %select_n3A_334 = arith.select %lt3A_333, %add3A_330, %add3A_332 : i32
      %add3A_335 = arith.constant 1 : i32
      %add3A_336 = arith.addi %while3A_312#0, %add3A_335 : i32
      %select_n3A_337 = arith.constant true
      %select_n3A_338 = arith.select %select_n3A_337, %add3A_336, %while3A_312#0 : i32
      %select_n3A_339 = arith.constant false
      %select_n3A_340 = arith.constant 0 : i32
      %select_n3A_341 = arith.select %select_n3A_339, %select_n3A_340, %select_n3A_338 : i32
      %while3A_342:3 = scf.while (%while3A_589 = %while3A_312#0, %while3A_590 = %select_n3A_341, %while3A_591 = %while3A_312#2) : (i32, i32, i32) -> (i32, i32, i32) {
        %lt3A_592 = arith.cmpi ult, %while3A_591, %select_n3A_334 : i32
        %lt3A_593 = arith.constant 96 : i32
        %lt3A_594 = arith.cmpi slt, %while3A_590, %lt3A_593 : i32
        %and3A = arith.constant true
        %and3A_595 = arith.andi %and3A, %lt3A_594 : i1
        %and3A_596 = arith.constant true
        %and3A_597 = arith.andi %and3A_596, %lt3A_592 : i1
        %and3A_598 = arith.andi %and3A_597, %and3A_595 : i1
        scf.condition(%and3A_598) %while3A_589, %while3A_590, %while3A_591 : i32, i32, i32
      } do {
      ^bb0(%while3A_589: i32, %while3A_590: i32, %while3A_591: i32):
        %add3A_592 = arith.constant 0 : i32
        %add3A_593 = arith.addi %while3A_589, %add3A_592 : i32
        %add3A_594 = arith.constant 0 : i32
        %add3A_595 = arith.addi %while3A_590, %add3A_594 : i32
        %get3A_596 = arith.constant 1 : index
        %get3A_597 = arith.index_cast %add3A_593 : i32 to index
        %get3A_598 = memref.load %arg0[%get3A_596, %get3A_597] : memref<8x128xi32, #tpu.memory_space<smem>>
        %get3A_599 = arith.constant 1 : index
        %get3A_600 = arith.index_cast %add3A_595 : i32 to index
        %get3A_601 = memref.load %arg0[%get3A_599, %get3A_600] : memref<8x128xi32, #tpu.memory_space<smem>>
        %ne3A = arith.cmpi ne, %get3A_598, %get3A_601 : i32
        %or3A = arith.constant false
        %or3A_602 = arith.ori %or3A, %ne3A : i1
        %or3A_603 = arith.constant false
        %or3A_604 = arith.ori %or3A_602, %or3A_603 : i1
        %convert_element_type3A = arith.extui %or3A_604 : i1 to i32
        %cond3A = arith.constant 0 : i32
        %cond3A_605 = arith.cmpi ne, %convert_element_type3A, %cond3A : i32
        scf.if %cond3A_605 {
          %rem3A_615 = arith.constant 8 : i32
          %rem3A_616 = arith.remui %while3A_591, %rem3A_615 : i32
          %get3A_617 = arith.constant 1 : index
          %get3A_618 = arith.index_cast %add3A_595 : i32 to index
          %get3A_619 = memref.load %arg0[%get3A_617, %get3A_618] : memref<8x128xi32, #tpu.memory_space<smem>>
          %mul3A_620 = arith.constant 64 : i32
          %mul3A_621 = arith.muli %mul3A_620, %get3A_619 : i32
          %dma_start3A_622 = tpu.memref_slice %run_scoped3A_8[%rem3A_616] : memref<8x!tpu.dma_semaphore, #tpu.memory_space<semaphore_mem>> -> memref<1x!tpu.dma_semaphore, #tpu.memory_space<semaphore_mem>>
          %dma_start3A_623 = tpu.memref_squeeze %dma_start3A_622 : memref<1x!tpu.dma_semaphore, #tpu.memory_space<semaphore_mem>> -> memref<!tpu.dma_semaphore, #tpu.memory_space<semaphore_mem>>
          %dma_start3A_624 = arith.constant 0 : i32
          %dma_start3A_625 = arith.constant 0 : i32
          %dma_start3A_626 = tpu.memref_slice %run_scoped3A_7[%rem3A_616, %dma_start3A_624, %dma_start3A_625] : memref<8x64x128xf32, #tpu.memory_space<vmem>> -> memref<1x64x128xf32, #tpu.memory_space<vmem>>
          %dma_start3A_627 = tpu.memref_squeeze %dma_start3A_626 : memref<1x64x128xf32, #tpu.memory_space<vmem>> -> memref<64x128xf32, #tpu.memory_space<vmem>>
          %dma_start3A_628 = arith.constant 0 : i32
          %dma_start3A_629 = tpu.memref_slice %arg5[%mul3A_621, %dma_start3A_628] : memref<6144x128xf32, #tpu.memory_space<hbm>> -> memref<64x128xf32, #tpu.memory_space<hbm>>
          tpu.enqueue_dma source(%dma_start3A_629 : memref<64x128xf32, #tpu.memory_space<hbm>>) target(%dma_start3A_627 : memref<64x128xf32, #tpu.memory_space<vmem>>) target_semaphore(%dma_start3A_623 : memref<!tpu.dma_semaphore, #tpu.memory_space<semaphore_mem>>)
        } else {
        }
        %convert_element_type3A_606 = arith.extui %or3A_604 : i1 to i32
        %add3A_607 = arith.addi %while3A_591, %convert_element_type3A_606 : i32
        %add3A_608 = arith.constant 1 : i32
        %add3A_609 = arith.addi %while3A_590, %add3A_608 : i32
        %select_n3A_610 = arith.constant true
        %select_n3A_611 = arith.select %select_n3A_610, %add3A_609, %while3A_590 : i32
        %select_n3A_612 = arith.constant false
        %select_n3A_613 = arith.constant 0 : i32
        %select_n3A_614 = arith.select %select_n3A_612, %select_n3A_613, %select_n3A_611 : i32
        scf.yield %while3A_590, %select_n3A_614, %add3A_607 : i32, i32, i32
      }
      "tpu.trace_stop"() : () -> ()
      "tpu.trace_start"() <{level = 10 : i32, message = "ep_initialize_3"}> : () -> ()
      %add3A_343 = arith.constant 0 : i32
      %add3A_344 = arith.constant 8 : i32
      %add3A_345 = arith.addi %add3A_343, %add3A_344 : i32
      %add3A_346 = arith.constant 1 : i32
      %add3A_347 = arith.addi %while3A_327#2, %add3A_346 : i32
      %lt3A_348 = arith.cmpi ult, %add3A_345, %add3A_347 : i32
      %select_n3A_349 = arith.select %lt3A_348, %add3A_345, %add3A_347 : i32
      %add3A_350 = arith.constant 1 : i32
      %add3A_351 = arith.addi %while3A_327#0, %add3A_350 : i32
      %select_n3A_352 = arith.constant true
      %select_n3A_353 = arith.select %select_n3A_352, %add3A_351, %while3A_327#0 : i32
      %select_n3A_354 = arith.constant false
      %select_n3A_355 = arith.constant 0 : i32
      %select_n3A_356 = arith.select %select_n3A_354, %select_n3A_355, %select_n3A_353 : i32
      %while3A_357:3 = scf.while (%while3A_589 = %while3A_327#0, %while3A_590 = %select_n3A_356, %while3A_591 = %while3A_327#2) : (i32, i32, i32) -> (i32, i32, i32) {
        %lt3A_592 = arith.cmpi ult, %while3A_591, %select_n3A_349 : i32
        %lt3A_593 = arith.constant 96 : i32
        %lt3A_594 = arith.cmpi slt, %while3A_590, %lt3A_593 : i32
        %and3A = arith.constant true
        %and3A_595 = arith.andi %and3A, %lt3A_594 : i1
        %and3A_596 = arith.constant true
        %and3A_597 = arith.andi %and3A_596, %lt3A_592 : i1
        %and3A_598 = arith.andi %and3A_597, %and3A_595 : i1
        scf.condition(%and3A_598) %while3A_589, %while3A_590, %while3A_591 : i32, i32, i32
      } do {
      ^bb0(%while3A_589: i32, %while3A_590: i32, %while3A_591: i32):
        %add3A_592 = arith.constant 0 : i32
        %add3A_593 = arith.addi %while3A_589, %add3A_592 : i32
        %add3A_594 = arith.constant 0 : i32
        %add3A_595 = arith.addi %while3A_590, %add3A_594 : i32
        %get3A_596 = arith.constant 1 : index
        %get3A_597 = arith.index_cast %add3A_593 : i32 to index
        %get3A_598 = memref.load %arg0[%get3A_596, %get3A_597] : memref<8x128xi32, #tpu.memory_space<smem>>
        %get3A_599 = arith.constant 1 : index
        %get3A_600 = arith.index_cast %add3A_595 : i32 to index
        %get3A_601 = memref.load %arg0[%get3A_599, %get3A_600] : memref<8x128xi32, #tpu.memory_space<smem>>
        %ne3A = arith.cmpi ne, %get3A_598, %get3A_601 : i32
        %or3A = arith.constant false
        %or3A_602 = arith.ori %or3A, %ne3A : i1
        %or3A_603 = arith.constant false
        %or3A_604 = arith.ori %or3A_602, %or3A_603 : i1
        %convert_element_type3A = arith.extui %or3A_604 : i1 to i32
        %cond3A = arith.constant 0 : i32
        %cond3A_605 = arith.cmpi ne, %convert_element_type3A, %cond3A : i32
        scf.if %cond3A_605 {
          %rem3A_615 = arith.constant 8 : i32
          %rem3A_616 = arith.remui %while3A_591, %rem3A_615 : i32
          %get3A_617 = arith.constant 1 : index
          %get3A_618 = arith.index_cast %add3A_595 : i32 to index
          %get3A_619 = memref.load %arg0[%get3A_617, %get3A_618] : memref<8x128xi32, #tpu.memory_space<smem>>
          %mul3A_620 = arith.constant 64 : i32
          %mul3A_621 = arith.muli %mul3A_620, %get3A_619 : i32
          %dma_start3A_622 = tpu.memref_slice %run_scoped3A_0[%rem3A_616] : memref<8x!tpu.dma_semaphore, #tpu.memory_space<semaphore_mem>> -> memref<1x!tpu.dma_semaphore, #tpu.memory_space<semaphore_mem>>
          %dma_start3A_623 = tpu.memref_squeeze %dma_start3A_622 : memref<1x!tpu.dma_semaphore, #tpu.memory_space<semaphore_mem>> -> memref<!tpu.dma_semaphore, #tpu.memory_space<semaphore_mem>>
          %dma_start3A_624 = arith.constant 0 : i32
          %dma_start3A_625 = arith.constant 0 : i32
          %dma_start3A_626 = tpu.memref_slice %run_scoped3A[%rem3A_616, %dma_start3A_624, %dma_start3A_625] : memref<8x64x1024xf32, #tpu.memory_space<vmem>> -> memref<1x64x1024xf32, #tpu.memory_space<vmem>>
          %dma_start3A_627 = tpu.memref_squeeze %dma_start3A_626 : memref<1x64x1024xf32, #tpu.memory_space<vmem>> -> memref<64x1024xf32, #tpu.memory_space<vmem>>
          %dma_start3A_628 = arith.constant 0 : i32
          %dma_start3A_629 = tpu.memref_slice %arg1[%mul3A_621, %dma_start3A_628] : memref<6144x1024xf32, #tpu.memory_space<hbm>> -> memref<64x1024xf32, #tpu.memory_space<hbm>>
          tpu.enqueue_dma source(%dma_start3A_629 : memref<64x1024xf32, #tpu.memory_space<hbm>>) target(%dma_start3A_627 : memref<64x1024xf32, #tpu.memory_space<vmem>>) target_semaphore(%dma_start3A_623 : memref<!tpu.dma_semaphore, #tpu.memory_space<semaphore_mem>>)
        } else {
        }
        %convert_element_type3A_606 = arith.extui %or3A_604 : i1 to i32
        %add3A_607 = arith.addi %while3A_591, %convert_element_type3A_606 : i32
        %add3A_608 = arith.constant 1 : i32
        %add3A_609 = arith.addi %while3A_590, %add3A_608 : i32
        %select_n3A_610 = arith.constant true
        %select_n3A_611 = arith.select %select_n3A_610, %add3A_609, %while3A_590 : i32
        %select_n3A_612 = arith.constant false
        %select_n3A_613 = arith.constant 0 : i32
        %select_n3A_614 = arith.select %select_n3A_612, %select_n3A_613, %select_n3A_611 : i32
        scf.yield %while3A_590, %select_n3A_614, %add3A_607 : i32, i32, i32
      }
      %add3A_358 = arith.constant 0 : i32
      %add3A_359 = arith.constant 8 : i32
      %add3A_360 = arith.addi %add3A_358, %add3A_359 : i32
      %add3A_361 = arith.constant 1 : i32
      %add3A_362 = arith.addi %while3A_342#2, %add3A_361 : i32
      %lt3A_363 = arith.cmpi ult, %add3A_360, %add3A_362 : i32
      %select_n3A_364 = arith.select %lt3A_363, %add3A_360, %add3A_362 : i32
      %add3A_365 = arith.constant 1 : i32
      %add3A_366 = arith.addi %while3A_342#0, %add3A_365 : i32
      %select_n3A_367 = arith.constant true
      %select_n3A_368 = arith.select %select_n3A_367, %add3A_366, %while3A_342#0 : i32
      %select_n3A_369 = arith.constant false
      %select_n3A_370 = arith.constant 0 : i32
      %select_n3A_371 = arith.select %select_n3A_369, %select_n3A_370, %select_n3A_368 : i32
      %while3A_372:3 = scf.while (%while3A_589 = %while3A_342#0, %while3A_590 = %select_n3A_371, %while3A_591 = %while3A_342#2) : (i32, i32, i32) -> (i32, i32, i32) {
        %lt3A_592 = arith.cmpi ult, %while3A_591, %select_n3A_364 : i32
        %lt3A_593 = arith.constant 96 : i32
        %lt3A_594 = arith.cmpi slt, %while3A_590, %lt3A_593 : i32
        %and3A = arith.constant true
        %and3A_595 = arith.andi %and3A, %lt3A_594 : i1
        %and3A_596 = arith.constant true
        %and3A_597 = arith.andi %and3A_596, %lt3A_592 : i1
        %and3A_598 = arith.andi %and3A_597, %and3A_595 : i1
        scf.condition(%and3A_598) %while3A_589, %while3A_590, %while3A_591 : i32, i32, i32
      } do {
      ^bb0(%while3A_589: i32, %while3A_590: i32, %while3A_591: i32):
        %add3A_592 = arith.constant 0 : i32
        %add3A_593 = arith.addi %while3A_589, %add3A_592 : i32
        %add3A_594 = arith.constant 0 : i32
        %add3A_595 = arith.addi %while3A_590, %add3A_594 : i32
        %get3A_596 = arith.constant 1 : index
        %get3A_597 = arith.index_cast %add3A_593 : i32 to index
        %get3A_598 = memref.load %arg0[%get3A_596, %get3A_597] : memref<8x128xi32, #tpu.memory_space<smem>>
        %get3A_599 = arith.constant 1 : index
        %get3A_600 = arith.index_cast %add3A_595 : i32 to index
        %get3A_601 = memref.load %arg0[%get3A_599, %get3A_600] : memref<8x128xi32, #tpu.memory_space<smem>>
        %ne3A = arith.cmpi ne, %get3A_598, %get3A_601 : i32
        %or3A = arith.constant false
        %or3A_602 = arith.ori %or3A, %ne3A : i1
        %or3A_603 = arith.constant false
        %or3A_604 = arith.ori %or3A_602, %or3A_603 : i1
        %convert_element_type3A = arith.extui %or3A_604 : i1 to i32
        %cond3A = arith.constant 0 : i32
        %cond3A_605 = arith.cmpi ne, %convert_element_type3A, %cond3A : i32
        scf.if %cond3A_605 {
          %rem3A_615 = arith.constant 8 : i32
          %rem3A_616 = arith.remui %while3A_591, %rem3A_615 : i32
          %get3A_617 = arith.constant 1 : index
          %get3A_618 = arith.index_cast %add3A_595 : i32 to index
          %get3A_619 = memref.load %arg0[%get3A_617, %get3A_618] : memref<8x128xi32, #tpu.memory_space<smem>>
          %mul3A_620 = arith.constant 64 : i32
          %mul3A_621 = arith.muli %mul3A_620, %get3A_619 : i32
          %dma_start3A_622 = tpu.memref_slice %run_scoped3A_8[%rem3A_616] : memref<8x!tpu.dma_semaphore, #tpu.memory_space<semaphore_mem>> -> memref<1x!tpu.dma_semaphore, #tpu.memory_space<semaphore_mem>>
          %dma_start3A_623 = tpu.memref_squeeze %dma_start3A_622 : memref<1x!tpu.dma_semaphore, #tpu.memory_space<semaphore_mem>> -> memref<!tpu.dma_semaphore, #tpu.memory_space<semaphore_mem>>
          %dma_start3A_624 = arith.constant 0 : i32
          %dma_start3A_625 = arith.constant 0 : i32
          %dma_start3A_626 = tpu.memref_slice %run_scoped3A_7[%rem3A_616, %dma_start3A_624, %dma_start3A_625] : memref<8x64x128xf32, #tpu.memory_space<vmem>> -> memref<1x64x128xf32, #tpu.memory_space<vmem>>
          %dma_start3A_627 = tpu.memref_squeeze %dma_start3A_626 : memref<1x64x128xf32, #tpu.memory_space<vmem>> -> memref<64x128xf32, #tpu.memory_space<vmem>>
          %dma_start3A_628 = arith.constant 0 : i32
          %dma_start3A_629 = tpu.memref_slice %arg5[%mul3A_621, %dma_start3A_628] : memref<6144x128xf32, #tpu.memory_space<hbm>> -> memref<64x128xf32, #tpu.memory_space<hbm>>
          tpu.enqueue_dma source(%dma_start3A_629 : memref<64x128xf32, #tpu.memory_space<hbm>>) target(%dma_start3A_627 : memref<64x128xf32, #tpu.memory_space<vmem>>) target_semaphore(%dma_start3A_623 : memref<!tpu.dma_semaphore, #tpu.memory_space<semaphore_mem>>)
        } else {
        }
        %convert_element_type3A_606 = arith.extui %or3A_604 : i1 to i32
        %add3A_607 = arith.addi %while3A_591, %convert_element_type3A_606 : i32
        %add3A_608 = arith.constant 1 : i32
        %add3A_609 = arith.addi %while3A_590, %add3A_608 : i32
        %select_n3A_610 = arith.constant true
        %select_n3A_611 = arith.select %select_n3A_610, %add3A_609, %while3A_590 : i32
        %select_n3A_612 = arith.constant false
        %select_n3A_613 = arith.constant 0 : i32
        %select_n3A_614 = arith.select %select_n3A_612, %select_n3A_613, %select_n3A_611 : i32
        scf.yield %while3A_590, %select_n3A_614, %add3A_607 : i32, i32, i32
      }
      "tpu.trace_stop"() : () -> ()
      "tpu.trace_start"() <{level = 10 : i32, message = "ep_initialize_4"}> : () -> ()
      %add3A_373 = arith.constant 0 : i32
      %add3A_374 = arith.constant 8 : i32
      %add3A_375 = arith.addi %add3A_373, %add3A_374 : i32
      %add3A_376 = arith.constant 1 : i32
      %add3A_377 = arith.addi %while3A_357#2, %add3A_376 : i32
      %lt3A_378 = arith.cmpi ult, %add3A_375, %add3A_377 : i32
      %select_n3A_379 = arith.select %lt3A_378, %add3A_375, %add3A_377 : i32
      %add3A_380 = arith.constant 1 : i32
      %add3A_381 = arith.addi %while3A_357#0, %add3A_380 : i32
      %select_n3A_382 = arith.constant true
      %select_n3A_383 = arith.select %select_n3A_382, %add3A_381, %while3A_357#0 : i32
      %select_n3A_384 = arith.constant false
      %select_n3A_385 = arith.constant 0 : i32
      %select_n3A_386 = arith.select %select_n3A_384, %select_n3A_385, %select_n3A_383 : i32
      %while3A_387:3 = scf.while (%while3A_589 = %while3A_357#0, %while3A_590 = %select_n3A_386, %while3A_591 = %while3A_357#2) : (i32, i32, i32) -> (i32, i32, i32) {
        %lt3A_592 = arith.cmpi ult, %while3A_591, %select_n3A_379 : i32
        %lt3A_593 = arith.constant 96 : i32
        %lt3A_594 = arith.cmpi slt, %while3A_590, %lt3A_593 : i32
        %and3A = arith.constant true
        %and3A_595 = arith.andi %and3A, %lt3A_594 : i1
        %and3A_596 = arith.constant true
        %and3A_597 = arith.andi %and3A_596, %lt3A_592 : i1
        %and3A_598 = arith.andi %and3A_597, %and3A_595 : i1
        scf.condition(%and3A_598) %while3A_589, %while3A_590, %while3A_591 : i32, i32, i32
      } do {
      ^bb0(%while3A_589: i32, %while3A_590: i32, %while3A_591: i32):
        %add3A_592 = arith.constant 0 : i32
        %add3A_593 = arith.addi %while3A_589, %add3A_592 : i32
        %add3A_594 = arith.constant 0 : i32
        %add3A_595 = arith.addi %while3A_590, %add3A_594 : i32
        %get3A_596 = arith.constant 1 : index
        %get3A_597 = arith.index_cast %add3A_593 : i32 to index
        %get3A_598 = memref.load %arg0[%get3A_596, %get3A_597] : memref<8x128xi32, #tpu.memory_space<smem>>
        %get3A_599 = arith.constant 1 : index
        %get3A_600 = arith.index_cast %add3A_595 : i32 to index
        %get3A_601 = memref.load %arg0[%get3A_599, %get3A_600] : memref<8x128xi32, #tpu.memory_space<smem>>
        %ne3A = arith.cmpi ne, %get3A_598, %get3A_601 : i32
        %or3A = arith.constant false
        %or3A_602 = arith.ori %or3A, %ne3A : i1
        %or3A_603 = arith.constant false
        %or3A_604 = arith.ori %or3A_602, %or3A_603 : i1
        %convert_element_type3A = arith.extui %or3A_604 : i1 to i32
        %cond3A = arith.constant 0 : i32
        %cond3A_605 = arith.cmpi ne, %convert_element_type3A, %cond3A : i32
        scf.if %cond3A_605 {
          %rem3A_615 = arith.constant 8 : i32
          %rem3A_616 = arith.remui %while3A_591, %rem3A_615 : i32
          %get3A_617 = arith.constant 1 : index
          %get3A_618 = arith.index_cast %add3A_595 : i32 to index
          %get3A_619 = memref.load %arg0[%get3A_617, %get3A_618] : memref<8x128xi32, #tpu.memory_space<smem>>
          %mul3A_620 = arith.constant 64 : i32
          %mul3A_621 = arith.muli %mul3A_620, %get3A_619 : i32
          %dma_start3A_622 = tpu.memref_slice %run_scoped3A_0[%rem3A_616] : memref<8x!tpu.dma_semaphore, #tpu.memory_space<semaphore_mem>> -> memref<1x!tpu.dma_semaphore, #tpu.memory_space<semaphore_mem>>
          %dma_start3A_623 = tpu.memref_squeeze %dma_start3A_622 : memref<1x!tpu.dma_semaphore, #tpu.memory_space<semaphore_mem>> -> memref<!tpu.dma_semaphore, #tpu.memory_space<semaphore_mem>>
          %dma_start3A_624 = arith.constant 0 : i32
          %dma_start3A_625 = arith.constant 0 : i32
          %dma_start3A_626 = tpu.memref_slice %run_scoped3A[%rem3A_616, %dma_start3A_624, %dma_start3A_625] : memref<8x64x1024xf32, #tpu.memory_space<vmem>> -> memref<1x64x1024xf32, #tpu.memory_space<vmem>>
          %dma_start3A_627 = tpu.memref_squeeze %dma_start3A_626 : memref<1x64x1024xf32, #tpu.memory_space<vmem>> -> memref<64x1024xf32, #tpu.memory_space<vmem>>
          %dma_start3A_628 = arith.constant 0 : i32
          %dma_start3A_629 = tpu.memref_slice %arg1[%mul3A_621, %dma_start3A_628] : memref<6144x1024xf32, #tpu.memory_space<hbm>> -> memref<64x1024xf32, #tpu.memory_space<hbm>>
          tpu.enqueue_dma source(%dma_start3A_629 : memref<64x1024xf32, #tpu.memory_space<hbm>>) target(%dma_start3A_627 : memref<64x1024xf32, #tpu.memory_space<vmem>>) target_semaphore(%dma_start3A_623 : memref<!tpu.dma_semaphore, #tpu.memory_space<semaphore_mem>>)
        } else {
        }
        %convert_element_type3A_606 = arith.extui %or3A_604 : i1 to i32
        %add3A_607 = arith.addi %while3A_591, %convert_element_type3A_606 : i32
        %add3A_608 = arith.constant 1 : i32
        %add3A_609 = arith.addi %while3A_590, %add3A_608 : i32
        %select_n3A_610 = arith.constant true
        %select_n3A_611 = arith.select %select_n3A_610, %add3A_609, %while3A_590 : i32
        %select_n3A_612 = arith.constant false
        %select_n3A_613 = arith.constant 0 : i32
        %select_n3A_614 = arith.select %select_n3A_612, %select_n3A_613, %select_n3A_611 : i32
        scf.yield %while3A_590, %select_n3A_614, %add3A_607 : i32, i32, i32
      }
      %add3A_388 = arith.constant 0 : i32
      %add3A_389 = arith.constant 8 : i32
      %add3A_390 = arith.addi %add3A_388, %add3A_389 : i32
      %add3A_391 = arith.constant 1 : i32
      %add3A_392 = arith.addi %while3A_372#2, %add3A_391 : i32
      %lt3A_393 = arith.cmpi ult, %add3A_390, %add3A_392 : i32
      %select_n3A_394 = arith.select %lt3A_393, %add3A_390, %add3A_392 : i32
      %add3A_395 = arith.constant 1 : i32
      %add3A_396 = arith.addi %while3A_372#0, %add3A_395 : i32
      %select_n3A_397 = arith.constant true
      %select_n3A_398 = arith.select %select_n3A_397, %add3A_396, %while3A_372#0 : i32
      %select_n3A_399 = arith.constant false
      %select_n3A_400 = arith.constant 0 : i32
      %select_n3A_401 = arith.select %select_n3A_399, %select_n3A_400, %select_n3A_398 : i32
      %while3A_402:3 = scf.while (%while3A_589 = %while3A_372#0, %while3A_590 = %select_n3A_401, %while3A_591 = %while3A_372#2) : (i32, i32, i32) -> (i32, i32, i32) {
        %lt3A_592 = arith.cmpi ult, %while3A_591, %select_n3A_394 : i32
        %lt3A_593 = arith.constant 96 : i32
        %lt3A_594 = arith.cmpi slt, %while3A_590, %lt3A_593 : i32
        %and3A = arith.constant true
        %and3A_595 = arith.andi %and3A, %lt3A_594 : i1
        %and3A_596 = arith.constant true
        %and3A_597 = arith.andi %and3A_596, %lt3A_592 : i1
        %and3A_598 = arith.andi %and3A_597, %and3A_595 : i1
        scf.condition(%and3A_598) %while3A_589, %while3A_590, %while3A_591 : i32, i32, i32
      } do {
      ^bb0(%while3A_589: i32, %while3A_590: i32, %while3A_591: i32):
        %add3A_592 = arith.constant 0 : i32
        %add3A_593 = arith.addi %while3A_589, %add3A_592 : i32
        %add3A_594 = arith.constant 0 : i32
        %add3A_595 = arith.addi %while3A_590, %add3A_594 : i32
        %get3A_596 = arith.constant 1 : index
        %get3A_597 = arith.index_cast %add3A_593 : i32 to index
        %get3A_598 = memref.load %arg0[%get3A_596, %get3A_597] : memref<8x128xi32, #tpu.memory_space<smem>>
        %get3A_599 = arith.constant 1 : index
        %get3A_600 = arith.index_cast %add3A_595 : i32 to index
        %get3A_601 = memref.load %arg0[%get3A_599, %get3A_600] : memref<8x128xi32, #tpu.memory_space<smem>>
        %ne3A = arith.cmpi ne, %get3A_598, %get3A_601 : i32
        %or3A = arith.constant false
        %or3A_602 = arith.ori %or3A, %ne3A : i1
        %or3A_603 = arith.constant false
        %or3A_604 = arith.ori %or3A_602, %or3A_603 : i1
        %convert_element_type3A = arith.extui %or3A_604 : i1 to i32
        %cond3A = arith.constant 0 : i32
        %cond3A_605 = arith.cmpi ne, %convert_element_type3A, %cond3A : i32
        scf.if %cond3A_605 {
          %rem3A_615 = arith.constant 8 : i32
          %rem3A_616 = arith.remui %while3A_591, %rem3A_615 : i32
          %get3A_617 = arith.constant 1 : index
          %get3A_618 = arith.index_cast %add3A_595 : i32 to index
          %get3A_619 = memref.load %arg0[%get3A_617, %get3A_618] : memref<8x128xi32, #tpu.memory_space<smem>>
          %mul3A_620 = arith.constant 64 : i32
          %mul3A_621 = arith.muli %mul3A_620, %get3A_619 : i32
          %dma_start3A_622 = tpu.memref_slice %run_scoped3A_8[%rem3A_616] : memref<8x!tpu.dma_semaphore, #tpu.memory_space<semaphore_mem>> -> memref<1x!tpu.dma_semaphore, #tpu.memory_space<semaphore_mem>>
          %dma_start3A_623 = tpu.memref_squeeze %dma_start3A_622 : memref<1x!tpu.dma_semaphore, #tpu.memory_space<semaphore_mem>> -> memref<!tpu.dma_semaphore, #tpu.memory_space<semaphore_mem>>
          %dma_start3A_624 = arith.constant 0 : i32
          %dma_start3A_625 = arith.constant 0 : i32
          %dma_start3A_626 = tpu.memref_slice %run_scoped3A_7[%rem3A_616, %dma_start3A_624, %dma_start3A_625] : memref<8x64x128xf32, #tpu.memory_space<vmem>> -> memref<1x64x128xf32, #tpu.memory_space<vmem>>
          %dma_start3A_627 = tpu.memref_squeeze %dma_start3A_626 : memref<1x64x128xf32, #tpu.memory_space<vmem>> -> memref<64x128xf32, #tpu.memory_space<vmem>>
          %dma_start3A_628 = arith.constant 0 : i32
          %dma_start3A_629 = tpu.memref_slice %arg5[%mul3A_621, %dma_start3A_628] : memref<6144x128xf32, #tpu.memory_space<hbm>> -> memref<64x128xf32, #tpu.memory_space<hbm>>
          tpu.enqueue_dma source(%dma_start3A_629 : memref<64x128xf32, #tpu.memory_space<hbm>>) target(%dma_start3A_627 : memref<64x128xf32, #tpu.memory_space<vmem>>) target_semaphore(%dma_start3A_623 : memref<!tpu.dma_semaphore, #tpu.memory_space<semaphore_mem>>)
        } else {
        }
        %convert_element_type3A_606 = arith.extui %or3A_604 : i1 to i32
        %add3A_607 = arith.addi %while3A_591, %convert_element_type3A_606 : i32
        %add3A_608 = arith.constant 1 : i32
        %add3A_609 = arith.addi %while3A_590, %add3A_608 : i32
        %select_n3A_610 = arith.constant true
        %select_n3A_611 = arith.select %select_n3A_610, %add3A_609, %while3A_590 : i32
        %select_n3A_612 = arith.constant false
        %select_n3A_613 = arith.constant 0 : i32
        %select_n3A_614 = arith.select %select_n3A_612, %select_n3A_613, %select_n3A_611 : i32
        scf.yield %while3A_590, %select_n3A_614, %add3A_607 : i32, i32, i32
      }
      "tpu.trace_stop"() : () -> ()
      "tpu.trace_start"() <{level = 10 : i32, message = "ep_initialize_5"}> : () -> ()
      %add3A_403 = arith.constant 0 : i32
      %add3A_404 = arith.constant 8 : i32
      %add3A_405 = arith.addi %add3A_403, %add3A_404 : i32
      %add3A_406 = arith.constant 1 : i32
      %add3A_407 = arith.addi %while3A_387#2, %add3A_406 : i32
      %lt3A_408 = arith.cmpi ult, %add3A_405, %add3A_407 : i32
      %select_n3A_409 = arith.select %lt3A_408, %add3A_405, %add3A_407 : i32
      %add3A_410 = arith.constant 1 : i32
      %add3A_411 = arith.addi %while3A_387#0, %add3A_410 : i32
      %select_n3A_412 = arith.constant true
      %select_n3A_413 = arith.select %select_n3A_412, %add3A_411, %while3A_387#0 : i32
      %select_n3A_414 = arith.constant false
      %select_n3A_415 = arith.constant 0 : i32
      %select_n3A_416 = arith.select %select_n3A_414, %select_n3A_415, %select_n3A_413 : i32
      %while3A_417:3 = scf.while (%while3A_589 = %while3A_387#0, %while3A_590 = %select_n3A_416, %while3A_591 = %while3A_387#2) : (i32, i32, i32) -> (i32, i32, i32) {
        %lt3A_592 = arith.cmpi ult, %while3A_591, %select_n3A_409 : i32
        %lt3A_593 = arith.constant 96 : i32
        %lt3A_594 = arith.cmpi slt, %while3A_590, %lt3A_593 : i32
        %and3A = arith.constant true
        %and3A_595 = arith.andi %and3A, %lt3A_594 : i1
        %and3A_596 = arith.constant true
        %and3A_597 = arith.andi %and3A_596, %lt3A_592 : i1
        %and3A_598 = arith.andi %and3A_597, %and3A_595 : i1
        scf.condition(%and3A_598) %while3A_589, %while3A_590, %while3A_591 : i32, i32, i32
      } do {
      ^bb0(%while3A_589: i32, %while3A_590: i32, %while3A_591: i32):
        %add3A_592 = arith.constant 0 : i32
        %add3A_593 = arith.addi %while3A_589, %add3A_592 : i32
        %add3A_594 = arith.constant 0 : i32
        %add3A_595 = arith.addi %while3A_590, %add3A_594 : i32
        %get3A_596 = arith.constant 1 : index
        %get3A_597 = arith.index_cast %add3A_593 : i32 to index
        %get3A_598 = memref.load %arg0[%get3A_596, %get3A_597] : memref<8x128xi32, #tpu.memory_space<smem>>
        %get3A_599 = arith.constant 1 : index
        %get3A_600 = arith.index_cast %add3A_595 : i32 to index
        %get3A_601 = memref.load %arg0[%get3A_599, %get3A_600] : memref<8x128xi32, #tpu.memory_space<smem>>
        %ne3A = arith.cmpi ne, %get3A_598, %get3A_601 : i32
        %or3A = arith.constant false
        %or3A_602 = arith.ori %or3A, %ne3A : i1
        %or3A_603 = arith.constant false
        %or3A_604 = arith.ori %or3A_602, %or3A_603 : i1
        %convert_element_type3A = arith.extui %or3A_604 : i1 to i32
        %cond3A = arith.constant 0 : i32
        %cond3A_605 = arith.cmpi ne, %convert_element_type3A, %cond3A : i32
        scf.if %cond3A_605 {
          %rem3A_615 = arith.constant 8 : i32
          %rem3A_616 = arith.remui %while3A_591, %rem3A_615 : i32
          %get3A_617 = arith.constant 1 : index
          %get3A_618 = arith.index_cast %add3A_595 : i32 to index
          %get3A_619 = memref.load %arg0[%get3A_617, %get3A_618] : memref<8x128xi32, #tpu.memory_space<smem>>
          %mul3A_620 = arith.constant 64 : i32
          %mul3A_621 = arith.muli %mul3A_620, %get3A_619 : i32
          %dma_start3A_622 = tpu.memref_slice %run_scoped3A_0[%rem3A_616] : memref<8x!tpu.dma_semaphore, #tpu.memory_space<semaphore_mem>> -> memref<1x!tpu.dma_semaphore, #tpu.memory_space<semaphore_mem>>
          %dma_start3A_623 = tpu.memref_squeeze %dma_start3A_622 : memref<1x!tpu.dma_semaphore, #tpu.memory_space<semaphore_mem>> -> memref<!tpu.dma_semaphore, #tpu.memory_space<semaphore_mem>>
          %dma_start3A_624 = arith.constant 0 : i32
          %dma_start3A_625 = arith.constant 0 : i32
          %dma_start3A_626 = tpu.memref_slice %run_scoped3A[%rem3A_616, %dma_start3A_624, %dma_start3A_625] : memref<8x64x1024xf32, #tpu.memory_space<vmem>> -> memref<1x64x1024xf32, #tpu.memory_space<vmem>>
          %dma_start3A_627 = tpu.memref_squeeze %dma_start3A_626 : memref<1x64x1024xf32, #tpu.memory_space<vmem>> -> memref<64x1024xf32, #tpu.memory_space<vmem>>
          %dma_start3A_628 = arith.constant 0 : i32
          %dma_start3A_629 = tpu.memref_slice %arg1[%mul3A_621, %dma_start3A_628] : memref<6144x1024xf32, #tpu.memory_space<hbm>> -> memref<64x1024xf32, #tpu.memory_space<hbm>>
          tpu.enqueue_dma source(%dma_start3A_629 : memref<64x1024xf32, #tpu.memory_space<hbm>>) target(%dma_start3A_627 : memref<64x1024xf32, #tpu.memory_space<vmem>>) target_semaphore(%dma_start3A_623 : memref<!tpu.dma_semaphore, #tpu.memory_space<semaphore_mem>>)
        } else {
        }
        %convert_element_type3A_606 = arith.extui %or3A_604 : i1 to i32
        %add3A_607 = arith.addi %while3A_591, %convert_element_type3A_606 : i32
        %add3A_608 = arith.constant 1 : i32
        %add3A_609 = arith.addi %while3A_590, %add3A_608 : i32
        %select_n3A_610 = arith.constant true
        %select_n3A_611 = arith.select %select_n3A_610, %add3A_609, %while3A_590 : i32
        %select_n3A_612 = arith.constant false
        %select_n3A_613 = arith.constant 0 : i32
        %select_n3A_614 = arith.select %select_n3A_612, %select_n3A_613, %select_n3A_611 : i32
        scf.yield %while3A_590, %select_n3A_614, %add3A_607 : i32, i32, i32
      }
      %add3A_418 = arith.constant 0 : i32
      %add3A_419 = arith.constant 8 : i32
      %add3A_420 = arith.addi %add3A_418, %add3A_419 : i32
      %add3A_421 = arith.constant 1 : i32
      %add3A_422 = arith.addi %while3A_402#2, %add3A_421 : i32
      %lt3A_423 = arith.cmpi ult, %add3A_420, %add3A_422 : i32
      %select_n3A_424 = arith.select %lt3A_423, %add3A_420, %add3A_422 : i32
      %add3A_425 = arith.constant 1 : i32
      %add3A_426 = arith.addi %while3A_402#0, %add3A_425 : i32
      %select_n3A_427 = arith.constant true
      %select_n3A_428 = arith.select %select_n3A_427, %add3A_426, %while3A_402#0 : i32
      %select_n3A_429 = arith.constant false
      %select_n3A_430 = arith.constant 0 : i32
      %select_n3A_431 = arith.select %select_n3A_429, %select_n3A_430, %select_n3A_428 : i32
      %while3A_432:3 = scf.while (%while3A_589 = %while3A_402#0, %while3A_590 = %select_n3A_431, %while3A_591 = %while3A_402#2) : (i32, i32, i32) -> (i32, i32, i32) {
        %lt3A_592 = arith.cmpi ult, %while3A_591, %select_n3A_424 : i32
        %lt3A_593 = arith.constant 96 : i32
        %lt3A_594 = arith.cmpi slt, %while3A_590, %lt3A_593 : i32
        %and3A = arith.constant true
        %and3A_595 = arith.andi %and3A, %lt3A_594 : i1
        %and3A_596 = arith.constant true
        %and3A_597 = arith.andi %and3A_596, %lt3A_592 : i1
        %and3A_598 = arith.andi %and3A_597, %and3A_595 : i1
        scf.condition(%and3A_598) %while3A_589, %while3A_590, %while3A_591 : i32, i32, i32
      } do {
      ^bb0(%while3A_589: i32, %while3A_590: i32, %while3A_591: i32):
        %add3A_592 = arith.constant 0 : i32
        %add3A_593 = arith.addi %while3A_589, %add3A_592 : i32
        %add3A_594 = arith.constant 0 : i32
        %add3A_595 = arith.addi %while3A_590, %add3A_594 : i32
        %get3A_596 = arith.constant 1 : index
        %get3A_597 = arith.index_cast %add3A_593 : i32 to index
        %get3A_598 = memref.load %arg0[%get3A_596, %get3A_597] : memref<8x128xi32, #tpu.memory_space<smem>>
        %get3A_599 = arith.constant 1 : index
        %get3A_600 = arith.index_cast %add3A_595 : i32 to index
        %get3A_601 = memref.load %arg0[%get3A_599, %get3A_600] : memref<8x128xi32, #tpu.memory_space<smem>>
        %ne3A = arith.cmpi ne, %get3A_598, %get3A_601 : i32
        %or3A = arith.constant false
        %or3A_602 = arith.ori %or3A, %ne3A : i1
        %or3A_603 = arith.constant false
        %or3A_604 = arith.ori %or3A_602, %or3A_603 : i1
        %convert_element_type3A = arith.extui %or3A_604 : i1 to i32
        %cond3A = arith.constant 0 : i32
        %cond3A_605 = arith.cmpi ne, %convert_element_type3A, %cond3A : i32
        scf.if %cond3A_605 {
          %rem3A_615 = arith.constant 8 : i32
          %rem3A_616 = arith.remui %while3A_591, %rem3A_615 : i32
          %get3A_617 = arith.constant 1 : index
          %get3A_618 = arith.index_cast %add3A_595 : i32 to index
          %get3A_619 = memref.load %arg0[%get3A_617, %get3A_618] : memref<8x128xi32, #tpu.memory_space<smem>>
          %mul3A_620 = arith.constant 64 : i32
          %mul3A_621 = arith.muli %mul3A_620, %get3A_619 : i32
          %dma_start3A_622 = tpu.memref_slice %run_scoped3A_8[%rem3A_616] : memref<8x!tpu.dma_semaphore, #tpu.memory_space<semaphore_mem>> -> memref<1x!tpu.dma_semaphore, #tpu.memory_space<semaphore_mem>>
          %dma_start3A_623 = tpu.memref_squeeze %dma_start3A_622 : memref<1x!tpu.dma_semaphore, #tpu.memory_space<semaphore_mem>> -> memref<!tpu.dma_semaphore, #tpu.memory_space<semaphore_mem>>
          %dma_start3A_624 = arith.constant 0 : i32
          %dma_start3A_625 = arith.constant 0 : i32
          %dma_start3A_626 = tpu.memref_slice %run_scoped3A_7[%rem3A_616, %dma_start3A_624, %dma_start3A_625] : memref<8x64x128xf32, #tpu.memory_space<vmem>> -> memref<1x64x128xf32, #tpu.memory_space<vmem>>
          %dma_start3A_627 = tpu.memref_squeeze %dma_start3A_626 : memref<1x64x128xf32, #tpu.memory_space<vmem>> -> memref<64x128xf32, #tpu.memory_space<vmem>>
          %dma_start3A_628 = arith.constant 0 : i32
          %dma_start3A_629 = tpu.memref_slice %arg5[%mul3A_621, %dma_start3A_628] : memref<6144x128xf32, #tpu.memory_space<hbm>> -> memref<64x128xf32, #tpu.memory_space<hbm>>
          tpu.enqueue_dma source(%dma_start3A_629 : memref<64x128xf32, #tpu.memory_space<hbm>>) target(%dma_start3A_627 : memref<64x128xf32, #tpu.memory_space<vmem>>) target_semaphore(%dma_start3A_623 : memref<!tpu.dma_semaphore, #tpu.memory_space<semaphore_mem>>)
        } else {
        }
        %convert_element_type3A_606 = arith.extui %or3A_604 : i1 to i32
        %add3A_607 = arith.addi %while3A_591, %convert_element_type3A_606 : i32
        %add3A_608 = arith.constant 1 : i32
        %add3A_609 = arith.addi %while3A_590, %add3A_608 : i32
        %select_n3A_610 = arith.constant true
        %select_n3A_611 = arith.select %select_n3A_610, %add3A_609, %while3A_590 : i32
        %select_n3A_612 = arith.constant false
        %select_n3A_613 = arith.constant 0 : i32
        %select_n3A_614 = arith.select %select_n3A_612, %select_n3A_613, %select_n3A_611 : i32
        scf.yield %while3A_590, %select_n3A_614, %add3A_607 : i32, i32, i32
      }
      "tpu.trace_stop"() : () -> ()
      "tpu.trace_start"() <{level = 10 : i32, message = "ep_initialize_6"}> : () -> ()
      %add3A_433 = arith.constant 0 : i32
      %add3A_434 = arith.constant 8 : i32
      %add3A_435 = arith.addi %add3A_433, %add3A_434 : i32
      %add3A_436 = arith.constant 1 : i32
      %add3A_437 = arith.addi %while3A_417#2, %add3A_436 : i32
      %lt3A_438 = arith.cmpi ult, %add3A_435, %add3A_437 : i32
      %select_n3A_439 = arith.select %lt3A_438, %add3A_435, %add3A_437 : i32
      %add3A_440 = arith.constant 1 : i32
      %add3A_441 = arith.addi %while3A_417#0, %add3A_440 : i32
      %select_n3A_442 = arith.constant true
      %select_n3A_443 = arith.select %select_n3A_442, %add3A_441, %while3A_417#0 : i32
      %select_n3A_444 = arith.constant false
      %select_n3A_445 = arith.constant 0 : i32
      %select_n3A_446 = arith.select %select_n3A_444, %select_n3A_445, %select_n3A_443 : i32
      %while3A_447:3 = scf.while (%while3A_589 = %while3A_417#0, %while3A_590 = %select_n3A_446, %while3A_591 = %while3A_417#2) : (i32, i32, i32) -> (i32, i32, i32) {
        %lt3A_592 = arith.cmpi ult, %while3A_591, %select_n3A_439 : i32
        %lt3A_593 = arith.constant 96 : i32
        %lt3A_594 = arith.cmpi slt, %while3A_590, %lt3A_593 : i32
        %and3A = arith.constant true
        %and3A_595 = arith.andi %and3A, %lt3A_594 : i1
        %and3A_596 = arith.constant true
        %and3A_597 = arith.andi %and3A_596, %lt3A_592 : i1
        %and3A_598 = arith.andi %and3A_597, %and3A_595 : i1
        scf.condition(%and3A_598) %while3A_589, %while3A_590, %while3A_591 : i32, i32, i32
      } do {
      ^bb0(%while3A_589: i32, %while3A_590: i32, %while3A_591: i32):
        %add3A_592 = arith.constant 0 : i32
        %add3A_593 = arith.addi %while3A_589, %add3A_592 : i32
        %add3A_594 = arith.constant 0 : i32
        %add3A_595 = arith.addi %while3A_590, %add3A_594 : i32
        %get3A_596 = arith.constant 1 : index
        %get3A_597 = arith.index_cast %add3A_593 : i32 to index
        %get3A_598 = memref.load %arg0[%get3A_596, %get3A_597] : memref<8x128xi32, #tpu.memory_space<smem>>
        %get3A_599 = arith.constant 1 : index
        %get3A_600 = arith.index_cast %add3A_595 : i32 to index
        %get3A_601 = memref.load %arg0[%get3A_599, %get3A_600] : memref<8x128xi32, #tpu.memory_space<smem>>
        %ne3A = arith.cmpi ne, %get3A_598, %get3A_601 : i32
        %or3A = arith.constant false
        %or3A_602 = arith.ori %or3A, %ne3A : i1
        %or3A_603 = arith.constant false
        %or3A_604 = arith.ori %or3A_602, %or3A_603 : i1
        %convert_element_type3A = arith.extui %or3A_604 : i1 to i32
        %cond3A = arith.constant 0 : i32
        %cond3A_605 = arith.cmpi ne, %convert_element_type3A, %cond3A : i32
        scf.if %cond3A_605 {
          %rem3A_615 = arith.constant 8 : i32
          %rem3A_616 = arith.remui %while3A_591, %rem3A_615 : i32
          %get3A_617 = arith.constant 1 : index
          %get3A_618 = arith.index_cast %add3A_595 : i32 to index
          %get3A_619 = memref.load %arg0[%get3A_617, %get3A_618] : memref<8x128xi32, #tpu.memory_space<smem>>
          %mul3A_620 = arith.constant 64 : i32
          %mul3A_621 = arith.muli %mul3A_620, %get3A_619 : i32
          %dma_start3A_622 = tpu.memref_slice %run_scoped3A_0[%rem3A_616] : memref<8x!tpu.dma_semaphore, #tpu.memory_space<semaphore_mem>> -> memref<1x!tpu.dma_semaphore, #tpu.memory_space<semaphore_mem>>
          %dma_start3A_623 = tpu.memref_squeeze %dma_start3A_622 : memref<1x!tpu.dma_semaphore, #tpu.memory_space<semaphore_mem>> -> memref<!tpu.dma_semaphore, #tpu.memory_space<semaphore_mem>>
          %dma_start3A_624 = arith.constant 0 : i32
          %dma_start3A_625 = arith.constant 0 : i32
          %dma_start3A_626 = tpu.memref_slice %run_scoped3A[%rem3A_616, %dma_start3A_624, %dma_start3A_625] : memref<8x64x1024xf32, #tpu.memory_space<vmem>> -> memref<1x64x1024xf32, #tpu.memory_space<vmem>>
          %dma_start3A_627 = tpu.memref_squeeze %dma_start3A_626 : memref<1x64x1024xf32, #tpu.memory_space<vmem>> -> memref<64x1024xf32, #tpu.memory_space<vmem>>
          %dma_start3A_628 = arith.constant 0 : i32
          %dma_start3A_629 = tpu.memref_slice %arg1[%mul3A_621, %dma_start3A_628] : memref<6144x1024xf32, #tpu.memory_space<hbm>> -> memref<64x1024xf32, #tpu.memory_space<hbm>>
          tpu.enqueue_dma source(%dma_start3A_629 : memref<64x1024xf32, #tpu.memory_space<hbm>>) target(%dma_start3A_627 : memref<64x1024xf32, #tpu.memory_space<vmem>>) target_semaphore(%dma_start3A_623 : memref<!tpu.dma_semaphore, #tpu.memory_space<semaphore_mem>>)
        } else {
        }
        %convert_element_type3A_606 = arith.extui %or3A_604 : i1 to i32
        %add3A_607 = arith.addi %while3A_591, %convert_element_type3A_606 : i32
        %add3A_608 = arith.constant 1 : i32
        %add3A_609 = arith.addi %while3A_590, %add3A_608 : i32
        %select_n3A_610 = arith.constant true
        %select_n3A_611 = arith.select %select_n3A_610, %add3A_609, %while3A_590 : i32
        %select_n3A_612 = arith.constant false
        %select_n3A_613 = arith.constant 0 : i32
        %select_n3A_614 = arith.select %select_n3A_612, %select_n3A_613, %select_n3A_611 : i32
        scf.yield %while3A_590, %select_n3A_614, %add3A_607 : i32, i32, i32
      }
      %add3A_448 = arith.constant 0 : i32
      %add3A_449 = arith.constant 8 : i32
      %add3A_450 = arith.addi %add3A_448, %add3A_449 : i32
      %add3A_451 = arith.constant 1 : i32
      %add3A_452 = arith.addi %while3A_432#2, %add3A_451 : i32
      %lt3A_453 = arith.cmpi ult, %add3A_450, %add3A_452 : i32
      %select_n3A_454 = arith.select %lt3A_453, %add3A_450, %add3A_452 : i32
      %add3A_455 = arith.constant 1 : i32
      %add3A_456 = arith.addi %while3A_432#0, %add3A_455 : i32
      %select_n3A_457 = arith.constant true
      %select_n3A_458 = arith.select %select_n3A_457, %add3A_456, %while3A_432#0 : i32
      %select_n3A_459 = arith.constant false
      %select_n3A_460 = arith.constant 0 : i32
      %select_n3A_461 = arith.select %select_n3A_459, %select_n3A_460, %select_n3A_458 : i32
      %while3A_462:3 = scf.while (%while3A_589 = %while3A_432#0, %while3A_590 = %select_n3A_461, %while3A_591 = %while3A_432#2) : (i32, i32, i32) -> (i32, i32, i32) {
        %lt3A_592 = arith.cmpi ult, %while3A_591, %select_n3A_454 : i32
        %lt3A_593 = arith.constant 96 : i32
        %lt3A_594 = arith.cmpi slt, %while3A_590, %lt3A_593 : i32
        %and3A = arith.constant true
        %and3A_595 = arith.andi %and3A, %lt3A_594 : i1
        %and3A_596 = arith.constant true
        %and3A_597 = arith.andi %and3A_596, %lt3A_592 : i1
        %and3A_598 = arith.andi %and3A_597, %and3A_595 : i1
        scf.condition(%and3A_598) %while3A_589, %while3A_590, %while3A_591 : i32, i32, i32
      } do {
      ^bb0(%while3A_589: i32, %while3A_590: i32, %while3A_591: i32):
        %add3A_592 = arith.constant 0 : i32
        %add3A_593 = arith.addi %while3A_589, %add3A_592 : i32
        %add3A_594 = arith.constant 0 : i32
        %add3A_595 = arith.addi %while3A_590, %add3A_594 : i32
        %get3A_596 = arith.constant 1 : index
        %get3A_597 = arith.index_cast %add3A_593 : i32 to index
        %get3A_598 = memref.load %arg0[%get3A_596, %get3A_597] : memref<8x128xi32, #tpu.memory_space<smem>>
        %get3A_599 = arith.constant 1 : index
        %get3A_600 = arith.index_cast %add3A_595 : i32 to index
        %get3A_601 = memref.load %arg0[%get3A_599, %get3A_600] : memref<8x128xi32, #tpu.memory_space<smem>>
        %ne3A = arith.cmpi ne, %get3A_598, %get3A_601 : i32
        %or3A = arith.constant false
        %or3A_602 = arith.ori %or3A, %ne3A : i1
        %or3A_603 = arith.constant false
        %or3A_604 = arith.ori %or3A_602, %or3A_603 : i1
        %convert_element_type3A = arith.extui %or3A_604 : i1 to i32
        %cond3A = arith.constant 0 : i32
        %cond3A_605 = arith.cmpi ne, %convert_element_type3A, %cond3A : i32
        scf.if %cond3A_605 {
          %rem3A_615 = arith.constant 8 : i32
          %rem3A_616 = arith.remui %while3A_591, %rem3A_615 : i32
          %get3A_617 = arith.constant 1 : index
          %get3A_618 = arith.index_cast %add3A_595 : i32 to index
          %get3A_619 = memref.load %arg0[%get3A_617, %get3A_618] : memref<8x128xi32, #tpu.memory_space<smem>>
          %mul3A_620 = arith.constant 64 : i32
          %mul3A_621 = arith.muli %mul3A_620, %get3A_619 : i32
          %dma_start3A_622 = tpu.memref_slice %run_scoped3A_8[%rem3A_616] : memref<8x!tpu.dma_semaphore, #tpu.memory_space<semaphore_mem>> -> memref<1x!tpu.dma_semaphore, #tpu.memory_space<semaphore_mem>>
          %dma_start3A_623 = tpu.memref_squeeze %dma_start3A_622 : memref<1x!tpu.dma_semaphore, #tpu.memory_space<semaphore_mem>> -> memref<!tpu.dma_semaphore, #tpu.memory_space<semaphore_mem>>
          %dma_start3A_624 = arith.constant 0 : i32
          %dma_start3A_625 = arith.constant 0 : i32
          %dma_start3A_626 = tpu.memref_slice %run_scoped3A_7[%rem3A_616, %dma_start3A_624, %dma_start3A_625] : memref<8x64x128xf32, #tpu.memory_space<vmem>> -> memref<1x64x128xf32, #tpu.memory_space<vmem>>
          %dma_start3A_627 = tpu.memref_squeeze %dma_start3A_626 : memref<1x64x128xf32, #tpu.memory_space<vmem>> -> memref<64x128xf32, #tpu.memory_space<vmem>>
          %dma_start3A_628 = arith.constant 0 : i32
          %dma_start3A_629 = tpu.memref_slice %arg5[%mul3A_621, %dma_start3A_628] : memref<6144x128xf32, #tpu.memory_space<hbm>> -> memref<64x128xf32, #tpu.memory_space<hbm>>
          tpu.enqueue_dma source(%dma_start3A_629 : memref<64x128xf32, #tpu.memory_space<hbm>>) target(%dma_start3A_627 : memref<64x128xf32, #tpu.memory_space<vmem>>) target_semaphore(%dma_start3A_623 : memref<!tpu.dma_semaphore, #tpu.memory_space<semaphore_mem>>)
        } else {
        }
        %convert_element_type3A_606 = arith.extui %or3A_604 : i1 to i32
        %add3A_607 = arith.addi %while3A_591, %convert_element_type3A_606 : i32
        %add3A_608 = arith.constant 1 : i32
        %add3A_609 = arith.addi %while3A_590, %add3A_608 : i32
        %select_n3A_610 = arith.constant true
        %select_n3A_611 = arith.select %select_n3A_610, %add3A_609, %while3A_590 : i32
        %select_n3A_612 = arith.constant false
        %select_n3A_613 = arith.constant 0 : i32
        %select_n3A_614 = arith.select %select_n3A_612, %select_n3A_613, %select_n3A_611 : i32
        scf.yield %while3A_590, %select_n3A_614, %add3A_607 : i32, i32, i32
      }
      "tpu.trace_stop"() : () -> ()
      %scan3A = arith.constant 0 : i32
      %scan3A_463 = arith.constant 0 : i32
      %scan3A_464 = arith.constant 0 : i32
      %scan3A_465 = arith.constant 0 : i32
      %scan3A_466 = arith.constant 0 : i32
      %scan3A_467 = arith.constant 0 : i32
      %scan3A_468 = arith.constant 0 : i32
      %scan3A_469 = arith.constant 0 : i32
      %scan3A_470 = arith.constant 0 : i32
      %scan3A_471 = arith.constant 96 : i32
      %scan3A_472 = arith.addi %scan3A_470, %scan3A_471 : i32
      %scan3A_473 = arith.constant 1 : i32
      %scan3A_474:18 = scf.for %scan3A_589 = %scan3A_470 to %scan3A_472 step %scan3A_473 iter_args(%scan3A_590 = %while3A_447#2, %scan3A_591 = %scan3A, %scan3A_592 = %while3A_447#0, %scan3A_593 = %while3A_258#2, %scan3A_594 = %scan3A_463, %scan3A_595 = %while3A_258#0, %scan3A_596 = %while3A_276#2, %scan3A_597 = %scan3A_464, %scan3A_598 = %while3A_276#0, %scan3A_599 = %while3A_294#2, %scan3A_600 = %scan3A_465, %scan3A_601 = %while3A_294#0, %scan3A_602 = %while3A_462#2, %scan3A_603 = %scan3A_466, %scan3A_604 = %while3A_462#0, %scan3A_605 = %scan3A_467, %scan3A_606 = %scan3A_468, %scan3A_607 = %scan3A_469) -> (i32, i32, i32, i32, i32, i32, i32, i32, i32, i32, i32, i32, i32, i32, i32, i32, i32, i32)  : i32 {
        %eq3A_608 = arith.constant 0 : i32
        %eq3A_609 = arith.cmpi eq, %scan3A_589, %eq3A_608 : i32
        %eq3A_610 = arith.constant 95 : i32
        %eq3A_611 = arith.cmpi eq, %scan3A_589, %eq3A_610 : i32
        %add3A_612 = arith.constant 0 : i32
        %add3A_613 = arith.addi %scan3A_607, %add3A_612 : i32
        %sub3A_614 = arith.constant 1 : i32
        %sub3A_615 = arith.subi %scan3A_607, %sub3A_614 : i32
        %select_n3A_616 = arith.constant true
        %select_n3A_617 = arith.select %select_n3A_616, %sub3A_615, %scan3A_607 : i32
        %eq3A_618 = arith.constant -1 : i32
        %eq3A_619 = arith.cmpi eq, %select_n3A_617, %eq3A_618 : i32
        %select_n3A_620 = arith.constant 95 : i32
        %select_n3A_621 = arith.select %eq3A_619, %select_n3A_620, %select_n3A_617 : i32
        %add3A_622 = arith.constant 0 : i32
        %add3A_623 = arith.addi %select_n3A_621, %add3A_622 : i32
        %add3A_624 = arith.constant 1 : i32
        %add3A_625 = arith.addi %scan3A_607, %add3A_624 : i32
        %select_n3A_626 = arith.constant true
        %select_n3A_627 = arith.select %select_n3A_626, %add3A_625, %scan3A_607 : i32
        %eq3A_628 = arith.constant 96 : i32
        %eq3A_629 = arith.cmpi eq, %select_n3A_627, %eq3A_628 : i32
        %select_n3A_630 = arith.constant 0 : i32
        %select_n3A_631 = arith.select %eq3A_629, %select_n3A_630, %select_n3A_627 : i32
        %add3A_632 = arith.constant 0 : i32
        %add3A_633 = arith.addi %select_n3A_631, %add3A_632 : i32
        %add3A_634 = arith.constant 1 : i32
        %add3A_635 = arith.addi %select_n3A_631, %add3A_634 : i32
        %select_n3A_636 = arith.constant true
        %select_n3A_637 = arith.select %select_n3A_636, %add3A_635, %select_n3A_631 : i32
        %eq3A_638 = arith.constant 96 : i32
        %eq3A_639 = arith.cmpi eq, %select_n3A_637, %eq3A_638 : i32
        %select_n3A_640 = arith.constant 0 : i32
        %select_n3A_641 = arith.select %eq3A_639, %select_n3A_640, %select_n3A_637 : i32
        %add3A_642 = arith.constant 0 : i32
        %add3A_643 = arith.addi %select_n3A_641, %add3A_642 : i32
        %add3A_644 = arith.constant 1 : i32
        %add3A_645 = arith.addi %select_n3A_641, %add3A_644 : i32
        %select_n3A_646 = arith.constant true
        %select_n3A_647 = arith.select %select_n3A_646, %add3A_645, %select_n3A_641 : i32
        %eq3A_648 = arith.constant 96 : i32
        %eq3A_649 = arith.cmpi eq, %select_n3A_647, %eq3A_648 : i32
        %select_n3A_650 = arith.constant 0 : i32
        %select_n3A_651 = arith.select %eq3A_649, %select_n3A_650, %select_n3A_647 : i32
        %add3A_652 = arith.constant 0 : i32
        %add3A_653 = arith.addi %select_n3A_651, %add3A_652 : i32
        %add3A_654 = arith.constant 1 : i32
        %add3A_655 = arith.addi %select_n3A_651, %add3A_654 : i32
        %select_n3A_656 = arith.constant true
        %select_n3A_657 = arith.select %select_n3A_656, %add3A_655, %select_n3A_651 : i32
        %eq3A_658 = arith.constant 96 : i32
        %eq3A_659 = arith.cmpi eq, %select_n3A_657, %eq3A_658 : i32
        %select_n3A_660 = arith.constant 0 : i32
        %select_n3A_661 = arith.select %eq3A_659, %select_n3A_660, %select_n3A_657 : i32
        %add3A_662 = arith.constant 0 : i32
        %add3A_663 = arith.addi %select_n3A_661, %add3A_662 : i32
        %add3A_664 = arith.constant 1 : i32
        %add3A_665 = arith.addi %select_n3A_661, %add3A_664 : i32
        %select_n3A_666 = arith.constant true
        %select_n3A_667 = arith.select %select_n3A_666, %add3A_665, %select_n3A_661 : i32
        %eq3A_668 = arith.constant 96 : i32
        %eq3A_669 = arith.cmpi eq, %select_n3A_667, %eq3A_668 : i32
        %select_n3A_670 = arith.constant 0 : i32
        %select_n3A_671 = arith.select %eq3A_669, %select_n3A_670, %select_n3A_667 : i32
        %add3A_672 = arith.constant 0 : i32
        %add3A_673 = arith.addi %select_n3A_671, %add3A_672 : i32
        %add3A_674 = arith.constant 1 : i32
        %add3A_675 = arith.addi %select_n3A_671, %add3A_674 : i32
        %select_n3A_676 = arith.constant true
        %select_n3A_677 = arith.select %select_n3A_676, %add3A_675, %select_n3A_671 : i32
        %eq3A_678 = arith.constant 96 : i32
        %eq3A_679 = arith.cmpi eq, %select_n3A_677, %eq3A_678 : i32
        %select_n3A_680 = arith.constant 0 : i32
        %select_n3A_681 = arith.select %eq3A_679, %select_n3A_680, %select_n3A_677 : i32
        %add3A_682 = arith.constant 0 : i32
        %add3A_683 = arith.addi %select_n3A_681, %add3A_682 : i32
        %add3A_684 = arith.constant 1 : i32
        %add3A_685 = arith.addi %select_n3A_681, %add3A_684 : i32
        %select_n3A_686 = arith.constant true
        %select_n3A_687 = arith.select %select_n3A_686, %add3A_685, %select_n3A_681 : i32
        %eq3A_688 = arith.constant 96 : i32
        %eq3A_689 = arith.cmpi eq, %select_n3A_687, %eq3A_688 : i32
        %select_n3A_690 = arith.constant 0 : i32
        %select_n3A_691 = arith.select %eq3A_689, %select_n3A_690, %select_n3A_687 : i32
        %add3A_692 = arith.constant 0 : i32
        %add3A_693 = arith.addi %select_n3A_691, %add3A_692 : i32
        %add3A_694 = arith.constant 1 : i32
        %add3A_695 = arith.addi %select_n3A_691, %add3A_694 : i32
        %select_n3A_696 = arith.constant true
        %select_n3A_697 = arith.select %select_n3A_696, %add3A_695, %select_n3A_691 : i32
        %eq3A_698 = arith.constant 96 : i32
        %eq3A_699 = arith.cmpi eq, %select_n3A_697, %eq3A_698 : i32
        %select_n3A_700 = arith.constant 0 : i32
        %select_n3A_701 = arith.select %eq3A_699, %select_n3A_700, %select_n3A_697 : i32
        %add3A_702 = arith.constant 0 : i32
        %add3A_703 = arith.addi %select_n3A_701, %add3A_702 : i32
        %get3A_704 = arith.constant 1 : index
        %get3A_705 = arith.index_cast %add3A_683 : i32 to index
        %get3A_706 = memref.load %arg0[%get3A_704, %get3A_705] : memref<8x128xi32, #tpu.memory_space<smem>>
        %get3A_707 = arith.constant 1 : index
        %get3A_708 = arith.index_cast %add3A_693 : i32 to index
        %get3A_709 = memref.load %arg0[%get3A_707, %get3A_708] : memref<8x128xi32, #tpu.memory_space<smem>>
        %ne3A = arith.cmpi ne, %get3A_706, %get3A_709 : i32
        %or3A = arith.constant false
        %or3A_710 = arith.ori %or3A, %ne3A : i1
        %or3A_711 = arith.constant false
        %or3A_712 = arith.ori %or3A_710, %or3A_711 : i1
        %ge3A = arith.constant 89 : i32
        %ge3A_713 = arith.cmpi sge, %scan3A_589, %ge3A : i32
        %not3A = arith.constant true
        %not3A_714 = arith.xori %ge3A_713, %not3A : i1
        %and3A = arith.andi %or3A_712, %not3A_714 : i1
        %add3A_715 = arith.constant 8 : i32
        %add3A_716 = arith.addi %scan3A_591, %add3A_715 : i32
        %add3A_717 = arith.constant 1 : i32
        %add3A_718 = arith.addi %scan3A_592, %add3A_717 : i32
        %select_n3A_719 = arith.constant true
        %select_n3A_720 = arith.select %select_n3A_719, %add3A_718, %scan3A_592 : i32
        %select_n3A_721 = arith.constant false
        %select_n3A_722 = arith.constant 0 : i32
        %select_n3A_723 = arith.select %select_n3A_721, %select_n3A_722, %select_n3A_720 : i32
        %while3A_724:3 = scf.while (%while3A_1288 = %scan3A_592, %while3A_1289 = %select_n3A_723, %while3A_1290 = %scan3A_590) : (i32, i32, i32) -> (i32, i32, i32) {
          %lt3A_1291 = arith.cmpi ult, %while3A_1290, %add3A_716 : i32
          %lt3A_1292 = arith.constant 96 : i32
          %lt3A_1293 = arith.cmpi slt, %while3A_1289, %lt3A_1292 : i32
          %and3A_1294 = arith.constant true
          %and3A_1295 = arith.andi %and3A_1294, %lt3A_1293 : i1
          %and3A_1296 = arith.constant true
          %and3A_1297 = arith.andi %and3A_1296, %lt3A_1291 : i1
          %and3A_1298 = arith.andi %and3A_1297, %and3A_1295 : i1
          scf.condition(%and3A_1298) %while3A_1288, %while3A_1289, %while3A_1290 : i32, i32, i32
        } do {
        ^bb0(%while3A_1288: i32, %while3A_1289: i32, %while3A_1290: i32):
          %add3A_1291 = arith.constant 0 : i32
          %add3A_1292 = arith.addi %while3A_1288, %add3A_1291 : i32
          %add3A_1293 = arith.constant 0 : i32
          %add3A_1294 = arith.addi %while3A_1289, %add3A_1293 : i32
          %get3A_1295 = arith.constant 1 : index
          %get3A_1296 = arith.index_cast %add3A_1292 : i32 to index
          %get3A_1297 = memref.load %arg0[%get3A_1295, %get3A_1296] : memref<8x128xi32, #tpu.memory_space<smem>>
          %get3A_1298 = arith.constant 1 : index
          %get3A_1299 = arith.index_cast %add3A_1294 : i32 to index
          %get3A_1300 = memref.load %arg0[%get3A_1298, %get3A_1299] : memref<8x128xi32, #tpu.memory_space<smem>>
          %ne3A_1301 = arith.cmpi ne, %get3A_1297, %get3A_1300 : i32
          %or3A_1302 = arith.constant false
          %or3A_1303 = arith.ori %or3A_1302, %ne3A_1301 : i1
          %or3A_1304 = arith.constant false
          %or3A_1305 = arith.ori %or3A_1303, %or3A_1304 : i1
          %convert_element_type3A_1306 = arith.extui %or3A_1305 : i1 to i32
          %cond3A_1307 = arith.constant 0 : i32
          %cond3A_1308 = arith.cmpi ne, %convert_element_type3A_1306, %cond3A_1307 : i32
          scf.if %cond3A_1308 {
            %rem3A_1318 = arith.constant 8 : i32
            %rem3A_1319 = arith.remui %while3A_1290, %rem3A_1318 : i32
            %get3A_1320 = arith.constant 1 : index
            %get3A_1321 = arith.index_cast %add3A_1294 : i32 to index
            %get3A_1322 = memref.load %arg0[%get3A_1320, %get3A_1321] : memref<8x128xi32, #tpu.memory_space<smem>>
            %mul3A_1323 = arith.constant 64 : i32
            %mul3A_1324 = arith.muli %mul3A_1323, %get3A_1322 : i32
            %dma_start3A_1325 = tpu.memref_slice %run_scoped3A_0[%rem3A_1319] : memref<8x!tpu.dma_semaphore, #tpu.memory_space<semaphore_mem>> -> memref<1x!tpu.dma_semaphore, #tpu.memory_space<semaphore_mem>>
            %dma_start3A_1326 = tpu.memref_squeeze %dma_start3A_1325 : memref<1x!tpu.dma_semaphore, #tpu.memory_space<semaphore_mem>> -> memref<!tpu.dma_semaphore, #tpu.memory_space<semaphore_mem>>
            %dma_start3A_1327 = arith.constant 0 : i32
            %dma_start3A_1328 = arith.constant 0 : i32
            %dma_start3A_1329 = tpu.memref_slice %run_scoped3A[%rem3A_1319, %dma_start3A_1327, %dma_start3A_1328] : memref<8x64x1024xf32, #tpu.memory_space<vmem>> -> memref<1x64x1024xf32, #tpu.memory_space<vmem>>
            %dma_start3A_1330 = tpu.memref_squeeze %dma_start3A_1329 : memref<1x64x1024xf32, #tpu.memory_space<vmem>> -> memref<64x1024xf32, #tpu.memory_space<vmem>>
            %dma_start3A_1331 = arith.constant 0 : i32
            %dma_start3A_1332 = tpu.memref_slice %arg1[%mul3A_1324, %dma_start3A_1331] : memref<6144x1024xf32, #tpu.memory_space<hbm>> -> memref<64x1024xf32, #tpu.memory_space<hbm>>
            tpu.enqueue_dma source(%dma_start3A_1332 : memref<64x1024xf32, #tpu.memory_space<hbm>>) target(%dma_start3A_1330 : memref<64x1024xf32, #tpu.memory_space<vmem>>) target_semaphore(%dma_start3A_1326 : memref<!tpu.dma_semaphore, #tpu.memory_space<semaphore_mem>>)
          } else {
          }
          %convert_element_type3A_1309 = arith.extui %or3A_1305 : i1 to i32
          %add3A_1310 = arith.addi %while3A_1290, %convert_element_type3A_1309 : i32
          %add3A_1311 = arith.constant 1 : i32
          %add3A_1312 = arith.addi %while3A_1289, %add3A_1311 : i32
          %select_n3A_1313 = arith.constant true
          %select_n3A_1314 = arith.select %select_n3A_1313, %add3A_1312, %while3A_1289 : i32
          %select_n3A_1315 = arith.constant false
          %select_n3A_1316 = arith.constant 0 : i32
          %select_n3A_1317 = arith.select %select_n3A_1315, %select_n3A_1316, %select_n3A_1314 : i32
          scf.yield %while3A_1289, %select_n3A_1317, %add3A_1310 : i32, i32, i32
        }
        %get3A_725 = arith.constant 0 : index
        %get3A_726 = arith.index_cast %add3A_633 : i32 to index
        %get3A_727 = memref.load %arg0[%get3A_725, %get3A_726] : memref<8x128xi32, #tpu.memory_space<smem>>
        %get3A_728 = arith.constant 0 : index
        %get3A_729 = arith.index_cast %add3A_643 : i32 to index
        %get3A_730 = memref.load %arg0[%get3A_728, %get3A_729] : memref<8x128xi32, #tpu.memory_space<smem>>
        %ne3A_731 = arith.cmpi ne, %get3A_727, %get3A_730 : i32
        %or3A_732 = arith.constant false
        %or3A_733 = arith.ori %or3A_732, %ne3A_731 : i1
        %or3A_734 = arith.constant false
        %or3A_735 = arith.ori %or3A_733, %or3A_734 : i1
        %or3A_736 = arith.constant false
        %or3A_737 = arith.ori %or3A_735, %or3A_736 : i1
        %ge3A_738 = arith.constant 94 : i32
        %ge3A_739 = arith.cmpi sge, %scan3A_589, %ge3A_738 : i32
        %not3A_740 = arith.constant true
        %not3A_741 = arith.xori %ge3A_739, %not3A_740 : i1
        %and3A_742 = arith.andi %or3A_737, %not3A_741 : i1
        %add3A_743 = arith.constant 3 : i32
        %add3A_744 = arith.addi %scan3A_594, %add3A_743 : i32
        %add3A_745 = arith.constant 1 : i32
        %add3A_746 = arith.addi %scan3A_595, %add3A_745 : i32
        %select_n3A_747 = arith.constant true
        %select_n3A_748 = arith.select %select_n3A_747, %add3A_746, %scan3A_595 : i32
        %select_n3A_749 = arith.constant false
        %select_n3A_750 = arith.constant 0 : i32
        %select_n3A_751 = arith.select %select_n3A_749, %select_n3A_750, %select_n3A_748 : i32
        %while3A_752:3 = scf.while (%while3A_1288 = %scan3A_595, %while3A_1289 = %select_n3A_751, %while3A_1290 = %scan3A_593) : (i32, i32, i32) -> (i32, i32, i32) {
          %lt3A_1291 = arith.cmpi ult, %while3A_1290, %add3A_744 : i32
          %lt3A_1292 = arith.constant 96 : i32
          %lt3A_1293 = arith.cmpi slt, %while3A_1289, %lt3A_1292 : i32
          %and3A_1294 = arith.constant true
          %and3A_1295 = arith.andi %and3A_1294, %lt3A_1293 : i1
          %and3A_1296 = arith.constant true
          %and3A_1297 = arith.andi %and3A_1296, %lt3A_1291 : i1
          %and3A_1298 = arith.andi %and3A_1297, %and3A_1295 : i1
          scf.condition(%and3A_1298) %while3A_1288, %while3A_1289, %while3A_1290 : i32, i32, i32
        } do {
        ^bb0(%while3A_1288: i32, %while3A_1289: i32, %while3A_1290: i32):
          %add3A_1291 = arith.constant 0 : i32
          %add3A_1292 = arith.addi %while3A_1288, %add3A_1291 : i32
          %add3A_1293 = arith.constant 0 : i32
          %add3A_1294 = arith.addi %while3A_1289, %add3A_1293 : i32
          %get3A_1295 = arith.constant 0 : index
          %get3A_1296 = arith.index_cast %add3A_1292 : i32 to index
          %get3A_1297 = memref.load %arg0[%get3A_1295, %get3A_1296] : memref<8x128xi32, #tpu.memory_space<smem>>
          %get3A_1298 = arith.constant 0 : index
          %get3A_1299 = arith.index_cast %add3A_1294 : i32 to index
          %get3A_1300 = memref.load %arg0[%get3A_1298, %get3A_1299] : memref<8x128xi32, #tpu.memory_space<smem>>
          %ne3A_1301 = arith.cmpi ne, %get3A_1297, %get3A_1300 : i32
          %or3A_1302 = arith.constant false
          %or3A_1303 = arith.ori %or3A_1302, %ne3A_1301 : i1
          %or3A_1304 = arith.constant false
          %or3A_1305 = arith.ori %or3A_1303, %or3A_1304 : i1
          %or3A_1306 = arith.constant false
          %or3A_1307 = arith.ori %or3A_1305, %or3A_1306 : i1
          %convert_element_type3A_1308 = arith.extui %or3A_1307 : i1 to i32
          %cond3A_1309 = arith.constant 0 : i32
          %cond3A_1310 = arith.cmpi ne, %convert_element_type3A_1308, %cond3A_1309 : i32
          scf.if %cond3A_1310 {
            %rem3A_1320 = arith.constant 3 : i32
            %rem3A_1321 = arith.remui %while3A_1290, %rem3A_1320 : i32
            %get3A_1322 = arith.constant 0 : index
            %get3A_1323 = arith.index_cast %add3A_1294 : i32 to index
            %get3A_1324 = memref.load %arg0[%get3A_1322, %get3A_1323] : memref<8x128xi32, #tpu.memory_space<smem>>
            %mul3A_1325 = arith.constant 1 : i32
            %mul3A_1326 = arith.muli %mul3A_1325, %get3A_1324 : i32
            %dma_start3A_1327 = tpu.memref_slice %run_scoped3A_2[%rem3A_1321] : memref<3x!tpu.dma_semaphore, #tpu.memory_space<semaphore_mem>> -> memref<1x!tpu.dma_semaphore, #tpu.memory_space<semaphore_mem>>
            %dma_start3A_1328 = tpu.memref_squeeze %dma_start3A_1327 : memref<1x!tpu.dma_semaphore, #tpu.memory_space<semaphore_mem>> -> memref<!tpu.dma_semaphore, #tpu.memory_space<semaphore_mem>>
            %dma_start3A_1329 = arith.constant 0 : i32
            %dma_start3A_1330 = arith.constant 0 : i32
            %dma_start3A_1331 = arith.constant 0 : i32
            %dma_start3A_1332 = tpu.memref_slice %run_scoped3A_1[%rem3A_1321, %dma_start3A_1329, %dma_start3A_1330, %dma_start3A_1331] : memref<3x1x512x1024xf32, #tpu.memory_space<vmem>> -> memref<1x1x512x1024xf32, #tpu.memory_space<vmem>>
            %dma_start3A_1333 = tpu.memref_squeeze %dma_start3A_1332 : memref<1x1x512x1024xf32, #tpu.memory_space<vmem>> -> memref<1x512x1024xf32, #tpu.memory_space<vmem>>
            %dma_start3A_1334 = arith.constant 0 : i32
            %dma_start3A_1335 = arith.constant 0 : i32
            %dma_start3A_1336 = tpu.memref_slice %arg2[%mul3A_1326, %dma_start3A_1334, %dma_start3A_1335] : memref<64x512x1024xf32, #tpu.memory_space<hbm>> -> memref<1x512x1024xf32, #tpu.memory_space<hbm>>
            tpu.enqueue_dma source(%dma_start3A_1336 : memref<1x512x1024xf32, #tpu.memory_space<hbm>>) target(%dma_start3A_1333 : memref<1x512x1024xf32, #tpu.memory_space<vmem>>) target_semaphore(%dma_start3A_1328 : memref<!tpu.dma_semaphore, #tpu.memory_space<semaphore_mem>>)
          } else {
          }
          %convert_element_type3A_1311 = arith.extui %or3A_1307 : i1 to i32
          %add3A_1312 = arith.addi %while3A_1290, %convert_element_type3A_1311 : i32
          %add3A_1313 = arith.constant 1 : i32
          %add3A_1314 = arith.addi %while3A_1289, %add3A_1313 : i32
          %select_n3A_1315 = arith.constant true
          %select_n3A_1316 = arith.select %select_n3A_1315, %add3A_1314, %while3A_1289 : i32
          %select_n3A_1317 = arith.constant false
          %select_n3A_1318 = arith.constant 0 : i32
          %select_n3A_1319 = arith.select %select_n3A_1317, %select_n3A_1318, %select_n3A_1316 : i32
          scf.yield %while3A_1289, %select_n3A_1319, %add3A_1312 : i32, i32, i32
        }
        %get3A_753 = arith.constant 0 : index
        %get3A_754 = arith.index_cast %add3A_633 : i32 to index
        %get3A_755 = memref.load %arg0[%get3A_753, %get3A_754] : memref<8x128xi32, #tpu.memory_space<smem>>
        %get3A_756 = arith.constant 0 : index
        %get3A_757 = arith.index_cast %add3A_643 : i32 to index
        %get3A_758 = memref.load %arg0[%get3A_756, %get3A_757] : memref<8x128xi32, #tpu.memory_space<smem>>
        %ne3A_759 = arith.cmpi ne, %get3A_755, %get3A_758 : i32
        %or3A_760 = arith.constant false
        %or3A_761 = arith.ori %or3A_760, %ne3A_759 : i1
        %or3A_762 = arith.constant false
        %or3A_763 = arith.ori %or3A_761, %or3A_762 : i1
        %or3A_764 = arith.constant false
        %or3A_765 = arith.ori %or3A_763, %or3A_764 : i1
        %ge3A_766 = arith.constant 94 : i32
        %ge3A_767 = arith.cmpi sge, %scan3A_589, %ge3A_766 : i32
        %not3A_768 = arith.constant true
        %not3A_769 = arith.xori %ge3A_767, %not3A_768 : i1
        %and3A_770 = arith.andi %or3A_765, %not3A_769 : i1
        %add3A_771 = arith.constant 3 : i32
        %add3A_772 = arith.addi %scan3A_597, %add3A_771 : i32
        %add3A_773 = arith.constant 1 : i32
        %add3A_774 = arith.addi %scan3A_598, %add3A_773 : i32
        %select_n3A_775 = arith.constant true
        %select_n3A_776 = arith.select %select_n3A_775, %add3A_774, %scan3A_598 : i32
        %select_n3A_777 = arith.constant false
        %select_n3A_778 = arith.constant 0 : i32
        %select_n3A_779 = arith.select %select_n3A_777, %select_n3A_778, %select_n3A_776 : i32
        %while3A_780:3 = scf.while (%while3A_1288 = %scan3A_598, %while3A_1289 = %select_n3A_779, %while3A_1290 = %scan3A_596) : (i32, i32, i32) -> (i32, i32, i32) {
          %lt3A_1291 = arith.cmpi ult, %while3A_1290, %add3A_772 : i32
          %lt3A_1292 = arith.constant 96 : i32
          %lt3A_1293 = arith.cmpi slt, %while3A_1289, %lt3A_1292 : i32
          %and3A_1294 = arith.constant true
          %and3A_1295 = arith.andi %and3A_1294, %lt3A_1293 : i1
          %and3A_1296 = arith.constant true
          %and3A_1297 = arith.andi %and3A_1296, %lt3A_1291 : i1
          %and3A_1298 = arith.andi %and3A_1297, %and3A_1295 : i1
          scf.condition(%and3A_1298) %while3A_1288, %while3A_1289, %while3A_1290 : i32, i32, i32
        } do {
        ^bb0(%while3A_1288: i32, %while3A_1289: i32, %while3A_1290: i32):
          %add3A_1291 = arith.constant 0 : i32
          %add3A_1292 = arith.addi %while3A_1288, %add3A_1291 : i32
          %add3A_1293 = arith.constant 0 : i32
          %add3A_1294 = arith.addi %while3A_1289, %add3A_1293 : i32
          %get3A_1295 = arith.constant 0 : index
          %get3A_1296 = arith.index_cast %add3A_1292 : i32 to index
          %get3A_1297 = memref.load %arg0[%get3A_1295, %get3A_1296] : memref<8x128xi32, #tpu.memory_space<smem>>
          %get3A_1298 = arith.constant 0 : index
          %get3A_1299 = arith.index_cast %add3A_1294 : i32 to index
          %get3A_1300 = memref.load %arg0[%get3A_1298, %get3A_1299] : memref<8x128xi32, #tpu.memory_space<smem>>
          %ne3A_1301 = arith.cmpi ne, %get3A_1297, %get3A_1300 : i32
          %or3A_1302 = arith.constant false
          %or3A_1303 = arith.ori %or3A_1302, %ne3A_1301 : i1
          %or3A_1304 = arith.constant false
          %or3A_1305 = arith.ori %or3A_1303, %or3A_1304 : i1
          %or3A_1306 = arith.constant false
          %or3A_1307 = arith.ori %or3A_1305, %or3A_1306 : i1
          %convert_element_type3A_1308 = arith.extui %or3A_1307 : i1 to i32
          %cond3A_1309 = arith.constant 0 : i32
          %cond3A_1310 = arith.cmpi ne, %convert_element_type3A_1308, %cond3A_1309 : i32
          scf.if %cond3A_1310 {
            %rem3A_1320 = arith.constant 3 : i32
            %rem3A_1321 = arith.remui %while3A_1290, %rem3A_1320 : i32
            %get3A_1322 = arith.constant 0 : index
            %get3A_1323 = arith.index_cast %add3A_1294 : i32 to index
            %get3A_1324 = memref.load %arg0[%get3A_1322, %get3A_1323] : memref<8x128xi32, #tpu.memory_space<smem>>
            %mul3A_1325 = arith.constant 1 : i32
            %mul3A_1326 = arith.muli %mul3A_1325, %get3A_1324 : i32
            %dma_start3A_1327 = tpu.memref_slice %run_scoped3A_4[%rem3A_1321] : memref<3x!tpu.dma_semaphore, #tpu.memory_space<semaphore_mem>> -> memref<1x!tpu.dma_semaphore, #tpu.memory_space<semaphore_mem>>
            %dma_start3A_1328 = tpu.memref_squeeze %dma_start3A_1327 : memref<1x!tpu.dma_semaphore, #tpu.memory_space<semaphore_mem>> -> memref<!tpu.dma_semaphore, #tpu.memory_space<semaphore_mem>>
            %dma_start3A_1329 = arith.constant 0 : i32
            %dma_start3A_1330 = arith.constant 0 : i32
            %dma_start3A_1331 = arith.constant 0 : i32
            %dma_start3A_1332 = tpu.memref_slice %run_scoped3A_3[%rem3A_1321, %dma_start3A_1329, %dma_start3A_1330, %dma_start3A_1331] : memref<3x1x512x1024xf32, #tpu.memory_space<vmem>> -> memref<1x1x512x1024xf32, #tpu.memory_space<vmem>>
            %dma_start3A_1333 = tpu.memref_squeeze %dma_start3A_1332 : memref<1x1x512x1024xf32, #tpu.memory_space<vmem>> -> memref<1x512x1024xf32, #tpu.memory_space<vmem>>
            %dma_start3A_1334 = arith.constant 0 : i32
            %dma_start3A_1335 = arith.constant 0 : i32
            %dma_start3A_1336 = tpu.memref_slice %arg3[%mul3A_1326, %dma_start3A_1334, %dma_start3A_1335] : memref<64x512x1024xf32, #tpu.memory_space<hbm>> -> memref<1x512x1024xf32, #tpu.memory_space<hbm>>
            tpu.enqueue_dma source(%dma_start3A_1336 : memref<1x512x1024xf32, #tpu.memory_space<hbm>>) target(%dma_start3A_1333 : memref<1x512x1024xf32, #tpu.memory_space<vmem>>) target_semaphore(%dma_start3A_1328 : memref<!tpu.dma_semaphore, #tpu.memory_space<semaphore_mem>>)
          } else {
          }
          %convert_element_type3A_1311 = arith.extui %or3A_1307 : i1 to i32
          %add3A_1312 = arith.addi %while3A_1290, %convert_element_type3A_1311 : i32
          %add3A_1313 = arith.constant 1 : i32
          %add3A_1314 = arith.addi %while3A_1289, %add3A_1313 : i32
          %select_n3A_1315 = arith.constant true
          %select_n3A_1316 = arith.select %select_n3A_1315, %add3A_1314, %while3A_1289 : i32
          %select_n3A_1317 = arith.constant false
          %select_n3A_1318 = arith.constant 0 : i32
          %select_n3A_1319 = arith.select %select_n3A_1317, %select_n3A_1318, %select_n3A_1316 : i32
          scf.yield %while3A_1289, %select_n3A_1319, %add3A_1312 : i32, i32, i32
        }
        %get3A_781 = arith.constant 0 : index
        %get3A_782 = arith.index_cast %add3A_633 : i32 to index
        %get3A_783 = memref.load %arg0[%get3A_781, %get3A_782] : memref<8x128xi32, #tpu.memory_space<smem>>
        %get3A_784 = arith.constant 0 : index
        %get3A_785 = arith.index_cast %add3A_643 : i32 to index
        %get3A_786 = memref.load %arg0[%get3A_784, %get3A_785] : memref<8x128xi32, #tpu.memory_space<smem>>
        %ne3A_787 = arith.cmpi ne, %get3A_783, %get3A_786 : i32
        %or3A_788 = arith.constant false
        %or3A_789 = arith.ori %or3A_788, %ne3A_787 : i1
        %or3A_790 = arith.constant false
        %or3A_791 = arith.ori %or3A_789, %or3A_790 : i1
        %or3A_792 = arith.constant false
        %or3A_793 = arith.ori %or3A_791, %or3A_792 : i1
        %ge3A_794 = arith.constant 94 : i32
        %ge3A_795 = arith.cmpi sge, %scan3A_589, %ge3A_794 : i32
        %not3A_796 = arith.constant true
        %not3A_797 = arith.xori %ge3A_795, %not3A_796 : i1
        %and3A_798 = arith.andi %or3A_793, %not3A_797 : i1
        %add3A_799 = arith.constant 3 : i32
        %add3A_800 = arith.addi %scan3A_600, %add3A_799 : i32
        %add3A_801 = arith.constant 1 : i32
        %add3A_802 = arith.addi %scan3A_601, %add3A_801 : i32
        %select_n3A_803 = arith.constant true
        %select_n3A_804 = arith.select %select_n3A_803, %add3A_802, %scan3A_601 : i32
        %select_n3A_805 = arith.constant false
        %select_n3A_806 = arith.constant 0 : i32
        %select_n3A_807 = arith.select %select_n3A_805, %select_n3A_806, %select_n3A_804 : i32
        %while3A_808:3 = scf.while (%while3A_1288 = %scan3A_601, %while3A_1289 = %select_n3A_807, %while3A_1290 = %scan3A_599) : (i32, i32, i32) -> (i32, i32, i32) {
          %lt3A_1291 = arith.cmpi ult, %while3A_1290, %add3A_800 : i32
          %lt3A_1292 = arith.constant 96 : i32
          %lt3A_1293 = arith.cmpi slt, %while3A_1289, %lt3A_1292 : i32
          %and3A_1294 = arith.constant true
          %and3A_1295 = arith.andi %and3A_1294, %lt3A_1293 : i1
          %and3A_1296 = arith.constant true
          %and3A_1297 = arith.andi %and3A_1296, %lt3A_1291 : i1
          %and3A_1298 = arith.andi %and3A_1297, %and3A_1295 : i1
          scf.condition(%and3A_1298) %while3A_1288, %while3A_1289, %while3A_1290 : i32, i32, i32
        } do {
        ^bb0(%while3A_1288: i32, %while3A_1289: i32, %while3A_1290: i32):
          %add3A_1291 = arith.constant 0 : i32
          %add3A_1292 = arith.addi %while3A_1288, %add3A_1291 : i32
          %add3A_1293 = arith.constant 0 : i32
          %add3A_1294 = arith.addi %while3A_1289, %add3A_1293 : i32
          %get3A_1295 = arith.constant 0 : index
          %get3A_1296 = arith.index_cast %add3A_1292 : i32 to index
          %get3A_1297 = memref.load %arg0[%get3A_1295, %get3A_1296] : memref<8x128xi32, #tpu.memory_space<smem>>
          %get3A_1298 = arith.constant 0 : index
          %get3A_1299 = arith.index_cast %add3A_1294 : i32 to index
          %get3A_1300 = memref.load %arg0[%get3A_1298, %get3A_1299] : memref<8x128xi32, #tpu.memory_space<smem>>
          %ne3A_1301 = arith.cmpi ne, %get3A_1297, %get3A_1300 : i32
          %or3A_1302 = arith.constant false
          %or3A_1303 = arith.ori %or3A_1302, %ne3A_1301 : i1
          %or3A_1304 = arith.constant false
          %or3A_1305 = arith.ori %or3A_1303, %or3A_1304 : i1
          %or3A_1306 = arith.constant false
          %or3A_1307 = arith.ori %or3A_1305, %or3A_1306 : i1
          %convert_element_type3A_1308 = arith.extui %or3A_1307 : i1 to i32
          %cond3A_1309 = arith.constant 0 : i32
          %cond3A_1310 = arith.cmpi ne, %convert_element_type3A_1308, %cond3A_1309 : i32
          scf.if %cond3A_1310 {
            %rem3A_1320 = arith.constant 3 : i32
            %rem3A_1321 = arith.remui %while3A_1290, %rem3A_1320 : i32
            %get3A_1322 = arith.constant 0 : index
            %get3A_1323 = arith.index_cast %add3A_1294 : i32 to index
            %get3A_1324 = memref.load %arg0[%get3A_1322, %get3A_1323] : memref<8x128xi32, #tpu.memory_space<smem>>
            %mul3A_1325 = arith.constant 1 : i32
            %mul3A_1326 = arith.muli %mul3A_1325, %get3A_1324 : i32
            %dma_start3A_1327 = tpu.memref_slice %run_scoped3A_6[%rem3A_1321] : memref<3x!tpu.dma_semaphore, #tpu.memory_space<semaphore_mem>> -> memref<1x!tpu.dma_semaphore, #tpu.memory_space<semaphore_mem>>
            %dma_start3A_1328 = tpu.memref_squeeze %dma_start3A_1327 : memref<1x!tpu.dma_semaphore, #tpu.memory_space<semaphore_mem>> -> memref<!tpu.dma_semaphore, #tpu.memory_space<semaphore_mem>>
            %dma_start3A_1329 = arith.constant 0 : i32
            %dma_start3A_1330 = arith.constant 0 : i32
            %dma_start3A_1331 = arith.constant 0 : i32
            %dma_start3A_1332 = tpu.memref_slice %run_scoped3A_5[%rem3A_1321, %dma_start3A_1329, %dma_start3A_1330, %dma_start3A_1331] : memref<3x1x1024x512xf32, #tpu.memory_space<vmem>> -> memref<1x1x1024x512xf32, #tpu.memory_space<vmem>>
            %dma_start3A_1333 = tpu.memref_squeeze %dma_start3A_1332 : memref<1x1x1024x512xf32, #tpu.memory_space<vmem>> -> memref<1x1024x512xf32, #tpu.memory_space<vmem>>
            %dma_start3A_1334 = arith.constant 0 : i32
            %dma_start3A_1335 = arith.constant 0 : i32
            %dma_start3A_1336 = tpu.memref_slice %arg4[%mul3A_1326, %dma_start3A_1334, %dma_start3A_1335] : memref<64x1024x512xf32, #tpu.memory_space<hbm>> -> memref<1x1024x512xf32, #tpu.memory_space<hbm>>
            tpu.enqueue_dma source(%dma_start3A_1336 : memref<1x1024x512xf32, #tpu.memory_space<hbm>>) target(%dma_start3A_1333 : memref<1x1024x512xf32, #tpu.memory_space<vmem>>) target_semaphore(%dma_start3A_1328 : memref<!tpu.dma_semaphore, #tpu.memory_space<semaphore_mem>>)
          } else {
          }
          %convert_element_type3A_1311 = arith.extui %or3A_1307 : i1 to i32
          %add3A_1312 = arith.addi %while3A_1290, %convert_element_type3A_1311 : i32
          %add3A_1313 = arith.constant 1 : i32
          %add3A_1314 = arith.addi %while3A_1289, %add3A_1313 : i32
          %select_n3A_1315 = arith.constant true
          %select_n3A_1316 = arith.select %select_n3A_1315, %add3A_1314, %while3A_1289 : i32
          %select_n3A_1317 = arith.constant false
          %select_n3A_1318 = arith.constant 0 : i32
          %select_n3A_1319 = arith.select %select_n3A_1317, %select_n3A_1318, %select_n3A_1316 : i32
          scf.yield %while3A_1289, %select_n3A_1319, %add3A_1312 : i32, i32, i32
        }
        %get3A_809 = arith.constant 1 : index
        %get3A_810 = arith.index_cast %add3A_683 : i32 to index
        %get3A_811 = memref.load %arg0[%get3A_809, %get3A_810] : memref<8x128xi32, #tpu.memory_space<smem>>
        %get3A_812 = arith.constant 1 : index
        %get3A_813 = arith.index_cast %add3A_693 : i32 to index
        %get3A_814 = memref.load %arg0[%get3A_812, %get3A_813] : memref<8x128xi32, #tpu.memory_space<smem>>
        %ne3A_815 = arith.cmpi ne, %get3A_811, %get3A_814 : i32
        %or3A_816 = arith.constant false
        %or3A_817 = arith.ori %or3A_816, %ne3A_815 : i1
        %or3A_818 = arith.constant false
        %or3A_819 = arith.ori %or3A_817, %or3A_818 : i1
        %ge3A_820 = arith.constant 89 : i32
        %ge3A_821 = arith.cmpi sge, %scan3A_589, %ge3A_820 : i32
        %not3A_822 = arith.constant true
        %not3A_823 = arith.xori %ge3A_821, %not3A_822 : i1
        %and3A_824 = arith.andi %or3A_819, %not3A_823 : i1
        %add3A_825 = arith.constant 8 : i32
        %add3A_826 = arith.addi %scan3A_603, %add3A_825 : i32
        %add3A_827 = arith.constant 1 : i32
        %add3A_828 = arith.addi %scan3A_604, %add3A_827 : i32
        %select_n3A_829 = arith.constant true
        %select_n3A_830 = arith.select %select_n3A_829, %add3A_828, %scan3A_604 : i32
        %select_n3A_831 = arith.constant false
        %select_n3A_832 = arith.constant 0 : i32
        %select_n3A_833 = arith.select %select_n3A_831, %select_n3A_832, %select_n3A_830 : i32
        %while3A_834:3 = scf.while (%while3A_1288 = %scan3A_604, %while3A_1289 = %select_n3A_833, %while3A_1290 = %scan3A_602) : (i32, i32, i32) -> (i32, i32, i32) {
          %lt3A_1291 = arith.cmpi ult, %while3A_1290, %add3A_826 : i32
          %lt3A_1292 = arith.constant 96 : i32
          %lt3A_1293 = arith.cmpi slt, %while3A_1289, %lt3A_1292 : i32
          %and3A_1294 = arith.constant true
          %and3A_1295 = arith.andi %and3A_1294, %lt3A_1293 : i1
          %and3A_1296 = arith.constant true
          %and3A_1297 = arith.andi %and3A_1296, %lt3A_1291 : i1
          %and3A_1298 = arith.andi %and3A_1297, %and3A_1295 : i1
          scf.condition(%and3A_1298) %while3A_1288, %while3A_1289, %while3A_1290 : i32, i32, i32
        } do {
        ^bb0(%while3A_1288: i32, %while3A_1289: i32, %while3A_1290: i32):
          %add3A_1291 = arith.constant 0 : i32
          %add3A_1292 = arith.addi %while3A_1288, %add3A_1291 : i32
          %add3A_1293 = arith.constant 0 : i32
          %add3A_1294 = arith.addi %while3A_1289, %add3A_1293 : i32
          %get3A_1295 = arith.constant 1 : index
          %get3A_1296 = arith.index_cast %add3A_1292 : i32 to index
          %get3A_1297 = memref.load %arg0[%get3A_1295, %get3A_1296] : memref<8x128xi32, #tpu.memory_space<smem>>
          %get3A_1298 = arith.constant 1 : index
          %get3A_1299 = arith.index_cast %add3A_1294 : i32 to index
          %get3A_1300 = memref.load %arg0[%get3A_1298, %get3A_1299] : memref<8x128xi32, #tpu.memory_space<smem>>
          %ne3A_1301 = arith.cmpi ne, %get3A_1297, %get3A_1300 : i32
          %or3A_1302 = arith.constant false
          %or3A_1303 = arith.ori %or3A_1302, %ne3A_1301 : i1
          %or3A_1304 = arith.constant false
          %or3A_1305 = arith.ori %or3A_1303, %or3A_1304 : i1
          %convert_element_type3A_1306 = arith.extui %or3A_1305 : i1 to i32
          %cond3A_1307 = arith.constant 0 : i32
          %cond3A_1308 = arith.cmpi ne, %convert_element_type3A_1306, %cond3A_1307 : i32
          scf.if %cond3A_1308 {
            %rem3A_1318 = arith.constant 8 : i32
            %rem3A_1319 = arith.remui %while3A_1290, %rem3A_1318 : i32
            %get3A_1320 = arith.constant 1 : index
            %get3A_1321 = arith.index_cast %add3A_1294 : i32 to index
            %get3A_1322 = memref.load %arg0[%get3A_1320, %get3A_1321] : memref<8x128xi32, #tpu.memory_space<smem>>
            %mul3A_1323 = arith.constant 64 : i32
            %mul3A_1324 = arith.muli %mul3A_1323, %get3A_1322 : i32
            %dma_start3A_1325 = tpu.memref_slice %run_scoped3A_8[%rem3A_1319] : memref<8x!tpu.dma_semaphore, #tpu.memory_space<semaphore_mem>> -> memref<1x!tpu.dma_semaphore, #tpu.memory_space<semaphore_mem>>
            %dma_start3A_1326 = tpu.memref_squeeze %dma_start3A_1325 : memref<1x!tpu.dma_semaphore, #tpu.memory_space<semaphore_mem>> -> memref<!tpu.dma_semaphore, #tpu.memory_space<semaphore_mem>>
            %dma_start3A_1327 = arith.constant 0 : i32
            %dma_start3A_1328 = arith.constant 0 : i32
            %dma_start3A_1329 = tpu.memref_slice %run_scoped3A_7[%rem3A_1319, %dma_start3A_1327, %dma_start3A_1328] : memref<8x64x128xf32, #tpu.memory_space<vmem>> -> memref<1x64x128xf32, #tpu.memory_space<vmem>>
            %dma_start3A_1330 = tpu.memref_squeeze %dma_start3A_1329 : memref<1x64x128xf32, #tpu.memory_space<vmem>> -> memref<64x128xf32, #tpu.memory_space<vmem>>
            %dma_start3A_1331 = arith.constant 0 : i32
            %dma_start3A_1332 = tpu.memref_slice %arg5[%mul3A_1324, %dma_start3A_1331] : memref<6144x128xf32, #tpu.memory_space<hbm>> -> memref<64x128xf32, #tpu.memory_space<hbm>>
            tpu.enqueue_dma source(%dma_start3A_1332 : memref<64x128xf32, #tpu.memory_space<hbm>>) target(%dma_start3A_1330 : memref<64x128xf32, #tpu.memory_space<vmem>>) target_semaphore(%dma_start3A_1326 : memref<!tpu.dma_semaphore, #tpu.memory_space<semaphore_mem>>)
          } else {
          }
          %convert_element_type3A_1309 = arith.extui %or3A_1305 : i1 to i32
          %add3A_1310 = arith.addi %while3A_1290, %convert_element_type3A_1309 : i32
          %add3A_1311 = arith.constant 1 : i32
          %add3A_1312 = arith.addi %while3A_1289, %add3A_1311 : i32
          %select_n3A_1313 = arith.constant true
          %select_n3A_1314 = arith.select %select_n3A_1313, %add3A_1312, %while3A_1289 : i32
          %select_n3A_1315 = arith.constant false
          %select_n3A_1316 = arith.constant 0 : i32
          %select_n3A_1317 = arith.select %select_n3A_1315, %select_n3A_1316, %select_n3A_1314 : i32
          scf.yield %while3A_1289, %select_n3A_1317, %add3A_1310 : i32, i32, i32
        }
        %get3A_835 = arith.constant 1 : index
        %get3A_836 = arith.index_cast %add3A_613 : i32 to index
        %get3A_837 = memref.load %arg0[%get3A_835, %get3A_836] : memref<8x128xi32, #tpu.memory_space<smem>>
        %get3A_838 = arith.constant 1 : index
        %get3A_839 = arith.index_cast %add3A_633 : i32 to index
        %get3A_840 = memref.load %arg0[%get3A_838, %get3A_839] : memref<8x128xi32, #tpu.memory_space<smem>>
        %ne3A_841 = arith.cmpi ne, %get3A_837, %get3A_840 : i32
        %or3A_842 = arith.constant false
        %or3A_843 = arith.ori %or3A_842, %ne3A_841 : i1
        %or3A_844 = arith.constant false
        %or3A_845 = arith.ori %or3A_843, %or3A_844 : i1
        %ge3A_846 = arith.constant 95 : i32
        %ge3A_847 = arith.cmpi sge, %scan3A_589, %ge3A_846 : i32
        %not3A_848 = arith.constant true
        %not3A_849 = arith.xori %ge3A_847, %not3A_848 : i1
        %and3A_850 = arith.andi %or3A_845, %not3A_849 : i1
        %get3A_851 = arith.constant 1 : index
        %get3A_852 = arith.index_cast %add3A_613 : i32 to index
        %get3A_853 = memref.load %arg0[%get3A_851, %get3A_852] : memref<8x128xi32, #tpu.memory_space<smem>>
        %get3A_854 = arith.constant 1 : index
        %get3A_855 = arith.index_cast %add3A_623 : i32 to index
        %get3A_856 = memref.load %arg0[%get3A_854, %get3A_855] : memref<8x128xi32, #tpu.memory_space<smem>>
        %ne3A_857 = arith.cmpi ne, %get3A_853, %get3A_856 : i32
        %or3A_858 = arith.constant false
        %or3A_859 = arith.ori %or3A_858, %ne3A_857 : i1
        %or3A_860 = arith.constant false
        %or3A_861 = arith.ori %or3A_859, %or3A_860 : i1
        %or3A_862 = arith.ori %or3A_861, %eq3A_609 : i1
        %convert_element_type3A = arith.extui %or3A_862 : i1 to i32
        %cond3A = arith.constant 0 : i32
        %cond3A_863 = arith.cmpi ne, %convert_element_type3A, %cond3A : i32
        scf.if %cond3A_863 {
          "tpu.trace_start"() <{level = 10 : i32, message = "ep_wait_in"}> : () -> ()
          %get3A_1288 = arith.constant 1 : index
          %get3A_1289 = arith.index_cast %add3A_613 : i32 to index
          %get3A_1290 = memref.load %arg0[%get3A_1288, %get3A_1289] : memref<8x128xi32, #tpu.memory_space<smem>>
          %mul3A_1291 = arith.constant 64 : i32
          %mul3A_1292 = arith.muli %mul3A_1291, %get3A_1290 : i32
          %rem3A_1293 = arith.constant 8 : i32
          %rem3A_1294 = arith.remui %scan3A_591, %rem3A_1293 : i32
          %dma_wait3A_1295 = tpu.memref_slice %run_scoped3A_0[%rem3A_1294] : memref<8x!tpu.dma_semaphore, #tpu.memory_space<semaphore_mem>> -> memref<1x!tpu.dma_semaphore, #tpu.memory_space<semaphore_mem>>
          %dma_wait3A_1296 = tpu.memref_squeeze %dma_wait3A_1295 : memref<1x!tpu.dma_semaphore, #tpu.memory_space<semaphore_mem>> -> memref<!tpu.dma_semaphore, #tpu.memory_space<semaphore_mem>>
          %dma_wait3A_1297 = arith.constant 0 : i32
          %dma_wait3A_1298 = arith.constant 0 : i32
          %dma_wait3A_1299 = tpu.memref_slice %run_scoped3A[%rem3A_1294, %dma_wait3A_1297, %dma_wait3A_1298] : memref<8x64x1024xf32, #tpu.memory_space<vmem>> -> memref<1x64x1024xf32, #tpu.memory_space<vmem>>
          %dma_wait3A_1300 = tpu.memref_squeeze %dma_wait3A_1299 : memref<1x64x1024xf32, #tpu.memory_space<vmem>> -> memref<64x1024xf32, #tpu.memory_space<vmem>>
          %dma_wait3A_1301 = arith.constant 0 : i32
          %dma_wait3A_1302 = tpu.memref_slice %arg1[%mul3A_1292, %dma_wait3A_1301] : memref<6144x1024xf32, #tpu.memory_space<hbm>> -> memref<64x1024xf32, #tpu.memory_space<hbm>>
          tpu.wait_dma2 semaphore(%dma_wait3A_1296 : memref<!tpu.dma_semaphore, #tpu.memory_space<semaphore_mem>>) src(%dma_wait3A_1302 : memref<64x1024xf32, #tpu.memory_space<hbm>>) dst(%dma_wait3A_1300 : memref<64x1024xf32, #tpu.memory_space<vmem>>)
          "tpu.trace_stop"() : () -> ()
        } else {
        }
        %get3A_864 = arith.constant 0 : index
        %get3A_865 = arith.index_cast %add3A_613 : i32 to index
        %get3A_866 = memref.load %arg0[%get3A_864, %get3A_865] : memref<8x128xi32, #tpu.memory_space<smem>>
        %get3A_867 = arith.constant 0 : index
        %get3A_868 = arith.index_cast %add3A_623 : i32 to index
        %get3A_869 = memref.load %arg0[%get3A_867, %get3A_868] : memref<8x128xi32, #tpu.memory_space<smem>>
        %ne3A_870 = arith.cmpi ne, %get3A_866, %get3A_869 : i32
        %or3A_871 = arith.constant false
        %or3A_872 = arith.ori %or3A_871, %ne3A_870 : i1
        %or3A_873 = arith.constant false
        %or3A_874 = arith.ori %or3A_872, %or3A_873 : i1
        %or3A_875 = arith.constant false
        %or3A_876 = arith.ori %or3A_874, %or3A_875 : i1
        %or3A_877 = arith.ori %or3A_876, %eq3A_609 : i1
        %convert_element_type3A_878 = arith.extui %or3A_877 : i1 to i32
        %cond3A_879 = arith.constant 0 : i32
        %cond3A_880 = arith.cmpi ne, %convert_element_type3A_878, %cond3A_879 : i32
        scf.if %cond3A_880 {
          "tpu.trace_start"() <{level = 10 : i32, message = "ep_wait_in"}> : () -> ()
          %get3A_1288 = arith.constant 0 : index
          %get3A_1289 = arith.index_cast %add3A_613 : i32 to index
          %get3A_1290 = memref.load %arg0[%get3A_1288, %get3A_1289] : memref<8x128xi32, #tpu.memory_space<smem>>
          %mul3A_1291 = arith.constant 1 : i32
          %mul3A_1292 = arith.muli %mul3A_1291, %get3A_1290 : i32
          %rem3A_1293 = arith.constant 3 : i32
          %rem3A_1294 = arith.remui %scan3A_594, %rem3A_1293 : i32
          %dma_wait3A_1295 = tpu.memref_slice %run_scoped3A_2[%rem3A_1294] : memref<3x!tpu.dma_semaphore, #tpu.memory_space<semaphore_mem>> -> memref<1x!tpu.dma_semaphore, #tpu.memory_space<semaphore_mem>>
          %dma_wait3A_1296 = tpu.memref_squeeze %dma_wait3A_1295 : memref<1x!tpu.dma_semaphore, #tpu.memory_space<semaphore_mem>> -> memref<!tpu.dma_semaphore, #tpu.memory_space<semaphore_mem>>
          %dma_wait3A_1297 = arith.constant 0 : i32
          %dma_wait3A_1298 = arith.constant 0 : i32
          %dma_wait3A_1299 = arith.constant 0 : i32
          %dma_wait3A_1300 = tpu.memref_slice %run_scoped3A_1[%rem3A_1294, %dma_wait3A_1297, %dma_wait3A_1298, %dma_wait3A_1299] : memref<3x1x512x1024xf32, #tpu.memory_space<vmem>> -> memref<1x1x512x1024xf32, #tpu.memory_space<vmem>>
          %dma_wait3A_1301 = tpu.memref_squeeze %dma_wait3A_1300 : memref<1x1x512x1024xf32, #tpu.memory_space<vmem>> -> memref<1x512x1024xf32, #tpu.memory_space<vmem>>
          %dma_wait3A_1302 = arith.constant 0 : i32
          %dma_wait3A_1303 = arith.constant 0 : i32
          %dma_wait3A_1304 = tpu.memref_slice %arg2[%mul3A_1292, %dma_wait3A_1302, %dma_wait3A_1303] : memref<64x512x1024xf32, #tpu.memory_space<hbm>> -> memref<1x512x1024xf32, #tpu.memory_space<hbm>>
          tpu.wait_dma2 semaphore(%dma_wait3A_1296 : memref<!tpu.dma_semaphore, #tpu.memory_space<semaphore_mem>>) src(%dma_wait3A_1304 : memref<1x512x1024xf32, #tpu.memory_space<hbm>>) dst(%dma_wait3A_1301 : memref<1x512x1024xf32, #tpu.memory_space<vmem>>)
          "tpu.trace_stop"() : () -> ()
        } else {
        }
        %get3A_881 = arith.constant 0 : index
        %get3A_882 = arith.index_cast %add3A_613 : i32 to index
        %get3A_883 = memref.load %arg0[%get3A_881, %get3A_882] : memref<8x128xi32, #tpu.memory_space<smem>>
        %get3A_884 = arith.constant 0 : index
        %get3A_885 = arith.index_cast %add3A_623 : i32 to index
        %get3A_886 = memref.load %arg0[%get3A_884, %get3A_885] : memref<8x128xi32, #tpu.memory_space<smem>>
        %ne3A_887 = arith.cmpi ne, %get3A_883, %get3A_886 : i32
        %or3A_888 = arith.constant false
        %or3A_889 = arith.ori %or3A_888, %ne3A_887 : i1
        %or3A_890 = arith.constant false
        %or3A_891 = arith.ori %or3A_889, %or3A_890 : i1
        %or3A_892 = arith.constant false
        %or3A_893 = arith.ori %or3A_891, %or3A_892 : i1
        %or3A_894 = arith.ori %or3A_893, %eq3A_609 : i1
        %convert_element_type3A_895 = arith.extui %or3A_894 : i1 to i32
        %cond3A_896 = arith.constant 0 : i32
        %cond3A_897 = arith.cmpi ne, %convert_element_type3A_895, %cond3A_896 : i32
        scf.if %cond3A_897 {
          "tpu.trace_start"() <{level = 10 : i32, message = "ep_wait_in"}> : () -> ()
          %get3A_1288 = arith.constant 0 : index
          %get3A_1289 = arith.index_cast %add3A_613 : i32 to index
          %get3A_1290 = memref.load %arg0[%get3A_1288, %get3A_1289] : memref<8x128xi32, #tpu.memory_space<smem>>
          %mul3A_1291 = arith.constant 1 : i32
          %mul3A_1292 = arith.muli %mul3A_1291, %get3A_1290 : i32
          %rem3A_1293 = arith.constant 3 : i32
          %rem3A_1294 = arith.remui %scan3A_597, %rem3A_1293 : i32
          %dma_wait3A_1295 = tpu.memref_slice %run_scoped3A_4[%rem3A_1294] : memref<3x!tpu.dma_semaphore, #tpu.memory_space<semaphore_mem>> -> memref<1x!tpu.dma_semaphore, #tpu.memory_space<semaphore_mem>>
          %dma_wait3A_1296 = tpu.memref_squeeze %dma_wait3A_1295 : memref<1x!tpu.dma_semaphore, #tpu.memory_space<semaphore_mem>> -> memref<!tpu.dma_semaphore, #tpu.memory_space<semaphore_mem>>
          %dma_wait3A_1297 = arith.constant 0 : i32
          %dma_wait3A_1298 = arith.constant 0 : i32
          %dma_wait3A_1299 = arith.constant 0 : i32
          %dma_wait3A_1300 = tpu.memref_slice %run_scoped3A_3[%rem3A_1294, %dma_wait3A_1297, %dma_wait3A_1298, %dma_wait3A_1299] : memref<3x1x512x1024xf32, #tpu.memory_space<vmem>> -> memref<1x1x512x1024xf32, #tpu.memory_space<vmem>>
          %dma_wait3A_1301 = tpu.memref_squeeze %dma_wait3A_1300 : memref<1x1x512x1024xf32, #tpu.memory_space<vmem>> -> memref<1x512x1024xf32, #tpu.memory_space<vmem>>
          %dma_wait3A_1302 = arith.constant 0 : i32
          %dma_wait3A_1303 = arith.constant 0 : i32
          %dma_wait3A_1304 = tpu.memref_slice %arg3[%mul3A_1292, %dma_wait3A_1302, %dma_wait3A_1303] : memref<64x512x1024xf32, #tpu.memory_space<hbm>> -> memref<1x512x1024xf32, #tpu.memory_space<hbm>>
          tpu.wait_dma2 semaphore(%dma_wait3A_1296 : memref<!tpu.dma_semaphore, #tpu.memory_space<semaphore_mem>>) src(%dma_wait3A_1304 : memref<1x512x1024xf32, #tpu.memory_space<hbm>>) dst(%dma_wait3A_1301 : memref<1x512x1024xf32, #tpu.memory_space<vmem>>)
          "tpu.trace_stop"() : () -> ()
        } else {
        }
        %get3A_898 = arith.constant 0 : index
        %get3A_899 = arith.index_cast %add3A_613 : i32 to index
        %get3A_900 = memref.load %arg0[%get3A_898, %get3A_899] : memref<8x128xi32, #tpu.memory_space<smem>>
        %get3A_901 = arith.constant 0 : index
        %get3A_902 = arith.index_cast %add3A_623 : i32 to index
        %get3A_903 = memref.load %arg0[%get3A_901, %get3A_902] : memref<8x128xi32, #tpu.memory_space<smem>>
        %ne3A_904 = arith.cmpi ne, %get3A_900, %get3A_903 : i32
        %or3A_905 = arith.constant false
        %or3A_906 = arith.ori %or3A_905, %ne3A_904 : i1
        %or3A_907 = arith.constant false
        %or3A_908 = arith.ori %or3A_906, %or3A_907 : i1
        %or3A_909 = arith.constant false
        %or3A_910 = arith.ori %or3A_908, %or3A_909 : i1
        %or3A_911 = arith.ori %or3A_910, %eq3A_609 : i1
        %convert_element_type3A_912 = arith.extui %or3A_911 : i1 to i32
        %cond3A_913 = arith.constant 0 : i32
        %cond3A_914 = arith.cmpi ne, %convert_element_type3A_912, %cond3A_913 : i32
        scf.if %cond3A_914 {
          "tpu.trace_start"() <{level = 10 : i32, message = "ep_wait_in"}> : () -> ()
          %get3A_1288 = arith.constant 0 : index
          %get3A_1289 = arith.index_cast %add3A_613 : i32 to index
          %get3A_1290 = memref.load %arg0[%get3A_1288, %get3A_1289] : memref<8x128xi32, #tpu.memory_space<smem>>
          %mul3A_1291 = arith.constant 1 : i32
          %mul3A_1292 = arith.muli %mul3A_1291, %get3A_1290 : i32
          %rem3A_1293 = arith.constant 3 : i32
          %rem3A_1294 = arith.remui %scan3A_600, %rem3A_1293 : i32
          %dma_wait3A_1295 = tpu.memref_slice %run_scoped3A_6[%rem3A_1294] : memref<3x!tpu.dma_semaphore, #tpu.memory_space<semaphore_mem>> -> memref<1x!tpu.dma_semaphore, #tpu.memory_space<semaphore_mem>>
          %dma_wait3A_1296 = tpu.memref_squeeze %dma_wait3A_1295 : memref<1x!tpu.dma_semaphore, #tpu.memory_space<semaphore_mem>> -> memref<!tpu.dma_semaphore, #tpu.memory_space<semaphore_mem>>
          %dma_wait3A_1297 = arith.constant 0 : i32
          %dma_wait3A_1298 = arith.constant 0 : i32
          %dma_wait3A_1299 = arith.constant 0 : i32
          %dma_wait3A_1300 = tpu.memref_slice %run_scoped3A_5[%rem3A_1294, %dma_wait3A_1297, %dma_wait3A_1298, %dma_wait3A_1299] : memref<3x1x1024x512xf32, #tpu.memory_space<vmem>> -> memref<1x1x1024x512xf32, #tpu.memory_space<vmem>>
          %dma_wait3A_1301 = tpu.memref_squeeze %dma_wait3A_1300 : memref<1x1x1024x512xf32, #tpu.memory_space<vmem>> -> memref<1x1024x512xf32, #tpu.memory_space<vmem>>
          %dma_wait3A_1302 = arith.constant 0 : i32
          %dma_wait3A_1303 = arith.constant 0 : i32
          %dma_wait3A_1304 = tpu.memref_slice %arg4[%mul3A_1292, %dma_wait3A_1302, %dma_wait3A_1303] : memref<64x1024x512xf32, #tpu.memory_space<hbm>> -> memref<1x1024x512xf32, #tpu.memory_space<hbm>>
          tpu.wait_dma2 semaphore(%dma_wait3A_1296 : memref<!tpu.dma_semaphore, #tpu.memory_space<semaphore_mem>>) src(%dma_wait3A_1304 : memref<1x1024x512xf32, #tpu.memory_space<hbm>>) dst(%dma_wait3A_1301 : memref<1x1024x512xf32, #tpu.memory_space<vmem>>)
          "tpu.trace_stop"() : () -> ()
        } else {
        }
        %get3A_915 = arith.constant 1 : index
        %get3A_916 = arith.index_cast %add3A_613 : i32 to index
        %get3A_917 = memref.load %arg0[%get3A_915, %get3A_916] : memref<8x128xi32, #tpu.memory_space<smem>>
        %get3A_918 = arith.constant 1 : index
        %get3A_919 = arith.index_cast %add3A_623 : i32 to index
        %get3A_920 = memref.load %arg0[%get3A_918, %get3A_919] : memref<8x128xi32, #tpu.memory_space<smem>>
        %ne3A_921 = arith.cmpi ne, %get3A_917, %get3A_920 : i32
        %or3A_922 = arith.constant false
        %or3A_923 = arith.ori %or3A_922, %ne3A_921 : i1
        %or3A_924 = arith.constant false
        %or3A_925 = arith.ori %or3A_923, %or3A_924 : i1
        %or3A_926 = arith.ori %or3A_925, %eq3A_609 : i1
        %convert_element_type3A_927 = arith.extui %or3A_926 : i1 to i32
        %cond3A_928 = arith.constant 0 : i32
        %cond3A_929 = arith.cmpi ne, %convert_element_type3A_927, %cond3A_928 : i32
        scf.if %cond3A_929 {
          "tpu.trace_start"() <{level = 10 : i32, message = "ep_wait_in"}> : () -> ()
          %get3A_1288 = arith.constant 1 : index
          %get3A_1289 = arith.index_cast %add3A_613 : i32 to index
          %get3A_1290 = memref.load %arg0[%get3A_1288, %get3A_1289] : memref<8x128xi32, #tpu.memory_space<smem>>
          %mul3A_1291 = arith.constant 64 : i32
          %mul3A_1292 = arith.muli %mul3A_1291, %get3A_1290 : i32
          %rem3A_1293 = arith.constant 8 : i32
          %rem3A_1294 = arith.remui %scan3A_603, %rem3A_1293 : i32
          %dma_wait3A_1295 = tpu.memref_slice %run_scoped3A_8[%rem3A_1294] : memref<8x!tpu.dma_semaphore, #tpu.memory_space<semaphore_mem>> -> memref<1x!tpu.dma_semaphore, #tpu.memory_space<semaphore_mem>>
          %dma_wait3A_1296 = tpu.memref_squeeze %dma_wait3A_1295 : memref<1x!tpu.dma_semaphore, #tpu.memory_space<semaphore_mem>> -> memref<!tpu.dma_semaphore, #tpu.memory_space<semaphore_mem>>
          %dma_wait3A_1297 = arith.constant 0 : i32
          %dma_wait3A_1298 = arith.constant 0 : i32
          %dma_wait3A_1299 = tpu.memref_slice %run_scoped3A_7[%rem3A_1294, %dma_wait3A_1297, %dma_wait3A_1298] : memref<8x64x128xf32, #tpu.memory_space<vmem>> -> memref<1x64x128xf32, #tpu.memory_space<vmem>>
          %dma_wait3A_1300 = tpu.memref_squeeze %dma_wait3A_1299 : memref<1x64x128xf32, #tpu.memory_space<vmem>> -> memref<64x128xf32, #tpu.memory_space<vmem>>
          %dma_wait3A_1301 = arith.constant 0 : i32
          %dma_wait3A_1302 = tpu.memref_slice %arg5[%mul3A_1292, %dma_wait3A_1301] : memref<6144x128xf32, #tpu.memory_space<hbm>> -> memref<64x128xf32, #tpu.memory_space<hbm>>
          tpu.wait_dma2 semaphore(%dma_wait3A_1296 : memref<!tpu.dma_semaphore, #tpu.memory_space<semaphore_mem>>) src(%dma_wait3A_1302 : memref<64x128xf32, #tpu.memory_space<hbm>>) dst(%dma_wait3A_1300 : memref<64x128xf32, #tpu.memory_space<vmem>>)
          "tpu.trace_stop"() : () -> ()
        } else {
        }
        %get3A_930 = arith.constant 1 : index
        %get3A_931 = arith.index_cast %add3A_613 : i32 to index
        %get3A_932 = memref.load %arg0[%get3A_930, %get3A_931] : memref<8x128xi32, #tpu.memory_space<smem>>
        %get3A_933 = arith.constant 1 : index
        %get3A_934 = arith.index_cast %add3A_623 : i32 to index
        %get3A_935 = memref.load %arg0[%get3A_933, %get3A_934] : memref<8x128xi32, #tpu.memory_space<smem>>
        %ne3A_936 = arith.cmpi ne, %get3A_932, %get3A_935 : i32
        %or3A_937 = arith.constant false
        %or3A_938 = arith.ori %or3A_937, %ne3A_936 : i1
        %or3A_939 = arith.constant false
        %or3A_940 = arith.ori %or3A_938, %or3A_939 : i1
        %or3A_941 = arith.ori %or3A_940, %eq3A_609 : i1
        %convert_element_type3A_942 = arith.extui %or3A_941 : i1 to i32
        %cond3A_943 = arith.constant 0 : i32
        %cond3A_944 = arith.cmpi ne, %convert_element_type3A_942, %cond3A_943 : i32
        scf.if %cond3A_944 {
        } else {
        }
        %rem3A_945 = arith.constant 8 : i32
        %rem3A_946 = arith.remui %scan3A_591, %rem3A_945 : i32
        %rem3A_947 = arith.constant 3 : i32
        %rem3A_948 = arith.remui %scan3A_594, %rem3A_947 : i32
        %rem3A_949 = arith.constant 3 : i32
        %rem3A_950 = arith.remui %scan3A_597, %rem3A_949 : i32
        %rem3A_951 = arith.constant 3 : i32
        %rem3A_952 = arith.remui %scan3A_600, %rem3A_951 : i32
        %rem3A_953 = arith.constant 8 : i32
        %rem3A_954 = arith.remui %scan3A_603, %rem3A_953 : i32
        %rem3A_955 = arith.constant 2 : i32
        %rem3A_956 = arith.remui %scan3A_605, %rem3A_955 : i32
        "tpu.trace_start"() <{level = 10 : i32, message = "ep_run_kernel"}> : () -> ()
        %get3A_957 = arith.constant 2 : index
        %get3A_958 = arith.index_cast %add3A_613 : i32 to index
        %get3A_959 = memref.load %arg0[%get3A_957, %get3A_958] : memref<8x128xi32, #tpu.memory_space<smem>>
        %eq3A_960 = arith.constant 1 : i32
        %eq3A_961 = arith.cmpi eq, %get3A_959, %eq3A_960 : i32
        %convert_element_type3A_962 = arith.extui %eq3A_961 : i1 to i32
        %cond3A_963 = arith.constant 0 : i32
        %cond3A_964 = arith.cmpi ne, %convert_element_type3A_962, %cond3A_963 : i32
        scf.if %cond3A_964 {
          %get3A_1288 = arith.index_cast %rem3A_946 : i32 to index
          %get3A_1289 = arith.constant 0 : index
          %get3A_1290 = arith.constant 0 : index
          %get3A_1291 = vector.load %run_scoped3A[%get3A_1288, %get3A_1289, %get3A_1290] : memref<8x64x1024xf32, #tpu.memory_space<vmem>>, vector<1x64x1024xf32>
          %get3A_1292 = vector.shape_cast %get3A_1291 : vector<1x64x1024xf32> to vector<64x1024xf32>
          %get3A_1293 = arith.constant 0 : i32
          %get3A_1294 = arith.constant 0 : i32
          %get3A_1295 = arith.constant 0 : i32
          %get3A_1296 = tpu.memref_slice %run_scoped3A_1[%rem3A_948, %get3A_1293, %get3A_1294, %get3A_1295] : memref<3x1x512x1024xf32, #tpu.memory_space<vmem>> -> memref<1x1x512x1024xf32, #tpu.memory_space<vmem>>
          %get3A_1297 = tpu.memref_squeeze %get3A_1296 : memref<1x1x512x1024xf32, #tpu.memory_space<vmem>> -> memref<1x512x1024xf32, #tpu.memory_space<vmem>>
          %get3A_1298 = arith.constant 0 : index
          %get3A_1299 = arith.constant 0 : index
          %get3A_1300 = arith.constant 0 : index
          %get3A_1301 = vector.load %get3A_1297[%get3A_1298, %get3A_1299, %get3A_1300] : memref<1x512x1024xf32, #tpu.memory_space<vmem>>, vector<1x512x1024xf32>
          %get3A_1302 = vector.shape_cast %get3A_1301 : vector<1x512x1024xf32> to vector<512x1024xf32>
          %get3A_1303 = arith.constant 0 : i32
          %get3A_1304 = arith.constant 0 : i32
          %get3A_1305 = arith.constant 0 : i32
          %get3A_1306 = tpu.memref_slice %run_scoped3A_3[%rem3A_950, %get3A_1303, %get3A_1304, %get3A_1305] : memref<3x1x512x1024xf32, #tpu.memory_space<vmem>> -> memref<1x1x512x1024xf32, #tpu.memory_space<vmem>>
          %get3A_1307 = tpu.memref_squeeze %get3A_1306 : memref<1x1x512x1024xf32, #tpu.memory_space<vmem>> -> memref<1x512x1024xf32, #tpu.memory_space<vmem>>
          %get3A_1308 = arith.constant 0 : index
          %get3A_1309 = arith.constant 0 : index
          %get3A_1310 = arith.constant 0 : index
          %get3A_1311 = vector.load %get3A_1307[%get3A_1308, %get3A_1309, %get3A_1310] : memref<1x512x1024xf32, #tpu.memory_space<vmem>>, vector<1x512x1024xf32>
          %get3A_1312 = vector.shape_cast %get3A_1311 : vector<1x512x1024xf32> to vector<512x1024xf32>
          %dot_general3A = arith.constant dense<0.000000e+00> : vector<64x512xf32>
          %dot_general3A_1313 = tpu.matmul %get3A_1292, %get3A_1302, %dot_general3A {dimension_numbers = #tpu.dot_dimension_numbers<[1], [1], [0], [0], [0, 0, 1, 0], [], []>, transpose_lhs_hint = false} : vector<64x1024xf32>, vector<512x1024xf32>, vector<64x512xf32> -> vector<64x512xf32>
          %min3A = arith.constant 1.000000e+01 : f32
          %min3A_1314 = vector.broadcast %min3A : f32 to vector<64x512xf32>
          %min3A_1315 = arith.minimumf %dot_general3A_1313, %min3A_1314 : vector<64x512xf32>
          %dot_general3A_1316 = arith.constant dense<0.000000e+00> : vector<64x512xf32>
          %dot_general3A_1317 = tpu.matmul %get3A_1292, %get3A_1312, %dot_general3A_1316 {dimension_numbers = #tpu.dot_dimension_numbers<[1], [1], [0], [0], [0, 0, 1, 0], [], []>, transpose_lhs_hint = false} : vector<64x1024xf32>, vector<512x1024xf32>, vector<64x512xf32> -> vector<64x512xf32>
          %jit3A = arith.constant -1.000000e+01 : f32
          %jit3A_1318 = arith.constant 1.000000e+01 : f32
          %max3A = vector.broadcast %jit3A : f32 to vector<64x512xf32>
          %max3A_1319 = arith.maximumf %max3A, %dot_general3A_1317 : vector<64x512xf32>
          %min3A_1320 = vector.broadcast %jit3A_1318 : f32 to vector<64x512xf32>
          %min3A_1321 = arith.minimumf %min3A_1320, %max3A_1319 : vector<64x512xf32>
          %neg3A = arith.constant 0.000000e+00 : f32
          %neg3A_1322 = vector.broadcast %neg3A : f32 to vector<64x512xf32>
          %neg3A_1323 = arith.subf %neg3A_1322, %min3A_1315 : vector<64x512xf32>
          %exp3A = math.exp %neg3A_1323 : vector<64x512xf32>
          %add3A_1324 = arith.constant 1.000000e+00 : f32
          %add3A_1325 = vector.broadcast %add3A_1324 : f32 to vector<64x512xf32>
          %add3A_1326 = arith.addf %add3A_1325, %exp3A : vector<64x512xf32>
          %div3A = arith.constant 1.000000e+00 : f32
          %div3A_1327 = vector.broadcast %div3A : f32 to vector<64x512xf32>
          %div3A_1328 = arith.divf %div3A_1327, %add3A_1326 : vector<64x512xf32>
          %mul3A_1329 = arith.mulf %min3A_1315, %div3A_1328 : vector<64x512xf32>
          %mul3A_1330 = arith.mulf %mul3A_1329, %min3A_1321 : vector<64x512xf32>
          %get3A_1331 = arith.constant 0 : i32
          %get3A_1332 = arith.constant 0 : i32
          %get3A_1333 = tpu.memref_slice %run_scoped3A_7[%rem3A_954, %get3A_1331, %get3A_1332] : memref<8x64x128xf32, #tpu.memory_space<vmem>> -> memref<1x64x128xf32, #tpu.memory_space<vmem>>
          %get3A_1334 = tpu.memref_squeeze %get3A_1333 : memref<1x64x128xf32, #tpu.memory_space<vmem>> -> memref<64x128xf32, #tpu.memory_space<vmem>>
          %get3A_1335 = arith.constant 0 : index
          %get3A_1336 = arith.constant 0 : index
          %get3A_1337 = vector.load %get3A_1334[%get3A_1335, %get3A_1336] : memref<64x128xf32, #tpu.memory_space<vmem>>, vector<64x1xf32>
          %mul3A_1338 = vector.broadcast %get3A_1337 : vector<64x1xf32> to vector<64x512xf32>
          %mul3A_1339 = arith.mulf %mul3A_1330, %mul3A_1338 : vector<64x512xf32>
          %get3A_1340 = arith.constant 0 : i32
          %get3A_1341 = arith.constant 0 : i32
          %get3A_1342 = arith.constant 0 : i32
          %get3A_1343 = tpu.memref_slice %run_scoped3A_5[%rem3A_952, %get3A_1340, %get3A_1341, %get3A_1342] : memref<3x1x1024x512xf32, #tpu.memory_space<vmem>> -> memref<1x1x1024x512xf32, #tpu.memory_space<vmem>>
          %get3A_1344 = tpu.memref_squeeze %get3A_1343 : memref<1x1x1024x512xf32, #tpu.memory_space<vmem>> -> memref<1x1024x512xf32, #tpu.memory_space<vmem>>
          %get3A_1345 = arith.constant 0 : index
          %get3A_1346 = arith.constant 0 : index
          %get3A_1347 = arith.constant 0 : index
          %get3A_1348 = vector.load %get3A_1344[%get3A_1345, %get3A_1346, %get3A_1347] : memref<1x1024x512xf32, #tpu.memory_space<vmem>>, vector<1x1024x512xf32>
          %get3A_1349 = vector.shape_cast %get3A_1348 : vector<1x1024x512xf32> to vector<1024x512xf32>
          %dot_general3A_1350 = arith.constant dense<0.000000e+00> : vector<64x1024xf32>
          %dot_general3A_1351 = tpu.matmul %mul3A_1339, %get3A_1349, %dot_general3A_1350 {dimension_numbers = #tpu.dot_dimension_numbers<[1], [1], [0], [0], [0, 0, 1, 0], [], []>, transpose_lhs_hint = false} : vector<64x512xf32>, vector<1024x512xf32>, vector<64x1024xf32> -> vector<64x1024xf32>
          %swap3A = arith.index_cast %rem3A_956 : i32 to index
          %swap3A_1352 = arith.constant 0 : index
          %swap3A_1353 = arith.constant 0 : index
          %swap3A_1354 = vector.load %run_scoped3A_9[%swap3A, %swap3A_1352, %swap3A_1353] : memref<2x64x1024xf32, #tpu.memory_space<vmem>>, vector<1x64x1024xf32>
          %swap3A_1355 = vector.shape_cast %swap3A_1354 : vector<1x64x1024xf32> to vector<64x1024xf32>
          %swap3A_1356 = vector.shape_cast %dot_general3A_1351 : vector<64x1024xf32> to vector<1x64x1024xf32>
          tpu.vector_store %run_scoped3A_9[%swap3A, %swap3A_1352, %swap3A_1353], %swap3A_1356 {strides = array<i32>} : memref<2x64x1024xf32, #tpu.memory_space<vmem>>, vector<1x64x1024xf32>,
        } else {
        }
        "tpu.trace_stop"() : () -> ()
        %get3A_965 = arith.constant 1 : index
        %get3A_966 = arith.index_cast %add3A_613 : i32 to index
        %get3A_967 = memref.load %arg0[%get3A_965, %get3A_966] : memref<8x128xi32, #tpu.memory_space<smem>>
        %get3A_968 = arith.constant 1 : index
        %get3A_969 = arith.index_cast %add3A_633 : i32 to index
        %get3A_970 = memref.load %arg0[%get3A_968, %get3A_969] : memref<8x128xi32, #tpu.memory_space<smem>>
        %ne3A_971 = arith.cmpi ne, %get3A_967, %get3A_970 : i32
        %or3A_972 = arith.constant false
        %or3A_973 = arith.ori %or3A_972, %ne3A_971 : i1
        %or3A_974 = arith.constant false
        %or3A_975 = arith.ori %or3A_973, %or3A_974 : i1
        %or3A_976 = arith.ori %or3A_975, %eq3A_611 : i1
        %convert_element_type3A_977 = arith.extui %or3A_976 : i1 to i32
        %cond3A_978 = arith.constant 0 : i32
        %cond3A_979 = arith.cmpi ne, %convert_element_type3A_977, %cond3A_978 : i32
        scf.if %cond3A_979 {
        } else {
        }
        %and3A_980 = arith.constant false
        %and3A_981 = arith.andi %or3A_976, %and3A_980 : i1
        %get3A_982 = arith.constant 0 : index
        %get3A_983 = arith.index_cast %add3A_613 : i32 to index
        %get3A_984 = memref.load %arg0[%get3A_982, %get3A_983] : memref<8x128xi32, #tpu.memory_space<smem>>
        %get3A_985 = arith.constant 0 : index
        %get3A_986 = arith.index_cast %add3A_633 : i32 to index
        %get3A_987 = memref.load %arg0[%get3A_985, %get3A_986] : memref<8x128xi32, #tpu.memory_space<smem>>
        %ne3A_988 = arith.cmpi ne, %get3A_984, %get3A_987 : i32
        %or3A_989 = arith.constant false
        %or3A_990 = arith.ori %or3A_989, %ne3A_988 : i1
        %or3A_991 = arith.constant false
        %or3A_992 = arith.ori %or3A_990, %or3A_991 : i1
        %or3A_993 = arith.constant false
        %or3A_994 = arith.ori %or3A_992, %or3A_993 : i1
        %or3A_995 = arith.ori %or3A_994, %eq3A_611 : i1
        %convert_element_type3A_996 = arith.extui %or3A_995 : i1 to i32
        %cond3A_997 = arith.constant 0 : i32
        %cond3A_998 = arith.cmpi ne, %convert_element_type3A_996, %cond3A_997 : i32
        scf.if %cond3A_998 {
        } else {
        }
        %and3A_999 = arith.constant false
        %and3A_1000 = arith.andi %or3A_995, %and3A_999 : i1
        %get3A_1001 = arith.constant 0 : index
        %get3A_1002 = arith.index_cast %add3A_613 : i32 to index
        %get3A_1003 = memref.load %arg0[%get3A_1001, %get3A_1002] : memref<8x128xi32, #tpu.memory_space<smem>>
        %get3A_1004 = arith.constant 0 : index
        %get3A_1005 = arith.index_cast %add3A_633 : i32 to index
        %get3A_1006 = memref.load %arg0[%get3A_1004, %get3A_1005] : memref<8x128xi32, #tpu.memory_space<smem>>
        %ne3A_1007 = arith.cmpi ne, %get3A_1003, %get3A_1006 : i32
        %or3A_1008 = arith.constant false
        %or3A_1009 = arith.ori %or3A_1008, %ne3A_1007 : i1
        %or3A_1010 = arith.constant false
        %or3A_1011 = arith.ori %or3A_1009, %or3A_1010 : i1
        %or3A_1012 = arith.constant false
        %or3A_1013 = arith.ori %or3A_1011, %or3A_1012 : i1
        %or3A_1014 = arith.ori %or3A_1013, %eq3A_611 : i1
        %convert_element_type3A_1015 = arith.extui %or3A_1014 : i1 to i32
        %cond3A_1016 = arith.constant 0 : i32
        %cond3A_1017 = arith.cmpi ne, %convert_element_type3A_1015, %cond3A_1016 : i32
        scf.if %cond3A_1017 {
        } else {
        }
        %and3A_1018 = arith.constant false
        %and3A_1019 = arith.andi %or3A_1014, %and3A_1018 : i1
        %get3A_1020 = arith.constant 0 : index
        %get3A_1021 = arith.index_cast %add3A_613 : i32 to index
        %get3A_1022 = memref.load %arg0[%get3A_1020, %get3A_1021] : memref<8x128xi32, #tpu.memory_space<smem>>
        %get3A_1023 = arith.constant 0 : index
        %get3A_1024 = arith.index_cast %add3A_633 : i32 to index
        %get3A_1025 = memref.load %arg0[%get3A_1023, %get3A_1024] : memref<8x128xi32, #tpu.memory_space<smem>>
        %ne3A_1026 = arith.cmpi ne, %get3A_1022, %get3A_1025 : i32
        %or3A_1027 = arith.constant false
        %or3A_1028 = arith.ori %or3A_1027, %ne3A_1026 : i1
        %or3A_1029 = arith.constant false
        %or3A_1030 = arith.ori %or3A_1028, %or3A_1029 : i1
        %or3A_1031 = arith.constant false
        %or3A_1032 = arith.ori %or3A_1030, %or3A_1031 : i1
        %or3A_1033 = arith.ori %or3A_1032, %eq3A_611 : i1
        %convert_element_type3A_1034 = arith.extui %or3A_1033 : i1 to i32
        %cond3A_1035 = arith.constant 0 : i32
        %cond3A_1036 = arith.cmpi ne, %convert_element_type3A_1034, %cond3A_1035 : i32
        scf.if %cond3A_1036 {
        } else {
        }
        %and3A_1037 = arith.constant false
        %and3A_1038 = arith.andi %or3A_1033, %and3A_1037 : i1
        %get3A_1039 = arith.constant 1 : index
        %get3A_1040 = arith.index_cast %add3A_613 : i32 to index
        %get3A_1041 = memref.load %arg0[%get3A_1039, %get3A_1040] : memref<8x128xi32, #tpu.memory_space<smem>>
        %get3A_1042 = arith.constant 1 : index
        %get3A_1043 = arith.index_cast %add3A_633 : i32 to index
        %get3A_1044 = memref.load %arg0[%get3A_1042, %get3A_1043] : memref<8x128xi32, #tpu.memory_space<smem>>
        %ne3A_1045 = arith.cmpi ne, %get3A_1041, %get3A_1044 : i32
        %or3A_1046 = arith.constant false
        %or3A_1047 = arith.ori %or3A_1046, %ne3A_1045 : i1
        %or3A_1048 = arith.constant false
        %or3A_1049 = arith.ori %or3A_1047, %or3A_1048 : i1
        %or3A_1050 = arith.ori %or3A_1049, %eq3A_611 : i1
        %convert_element_type3A_1051 = arith.extui %or3A_1050 : i1 to i32
        %cond3A_1052 = arith.constant 0 : i32
        %cond3A_1053 = arith.cmpi ne, %convert_element_type3A_1051, %cond3A_1052 : i32
        scf.if %cond3A_1053 {
        } else {
        }
        %and3A_1054 = arith.constant false
        %and3A_1055 = arith.andi %or3A_1050, %and3A_1054 : i1
        %get3A_1056 = arith.constant 1 : index
        %get3A_1057 = arith.index_cast %add3A_613 : i32 to index
        %get3A_1058 = memref.load %arg0[%get3A_1056, %get3A_1057] : memref<8x128xi32, #tpu.memory_space<smem>>
        %get3A_1059 = arith.constant 1 : index
        %get3A_1060 = arith.index_cast %add3A_633 : i32 to index
        %get3A_1061 = memref.load %arg0[%get3A_1059, %get3A_1060] : memref<8x128xi32, #tpu.memory_space<smem>>
        %ne3A_1062 = arith.cmpi ne, %get3A_1058, %get3A_1061 : i32
        %or3A_1063 = arith.constant false
        %or3A_1064 = arith.ori %or3A_1063, %ne3A_1062 : i1
        %or3A_1065 = arith.constant false
        %or3A_1066 = arith.ori %or3A_1064, %or3A_1065 : i1
        %or3A_1067 = arith.ori %or3A_1066, %eq3A_611 : i1
        %convert_element_type3A_1068 = arith.extui %or3A_1067 : i1 to i32
        %cond3A_1069 = arith.constant 0 : i32
        %cond3A_1070 = arith.cmpi ne, %convert_element_type3A_1068, %cond3A_1069 : i32
        scf.if %cond3A_1070 {
          "tpu.trace_start"() <{level = 10 : i32, message = "ep_copy_out"}> : () -> ()
          %rem3A_1288 = arith.constant 2 : i32
          %rem3A_1289 = arith.remui %scan3A_605, %rem3A_1288 : i32
          %get3A_1290 = arith.constant 1 : index
          %get3A_1291 = arith.index_cast %add3A_613 : i32 to index
          %get3A_1292 = memref.load %arg0[%get3A_1290, %get3A_1291] : memref<8x128xi32, #tpu.memory_space<smem>>
          %mul3A_1293 = arith.constant 64 : i32
          %mul3A_1294 = arith.muli %mul3A_1293, %get3A_1292 : i32
          %dma_start3A_1295 = tpu.memref_slice %run_scoped3A_10[%rem3A_1289] : memref<2x!tpu.dma_semaphore, #tpu.memory_space<semaphore_mem>> -> memref<1x!tpu.dma_semaphore, #tpu.memory_space<semaphore_mem>>
          %dma_start3A_1296 = tpu.memref_squeeze %dma_start3A_1295 : memref<1x!tpu.dma_semaphore, #tpu.memory_space<semaphore_mem>> -> memref<!tpu.dma_semaphore, #tpu.memory_space<semaphore_mem>>
          %dma_start3A_1297 = arith.constant 0 : i32
          %dma_start3A_1298 = tpu.memref_slice %arg6[%mul3A_1294, %dma_start3A_1297] : memref<6144x1024xf32, #tpu.memory_space<hbm>> -> memref<64x1024xf32, #tpu.memory_space<hbm>>
          %dma_start3A_1299 = arith.constant 0 : i32
          %dma_start3A_1300 = arith.constant 0 : i32
          %dma_start3A_1301 = tpu.memref_slice %run_scoped3A_9[%rem3A_1289, %dma_start3A_1299, %dma_start3A_1300] : memref<2x64x1024xf32, #tpu.memory_space<vmem>> -> memref<1x64x1024xf32, #tpu.memory_space<vmem>>
          %dma_start3A_1302 = tpu.memref_squeeze %dma_start3A_1301 : memref<1x64x1024xf32, #tpu.memory_space<vmem>> -> memref<64x1024xf32, #tpu.memory_space<vmem>>
          tpu.enqueue_dma source(%dma_start3A_1302 : memref<64x1024xf32, #tpu.memory_space<vmem>>) target(%dma_start3A_1298 : memref<64x1024xf32, #tpu.memory_space<hbm>>) target_semaphore(%dma_start3A_1296 : memref<!tpu.dma_semaphore, #tpu.memory_space<semaphore_mem>>)
          "tpu.trace_stop"() : () -> ()
        } else {
        }
        %and3A_1071 = arith.constant true
        %and3A_1072 = arith.andi %or3A_1067, %and3A_1071 : i1
        %add3A_1073 = arith.constant 1 : i32
        %add3A_1074 = arith.addi %scan3A_605, %add3A_1073 : i32
        %select_n3A_1075 = arith.select %and3A_1072, %add3A_1074, %scan3A_605 : i32
        %get3A_1076 = arith.constant 1 : index
        %get3A_1077 = arith.index_cast %add3A_613 : i32 to index
        %get3A_1078 = memref.load %arg0[%get3A_1076, %get3A_1077] : memref<8x128xi32, #tpu.memory_space<smem>>
        %get3A_1079 = arith.constant 1 : index
        %get3A_1080 = arith.index_cast %add3A_623 : i32 to index
        %get3A_1081 = memref.load %arg0[%get3A_1079, %get3A_1080] : memref<8x128xi32, #tpu.memory_space<smem>>
        %ne3A_1082 = arith.cmpi ne, %get3A_1078, %get3A_1081 : i32
        %or3A_1083 = arith.constant false
        %or3A_1084 = arith.ori %or3A_1083, %ne3A_1082 : i1
        %or3A_1085 = arith.constant false
        %or3A_1086 = arith.ori %or3A_1084, %or3A_1085 : i1
        %not3A_1087 = arith.constant true
        %not3A_1088 = arith.xori %eq3A_609, %not3A_1087 : i1
        %and3A_1089 = arith.andi %or3A_1086, %not3A_1088 : i1
        %convert_element_type3A_1090 = arith.extui %and3A_1089 : i1 to i32
        %cond3A_1091 = arith.constant 0 : i32
        %cond3A_1092 = arith.cmpi ne, %convert_element_type3A_1090, %cond3A_1091 : i32
        scf.if %cond3A_1092 {
        } else {
        }
        %and3A_1093 = arith.constant false
        %and3A_1094 = arith.andi %and3A_1089, %and3A_1093 : i1
        %get3A_1095 = arith.constant 0 : index
        %get3A_1096 = arith.index_cast %add3A_613 : i32 to index
        %get3A_1097 = memref.load %arg0[%get3A_1095, %get3A_1096] : memref<8x128xi32, #tpu.memory_space<smem>>
        %get3A_1098 = arith.constant 0 : index
        %get3A_1099 = arith.index_cast %add3A_623 : i32 to index
        %get3A_1100 = memref.load %arg0[%get3A_1098, %get3A_1099] : memref<8x128xi32, #tpu.memory_space<smem>>
        %ne3A_1101 = arith.cmpi ne, %get3A_1097, %get3A_1100 : i32
        %or3A_1102 = arith.constant false
        %or3A_1103 = arith.ori %or3A_1102, %ne3A_1101 : i1
        %or3A_1104 = arith.constant false
        %or3A_1105 = arith.ori %or3A_1103, %or3A_1104 : i1
        %or3A_1106 = arith.constant false
        %or3A_1107 = arith.ori %or3A_1105, %or3A_1106 : i1
        %not3A_1108 = arith.constant true
        %not3A_1109 = arith.xori %eq3A_609, %not3A_1108 : i1
        %and3A_1110 = arith.andi %or3A_1107, %not3A_1109 : i1
        %convert_element_type3A_1111 = arith.extui %and3A_1110 : i1 to i32
        %cond3A_1112 = arith.constant 0 : i32
        %cond3A_1113 = arith.cmpi ne, %convert_element_type3A_1111, %cond3A_1112 : i32
        scf.if %cond3A_1113 {
        } else {
        }
        %and3A_1114 = arith.constant false
        %and3A_1115 = arith.andi %and3A_1110, %and3A_1114 : i1
        %get3A_1116 = arith.constant 0 : index
        %get3A_1117 = arith.index_cast %add3A_613 : i32 to index
        %get3A_1118 = memref.load %arg0[%get3A_1116, %get3A_1117] : memref<8x128xi32, #tpu.memory_space<smem>>
        %get3A_1119 = arith.constant 0 : index
        %get3A_1120 = arith.index_cast %add3A_623 : i32 to index
        %get3A_1121 = memref.load %arg0[%get3A_1119, %get3A_1120] : memref<8x128xi32, #tpu.memory_space<smem>>
        %ne3A_1122 = arith.cmpi ne, %get3A_1118, %get3A_1121 : i32
        %or3A_1123 = arith.constant false
        %or3A_1124 = arith.ori %or3A_1123, %ne3A_1122 : i1
        %or3A_1125 = arith.constant false
        %or3A_1126 = arith.ori %or3A_1124, %or3A_1125 : i1
        %or3A_1127 = arith.constant false
        %or3A_1128 = arith.ori %or3A_1126, %or3A_1127 : i1
        %not3A_1129 = arith.constant true
        %not3A_1130 = arith.xori %eq3A_609, %not3A_1129 : i1
        %and3A_1131 = arith.andi %or3A_1128, %not3A_1130 : i1
        %convert_element_type3A_1132 = arith.extui %and3A_1131 : i1 to i32
        %cond3A_1133 = arith.constant 0 : i32
        %cond3A_1134 = arith.cmpi ne, %convert_element_type3A_1132, %cond3A_1133 : i32
        scf.if %cond3A_1134 {
        } else {
        }
        %and3A_1135 = arith.constant false
        %and3A_1136 = arith.andi %and3A_1131, %and3A_1135 : i1
        %get3A_1137 = arith.constant 0 : index
        %get3A_1138 = arith.index_cast %add3A_613 : i32 to index
        %get3A_1139 = memref.load %arg0[%get3A_1137, %get3A_1138] : memref<8x128xi32, #tpu.memory_space<smem>>
        %get3A_1140 = arith.constant 0 : index
        %get3A_1141 = arith.index_cast %add3A_623 : i32 to index
        %get3A_1142 = memref.load %arg0[%get3A_1140, %get3A_1141] : memref<8x128xi32, #tpu.memory_space<smem>>
        %ne3A_1143 = arith.cmpi ne, %get3A_1139, %get3A_1142 : i32
        %or3A_1144 = arith.constant false
        %or3A_1145 = arith.ori %or3A_1144, %ne3A_1143 : i1
        %or3A_1146 = arith.constant false
        %or3A_1147 = arith.ori %or3A_1145, %or3A_1146 : i1
        %or3A_1148 = arith.constant false
        %or3A_1149 = arith.ori %or3A_1147, %or3A_1148 : i1
        %not3A_1150 = arith.constant true
        %not3A_1151 = arith.xori %eq3A_609, %not3A_1150 : i1
        %and3A_1152 = arith.andi %or3A_1149, %not3A_1151 : i1
        %convert_element_type3A_1153 = arith.extui %and3A_1152 : i1 to i32
        %cond3A_1154 = arith.constant 0 : i32
        %cond3A_1155 = arith.cmpi ne, %convert_element_type3A_1153, %cond3A_1154 : i32
        scf.if %cond3A_1155 {
        } else {
        }
        %and3A_1156 = arith.constant false
        %and3A_1157 = arith.andi %and3A_1152, %and3A_1156 : i1
        %get3A_1158 = arith.constant 1 : index
        %get3A_1159 = arith.index_cast %add3A_613 : i32 to index
        %get3A_1160 = memref.load %arg0[%get3A_1158, %get3A_1159] : memref<8x128xi32, #tpu.memory_space<smem>>
        %get3A_1161 = arith.constant 1 : index
        %get3A_1162 = arith.index_cast %add3A_623 : i32 to index
        %get3A_1163 = memref.load %arg0[%get3A_1161, %get3A_1162] : memref<8x128xi32, #tpu.memory_space<smem>>
        %ne3A_1164 = arith.cmpi ne, %get3A_1160, %get3A_1163 : i32
        %or3A_1165 = arith.constant false
        %or3A_1166 = arith.ori %or3A_1165, %ne3A_1164 : i1
        %or3A_1167 = arith.constant false
        %or3A_1168 = arith.ori %or3A_1166, %or3A_1167 : i1
        %not3A_1169 = arith.constant true
        %not3A_1170 = arith.xori %eq3A_609, %not3A_1169 : i1
        %and3A_1171 = arith.andi %or3A_1168, %not3A_1170 : i1
        %convert_element_type3A_1172 = arith.extui %and3A_1171 : i1 to i32
        %cond3A_1173 = arith.constant 0 : i32
        %cond3A_1174 = arith.cmpi ne, %convert_element_type3A_1172, %cond3A_1173 : i32
        scf.if %cond3A_1174 {
        } else {
        }
        %and3A_1175 = arith.constant false
        %and3A_1176 = arith.andi %and3A_1171, %and3A_1175 : i1
        %get3A_1177 = arith.constant 1 : index
        %get3A_1178 = arith.index_cast %add3A_613 : i32 to index
        %get3A_1179 = memref.load %arg0[%get3A_1177, %get3A_1178] : memref<8x128xi32, #tpu.memory_space<smem>>
        %get3A_1180 = arith.constant 1 : index
        %get3A_1181 = arith.index_cast %add3A_623 : i32 to index
        %get3A_1182 = memref.load %arg0[%get3A_1180, %get3A_1181] : memref<8x128xi32, #tpu.memory_space<smem>>
        %ne3A_1183 = arith.cmpi ne, %get3A_1179, %get3A_1182 : i32
        %or3A_1184 = arith.constant false
        %or3A_1185 = arith.ori %or3A_1184, %ne3A_1183 : i1
        %or3A_1186 = arith.constant false
        %or3A_1187 = arith.ori %or3A_1185, %or3A_1186 : i1
        %not3A_1188 = arith.constant true
        %not3A_1189 = arith.xori %eq3A_609, %not3A_1188 : i1
        %and3A_1190 = arith.andi %or3A_1187, %not3A_1189 : i1
        %convert_element_type3A_1191 = arith.extui %and3A_1190 : i1 to i32
        %cond3A_1192 = arith.constant 0 : i32
        %cond3A_1193 = arith.cmpi ne, %convert_element_type3A_1191, %cond3A_1192 : i32
        scf.if %cond3A_1193 {
          "tpu.trace_start"() <{level = 10 : i32, message = "ep_wait_out"}> : () -> ()
          %rem3A_1288 = arith.constant 2 : i32
          %rem3A_1289 = arith.remui %scan3A_606, %rem3A_1288 : i32
          %get3A_1290 = arith.constant 1 : index
          %get3A_1291 = arith.index_cast %add3A_623 : i32 to index
          %get3A_1292 = memref.load %arg0[%get3A_1290, %get3A_1291] : memref<8x128xi32, #tpu.memory_space<smem>>
          %mul3A_1293 = arith.constant 64 : i32
          %mul3A_1294 = arith.muli %mul3A_1293, %get3A_1292 : i32
          %dma_wait3A_1295 = tpu.memref_slice %run_scoped3A_10[%rem3A_1289] : memref<2x!tpu.dma_semaphore, #tpu.memory_space<semaphore_mem>> -> memref<1x!tpu.dma_semaphore, #tpu.memory_space<semaphore_mem>>
          %dma_wait3A_1296 = tpu.memref_squeeze %dma_wait3A_1295 : memref<1x!tpu.dma_semaphore, #tpu.memory_space<semaphore_mem>> -> memref<!tpu.dma_semaphore, #tpu.memory_space<semaphore_mem>>
          %dma_wait3A_1297 = arith.constant 0 : i32
          %dma_wait3A_1298 = tpu.memref_slice %arg6[%mul3A_1294, %dma_wait3A_1297] : memref<6144x1024xf32, #tpu.memory_space<hbm>> -> memref<64x1024xf32, #tpu.memory_space<hbm>>
          %dma_wait3A_1299 = arith.constant 0 : i32
          %dma_wait3A_1300 = arith.constant 0 : i32
          %dma_wait3A_1301 = tpu.memref_slice %run_scoped3A_9[%rem3A_1289, %dma_wait3A_1299, %dma_wait3A_1300] : memref<2x64x1024xf32, #tpu.memory_space<vmem>> -> memref<1x64x1024xf32, #tpu.memory_space<vmem>>
          %dma_wait3A_1302 = tpu.memref_squeeze %dma_wait3A_1301 : memref<1x64x1024xf32, #tpu.memory_space<vmem>> -> memref<64x1024xf32, #tpu.memory_space<vmem>>
          tpu.wait_dma2 semaphore(%dma_wait3A_1296 : memref<!tpu.dma_semaphore, #tpu.memory_space<semaphore_mem>>) src(%dma_wait3A_1302 : memref<64x1024xf32, #tpu.memory_space<vmem>>) dst(%dma_wait3A_1298 : memref<64x1024xf32, #tpu.memory_space<hbm>>)
          "tpu.trace_stop"() : () -> ()
        } else {
        }
        %and3A_1194 = arith.constant true
        %and3A_1195 = arith.andi %and3A_1190, %and3A_1194 : i1
        %add3A_1196 = arith.constant 1 : i32
        %add3A_1197 = arith.addi %scan3A_606, %add3A_1196 : i32
        %select_n3A_1198 = arith.select %and3A_1195, %add3A_1197, %scan3A_606 : i32
        %get3A_1199 = arith.constant 1 : index
        %get3A_1200 = arith.index_cast %add3A_613 : i32 to index
        %get3A_1201 = memref.load %arg0[%get3A_1199, %get3A_1200] : memref<8x128xi32, #tpu.memory_space<smem>>
        %get3A_1202 = arith.constant 1 : index
        %get3A_1203 = arith.index_cast %add3A_633 : i32 to index
        %get3A_1204 = memref.load %arg0[%get3A_1202, %get3A_1203] : memref<8x128xi32, #tpu.memory_space<smem>>
        %ne3A_1205 = arith.cmpi ne, %get3A_1201, %get3A_1204 : i32
        %or3A_1206 = arith.constant false
        %or3A_1207 = arith.ori %or3A_1206, %ne3A_1205 : i1
        %or3A_1208 = arith.constant false
        %or3A_1209 = arith.ori %or3A_1207, %or3A_1208 : i1
        %or3A_1210 = arith.ori %or3A_1209, %eq3A_611 : i1
        %add3A_1211 = arith.constant 1 : i32
        %add3A_1212 = arith.addi %scan3A_591, %add3A_1211 : i32
        %select_n3A_1213 = arith.select %or3A_1210, %add3A_1212, %scan3A_591 : i32
        %get3A_1214 = arith.constant 0 : index
        %get3A_1215 = arith.index_cast %add3A_613 : i32 to index
        %get3A_1216 = memref.load %arg0[%get3A_1214, %get3A_1215] : memref<8x128xi32, #tpu.memory_space<smem>>
        %get3A_1217 = arith.constant 0 : index
        %get3A_1218 = arith.index_cast %add3A_633 : i32 to index
        %get3A_1219 = memref.load %arg0[%get3A_1217, %get3A_1218] : memref<8x128xi32, #tpu.memory_space<smem>>
        %ne3A_1220 = arith.cmpi ne, %get3A_1216, %get3A_1219 : i32
        %or3A_1221 = arith.constant false
        %or3A_1222 = arith.ori %or3A_1221, %ne3A_1220 : i1
        %or3A_1223 = arith.constant false
        %or3A_1224 = arith.ori %or3A_1222, %or3A_1223 : i1
        %or3A_1225 = arith.constant false
        %or3A_1226 = arith.ori %or3A_1224, %or3A_1225 : i1
        %or3A_1227 = arith.ori %or3A_1226, %eq3A_611 : i1
        %add3A_1228 = arith.constant 1 : i32
        %add3A_1229 = arith.addi %scan3A_594, %add3A_1228 : i32
        %select_n3A_1230 = arith.select %or3A_1227, %add3A_1229, %scan3A_594 : i32
        %get3A_1231 = arith.constant 0 : index
        %get3A_1232 = arith.index_cast %add3A_613 : i32 to index
        %get3A_1233 = memref.load %arg0[%get3A_1231, %get3A_1232] : memref<8x128xi32, #tpu.memory_space<smem>>
        %get3A_1234 = arith.constant 0 : index
        %get3A_1235 = arith.index_cast %add3A_633 : i32 to index
        %get3A_1236 = memref.load %arg0[%get3A_1234, %get3A_1235] : memref<8x128xi32, #tpu.memory_space<smem>>
        %ne3A_1237 = arith.cmpi ne, %get3A_1233, %get3A_1236 : i32
        %or3A_1238 = arith.constant false
        %or3A_1239 = arith.ori %or3A_1238, %ne3A_1237 : i1
        %or3A_1240 = arith.constant false
        %or3A_1241 = arith.ori %or3A_1239, %or3A_1240 : i1
        %or3A_1242 = arith.constant false
        %or3A_1243 = arith.ori %or3A_1241, %or3A_1242 : i1
        %or3A_1244 = arith.ori %or3A_1243, %eq3A_611 : i1
        %add3A_1245 = arith.constant 1 : i32
        %add3A_1246 = arith.addi %scan3A_597, %add3A_1245 : i32
        %select_n3A_1247 = arith.select %or3A_1244, %add3A_1246, %scan3A_597 : i32
        %get3A_1248 = arith.constant 0 : index
        %get3A_1249 = arith.index_cast %add3A_613 : i32 to index
        %get3A_1250 = memref.load %arg0[%get3A_1248, %get3A_1249] : memref<8x128xi32, #tpu.memory_space<smem>>
        %get3A_1251 = arith.constant 0 : index
        %get3A_1252 = arith.index_cast %add3A_633 : i32 to index
        %get3A_1253 = memref.load %arg0[%get3A_1251, %get3A_1252] : memref<8x128xi32, #tpu.memory_space<smem>>
        %ne3A_1254 = arith.cmpi ne, %get3A_1250, %get3A_1253 : i32
        %or3A_1255 = arith.constant false
        %or3A_1256 = arith.ori %or3A_1255, %ne3A_1254 : i1
        %or3A_1257 = arith.constant false
        %or3A_1258 = arith.ori %or3A_1256, %or3A_1257 : i1
        %or3A_1259 = arith.constant false
        %or3A_1260 = arith.ori %or3A_1258, %or3A_1259 : i1
        %or3A_1261 = arith.ori %or3A_1260, %eq3A_611 : i1
        %add3A_1262 = arith.constant 1 : i32
        %add3A_1263 = arith.addi %scan3A_600, %add3A_1262 : i32
        %select_n3A_1264 = arith.select %or3A_1261, %add3A_1263, %scan3A_600 : i32
        %get3A_1265 = arith.constant 1 : index
        %get3A_1266 = arith.index_cast %add3A_613 : i32 to index
        %get3A_1267 = memref.load %arg0[%get3A_1265, %get3A_1266] : memref<8x128xi32, #tpu.memory_space<smem>>
        %get3A_1268 = arith.constant 1 : index
        %get3A_1269 = arith.index_cast %add3A_633 : i32 to index
        %get3A_1270 = memref.load %arg0[%get3A_1268, %get3A_1269] : memref<8x128xi32, #tpu.memory_space<smem>>
        %ne3A_1271 = arith.cmpi ne, %get3A_1267, %get3A_1270 : i32
        %or3A_1272 = arith.constant false
        %or3A_1273 = arith.ori %or3A_1272, %ne3A_1271 : i1
        %or3A_1274 = arith.constant false
        %or3A_1275 = arith.ori %or3A_1273, %or3A_1274 : i1
        %or3A_1276 = arith.ori %or3A_1275, %eq3A_611 : i1
        %add3A_1277 = arith.constant 1 : i32
        %add3A_1278 = arith.addi %scan3A_603, %add3A_1277 : i32
        %select_n3A_1279 = arith.select %or3A_1276, %add3A_1278, %scan3A_603 : i32
        %add3A_1280 = arith.constant 1 : i32
        %add3A_1281 = arith.addi %scan3A_607, %add3A_1280 : i32
        %select_n3A_1282 = arith.constant true
        %select_n3A_1283 = arith.select %select_n3A_1282, %add3A_1281, %scan3A_607 : i32
        %eq3A_1284 = arith.constant 96 : i32
        %eq3A_1285 = arith.cmpi eq, %select_n3A_1283, %eq3A_1284 : i32
        %select_n3A_1286 = arith.constant 0 : i32
        %select_n3A_1287 = arith.select %eq3A_1285, %select_n3A_1286, %select_n3A_1283 : i32
        scf.yield %while3A_724#2, %select_n3A_1213, %while3A_724#0, %while3A_752#2, %select_n3A_1230, %while3A_752#0, %while3A_780#2, %select_n3A_1247, %while3A_780#0, %while3A_808#2, %select_n3A_1264, %while3A_808#0, %while3A_834#2, %select_n3A_1279, %while3A_834#0, %select_n3A_1075, %select_n3A_1198, %select_n3A_1287 : i32, i32, i32, i32, i32, i32, i32, i32, i32, i32, i32, i32, i32, i32, i32, i32, i32, i32
      }
      %scan3A_475 = arith.constant 96 : i32
      %sub3A = arith.constant 1 : i32
      %sub3A_476 = arith.subi %scan3A_474#17, %sub3A : i32
      %select_n3A_477 = arith.constant true
      %select_n3A_478 = arith.select %select_n3A_477, %sub3A_476, %scan3A_474#17 : i32
      %eq3A_479 = arith.constant -1 : i32
      %eq3A_480 = arith.cmpi eq, %select_n3A_478, %eq3A_479 : i32
      %select_n3A_481 = arith.constant 95 : i32
      %select_n3A_482 = arith.select %eq3A_480, %select_n3A_481, %select_n3A_478 : i32
      %add3A_483 = arith.constant 0 : i32
      %add3A_484 = arith.addi %select_n3A_482, %add3A_483 : i32
      %sub3A_485 = arith.constant 1 : i32
      %sub3A_486 = arith.subi %select_n3A_482, %sub3A_485 : i32
      %select_n3A_487 = arith.constant true
      %select_n3A_488 = arith.select %select_n3A_487, %sub3A_486, %select_n3A_482 : i32
      %eq3A_489 = arith.constant -1 : i32
      %eq3A_490 = arith.cmpi eq, %select_n3A_488, %eq3A_489 : i32
      %select_n3A_491 = arith.constant 95 : i32
      %select_n3A_492 = arith.select %eq3A_490, %select_n3A_491, %select_n3A_488 : i32
      %add3A_493 = arith.constant 0 : i32
      %add3A_494 = arith.addi %select_n3A_492, %add3A_493 : i32
      %add3A_495 = arith.constant 1 : i32
      %add3A_496 = arith.addi %select_n3A_482, %add3A_495 : i32
      %select_n3A_497 = arith.constant true
      %select_n3A_498 = arith.select %select_n3A_497, %add3A_496, %select_n3A_482 : i32
      %eq3A_499 = arith.constant 96 : i32
      %eq3A_500 = arith.cmpi eq, %select_n3A_498, %eq3A_499 : i32
      %select_n3A_501 = arith.constant 0 : i32
      %select_n3A_502 = arith.select %eq3A_500, %select_n3A_501, %select_n3A_498 : i32
      %add3A_503 = arith.constant 0 : i32
      %add3A_504 = arith.addi %select_n3A_502, %add3A_503 : i32
      %add3A_505 = arith.constant 1 : i32
      %add3A_506 = arith.addi %select_n3A_502, %add3A_505 : i32
      %select_n3A_507 = arith.constant true
      %select_n3A_508 = arith.select %select_n3A_507, %add3A_506, %select_n3A_502 : i32
      %eq3A_509 = arith.constant 96 : i32
      %eq3A_510 = arith.cmpi eq, %select_n3A_508, %eq3A_509 : i32
      %select_n3A_511 = arith.constant 0 : i32
      %select_n3A_512 = arith.select %eq3A_510, %select_n3A_511, %select_n3A_508 : i32
      %add3A_513 = arith.constant 0 : i32
      %add3A_514 = arith.addi %select_n3A_512, %add3A_513 : i32
      %add3A_515 = arith.constant 1 : i32
      %add3A_516 = arith.addi %select_n3A_512, %add3A_515 : i32
      %select_n3A_517 = arith.constant true
      %select_n3A_518 = arith.select %select_n3A_517, %add3A_516, %select_n3A_512 : i32
      %eq3A_519 = arith.constant 96 : i32
      %eq3A_520 = arith.cmpi eq, %select_n3A_518, %eq3A_519 : i32
      %select_n3A_521 = arith.constant 0 : i32
      %select_n3A_522 = arith.select %eq3A_520, %select_n3A_521, %select_n3A_518 : i32
      %add3A_523 = arith.constant 0 : i32
      %add3A_524 = arith.addi %select_n3A_522, %add3A_523 : i32
      %add3A_525 = arith.constant 1 : i32
      %add3A_526 = arith.addi %select_n3A_522, %add3A_525 : i32
      %select_n3A_527 = arith.constant true
      %select_n3A_528 = arith.select %select_n3A_527, %add3A_526, %select_n3A_522 : i32
      %eq3A_529 = arith.constant 96 : i32
      %eq3A_530 = arith.cmpi eq, %select_n3A_528, %eq3A_529 : i32
      %select_n3A_531 = arith.constant 0 : i32
      %select_n3A_532 = arith.select %eq3A_530, %select_n3A_531, %select_n3A_528 : i32
      %add3A_533 = arith.constant 0 : i32
      %add3A_534 = arith.addi %select_n3A_532, %add3A_533 : i32
      %add3A_535 = arith.constant 1 : i32
      %add3A_536 = arith.addi %select_n3A_532, %add3A_535 : i32
      %select_n3A_537 = arith.constant true
      %select_n3A_538 = arith.select %select_n3A_537, %add3A_536, %select_n3A_532 : i32
      %eq3A_539 = arith.constant 96 : i32
      %eq3A_540 = arith.cmpi eq, %select_n3A_538, %eq3A_539 : i32
      %select_n3A_541 = arith.constant 0 : i32
      %select_n3A_542 = arith.select %eq3A_540, %select_n3A_541, %select_n3A_538 : i32
      %add3A_543 = arith.constant 0 : i32
      %add3A_544 = arith.addi %select_n3A_542, %add3A_543 : i32
      %add3A_545 = arith.constant 1 : i32
      %add3A_546 = arith.addi %select_n3A_542, %add3A_545 : i32
      %select_n3A_547 = arith.constant true
      %select_n3A_548 = arith.select %select_n3A_547, %add3A_546, %select_n3A_542 : i32
      %eq3A_549 = arith.constant 96 : i32
      %eq3A_550 = arith.cmpi eq, %select_n3A_548, %eq3A_549 : i32
      %select_n3A_551 = arith.constant 0 : i32
      %select_n3A_552 = arith.select %eq3A_550, %select_n3A_551, %select_n3A_548 : i32
      %add3A_553 = arith.constant 0 : i32
      %add3A_554 = arith.addi %select_n3A_552, %add3A_553 : i32
      %add3A_555 = arith.constant 1 : i32
      %add3A_556 = arith.addi %select_n3A_552, %add3A_555 : i32
      %select_n3A_557 = arith.constant true
      %select_n3A_558 = arith.select %select_n3A_557, %add3A_556, %select_n3A_552 : i32
      %eq3A_559 = arith.constant 96 : i32
      %eq3A_560 = arith.cmpi eq, %select_n3A_558, %eq3A_559 : i32
      %select_n3A_561 = arith.constant 0 : i32
      %select_n3A_562 = arith.select %eq3A_560, %select_n3A_561, %select_n3A_558 : i32
      %add3A_563 = arith.constant 0 : i32
      %add3A_564 = arith.addi %select_n3A_562, %add3A_563 : i32
      %add3A_565 = arith.constant 1 : i32
      %add3A_566 = arith.addi %select_n3A_562, %add3A_565 : i32
      %select_n3A_567 = arith.constant true
      %select_n3A_568 = arith.select %select_n3A_567, %add3A_566, %select_n3A_562 : i32
      %eq3A_569 = arith.constant 96 : i32
      %eq3A_570 = arith.cmpi eq, %select_n3A_568, %eq3A_569 : i32
      %select_n3A_571 = arith.constant 0 : i32
      %select_n3A_572 = arith.select %eq3A_570, %select_n3A_571, %select_n3A_568 : i32
      %add3A_573 = arith.constant 0 : i32
      %add3A_574 = arith.addi %select_n3A_572, %add3A_573 : i32
      "tpu.trace_start"() <{level = 10 : i32, message = "ep_finalize"}> : () -> ()
      %rem3A_575 = arith.constant 2 : i32
      %rem3A_576 = arith.remui %scan3A_474#16, %rem3A_575 : i32
      %get3A_577 = arith.constant 1 : index
      %get3A_578 = arith.index_cast %add3A_484 : i32 to index
      %get3A_579 = memref.load %arg0[%get3A_577, %get3A_578] : memref<8x128xi32, #tpu.memory_space<smem>>
      %mul3A_580 = arith.constant 64 : i32
      %mul3A_581 = arith.muli %mul3A_580, %get3A_579 : i32
      %dma_wait3A = tpu.memref_slice %run_scoped3A_10[%rem3A_576] : memref<2x!tpu.dma_semaphore, #tpu.memory_space<semaphore_mem>> -> memref<1x!tpu.dma_semaphore, #tpu.memory_space<semaphore_mem>>
      %dma_wait3A_582 = tpu.memref_squeeze %dma_wait3A : memref<1x!tpu.dma_semaphore, #tpu.memory_space<semaphore_mem>> -> memref<!tpu.dma_semaphore, #tpu.memory_space<semaphore_mem>>
      %dma_wait3A_583 = arith.constant 0 : i32
      %dma_wait3A_584 = tpu.memref_slice %arg6[%mul3A_581, %dma_wait3A_583] : memref<6144x1024xf32, #tpu.memory_space<hbm>> -> memref<64x1024xf32, #tpu.memory_space<hbm>>
      %dma_wait3A_585 = arith.constant 0 : i32
      %dma_wait3A_586 = arith.constant 0 : i32
      %dma_wait3A_587 = tpu.memref_slice %run_scoped3A_9[%rem3A_576, %dma_wait3A_585, %dma_wait3A_586] : memref<2x64x1024xf32, #tpu.memory_space<vmem>> -> memref<1x64x1024xf32, #tpu.memory_space<vmem>>
      %dma_wait3A_588 = tpu.memref_squeeze %dma_wait3A_587 : memref<1x64x1024xf32, #tpu.memory_space<vmem>> -> memref<64x1024xf32, #tpu.memory_space<vmem>>
      tpu.wait_dma2 semaphore(%dma_wait3A_582 : memref<!tpu.dma_semaphore, #tpu.memory_space<semaphore_mem>>) src(%dma_wait3A_588 : memref<64x1024xf32, #tpu.memory_space<vmem>>) dst(%dma_wait3A_584 : memref<64x1024xf32, #tpu.memory_space<hbm>>)
      "tpu.trace_stop"() : () -> ()
      tpu.yield
    }) : () -> ()
    return
  }
}

</mosaic_0001>

<sc_bundles>
// kernel: kernel.6.cloned.1.call-start
scs
__scs_entry_jumppad:
0x0: {  	(pc) =	sbr.rel $0x88, $3  }
0x1: {  	(tag) =	ssettag $0x0;
	lr =	simm.s32 $0x1  }
0x2: {  	[smem:$0x3F9B] =	sst lr;
	_ =	strace $0xD0000000  }
0x3: {  	_ = 	snop  }
0x4: {  	_ = 	snop  }
0x5: {  	_ = 	snop  }
0x6: {  	_ = 	snop  }
0x7: {  	_ = 	snop  }
__scs_overlays_trampoline_lowered:
0x8: {  	[smem:$0x3FAA] =	sst s0  }
0x9: {  	[smem:$0x3FAB] =	sst s1  }
0xa: {  	[smem:$0x3FAC] =	sst s2  }
0xb: {  	[smem:$0x3FAD] =	sst s3  }
0xc: {  	[smem:$0x3FAE] =	sst s4  }
0xd: {  	[smem:$0x3FAF] =	sst s5  }
0xe: {  	[smem:$0x3FB0] =	sst s6  }
0xf: {  	[smem:$0x3FB1] =	sst s7  }
0x10: {  	[smem:$0x3FB2] =	sst s8  }
0x11: {  	[smem:$0x3FB3] =	sst s9;
	s0 =	simm.s32 @!p0 $0x0  }
0x12: {  	s1 =	sld [smem:$0x3F99];
	s0 =	simm.s32 @p0 $0x1  }
0x13: {  	[smem:$0x3FB4] =	sst s0;
	s0 =	simm.s32 @!p1 $0x0  }
0x14: {  	s2 =	sld [smem:$0x3F98];
	s0 =	simm.s32 @p1 $0x1  }
0x15: {  	[smem:$0x3FB5] =	sst s0;
	s0 =	simm.s32 @!p2 $0x0  }
0x16: {  	s3 =	sld [smem:$0x3FDB];
	s0 =	simm.s32 @p2 $0x1  }
0x17: {  	s4 =	simm.s32 $0x1BF5;
	[smem:$0x3FB7] =	sst s0  }
0x18: {  	s0 =	sld [smem:$0x3F9A];
	_ =	swait.ge [sflag:s4], $0x0  }
0x19: {  	s7 =	sld [smem:$0x3F9B]  }
0x1a: {  	s8 =	sadd.s32 $0xFFFFE003, lr  }
0x1b: {  	s9 =	sadd.s32 $0xFFFFFEF7, lr;
	s5 =	simm.s32 $0xFFFFFFFF;
	p2 =	slt.u32 s8, $0xFFFFF086  }
0x1c: {  	p1 =	slt.u32 s9, $0xF7A;
	s5 =	simm.s32 @!p2 $0x0  }
0x1d: {  	s5 =	simm.s32 @p1 $0x1;
	p0 =	seq.s32 s7, s2  }
0x1e: {  	s7 =	smul.u32 @!p0 $0xF7A, s2;
	p2 =	seq.s32 @!p0 s5, $0x0  }
0x1f: {  	s9 =	smul.u32 $0xF7A, s1;
	s8 =	simm.s32 @!p0 $0x1BF5;
	p2 =	por !p2, p0  }
0x20: {  	[sflag:s8] =	ssyncset.s32 @!p0 $0xFFFFF086;
	s6 =	sadd.s32 @!p0 s3, s7;
	s7 =	simm.s32 @!p0 $0x108  }
0x21: {  	s3 =	sadd.s32 s3, s9;
	s6 =	sadd.s32 @!p0 $0x88, s6;
	s7 =	simm.s32 @p2 $0x1082  }
0x22: {  	[simem:s7], [sflag:s8] =	dma.local @!p0 [hbm:s6], $0xF7A  }
0x23: {  	s9 =	sor.u32 $0xD0000000, s2;
	s6 =	simm.s32 $0x108;
	_ =	swait.ge @!p0 [sflag:s8], $0x0  }
0x24: {  	s3 =	sadd.s32 $0x88, s3;
	s6 =	simm.s32 @!p1 $0x1082;
	[sflag:s4] =	ssyncset.s32 $0xFFFFF086  }
0x25: {  	[simem:s6], [sflag:s4] =	dma.local [hbm:s3], $0xF7A  }
0x26: {  	[smem:$0x3F9B] =	sst s1;
	(tag) =	ssettag s2;
	_ =	strace s9  }
0x27: {  	s1 =	sld [smem:$0x3FAB]  }
0x28: {  	s2 =	sld [smem:$0x3FAC]  }
0x29: {  	s4 =	sld [smem:$0x3FAE]  }
0x2a: {  	p0 =	seq.s32 s5, $0x0;
	s5 =	sld [smem:$0x3FAF]  }
0x2b: {  	s6 =	sld [smem:$0x3FB0]  }
0x2c: {  	s7 =	sld [smem:$0x3FB1]  }
0x2d: {  	s3 =	simm.s32 $0x108;
	s8 =	sld [smem:$0x3FB2]  }
0x2e: {  	s3 =	simm.s32 @!p0 $0x1082;
	s9 =	sld [smem:$0x3FB3]  }
0x2f: {  	lr =	sadd.s32 s0, s3;
	s0 =	sld [smem:$0x3FAA]  }
0x30: {  	s3 =	sld [smem:$0x3FAD]  }
0x31: {  	[smem:$0x3FB6] =	sst s10  }
0x32: {  	s10 =	sld [smem:$0x3FB4];
	_ =	sdelay $0x3  }
0x33: {  	p0 =	seq.s32 s10, $0x1;
	s10 =	sld [smem:$0x3FB6];
	_ =	sdelay $0x3  }
0x34: {  	[smem:$0x3FB6] =	sst s10  }
0x35: {  	s10 =	sld [smem:$0x3FB5];
	_ =	sdelay $0x3  }
0x36: {  	p1 =	seq.s32 s10, $0x1;
	s10 =	sld [smem:$0x3FB6];
	_ =	sdelay $0x3  }
0x37: {  	[smem:$0x3FB6] =	sst s10  }
0x38: {  	s10 =	sld [smem:$0x3FB7]  }
0x39: {  	_ = 	snop;
	(pc) =	sbr.ind lr, $3  }
0x3a: {  	_ = 	snop  }
0x3b: {  	_ = 	snop  }
0x3c: {  	p2 =	seq.s32 s10, $0x1;
	s10 =	sld [smem:$0x3FB6]  }
0x3d: {  	_ =	shalt  }
0x3e: {  	_ =	shalt  }
0x3f: {  	_ =	shalt  }
0x40: {  	_ =	shalt  }
0x41: {  	_ =	shalt  }
0x42: {  	_ =	shalt  }
0x43: {  	_ =	shalt  }
0x44: {  	_ =	shalt  }
0x45: {  	_ =	shalt  }
0x46: {  	_ =	shalt  }
0x47: {  	_ =	shalt  }
0x48: {  	_ =	shalt  }
0x49: {  	_ =	shalt  }
0x4a: {  	_ =	shalt  }
0x4b: {  	_ =	shalt  }
0x4c: {  	_ =	shalt  }
0x4d: {  	_ =	shalt  }
0x4e: {  	_ =	shalt  }
0x4f: {  	_ =	shalt  }
0x50: {  	_ =	shalt  }
0x51: {  	_ =	shalt  }
0x52: {  	_ =	shalt  }
0x53: {  	_ =	shalt  }
0x54: {  	_ =	shalt  }
0x55: {  	_ =	shalt  }
0x56: {  	_ =	shalt  }
0x57: {  	_ =	shalt  }
0x58: {  	_ =	shalt  }
0x59: {  	_ =	shalt  }
0x5a: {  	_ =	shalt  }
0x5b: {  	_ =	shalt  }
0x5c: {  	_ =	shalt  }
0x5d: {  	_ =	shalt  }
0x5e: {  	_ =	shalt  }
0x5f: {  	_ =	shalt  }
0x60: {  	_ =	shalt  }
0x61: {  	_ =	shalt  }
0x62: {  	_ =	shalt  }
0x63: {  	_ =	shalt  }
0x64: {  	_ =	shalt  }
0x65: {  	_ =	shalt  }
0x66: {  	_ =	shalt  }
0x67: {  	_ =	shalt  }
0x68: {  	_ =	shalt  }
0x69: {  	_ =	shalt  }
0x6a: {  	_ =	shalt  }
0x6b: {  	_ =	shalt  }
0x6c: {  	_ =	shalt  }
0x6d: {  	_ =	shalt  }
0x6e: {  	_ =	shalt  }
0x6f: {  	_ =	shalt  }
0x70: {  	_ =	shalt  }
0x71: {  	_ =	shalt  }
0x72: {  	_ =	shalt  }
0x73: {  	_ =	shalt  }
0x74: {  	_ =	shalt  }
0x75: {  	_ =	shalt  }
0x76: {  	_ =	shalt  }
0x77: {  	_ =	shalt  }
0x78: {  	_ =	shalt  }
0x79: {  	_ =	shalt  }
0x7a: {  	_ =	shalt  }
0x7b: {  	_ =	shalt  }
0x7c: {  	_ =	shalt  }
0x7d: {  	_ =	shalt  }
0x7e: {  	_ =	shalt  }
0x7f: {  	_ =	shalt  }
0x80: {  	_ =	shalt  }
0x81: {  	_ =	shalt  }
0x82: {  	_ =	shalt  }
0x83: {  	_ =	shalt  }
0x84: {  	_ =	shalt  }
0x85: {  	_ =	shalt  }
0x86: {  	_ =	shalt  }
0x87: {  	_ =	shalt  }
.Lfunc_end0:
.L_simem_size_0:
called_computation_lowered:
.L_overlay_start_0:
0x88: {  	s2 =	sld [smem:$0x3FD9]  }
0x89: {  	s3 =	sld [smem:$0x3FFE];
	_ =	sdelay $0x1  }
0x8a: {  	s1 =	srdreg.scid  }
0x8b: {  	s0 =	sand.u32 $0x1, s1  }
0x8c: {  	s17 =	sshll.u32 s0, $0xA;
	s2 =	sadd.s32 s3, s2  }
0x8d: {  	s2 =	sadd.s32 s2, s17  }
0x8e: {  	[smem:$0x3FC2] =	sst s2  }
0x8f: {  	_ = 	snop  }
0x90: {  	s2 =	sld [smem:$0x3FC9]  }
0x91: {  	s18 =	sld [smem:$0x3FD0];
	(tm) =	ssettm $0x1  }
0x92: {  	s4 =	sld [smem:$0x3FFB];
	_ =	sdelay $0x3  }
0x93: {  	_ =	strace s4  }
0x94: {  	s4 =	sld [smem:$0x3FFC];
	_ =	sdelay $0x3  }
0x95: {  	_ =	strace s4  }
0x96: {  	s4 =	sld [smem:$0x3FFD];
	_ =	sdelay $0x3  }
0x97: {  	_ =	strace s4  }
0x98: {  	_ =	strace $0x8FFFFFFF  }
0x99: {  	s19 =	sld [smem:$0x3FDB];
	_ =	sdelay $0x1  }
0x9a: {  	s5 =	simm.s32 $_scs_section_size  }
0x9b: {  	s6 =	simm.s32 $_size__tile_overlayer_lowered;
	s7 =	simm.s32 $_tile_overlayer_lowered  }
0x9c: {  	s22 =	simm.s32 $0x1BFF;
	s21 =	sshll.u32 s7, $0x1;
	s4 =	sadd.s32 s5, s19  }
0x9d: {  	s8 =	simm.s32 $0x0;
	s20 =	sshll.u32 s6, $0x1;
	s6 =	sadd.s32 s21, s4  }
0x9e: {  	[timem:s8], [sflag:s22] =	dma.local [hbm:s6], s20  }
0x9f: {  	_ =	swait.ge [sflag:s22], s20  }
0xa0: {  	s5 =	ssub.s32 $0x0, s20;
	[sflag:s22] =	ssyncset.done $0x0  }
0xa1: {  	[sflag:s22] =	ssyncadd.s32 s5;
	_ =	sdelay $0x1  }
0xa2: {  	s23 =	simm.s32 $0x1B8B  }
0xa3: {  	_ =	swait.ge [sflag:s23], $0x1  }
0xa4: {  	[sflag:s23] =	ssyncset.done $0x0  }
0xa5: {  	s25 =	simm.s32 $0x1B8E;
	s24 =	sld [smem:$0x3FFE];
	[sflag:s23] =	ssyncadd.s32 $0xFFFFFFFF  }
0xa6: {  	s26 =	simm.s32 $execute0_lowered;
	[smem:$0x3FD2] =	sst s25  }
0xa7: {  	s6 =	sshll.u32 s26, $0x1;
	_ =	strace $0x80000046;
	[dreg:$0x1] =	wrdreg $0xFFFFFFFF  }
0xa8: {  	s28 =	simm.s32 $_size_execute0_lowered;
	s4 =	sadd.s32 s4, s6;
	[dreg:$0x0] =	wrdreg $0x0  }
0xa9: {  	s6 =	sshll.u32 s28, $0x1;
	[dreg:$0x2] =	wrdreg s4  }
0xaa: {  	[dreg:$0x3] =	wrdreg s6  }
0xab: {  	[dreg:$0x4] =	wrdreg $0xC0  }
0xac: {  	_ =	task [dreg:s8], $0x5FFFF  }
0xad: {  	[dreg:$0x1] =	wrdreg $0xFFFFFFFF  }
0xae: {  	[dreg:$0x0] =	wrdreg $0x60  }
0xaf: {  	[dreg:$0x2] =	wrdreg s2  }
0xb0: {  	[dreg:$0x3] =	wrdreg s24  }
0xb1: {  	[dreg:$0x4] =	wrdreg s18  }
0xb2: {  	[dreg:$0x5] =	wrdreg $0x9  }
0xb3: {  	_ =	task.clear_ibuf [dreg:s8], $0x6FFFF;
	_ =	strace $0x90000046  }
0xb4: {  	s29 =	simm.s32 $0x9;
	_ =	strace $0x80000048  }
0xb5: {  	_ =	swait.ge [sflag:s29], $0x1  }
0xb6: {  	[sflag:s29] =	ssyncadd.s32 $0xFFFFFFFF  }
0xb7: {  	_ =	strace $0x90000048  }
0xb8: {  	_ =	sfence  }
0xb9: {  	s30 =	sld [smem:$0x0];
	_ =	sdelay $0x2  }
0xba: {  	s31 =	sshll.u32 s1, $0xD;
	s1 =	sshrl.u32 s1, $0x2  }
0xbb: {  	s3 =	sand.u32 $0x4000, s31;
	s1 =	sadd.s32 s1, s30  }
0xbc: {  	s0 =	sor.u32 s3, s0;
	s1 =	sshll.u32 s1, $0x11  }
0xbd: {  	s0 =	sor.u32 s1, s0  }
0xbe: {  	s0 =	sadd.s32 $0x8F2B, s0  }
0xbf: {  	[sflag:s0] =	ssyncadd.remote.s32 $0x1  }
0xc0: {  	_ =	sfence.sel $0xFFFF  }
0xc1: {  	[dreg:$0x0] =	wrdreg $0xFFFFFFFF;
	(pc) =	sbr.abs _section_cstart, $3  }
0xc2: {  	[dreg:$0x1] =	wrdreg $0xFFFFFFFF  }
0xc3: {  	_ =	task.clear_ibuf [dreg:s8], $0x2FFFF;
	_ =	strace $0x9FFFFFFF  }
0xc4: {  	(tm) =	ssettm $0x7FFFFFFF  }
0xc5: {  	_ =	shalt  }
tec
execute0_lowered:
.L_overlay_start_1:
0x0: {  	(tag) =	ssettag $0x1  }
0x1: {  	s1 =	rddreg [dreg:$0x0]  }
0x2: {  	s6 =	rddreg [dreg:$0x1];
	s2 =	srdreg.scid  }
0x3: {  	s3 =	rddreg [dreg:$0x2];
	s0 =	stileid.u32;
	s12 =	simm.s32 $0x880  }
0x4: {  	s4 =	sand.u32 $0x1, s2;
	[dreg:$0x4] =	wrdreg s3;
	s2 =	simm.s32 $0x0  }
0x5: {  	s13 =	simm.s32 $0x1080;
	s14 =	simm.s32 $0x1880;
	[smem:$0x7FF] =	sst s2  }
0x6: {  	s16 =	simm.s32 $0x2080;
	_ =	strace $0x80000047;
	[dreg:$0x8] =	wrdreg s12  }
0x7: {  	s18 =	simm.s32 $0x2880;
	s19 =	simm.s32 $0x3080;
	[dreg:$0x9] =	wrdreg s13  }
0x8: {  	s20 =	simm.s32 $0x3880;
	s21 =	simm.s32 $0x4080;
	[dreg:$0xa] =	wrdreg s14  }
0x9: {  	s22 =	simm.s32 $0x4880;
	s8 =	simm.s32 $0x80;
	[dreg:$0xb] =	wrdreg s16  }
0xa: {  	s23 =	simm.s32 $0x5080;
	s9 =	simm.s32 $0x10080;
	[dreg:$0xc] =	wrdreg s18  }
0xb: {  	s24 =	simm.s32 $0x5880;
	s25 =	simm.s32 $0x6080;
	[dreg:$0xd] =	wrdreg s19  }
0xc: {  	s26 =	simm.s32 $0x6880;
	s28 =	simm.s32 $0xE080;
	[dreg:$0xe] =	wrdreg s20  }
0xd: {  	s29 =	simm.s32 $0xE880;
	s30 =	simm.s32 $0xF080;
	[dreg:$0xf] =	wrdreg s21  }
0xe: {  	s31 =	simm.s32 $0xF880;
	s10 =	sshll.u32 s0, $0x7;
	[dreg:$0x10] =	wrdreg s22  }
0xf: {  	s5 =	sshll.u32 s4, $0x6;
	s4 =	ssub.s32 $0x2, s4;
	[dreg:$0x11] =	wrdreg s23  }
0x10: {  	s3 =	sor.u32 s5, s10;
	s15 =	sshrl.u32 s4, $0x1;
	[dreg:$0x12] =	wrdreg s24  }
0x11: {  	s10 =	simm.s32 $0x3;
	[dreg:$0x13] =	wrdreg s25;
	s12 =	simm.s32 $0x2  }
0x12: {  	[dreg:$0x14] =	wrdreg s26;
	s14 =	simm.s32 $0x7880;
	s16 =	simm.s32 $0x8880  }
0x13: {  	s18 =	simm.s32 $0x9880;
	s19 =	simm.s32 $0xA080;
	s20 =	simm.s32 $0xA880  }
0x14: {  	s21 =	simm.s32 $0xB080;
	s22 =	simm.s32 $0xB880;
	s23 =	simm.s32 $0xC080  }
0x15: {  	s24 =	simm.s32 $0xC880;
	s25 =	simm.s32 $0xD080;
	s26 =	simm.s32 $0xD880  }
0x16: {  	s5 =	sshrl.u32 s3, $0x3;
	s7 =	sshll.u32 s3, $0x4;
	s3 =	sshll.u32 s3, $0x7  }
0x17: {  	s17 =	ssub.s32 s4, s15;
	s4 =	sadd.s32 $0x9B00, s6;
	s15 =	simm.s32 $0x8080  }
0x18: {  	s5 =	sadd.s32 s5, s6;
	s7 =	sadd.s32 s7, s6;
	s1 =	sadd.s32 s1, s3  }
0x19: {  	s3 =	sadd.s32 $0x9A00, s6;
	s5 =	sadd.s32 $0x9800, s5;
	[dreg:$0x6] =	wrdreg s1  }
0x1a: {  	v2 =	vlaneseq.u32;
	s11 =	sadd.s32 $0x1800, s7;
	s7 =	smax.u32 s17, $0x1;
	[dreg:$0x5] =	wrdreg s5  }
0x1b: {  	vm0 =	vmmov $0xffff;
	v1 =	vshrl.u32 v2, $0x3;
	s17 =	simm.s32 $0x9080;
	s1 =	simm.s32 $0x40;
	[dreg:$0x7] =	wrdreg s11  }
0x1c: {  	v0 =	vand.u32 $0x7, v2;
	v2 =	vor.u32 $0x8, v2;
	v1 =	vmul.u32 $0x8, v1;
	s5 =	sadd.s32 $0x9C00, s6;
	s6 =	sadd.s32 $0x9D00, s6;
	s11 =	simm.s32 $0x1  }
.LBB2_1:
0x1d: {  	s0 =	rddreg [dreg:$0x5]  }
0x1e: {  	[tilespmem:s2], [sflag:$0x3] =	stream.linear.gather [hbm4b:s0+s2], $0x40, $0x38;
	[tilespmem:$0x12080] =	vst v63  }
0x1f: {  	s13 =	rddreg [dreg:$0x6]  }
0x20: {  	[tilespmem:s8], [sflag:$0x1] =	stream.linear.gather [hbm4b:s13+s2], $0x10000, $0x38;
	[tilespmem:$0x12080] =	vst v63  }
0x21: {  	s0 =	rddreg [dreg:$0x7]  }
0x22: {  	[tilespmem:s9], [sflag:$0x2] =	stream.linear.gather [hbm4b:s0+s2], $0x2000, $0x38;
	[tilespmem:$0x12080] =	vst v63  }
0x23: {  	_ =	swait.ge [sflag:s10], $0x40  }
0x24: {  	[sflag:s10] =	ssyncset.done $0x0  }
0x25: {  	[sflag:s10] =	ssyncadd.s32 $0xFFFFFFC0  }
0x26: {  	_ =	swait.ge [sflag:s11], $0x10000  }
0x27: {  	[sflag:s11] =	ssyncset.done $0x0  }
0x28: {  	[sflag:s11] =	ssyncadd.s32 $0xFFFF0000  }
0x29: {  	_ =	swait.ge [sflag:s12], $0x2000  }
0x2a: {  	[sflag:s12] =	ssyncset.done $0x0  }
0x2b: {  	[sflag:s12] =	ssyncadd.s32 $0xFFFFE000  }
0x2c: {  	v3 =	vld [tilespmem:$0x0];
	_ =	sdelay $0x4  }
0x2d: {  	v4 =	vshll.u32 v3, $0x3  }
0x2e: {  	v3 =	vand.u32 $0x7, v3;
	v4 =	vand.u32 $0xFFFFFFC0, v4  }
0x2f: {  	v3 =	vor.u32 v3, v4  }
0x30: {  	v4 =	vperm.xlane v3, v0;
	_ =	sdelay $0x1  }
0x31: {  	v4 =	vadd.s32 v1, v4;
	_ =	sdelay $0x4  }
0x32: {  	[hbm4b:s3+s2] =	stream.indirect_vreg.scatter [tilespmem:s8], [sflag:$0x1], $0x80, v4, vm0, $0xb8;
	[tilespmem:$0x12080] =	vst v63  }
0x33: {  	s0 =	rddreg [dreg:$0x8];
	v3 =	vperm.xlane v3, v2  }
0x34: {  	[hbm4b:s4+s2] =	stream.indirect_vreg.scatter [tilespmem:s0], [sflag:$0x1], $0x80, v4, vm0, $0xb8;
	[tilespmem:$0x12080] =	vst v63  }
0x35: {  	s13 =	rddreg [dreg:$0x9];
	v3 =	vadd.s32 v1, v3  }
0x36: {  	[hbm4b:s5+s2] =	stream.indirect_vreg.scatter [tilespmem:s13], [sflag:$0x1], $0x80, v4, vm0, $0xb8;
	[tilespmem:$0x12080] =	vst v63  }
0x37: {  	s0 =	rddreg [dreg:$0xa]  }
0x38: {  	[hbm4b:s6+s2] =	stream.indirect_vreg.scatter [tilespmem:s0], [sflag:$0x1], $0x80, v4, vm0, $0xb8;
	[tilespmem:$0x12080] =	vst v63  }
0x39: {  	s13 =	rddreg [dreg:$0xb]  }
0x3a: {  	[hbm4b:s3+s2] =	stream.indirect_vreg.scatter [tilespmem:s13], [sflag:$0x1], $0x80, v3, vm0, $0xb8;
	[tilespmem:$0x12080] =	vst v63  }
0x3b: {  	s0 =	rddreg [dreg:$0xc]  }
0x3c: {  	[hbm4b:s4+s2] =	stream.indirect_vreg.scatter [tilespmem:s0], [sflag:$0x1], $0x80, v3, vm0, $0xb8;
	[tilespmem:$0x12080] =	vst v63  }
0x3d: {  	s13 =	rddreg [dreg:$0xd]  }
0x3e: {  	[hbm4b:s5+s2] =	stream.indirect_vreg.scatter [tilespmem:s13], [sflag:$0x1], $0x80, v3, vm0, $0xb8;
	[tilespmem:$0x12080] =	vst v63  }
0x3f: {  	s0 =	rddreg [dreg:$0xe]  }
0x40: {  	[hbm4b:s6+s2] =	stream.indirect_vreg.scatter [tilespmem:s0], [sflag:$0x1], $0x80, v3, vm0, $0xb8;
	[tilespmem:$0x12080] =	vst v63  }
0x41: {  	v3 =	vld [tilespmem:$0x10];
	_ =	sdelay $0x4  }
0x42: {  	v61 =	vshll.u32 v3, $0x3  }
0x43: {  	v3 =	vand.u32 $0x7, v3;
	v4 =	vand.u32 $0xFFFFFFC0, v61  }
0x44: {  	v3 =	vor.u32 v3, v4  }
0x45: {  	v4 =	vperm.xlane v3, v0;
	_ =	sdelay $0x1  }
0x46: {  	v4 =	vadd.s32 v1, v4;
	_ =	sdelay $0x3  }
0x47: {  	s0 =	rddreg [dreg:$0xf]  }
0x48: {  	[hbm4b:s3+s2] =	stream.indirect_vreg.scatter [tilespmem:s0], [sflag:$0x1], $0x80, v4, vm0, $0xb8;
	[tilespmem:$0x12080] =	vst v63  }
0x49: {  	s13 =	rddreg [dreg:$0x10];
	v3 =	vperm.xlane v3, v2  }
0x4a: {  	[hbm4b:s4+s2] =	stream.indirect_vreg.scatter [tilespmem:s13], [sflag:$0x1], $0x80, v4, vm0, $0xb8;
	[tilespmem:$0x12080] =	vst v63  }
0x4b: {  	v3 =	vadd.s32 v1, v3;
	s0 =	rddreg [dreg:$0x11]  }
0x4c: {  	[hbm4b:s5+s2] =	stream.indirect_vreg.scatter [tilespmem:s0], [sflag:$0x1], $0x80, v4, vm0, $0xb8;
	[tilespmem:$0x12080] =	vst v63  }
0x4d: {  	s13 =	rddreg [dreg:$0x12]  }
0x4e: {  	[hbm4b:s6+s2] =	stream.indirect_vreg.scatter [tilespmem:s13], [sflag:$0x1], $0x80, v4, vm0, $0xb8;
	[tilespmem:$0x12080] =	vst v63  }
0x4f: {  	s0 =	rddreg [dreg:$0x13]  }
0x50: {  	[hbm4b:s3+s2] =	stream.indirect_vreg.scatter [tilespmem:s0], [sflag:$0x1], $0x80, v3, vm0, $0xb8;
	[tilespmem:$0x12080] =	vst v63  }
0x51: {  	s13 =	rddreg [dreg:$0x14]  }
0x52: {  	[hbm4b:s4+s2] =	stream.indirect_vreg.scatter [tilespmem:s13], [sflag:$0x1], $0x80, v3, vm0, $0xb8;
	[tilespmem:$0x12080] =	vst v63  }
0x53: {  	s13 =	simm.s32 $0x7080  }
0x54: {  	[hbm4b:s5+s2] =	stream.indirect_vreg.scatter [tilespmem:s13], [sflag:$0x1], $0x80, v3, vm0, $0xb8;
	[tilespmem:$0x12080] =	vst v63  }
0x55: {  	_ = 	snop  }
0x56: {  	[hbm4b:s6+s2] =	stream.indirect_vreg.scatter [tilespmem:s14], [sflag:$0x1], $0x80, v3, vm0, $0xb8;
	[tilespmem:$0x12080] =	vst v63  }
0x57: {  	v3 =	vld [tilespmem:$0x20];
	_ =	sdelay $0x4  }
0x58: {  	v62 =	vshll.u32 v3, $0x3  }
0x59: {  	v3 =	vand.u32 $0x7, v3;
	v4 =	vand.u32 $0xFFFFFFC0, v62  }
0x5a: {  	v3 =	vor.u32 v3, v4  }
0x5b: {  	v4 =	vperm.xlane v3, v0;
	_ =	sdelay $0x1  }
0x5c: {  	v4 =	vadd.s32 v1, v4;
	_ =	sdelay $0x4  }
0x5d: {  	[hbm4b:s3+s2] =	stream.indirect_vreg.scatter [tilespmem:s15], [sflag:$0x1], $0x80, v4, vm0, $0xb8;
	[tilespmem:$0x12080] =	vst v63  }
0x5e: {  	v3 =	vperm.xlane v3, v2  }
0x5f: {  	[hbm4b:s4+s2] =	stream.indirect_vreg.scatter [tilespmem:s16], [sflag:$0x1], $0x80, v4, vm0, $0xb8;
	[tilespmem:$0x12080] =	vst v63  }
0x60: {  	v3 =	vadd.s32 v1, v3  }
0x61: {  	[hbm4b:s5+s2] =	stream.indirect_vreg.scatter [tilespmem:s17], [sflag:$0x1], $0x80, v4, vm0, $0xb8;
	[tilespmem:$0x12080] =	vst v63  }
0x62: {  	_ = 	snop  }
0x63: {  	[hbm4b:s6+s2] =	stream.indirect_vreg.scatter [tilespmem:s18], [sflag:$0x1], $0x80, v4, vm0, $0xb8;
	[tilespmem:$0x12080] =	vst v63  }
0x64: {  	_ = 	snop  }
0x65: {  	[hbm4b:s3+s2] =	stream.indirect_vreg.scatter [tilespmem:s19], [sflag:$0x1], $0x80, v3, vm0, $0xb8;
	[tilespmem:$0x12080] =	vst v63  }
0x66: {  	_ = 	snop  }
0x67: {  	[hbm4b:s4+s2] =	stream.indirect_vreg.scatter [tilespmem:s20], [sflag:$0x1], $0x80, v3, vm0, $0xb8;
	[tilespmem:$0x12080] =	vst v63  }
0x68: {  	_ = 	snop  }
0x69: {  	[hbm4b:s5+s2] =	stream.indirect_vreg.scatter [tilespmem:s21], [sflag:$0x1], $0x80, v3, vm0, $0xb8;
	[tilespmem:$0x12080] =	vst v63  }
0x6a: {  	_ = 	snop  }
0x6b: {  	[hbm4b:s6+s2] =	stream.indirect_vreg.scatter [tilespmem:s22], [sflag:$0x1], $0x80, v3, vm0, $0xb8;
	[tilespmem:$0x12080] =	vst v63  }
0x6c: {  	v3 =	vld [tilespmem:$0x30];
	_ =	sdelay $0x4  }
0x6d: {  	v63 =	vshll.u32 v3, $0x3  }
0x6e: {  	v3 =	vand.u32 $0x7, v3;
	v4 =	vand.u32 $0xFFFFFFC0, v63  }
0x6f: {  	v3 =	vor.u32 v3, v4  }
0x70: {  	v4 =	vperm.xlane v3, v0;
	_ =	sdelay $0x1  }
0x71: {  	v4 =	vadd.s32 v1, v4;
	_ =	sdelay $0x4  }
0x72: {  	[hbm4b:s3+s2] =	stream.indirect_vreg.scatter [tilespmem:s23], [sflag:$0x1], $0x80, v4, vm0, $0xb8;
	[tilespmem:$0x12080] =	vst v63  }
0x73: {  	v3 =	vperm.xlane v3, v2  }
0x74: {  	[hbm4b:s4+s2] =	stream.indirect_vreg.scatter [tilespmem:s24], [sflag:$0x1], $0x80, v4, vm0, $0xb8;
	[tilespmem:$0x12080] =	vst v63  }
0x75: {  	v3 =	vadd.s32 v1, v3  }
0x76: {  	[hbm4b:s5+s2] =	stream.indirect_vreg.scatter [tilespmem:s25], [sflag:$0x1], $0x80, v4, vm0, $0xb8;
	[tilespmem:$0x12080] =	vst v63  }
0x77: {  	_ = 	snop  }
0x78: {  	[hbm4b:s6+s2] =	stream.indirect_vreg.scatter [tilespmem:s26], [sflag:$0x1], $0x80, v4, vm0, $0xb8;
	[tilespmem:$0x12080] =	vst v63  }
0x79: {  	_ = 	snop  }
0x7a: {  	[hbm4b:s3+s2] =	stream.indirect_vreg.scatter [tilespmem:s28], [sflag:$0x1], $0x80, v3, vm0, $0xb8;
	[tilespmem:$0x12080] =	vst v63  }
0x7b: {  	_ = 	snop  }
0x7c: {  	[hbm4b:s4+s2] =	stream.indirect_vreg.scatter [tilespmem:s29], [sflag:$0x1], $0x80, v3, vm0, $0xb8;
	[tilespmem:$0x12080] =	vst v63  }
0x7d: {  	_ = 	snop  }
0x7e: {  	[hbm4b:s5+s2] =	stream.indirect_vreg.scatter [tilespmem:s30], [sflag:$0x1], $0x80, v3, vm0, $0xb8;
	[tilespmem:$0x12080] =	vst v63  }
0x7f: {  	_ = 	snop  }
0x80: {  	[hbm4b:s6+s2] =	stream.indirect_vreg.scatter [tilespmem:s31], [sflag:$0x1], $0x80, v3, vm0, $0xb8;
	[tilespmem:$0x12080] =	vst v63  }
0x81: {  	s13 =	rddreg [dreg:$0x4]  }
0x82: {  	[hbm4b:s13+s1] =	stream.indirect.scatter [tilespmem:s9], [sflag:$0x2], $0x80, s2, s1, $0xb8;
	[tilespmem:$0x12080] =	vst v63  }
0x83: {  	p0 =	sne.s32 s7, $0x1;
	_ =	swait.ge [sflag:s11], $0x10000  }
.Ltmp0:
0x84: {  	[sflag:s11] =	ssyncset.done $0x0;
	(pc) =	sbr.rel @p0 .LBB2_1-.Ltmp0, $4  }
0x85: {  	[sflag:s11] =	ssyncadd.s32 $0xFFFF0000  }
0x86: {  	_ =	swait.ge [sflag:s12], $0x2000  }
0x87: {  	[sflag:s12] =	ssyncset.done $0x0  }
0x88: {  	s7 =	sadd.s32 $0xFFFFFFFF, s7;
	[sflag:s12] =	ssyncadd.s32 $0xFFFFE000  }
0x89: {  	_ =	sfence.sel $0x180000  }
0x8a: {  	[bflag:$0x0] =	sbarrier.arrive $0xFFFF  }
0x8b: {  	_ =	strace $0x90000047  }
0x8c: {  	s0 =	stileid.u32;
	[bflag:$0x2] =	sbarrier.arrive $0xFFFF  }
0x8d: {  	p0 =	sne.s32 s0, $0x0;
	s0 =	rddreg [dreg:$0x3]  }
0x8e: {  	s0 =	sadd.s32 @!p0 $0x100000, s0  }
0x8f: {  	[sflag:s0] =	ssyncadd.tile.s32 @!p0 $0x1;
	_ =	shalt  }
.Lfunc_end2:
_tile_overlayer_lowered:
.L_overlay_start_2:
0x90: {  	(tag) =	ssettag $0x2  }
0x91: {  	s0 =	rddreg [dreg:$0x0];
	s2 =	stileid.u32  }
0x92: {  	s1 =	rddreg [dreg:$0x1];
	p0 =	sne.s32 s2, $0x0  }
0x93: {  	s3 =	rddreg [dreg:$0x2];
	[bflag:$0x3] =	sbarrier.arrive $0xFFFF;
	s2 =	simm.s32 @!p0 $0x1C04  }
0x94: {  	[timem:s3], [sflag:s2] =	dma.local @!p0 [hbm:s0], s1  }
0x95: {  	s0 =	simm.s32 @!p0 $0x4  }
0x96: {  	_ =	swait.ge @!p0 [sflag:s0], s1  }
0x97: {  	s1 =	ssub.s32 @!p0 $0x0, s1;
	[sflag:s0] =	ssyncset.done @!p0 $0x0  }
0x98: {  	[sflag:s0] =	ssyncadd.s32 @!p0 s1  }
0x99: {  	[bflag:$0x3] =	sbarrier.arrive $0xFFFF  }
0x9a: {  	_ =	shalt  }

// kernel: kernel.9.cloned.1.call-start
scs
__scs_entry_jumppad:
0x0: {  	(pc) =	sbr.rel $0x88, $3  }
0x1: {  	(tag) =	ssettag $0x0;
	lr =	simm.s32 $0x1  }
0x2: {  	[smem:$0x3F9B] =	sst lr;
	_ =	strace $0xD0000000  }
0x3: {  	_ = 	snop  }
0x4: {  	_ = 	snop  }
0x5: {  	_ = 	snop  }
0x6: {  	_ = 	snop  }
0x7: {  	_ = 	snop  }
__scs_overlays_trampoline_lowered:
0x8: {  	[smem:$0x3FAA] =	sst s0  }
0x9: {  	[smem:$0x3FAB] =	sst s1  }
0xa: {  	[smem:$0x3FAC] =	sst s2  }
0xb: {  	[smem:$0x3FAD] =	sst s3  }
0xc: {  	[smem:$0x3FAE] =	sst s4  }
0xd: {  	[smem:$0x3FAF] =	sst s5  }
0xe: {  	[smem:$0x3FB0] =	sst s6  }
0xf: {  	[smem:$0x3FB1] =	sst s7  }
0x10: {  	[smem:$0x3FB2] =	sst s8  }
0x11: {  	[smem:$0x3FB3] =	sst s9;
	s0 =	simm.s32 @!p0 $0x0  }
0x12: {  	s1 =	sld [smem:$0x3F99];
	s0 =	simm.s32 @p0 $0x1  }
0x13: {  	[smem:$0x3FB4] =	sst s0;
	s0 =	simm.s32 @!p1 $0x0  }
0x14: {  	s2 =	sld [smem:$0x3F98];
	s0 =	simm.s32 @p1 $0x1  }
0x15: {  	[smem:$0x3FB5] =	sst s0;
	s0 =	simm.s32 @!p2 $0x0  }
0x16: {  	s3 =	sld [smem:$0x3FDB];
	s0 =	simm.s32 @p2 $0x1  }
0x17: {  	s4 =	simm.s32 $0x1BF5;
	[smem:$0x3FB7] =	sst s0  }
0x18: {  	s0 =	sld [smem:$0x3F9A];
	_ =	swait.ge [sflag:s4], $0x0  }
0x19: {  	s7 =	sld [smem:$0x3F9B]  }
0x1a: {  	s8 =	sadd.s32 $0xFFFFE003, lr  }
0x1b: {  	s9 =	sadd.s32 $0xFFFFFEF7, lr;
	s5 =	simm.s32 $0xFFFFFFFF;
	p2 =	slt.u32 s8, $0xFFFFF086  }
0x1c: {  	p1 =	slt.u32 s9, $0xF7A;
	s5 =	simm.s32 @!p2 $0x0  }
0x1d: {  	s5 =	simm.s32 @p1 $0x1;
	p0 =	seq.s32 s7, s2  }
0x1e: {  	s7 =	smul.u32 @!p0 $0xF7A, s2;
	p2 =	seq.s32 @!p0 s5, $0x0  }
0x1f: {  	s9 =	smul.u32 $0xF7A, s1;
	s8 =	simm.s32 @!p0 $0x1BF5;
	p2 =	por !p2, p0  }
0x20: {  	[sflag:s8] =	ssyncset.s32 @!p0 $0xFFFFF086;
	s6 =	sadd.s32 @!p0 s3, s7;
	s7 =	simm.s32 @!p0 $0x108  }
0x21: {  	s3 =	sadd.s32 s3, s9;
	s6 =	sadd.s32 @!p0 $0x88, s6;
	s7 =	simm.s32 @p2 $0x1082  }
0x22: {  	[simem:s7], [sflag:s8] =	dma.local @!p0 [hbm:s6], $0xF7A  }
0x23: {  	s9 =	sor.u32 $0xD0000000, s2;
	s6 =	simm.s32 $0x108;
	_ =	swait.ge @!p0 [sflag:s8], $0x0  }
0x24: {  	s3 =	sadd.s32 $0x88, s3;
	s6 =	simm.s32 @!p1 $0x1082;
	[sflag:s4] =	ssyncset.s32 $0xFFFFF086  }
0x25: {  	[simem:s6], [sflag:s4] =	dma.local [hbm:s3], $0xF7A  }
0x26: {  	[smem:$0x3F9B] =	sst s1;
	(tag) =	ssettag s2;
	_ =	strace s9  }
0x27: {  	s1 =	sld [smem:$0x3FAB]  }
0x28: {  	s2 =	sld [smem:$0x3FAC]  }
0x29: {  	s4 =	sld [smem:$0x3FAE]  }
0x2a: {  	p0 =	seq.s32 s5, $0x0;
	s5 =	sld [smem:$0x3FAF]  }
0x2b: {  	s6 =	sld [smem:$0x3FB0]  }
0x2c: {  	s7 =	sld [smem:$0x3FB1]  }
0x2d: {  	s3 =	simm.s32 $0x108;
	s8 =	sld [smem:$0x3FB2]  }
0x2e: {  	s3 =	simm.s32 @!p0 $0x1082;
	s9 =	sld [smem:$0x3FB3]  }
0x2f: {  	lr =	sadd.s32 s0, s3;
	s0 =	sld [smem:$0x3FAA]  }
0x30: {  	s3 =	sld [smem:$0x3FAD]  }
0x31: {  	[smem:$0x3FB6] =	sst s10  }
0x32: {  	s10 =	sld [smem:$0x3FB4];
	_ =	sdelay $0x3  }
0x33: {  	p0 =	seq.s32 s10, $0x1;
	s10 =	sld [smem:$0x3FB6];
	_ =	sdelay $0x3  }
0x34: {  	[smem:$0x3FB6] =	sst s10  }
0x35: {  	s10 =	sld [smem:$0x3FB5];
	_ =	sdelay $0x3  }
0x36: {  	p1 =	seq.s32 s10, $0x1;
	s10 =	sld [smem:$0x3FB6];
	_ =	sdelay $0x3  }
0x37: {  	[smem:$0x3FB6] =	sst s10  }
0x38: {  	s10 =	sld [smem:$0x3FB7]  }
0x39: {  	_ = 	snop;
	(pc) =	sbr.ind lr, $3  }
0x3a: {  	_ = 	snop  }
0x3b: {  	_ = 	snop  }
0x3c: {  	p2 =	seq.s32 s10, $0x1;
	s10 =	sld [smem:$0x3FB6]  }
0x3d: {  	_ =	shalt  }
0x3e: {  	_ =	shalt  }
0x3f: {  	_ =	shalt  }
0x40: {  	_ =	shalt  }
0x41: {  	_ =	shalt  }
0x42: {  	_ =	shalt  }
0x43: {  	_ =	shalt  }
0x44: {  	_ =	shalt  }
0x45: {  	_ =	shalt  }
0x46: {  	_ =	shalt  }
0x47: {  	_ =	shalt  }
0x48: {  	_ =	shalt  }
0x49: {  	_ =	shalt  }
0x4a: {  	_ =	shalt  }
0x4b: {  	_ =	shalt  }
0x4c: {  	_ =	shalt  }
0x4d: {  	_ =	shalt  }
0x4e: {  	_ =	shalt  }
0x4f: {  	_ =	shalt  }
0x50: {  	_ =	shalt  }
0x51: {  	_ =	shalt  }
0x52: {  	_ =	shalt  }
0x53: {  	_ =	shalt  }
0x54: {  	_ =	shalt  }
0x55: {  	_ =	shalt  }
0x56: {  	_ =	shalt  }
0x57: {  	_ =	shalt  }
0x58: {  	_ =	shalt  }
0x59: {  	_ =	shalt  }
0x5a: {  	_ =	shalt  }
0x5b: {  	_ =	shalt  }
0x5c: {  	_ =	shalt  }
0x5d: {  	_ =	shalt  }
0x5e: {  	_ =	shalt  }
0x5f: {  	_ =	shalt  }
0x60: {  	_ =	shalt  }
0x61: {  	_ =	shalt  }
0x62: {  	_ =	shalt  }
0x63: {  	_ =	shalt  }
0x64: {  	_ =	shalt  }
0x65: {  	_ =	shalt  }
0x66: {  	_ =	shalt  }
0x67: {  	_ =	shalt  }
0x68: {  	_ =	shalt  }
0x69: {  	_ =	shalt  }
0x6a: {  	_ =	shalt  }
0x6b: {  	_ =	shalt  }
0x6c: {  	_ =	shalt  }
0x6d: {  	_ =	shalt  }
0x6e: {  	_ =	shalt  }
0x6f: {  	_ =	shalt  }
0x70: {  	_ =	shalt  }
0x71: {  	_ =	shalt  }
0x72: {  	_ =	shalt  }
0x73: {  	_ =	shalt  }
0x74: {  	_ =	shalt  }
0x75: {  	_ =	shalt  }
0x76: {  	_ =	shalt  }
0x77: {  	_ =	shalt  }
0x78: {  	_ =	shalt  }
0x79: {  	_ =	shalt  }
0x7a: {  	_ =	shalt  }
0x7b: {  	_ =	shalt  }
0x7c: {  	_ =	shalt  }
0x7d: {  	_ =	shalt  }
0x7e: {  	_ =	shalt  }
0x7f: {  	_ =	shalt  }
0x80: {  	_ =	shalt  }
0x81: {  	_ =	shalt  }
0x82: {  	_ =	shalt  }
0x83: {  	_ =	shalt  }
0x84: {  	_ =	shalt  }
0x85: {  	_ =	shalt  }
0x86: {  	_ =	shalt  }
0x87: {  	_ =	shalt  }
.Lfunc_end0:
.L_simem_size_0:
called_computation.1_lowered:
.L_overlay_start_0:
0x88: {  	s2 =	sld [smem:$0x3FD9]  }
0x89: {  	s3 =	sld [smem:$0x3FFE];
	_ =	sdelay $0x1  }
0x8a: {  	s1 =	srdreg.scid  }
0x8b: {  	s0 =	sand.u32 $0x1, s1  }
0x8c: {  	s17 =	sshll.u32 s0, $0xA;
	s2 =	sadd.s32 s3, s2  }
0x8d: {  	s2 =	sadd.s32 s2, s17  }
0x8e: {  	[smem:$0x3FC2] =	sst s2  }
0x8f: {  	_ = 	snop  }
0x90: {  	s2 =	sld [smem:$0x3FD0];
	(tm) =	ssettm $0x1  }
0x91: {  	s18 =	sld [smem:$0x3FFB];
	_ =	sdelay $0x3  }
0x92: {  	_ =	strace s18  }
0x93: {  	s3 =	sld [smem:$0x3FFC];
	_ =	sdelay $0x3  }
0x94: {  	_ =	strace s3  }
0x95: {  	s3 =	sld [smem:$0x3FFD];
	_ =	sdelay $0x3  }
0x96: {  	_ =	strace s3  }
0x97: {  	_ =	strace $0x8FFFFFFF  }
0x98: {  	s19 =	sld [smem:$0x3FDB];
	_ =	sdelay $0x1  }
0x99: {  	s4 =	simm.s32 $_scs_section_size  }
0x9a: {  	s5 =	simm.s32 $_size__tile_overlayer_lowered;
	s6 =	simm.s32 $_tile_overlayer_lowered  }
0x9b: {  	s22 =	simm.s32 $0x1BFF;
	s21 =	sshll.u32 s6, $0x1;
	s3 =	sadd.s32 s4, s19  }
0x9c: {  	s7 =	simm.s32 $0x0;
	s20 =	sshll.u32 s5, $0x1;
	s5 =	sadd.s32 s21, s3  }
0x9d: {  	[timem:s7], [sflag:s22] =	dma.local [hbm:s5], s20  }
0x9e: {  	_ =	swait.ge [sflag:s22], s20  }
0x9f: {  	s4 =	ssub.s32 $0x0, s20;
	[sflag:s22] =	ssyncset.done $0x0  }
0xa0: {  	[sflag:s22] =	ssyncadd.s32 s4;
	_ =	sdelay $0x1  }
0xa1: {  	s23 =	simm.s32 $0x1B8B  }
0xa2: {  	_ =	swait.ge [sflag:s23], $0x1  }
0xa3: {  	[sflag:s23] =	ssyncset.done $0x0  }
0xa4: {  	s25 =	simm.s32 $0x1B8E;
	s24 =	sld [smem:$0x3FFE];
	[sflag:s23] =	ssyncadd.s32 $0xFFFFFFFF  }
0xa5: {  	s26 =	simm.s32 $execute0_lowered;
	[smem:$0x3FD2] =	sst s25  }
0xa6: {  	s5 =	sshll.u32 s26, $0x1;
	_ =	strace $0x80000049;
	[dreg:$0x1] =	wrdreg $0xFFFFFFFF  }
0xa7: {  	s28 =	simm.s32 $_size_execute0_lowered;
	s3 =	sadd.s32 s3, s5;
	[dreg:$0x0] =	wrdreg $0x0  }
0xa8: {  	s5 =	sshll.u32 s28, $0x1;
	[dreg:$0x2] =	wrdreg s3  }
0xa9: {  	[dreg:$0x3] =	wrdreg s5  }
0xaa: {  	[dreg:$0x4] =	wrdreg $0xC0  }
0xab: {  	_ =	task [dreg:s7], $0x5FFFF  }
0xac: {  	[dreg:$0x1] =	wrdreg $0xFFFFFFFF  }
0xad: {  	[dreg:$0x0] =	wrdreg $0x60  }
0xae: {  	[dreg:$0x2] =	wrdreg s24  }
0xaf: {  	[dreg:$0x3] =	wrdreg s2  }
0xb0: {  	[dreg:$0x4] =	wrdreg $0x9  }
0xb1: {  	_ =	task.clear_ibuf [dreg:s7], $0x5FFFF;
	_ =	strace $0x90000049  }
0xb2: {  	s29 =	simm.s32 $0x9;
	_ =	strace $0x8000004B  }
0xb3: {  	_ =	swait.ge [sflag:s29], $0x1  }
0xb4: {  	[sflag:s29] =	ssyncadd.s32 $0xFFFFFFFF  }
0xb5: {  	_ =	strace $0x9000004B  }
0xb6: {  	_ =	sfence  }
0xb7: {  	s30 =	sld [smem:$0x0];
	_ =	sdelay $0x2  }
0xb8: {  	s31 =	sshll.u32 s1, $0xD;
	s1 =	sshrl.u32 s1, $0x2  }
0xb9: {  	s3 =	sand.u32 $0x4000, s31;
	s1 =	sadd.s32 s1, s30  }
0xba: {  	s0 =	sor.u32 s3, s0;
	s1 =	sshll.u32 s1, $0x11  }
0xbb: {  	s0 =	sor.u32 s1, s0  }
0xbc: {  	s0 =	sadd.s32 $0x8F2B, s0  }
0xbd: {  	[sflag:s0] =	ssyncadd.remote.s32 $0x1  }
0xbe: {  	_ =	sfence.sel $0xFFFF  }
0xbf: {  	[dreg:$0x0] =	wrdreg $0xFFFFFFFF;
	(pc) =	sbr.abs _section_cstart, $3  }
0xc0: {  	[dreg:$0x1] =	wrdreg $0xFFFFFFFF  }
0xc1: {  	_ =	task.clear_ibuf [dreg:s7], $0x2FFFF;
	_ =	strace $0x9FFFFFFF  }
0xc2: {  	(tm) =	ssettm $0x7FFFFFFF  }
0xc3: {  	_ =	shalt  }
tec
execute0_lowered:
.L_overlay_start_1:
0x0: {  	(tag) =	ssettag $0x1  }
0x1: {  	s1 =	srdreg.scid  }
0x2: {  	s0 =	stileid.u32;
	s6 =	rddreg [dreg:$0x0]  }
0x3: {  	s4 =	rddreg [dreg:$0x1];
	s18 =	simm.s32 $0x880;
	s19 =	simm.s32 $0x1080  }
0x4: {  	s20 =	simm.s32 $0x1880;
	s22 =	simm.s32 $0x2080;
	s23 =	simm.s32 $0x2880  }
0x5: {  	s7 =	simm.s32 $0x3080;
	s24 =	simm.s32 $0x3880;
	s8 =	simm.s32 $0x4080  }
0x6: {  	s25 =	simm.s32 $0x4880;
	s26 =	simm.s32 $0x5080;
	s1 =	sand.u32 $0x1, s1  }
0x7: {  	s9 =	simm.s32 $0x80;
	s2 =	sshll.u32 s0, $0x7;
	s3 =	sshll.u32 s1, $0x6  }
0x8: {  	s11 =	simm.s32 $0x6080;
	s3 =	sor.u32 s3, s2;
	s2 =	simm.s32 $0x0  }
0x9: {  	s12 =	simm.s32 $0x6880;
	s13 =	simm.s32 $0x7080;
	[smem:$0x7FF] =	sst s2  }
0xa: {  	s14 =	simm.s32 $0x7880;
	_ =	strace $0x8000004A;
	[dreg:$0x5] =	wrdreg s18  }
0xb: {  	s15 =	simm.s32 $0x8080;
	s16 =	simm.s32 $0x8880;
	[dreg:$0x6] =	wrdreg s19  }
0xc: {  	s17 =	simm.s32 $0x9080;
	s28 =	simm.s32 $0xE080;
	[dreg:$0x7] =	wrdreg s20  }
0xd: {  	s29 =	simm.s32 $0xE880;
	s30 =	simm.s32 $0xF080;
	[dreg:$0x8] =	wrdreg s22  }
0xe: {  	s31 =	simm.s32 $0xF880;
	s1 =	ssub.s32 $0x2, s1;
	[dreg:$0x9] =	wrdreg s23  }
0xf: {  	s21 =	sshrl.u32 s1, $0x1;
	s5 =	sshrl.u32 s3, $0x3;
	[dreg:$0xa] =	wrdreg s7  }
0x10: {  	s3 =	sshll.u32 s3, $0x7;
	s1 =	ssub.s32 s1, s21;
	[dreg:$0xb] =	wrdreg s24  }
0x11: {  	s21 =	simm.s32 $0xB080;
	s5 =	sadd.s32 s5, s6;
	[dreg:$0xc] =	wrdreg s8  }
0x12: {  	s3 =	sadd.s32 s4, s3;
	s4 =	sadd.s32 $0xC9B00, s6;
	[dreg:$0xd] =	wrdreg s25  }
0x13: {  	s7 =	smax.u32 s1, $0x1;
	s8 =	simm.s32 $0x2;
	[dreg:$0xe] =	wrdreg s26  }
0x14: {  	s18 =	simm.s32 $0x9880;
	s19 =	simm.s32 $0xA080;
	s20 =	simm.s32 $0xA880  }
0x15: {  	s22 =	simm.s32 $0xB880;
	s23 =	simm.s32 $0xC080;
	s24 =	simm.s32 $0xC880  }
0x16: {  	v2 =	vlaneseq.u32;
	s25 =	simm.s32 $0xD080;
	s26 =	simm.s32 $0xD880;
	s1 =	simm.s32 $0x1  }
0x17: {  	vm0 =	vmmov $0xffff;
	v1 =	vshrl.u32 v2, $0x3;
	s5 =	sadd.s32 $0x9800, s5;
	[dreg:$0x4] =	wrdreg s3;
	s3 =	sadd.s32 $0xC9A00, s6  }
0x18: {  	v0 =	vand.u32 $0x7, v2;
	v2 =	vor.u32 $0x8, v2;
	v1 =	vmul.u32 $0x8, v1;
	[dreg:$0x3] =	wrdreg s5;
	s5 =	sadd.s32 $0xC9C00, s6;
	s6 =	sadd.s32 $0xC9D00, s6  }
.LBB2_1:
0x19: {  	s0 =	rddreg [dreg:$0x3]  }
0x1a: {  	[tilespmem:s2], [sflag:$0x2] =	stream.linear.gather [hbm4b:s0+s2], $0x40, $0x38;
	[tilespmem:$0x10080] =	vst v63  }
0x1b: {  	_ =	swait.ge [sflag:s8], $0x40  }
0x1c: {  	[sflag:s8] =	ssyncset.done $0x0  }
0x1d: {  	[sflag:s8] =	ssyncadd.s32 $0xFFFFFFC0  }
0x1e: {  	v3 =	vld [tilespmem:$0x0];
	_ =	sdelay $0x4  }
0x1f: {  	v4 =	vshll.u32 v3, $0x3  }
0x20: {  	v3 =	vand.u32 $0x7, v3;
	v4 =	vand.u32 $0xFFFFFFC0, v4  }
0x21: {  	v3 =	vor.u32 v3, v4  }
0x22: {  	v4 =	vperm.xlane v3, v0;
	_ =	sdelay $0x1  }
0x23: {  	v4 =	vadd.s32 v1, v4;
	_ =	sdelay $0x4  }
0x24: {  	[tilespmem:s9], [sflag:$0x1] =	stream.indirect_vreg.gather [hbm4b:s3+s2], $0x80, v4, vm0, $0xb8;
	[tilespmem:$0x10080] =	vst v63  }
0x25: {  	s0 =	rddreg [dreg:$0x5];
	v3 =	vperm.xlane v3, v2  }
0x26: {  	[tilespmem:s0], [sflag:$0x1] =	stream.indirect_vreg.gather [hbm4b:s4+s2], $0x80, v4, vm0, $0xb8;
	[tilespmem:$0x10080] =	vst v63  }
0x27: {  	s10 =	rddreg [dreg:$0x6];
	v3 =	vadd.s32 v1, v3  }
0x28: {  	[tilespmem:s10], [sflag:$0x1] =	stream.indirect_vreg.gather [hbm4b:s5+s2], $0x80, v4, vm0, $0xb8;
	[tilespmem:$0x10080] =	vst v63  }
0x29: {  	s0 =	rddreg [dreg:$0x7]  }
0x2a: {  	[tilespmem:s0], [sflag:$0x1] =	stream.indirect_vreg.gather [hbm4b:s6+s2], $0x80, v4, vm0, $0xb8;
	[tilespmem:$0x10080] =	vst v63  }
0x2b: {  	s10 =	rddreg [dreg:$0x8]  }
0x2c: {  	[tilespmem:s10], [sflag:$0x1] =	stream.indirect_vreg.gather [hbm4b:s3+s2], $0x80, v3, vm0, $0xb8;
	[tilespmem:$0x10080] =	vst v63  }
0x2d: {  	s0 =	rddreg [dreg:$0x9]  }
0x2e: {  	[tilespmem:s0], [sflag:$0x1] =	stream.indirect_vreg.gather [hbm4b:s4+s2], $0x80, v3, vm0, $0xb8;
	[tilespmem:$0x10080] =	vst v63  }
0x2f: {  	s10 =	rddreg [dreg:$0xa]  }
0x30: {  	[tilespmem:s10], [sflag:$0x1] =	stream.indirect_vreg.gather [hbm4b:s5+s2], $0x80, v3, vm0, $0xb8;
	[tilespmem:$0x10080] =	vst v63  }
0x31: {  	s0 =	rddreg [dreg:$0xb]  }
0x32: {  	[tilespmem:s0], [sflag:$0x1] =	stream.indirect_vreg.gather [hbm4b:s6+s2], $0x80, v3, vm0, $0xb8;
	[tilespmem:$0x10080] =	vst v63  }
0x33: {  	v3 =	vld [tilespmem:$0x10];
	_ =	sdelay $0x4  }
0x34: {  	v61 =	vshll.u32 v3, $0x3  }
0x35: {  	v3 =	vand.u32 $0x7, v3;
	v4 =	vand.u32 $0xFFFFFFC0, v61  }
0x36: {  	v3 =	vor.u32 v3, v4  }
0x37: {  	v4 =	vperm.xlane v3, v0;
	_ =	sdelay $0x1  }
0x38: {  	v4 =	vadd.s32 v1, v4;
	_ =	sdelay $0x3  }
0x39: {  	s0 =	rddreg [dreg:$0xc]  }
0x3a: {  	[tilespmem:s0], [sflag:$0x1] =	stream.indirect_vreg.gather [hbm4b:s3+s2], $0x80, v4, vm0, $0xb8;
	[tilespmem:$0x10080] =	vst v63  }
0x3b: {  	s10 =	rddreg [dreg:$0xd];
	v3 =	vperm.xlane v3, v2  }
0x3c: {  	[tilespmem:s10], [sflag:$0x1] =	stream.indirect_vreg.gather [hbm4b:s4+s2], $0x80, v4, vm0, $0xb8;
	[tilespmem:$0x10080] =	vst v63  }
0x3d: {  	v3 =	vadd.s32 v1, v3;
	s0 =	rddreg [dreg:$0xe]  }
0x3e: {  	[tilespmem:s0], [sflag:$0x1] =	stream.indirect_vreg.gather [hbm4b:s5+s2], $0x80, v4, vm0, $0xb8;
	[tilespmem:$0x10080] =	vst v63  }
0x3f: {  	s10 =	simm.s32 $0x5880  }
0x40: {  	[tilespmem:s10], [sflag:$0x1] =	stream.indirect_vreg.gather [hbm4b:s6+s2], $0x80, v4, vm0, $0xb8;
	[tilespmem:$0x10080] =	vst v63  }
0x41: {  	_ = 	snop  }
0x42: {  	[tilespmem:s11], [sflag:$0x1] =	stream.indirect_vreg.gather [hbm4b:s3+s2], $0x80, v3, vm0, $0xb8;
	[tilespmem:$0x10080] =	vst v63  }
0x43: {  	_ = 	snop  }
0x44: {  	[tilespmem:s12], [sflag:$0x1] =	stream.indirect_vreg.gather [hbm4b:s4+s2], $0x80, v3, vm0, $0xb8;
	[tilespmem:$0x10080] =	vst v63  }
0x45: {  	_ = 	snop  }
0x46: {  	[tilespmem:s13], [sflag:$0x1] =	stream.indirect_vreg.gather [hbm4b:s5+s2], $0x80, v3, vm0, $0xb8;
	[tilespmem:$0x10080] =	vst v63  }
0x47: {  	_ = 	snop  }
0x48: {  	[tilespmem:s14], [sflag:$0x1] =	stream.indirect_vreg.gather [hbm4b:s6+s2], $0x80, v3, vm0, $0xb8;
	[tilespmem:$0x10080] =	vst v63  }
0x49: {  	v3 =	vld [tilespmem:$0x20];
	_ =	sdelay $0x4  }
0x4a: {  	v62 =	vshll.u32 v3, $0x3  }
0x4b: {  	v3 =	vand.u32 $0x7, v3;
	v4 =	vand.u32 $0xFFFFFFC0, v62  }
0x4c: {  	v3 =	vor.u32 v3, v4  }
0x4d: {  	v4 =	vperm.xlane v3, v0;
	_ =	sdelay $0x1  }
0x4e: {  	v4 =	vadd.s32 v1, v4;
	_ =	sdelay $0x4  }
0x4f: {  	[tilespmem:s15], [sflag:$0x1] =	stream.indirect_vreg.gather [hbm4b:s3+s2], $0x80, v4, vm0, $0xb8;
	[tilespmem:$0x10080] =	vst v63  }
0x50: {  	v3 =	vperm.xlane v3, v2  }
0x51: {  	[tilespmem:s16], [sflag:$0x1] =	stream.indirect_vreg.gather [hbm4b:s4+s2], $0x80, v4, vm0, $0xb8;
	[tilespmem:$0x10080] =	vst v63  }
0x52: {  	v3 =	vadd.s32 v1, v3  }
0x53: {  	[tilespmem:s17], [sflag:$0x1] =	stream.indirect_vreg.gather [hbm4b:s5+s2], $0x80, v4, vm0, $0xb8;
	[tilespmem:$0x10080] =	vst v63  }
0x54: {  	_ = 	snop  }
0x55: {  	[tilespmem:s18], [sflag:$0x1] =	stream.indirect_vreg.gather [hbm4b:s6+s2], $0x80, v4, vm0, $0xb8;
	[tilespmem:$0x10080] =	vst v63  }
0x56: {  	_ = 	snop  }
0x57: {  	[tilespmem:s19], [sflag:$0x1] =	stream.indirect_vreg.gather [hbm4b:s3+s2], $0x80, v3, vm0, $0xb8;
	[tilespmem:$0x10080] =	vst v63  }
0x58: {  	_ = 	snop  }
0x59: {  	[tilespmem:s20], [sflag:$0x1] =	stream.indirect_vreg.gather [hbm4b:s4+s2], $0x80, v3, vm0, $0xb8;
	[tilespmem:$0x10080] =	vst v63  }
0x5a: {  	_ = 	snop  }
0x5b: {  	[tilespmem:s21], [sflag:$0x1] =	stream.indirect_vreg.gather [hbm4b:s5+s2], $0x80, v3, vm0, $0xb8;
	[tilespmem:$0x10080] =	vst v63  }
0x5c: {  	_ = 	snop  }
0x5d: {  	[tilespmem:s22], [sflag:$0x1] =	stream.indirect_vreg.gather [hbm4b:s6+s2], $0x80, v3, vm0, $0xb8;
	[tilespmem:$0x10080] =	vst v63  }
0x5e: {  	v3 =	vld [tilespmem:$0x30];
	_ =	sdelay $0x4  }
0x5f: {  	v63 =	vshll.u32 v3, $0x3  }
0x60: {  	v3 =	vand.u32 $0x7, v3;
	v4 =	vand.u32 $0xFFFFFFC0, v63  }
0x61: {  	v3 =	vor.u32 v3, v4  }
0x62: {  	v4 =	vperm.xlane v3, v0;
	_ =	sdelay $0x1  }
0x63: {  	v4 =	vadd.s32 v1, v4;
	_ =	sdelay $0x4  }
0x64: {  	[tilespmem:s23], [sflag:$0x1] =	stream.indirect_vreg.gather [hbm4b:s3+s2], $0x80, v4, vm0, $0xb8;
	[tilespmem:$0x10080] =	vst v63  }
0x65: {  	v3 =	vperm.xlane v3, v2  }
0x66: {  	[tilespmem:s24], [sflag:$0x1] =	stream.indirect_vreg.gather [hbm4b:s4+s2], $0x80, v4, vm0, $0xb8;
	[tilespmem:$0x10080] =	vst v63  }
0x67: {  	v3 =	vadd.s32 v1, v3  }
0x68: {  	[tilespmem:s25], [sflag:$0x1] =	stream.indirect_vreg.gather [hbm4b:s5+s2], $0x80, v4, vm0, $0xb8;
	[tilespmem:$0x10080] =	vst v63  }
0x69: {  	_ = 	snop  }
0x6a: {  	[tilespmem:s26], [sflag:$0x1] =	stream.indirect_vreg.gather [hbm4b:s6+s2], $0x80, v4, vm0, $0xb8;
	[tilespmem:$0x10080] =	vst v63  }
0x6b: {  	_ = 	snop  }
0x6c: {  	[tilespmem:s28], [sflag:$0x1] =	stream.indirect_vreg.gather [hbm4b:s3+s2], $0x80, v3, vm0, $0xb8;
	[tilespmem:$0x10080] =	vst v63  }
0x6d: {  	_ = 	snop  }
0x6e: {  	[tilespmem:s29], [sflag:$0x1] =	stream.indirect_vreg.gather [hbm4b:s4+s2], $0x80, v3, vm0, $0xb8;
	[tilespmem:$0x10080] =	vst v63  }
0x6f: {  	_ = 	snop  }
0x70: {  	[tilespmem:s30], [sflag:$0x1] =	stream.indirect_vreg.gather [hbm4b:s5+s2], $0x80, v3, vm0, $0xb8;
	[tilespmem:$0x10080] =	vst v63  }
0x71: {  	_ = 	snop  }
0x72: {  	[tilespmem:s31], [sflag:$0x1] =	stream.indirect_vreg.gather [hbm4b:s6+s2], $0x80, v3, vm0, $0xb8;
	[tilespmem:$0x10080] =	vst v63  }
0x73: {  	_ =	swait.ge [sflag:s1], $0x10000  }
0x74: {  	p0 =	sne.s32 s7, $0x1;
	[sflag:s1] =	ssyncset.done $0x0  }
.Ltmp0:
0x75: {  	s10 =	rddreg [dreg:$0x4];
	[sflag:s1] =	ssyncadd.s32 $0xFFFF0000;
	(pc) =	sbr.rel @p0 .LBB2_1-.Ltmp0, $4  }
0x76: {  	[hbm4b:s10+s2] =	stream.linear.scatter [tilespmem:s9], [sflag:$0x2], $0x10000, $0x38;
	[tilespmem:$0x10080] =	vst v63  }
0x77: {  	_ =	swait.ge [sflag:s8], $0x10000  }
0x78: {  	[sflag:s8] =	ssyncset.done $0x0  }
0x79: {  	s7 =	sadd.s32 $0xFFFFFFFF, s7;
	[sflag:s8] =	ssyncadd.s32 $0xFFFF0000  }
0x7a: {  	_ =	sfence.sel $0x180000  }
0x7b: {  	[bflag:$0x0] =	sbarrier.arrive $0xFFFF  }
0x7c: {  	_ =	strace $0x9000004A  }
0x7d: {  	s0 =	stileid.u32;
	[bflag:$0x2] =	sbarrier.arrive $0xFFFF  }
0x7e: {  	p0 =	sne.s32 s0, $0x0;
	s0 =	rddreg [dreg:$0x2]  }
0x7f: {  	s0 =	sadd.s32 @!p0 $0x100000, s0  }
0x80: {  	[sflag:s0] =	ssyncadd.tile.s32 @!p0 $0x1;
	_ =	shalt  }
.Lfunc_end2:
_tile_overlayer_lowered:
.L_overlay_start_2:
0x81: {  	(tag) =	ssettag $0x2  }
0x82: {  	s0 =	rddreg [dreg:$0x0];
	s2 =	stileid.u32  }
0x83: {  	s1 =	rddreg [dreg:$0x1];
	p0 =	sne.s32 s2, $0x0  }
0x84: {  	s3 =	rddreg [dreg:$0x2];
	[bflag:$0x3] =	sbarrier.arrive $0xFFFF;
	s2 =	simm.s32 @!p0 $0x1C02  }
0x85: {  	[timem:s3], [sflag:s2] =	dma.local @!p0 [hbm:s0], s1  }
0x86: {  	s0 =	simm.s32 @!p0 $0x2  }
0x87: {  	_ =	swait.ge @!p0 [sflag:s0], s1  }
0x88: {  	s1 =	ssub.s32 @!p0 $0x0, s1;
	[sflag:s0] =	ssyncset.done @!p0 $0x0  }
0x89: {  	[sflag:s0] =	ssyncadd.s32 @!p0 s1  }
0x8a: {  	[bflag:$0x3] =	sbarrier.arrive $0xFFFF  }
0x8b: {  	_ =	shalt  }

</sc_bundles>
